<compile_context>
chip_gen: v7x
topology: tpu7x:2x2x1
jax: 0.10.2.dev20260603
libtpu: 0.0.44.dev20260713+nightly
codegen_flags: <defaults>
</compile_context>

<pallas_src>
import functools

import jax
import jax.numpy as jnp
from jax import lax
from jax.experimental import pallas as pl
from jax.experimental.pallas import tpu as pltpu
from jax.experimental.pallas import tpu_sc as plsc

_N = 10000
_NPAD = 10240
_E = 320000
_CH = 128
_K = 80
_EPAD = 2 * 16 * _K * _CH
_RPT = _NPAD // 16
_ZR = 160
_W = 32
_NBUF = 4

_mesh = plsc.VectorSubcoreMesh(core_axis_name="c", subcore_axis_name="s")


def _make_prop(n_slices):

    @functools.partial(
        pl.kernel,
        out_type=jax.ShapeDtypeStruct((2, n_slices, _NPAD, _W), jnp.float32),
        mesh=_mesh,
        compiler_params=pltpu.CompilerParams(use_tc_tiling_on_sc=False),
        scratch_types=[
            pltpu.VMEM((_K, _CH), jnp.int32),
            pltpu.VMEM((_K, _CH), jnp.int32),
            pltpu.VMEM((_NBUF, _CH, _W), jnp.float32),
            pltpu.VMEM((_RPT, _W), jnp.float32),
            pltpu.VMEM_SHARED((_NPAD, _W), jnp.float32),
            pltpu.SemaphoreType.DMA,
        ],
    )
    def _prop_fused(*refs):
        hs = refs[:n_slices]
        (src_hbm, dst_hbm, zeros_hbm, out_hbm,
         src_v, dst_v, rows_v, zbuf_v, agg_sh, sem) = refs[n_slices:]
        c = lax.axis_index("c")
        s = lax.axis_index("s")
        pltpu.sync_copy(src_hbm.at[c, s], src_v)
        pltpu.sync_copy(dst_hbm.at[c, s], dst_v)
        pltpu.sync_copy(zeros_hbm, zbuf_v)
        base = s * _RPT
        pltpu.sync_copy(zbuf_v, agg_sh.at[pl.ds(base, _RPT)])
        for j0 in range(_NBUF - 1):
            pltpu.async_copy(hs[0].at[src_v.at[j0]], rows_v.at[j0], sem)
        for sl in range(n_slices):
            h_hbm = hs[sl]
            plsc.subcore_barrier()

            def body(j, carry, h_hbm=h_hbm):
                p = lax.rem(j, _NBUF)
                pn = lax.rem(j + _NBUF - 1, _NBUF)

                @pl.when(j + _NBUF - 1 < _K)
                def _():
                    pltpu.async_copy(
                        h_hbm.at[src_v.at[j + _NBUF - 1]], rows_v.at[pn], sem)

                pltpu.make_async_copy(
                    h_hbm.at[src_v.at[j]], rows_v.at[p], sem).wait()
                pltpu.sync_copy(rows_v.at[p], agg_sh.at[dst_v.at[j]], add=True)
                return carry

            lax.fori_loop(0, _K, body, 0)
            if sl + 1 < n_slices:
                for j0 in range(_NBUF - 1):
                    pltpu.async_copy(
                        hs[sl + 1].at[src_v.at[j0]], rows_v.at[j0], sem)
            plsc.subcore_barrier()
            pltpu.sync_copy(agg_sh.at[pl.ds(base, _RPT)],
                            out_hbm.at[c, sl, pl.ds(base, _RPT)])
            if sl + 1 < n_slices:
                pltpu.sync_copy(zbuf_v, agg_sh.at[pl.ds(base, _RPT)])

    return _prop_fused


_prop4 = _make_prop(4)
_prop2 = _make_prop(2)


@functools.partial(
    pl.kernel,
    out_type=jax.ShapeDtypeStruct((2, 2, _NPAD, 16), jnp.float32),
    mesh=_mesh,
    compiler_params=pltpu.CompilerParams(use_tc_tiling_on_sc=False),
    scratch_types=[
        pltpu.VMEM((_K, _CH), jnp.int32),
        pltpu.VMEM((_K, _CH), jnp.int32),
        pltpu.VMEM((_CH, 16), jnp.float32),
        pltpu.VMEM((_ZR, 16), jnp.float32),
        pltpu.VMEM_SHARED((_NPAD, 16), jnp.float32),
        pltpu.VMEM_SHARED((_NPAD, 16), jnp.float32),
    ],
)
def _deg(src_hbm, dst_hbm, ones_hbm, zeros_hbm, out_hbm,
         src_v, dst_v, ones_v, buf_v, dega_sh, degb_sh):
    c = lax.axis_index("c")
    s = lax.axis_index("s")
    pltpu.sync_copy(src_hbm.at[c, s], src_v)
    pltpu.sync_copy(dst_hbm.at[c, s], dst_v)
    pltpu.sync_copy(ones_hbm, ones_v)
    pltpu.sync_copy(zeros_hbm, buf_v)
    base = s * _RPT
    for z in range(_RPT // _ZR):
        pltpu.sync_copy(buf_v, dega_sh.at[pl.ds(base + z * _ZR, _ZR)])
        pltpu.sync_copy(buf_v, degb_sh.at[pl.ds(base + z * _ZR, _ZR)])
    plsc.subcore_barrier()

    def body(j, carry):
        pltpu.sync_copy(ones_v, dega_sh.at[src_v.at[j]], add=True)
        pltpu.sync_copy(ones_v, degb_sh.at[dst_v.at[j]], add=True)
        return carry

    lax.fori_loop(0, _K, body, 0)
    plsc.subcore_barrier()
    for z in range(_RPT // _ZR):
        pltpu.sync_copy(dega_sh.at[pl.ds(base + z * _ZR, _ZR)], buf_v)
        pltpu.sync_copy(buf_v, out_hbm.at[c, 0, pl.ds(base + z * _ZR, _ZR)])
        pltpu.sync_copy(degb_sh.at[pl.ds(base + z * _ZR, _ZR)], buf_v)
        pltpu.sync_copy(buf_v, out_hbm.at[c, 1, pl.ds(base + z * _ZR, _ZR)])


_BLK = 256
_G = _NPAD // _BLK

_HI = lax.Precision.HIGHEST
_NS = 128 // _W


def _norms_body(deg_ref, x_ref, h0_ref, h1_ref, h2_ref, h3_ref,
                ns_ref, nd_ref):
    dsrc = deg_ref[0, 0] + deg_ref[1, 0]
    ddst = deg_ref[0, 1] + deg_ref[1, 1]
    ns = jnp.where(dsrc > 0, lax.rsqrt(dsrc), 0.0)
    nd = jnp.where(ddst > 0, lax.rsqrt(ddst), 0.0)
    h = x_ref[...] * ns[:, 0:1]
    for i, r in enumerate((h0_ref, h1_ref, h2_ref, h3_ref)):
        r[...] = h[:, i * _W:(i + 1) * _W]
    ns_ref[...] = ns[:, 0:8]
    nd_ref[...] = nd[:, 0:8]


_norms_call = pl.pallas_call(
    _norms_body,
    grid=(_G,),
    in_specs=[
        pl.BlockSpec((2, 2, _BLK, 16), lambda i: (0, 0, i, 0)),
        pl.BlockSpec((_BLK, 128), lambda i: (i, 0)),
    ],
    out_specs=[pl.BlockSpec((_BLK, _W), lambda i: (i, 0)) for _ in range(_NS)]
    + [pl.BlockSpec((_BLK, 8), lambda i: (i, 0)) for _ in range(2)],
    out_shape=[jax.ShapeDtypeStruct((_NPAD, _W), jnp.float32) for _ in range(_NS)]
    + [jax.ShapeDtypeStruct((_NPAD, 8), jnp.float32) for _ in range(2)],
)


def _agg_full(p_ref, n_slices, nd):
    cols = [(p_ref[0, k] + p_ref[1, k]) * nd for k in range(n_slices)]
    return jnp.concatenate(cols, axis=1)


def _layer_body(p_ref, ns_ref, nd_ref, w_ref, b_ref,
                h0_ref, h1_ref, h2_ref, h3_ref):
    t = _agg_full(p_ref, _NS, nd_ref[:, 0:1])
    y = jnp.dot(t, w_ref[...], preferred_element_type=jnp.float32,
                precision=_HI) + b_ref[...]
    h = jnp.maximum(y, 0.0) * ns_ref[:, 0:1]
    for i, r in enumerate((h0_ref, h1_ref, h2_ref, h3_ref)):
        r[...] = h[:, i * _W:(i + 1) * _W]


_layer_call = pl.pallas_call(
    _layer_body,
    grid=(_G,),
    in_specs=[
        pl.BlockSpec((2, _NS, _BLK, _W), lambda i: (0, 0, i, 0)),
        pl.BlockSpec((_BLK, 8), lambda i: (i, 0)),
        pl.BlockSpec((_BLK, 8), lambda i: (i, 0)),
        pl.BlockSpec((128, 128), lambda i: (0, 0)),
        pl.BlockSpec((1, 128), lambda i: (0, 0)),
    ],
    out_specs=[pl.BlockSpec((_BLK, _W), lambda i: (i, 0)) for _ in range(_NS)],
    out_shape=[jax.ShapeDtypeStruct((_NPAD, _W), jnp.float32) for _ in range(_NS)],
)


def _layer2_body(p_ref, ns_ref, nd_ref, w_ref, b_ref, wp_ref,
                 t0_ref, t1_ref):
    t = _agg_full(p_ref, _NS, nd_ref[:, 0:1])
    y = jnp.dot(t, w_ref[...], preferred_element_type=jnp.float32,
                precision=_HI) + b_ref[...]
    h = jnp.maximum(y, 0.0) * ns_ref[:, 0:1]
    o = jnp.dot(h, wp_ref[...], preferred_element_type=jnp.float32,
                precision=_HI)
    t0_ref[...] = o[:, :_W]
    t1_ref[...] = o[:, _W:]


_layer2_call = pl.pallas_call(
    _layer2_body,
    grid=(_G,),
    in_specs=[
        pl.BlockSpec((2, _NS, _BLK, _W), lambda i: (0, 0, i, 0)),
        pl.BlockSpec((_BLK, 8), lambda i: (i, 0)),
        pl.BlockSpec((_BLK, 8), lambda i: (i, 0)),
        pl.BlockSpec((128, 128), lambda i: (0, 0)),
        pl.BlockSpec((1, 128), lambda i: (0, 0)),
        pl.BlockSpec((128, 64), lambda i: (0, 0)),
    ],
    out_specs=[pl.BlockSpec((_BLK, _W), lambda i: (i, 0)) for _ in range(2)],
    out_shape=[jax.ShapeDtypeStruct((_NPAD, _W), jnp.float32) for _ in range(2)],
)


def _final_body(p_ref, nd_ref, b_ref, o_ref):
    o_ref[...] = _agg_full(p_ref, 2, nd_ref[:, 0:1]) + b_ref[...]


_final_call = pl.pallas_call(
    _final_body,
    grid=(_G,),
    in_specs=[
        pl.BlockSpec((2, 2, _BLK, _W), lambda i: (0, 0, i, 0)),
        pl.BlockSpec((_BLK, 8), lambda i: (i, 0)),
        pl.BlockSpec((1, 64), lambda i: (0, 0)),
    ],
    out_specs=pl.BlockSpec((_BLK, 64), lambda i: (i, 0)),
    out_shape=jax.ShapeDtypeStruct((_NPAD, 64), jnp.float32),
)


def kernel(x, edge_index, W1, b1, W2, b2, W3, b3):
    f32 = jnp.float32
    src = edge_index[0].astype(jnp.int32)
    dst = edge_index[1].astype(jnp.int32)
    pad = jnp.full((_EPAD - _E,), _NPAD - 1, jnp.int32)
    srcp = jnp.concatenate([src, pad]).reshape(2, 16, _K, _CH)
    dstp = jnp.concatenate([dst, pad]).reshape(2, 16, _K, _CH)
    xpad = jnp.pad(x, ((0, _NPAD - _N), (0, 0)))
    ones16 = jnp.ones((_CH, 16), f32)
    zeros16 = jnp.zeros((_ZR, 16), f32)
    zerosw = jnp.zeros((_RPT, _W), f32)
    w3p = jnp.pad(W3, ((0, 0), (0, 64 - 40)))
    b3p = jnp.pad(b3, (0, 64 - 40)).reshape(1, 64)

    degp = _deg(srcp, dstp, ones16, zeros16)
    outs = _norms_call(degp, xpad)
    h0s, ns, nd = outs[:_NS], outs[_NS], outs[_NS + 1]
    p1 = _prop4(*h0s, srcp, dstp, zerosw)
    h1s = _layer_call(p1, ns, nd, W1, b1.reshape(1, 128))
    p2 = _prop4(*h1s, srcp, dstp, zerosw)
    t3 = _layer2_call(p2, ns, nd, W2, b2.reshape(1, 128), w3p)
    p3 = _prop2(*t3, srcp, dstp, zerosw)
    out = _final_call(p3, nd, b3p)
    return out[:_N, :40]

# --- scband reference (transcript-rebuilt; emitter-appended) ---
"""Pipeline reference for scband-gcnlayer-17583596110391 (READ-ONLY COPY).

The authoritative reference and input builder live on the scoring server;
editing this copy changes nothing except your own understanding.
"""

import jax, jax.numpy as jnp
import numpy as np

N = 10000
E = 320000
D_IN = 128
D_H = 128
D_OUT = 40


def setup_inputs(seed: int = 0) -> dict:
    key = jax.random.key(seed)
    ks = jax.random.split(key, 8)
    x = jax.random.normal(ks[0], (N, D_IN), dtype=jnp.float32)
    edge_index = jax.random.randint(ks[1], (2, E), 0, N, dtype=jnp.int32)
    W1 = jax.random.normal(ks[2], (D_IN, D_H), dtype=jnp.float32) * (1.0 / np.sqrt(D_IN))
    b1 = jnp.zeros((D_H,), dtype=jnp.float32)
    W2 = jax.random.normal(ks[3], (D_H, D_H), dtype=jnp.float32) * (1.0 / np.sqrt(D_H))
    b2 = jnp.zeros((D_H,), dtype=jnp.float32)
    W3 = jax.random.normal(ks[4], (D_H, D_OUT), dtype=jnp.float32) * (1.0 / np.sqrt(D_H))
    b3 = jnp.zeros((D_OUT,), dtype=jnp.float32)
    return {"x": x, "edge_index": edge_index, "W1": W1, "b1": b1, "W2": W2, "b2": b2, "W3": W3, "b3": b3}


def _gcn_conv(h, src, dst, W, b):
    # DGL GraphConv with norm='both': D_dst^{-1/2} A D_src^{-1/2} H W + b
    ones = jnp.ones((src.shape[0],), dtype=jnp.float32)
    deg_out = jnp.zeros((N,), dtype=jnp.float32).at[src].add(ones)
    deg_in = jnp.zeros((N,), dtype=jnp.float32).at[dst].add(ones)
    norm_src = jnp.where(deg_out > 0, deg_out ** -0.5, 0.0)
    norm_dst = jnp.where(deg_in > 0, deg_in ** -0.5, 0.0)
    h = h * norm_src[:, None]
    msg = jnp.take(h, src, axis=0)
    agg = jnp.zeros((N, h.shape[1]), dtype=jnp.float32).at[dst].add(msg)
    agg = agg * norm_dst[:, None]
    return agg @ W + b


def reference(x, edge_index, W1, b1, W2, b2, W3, b3):
    src = edge_index[0]
    dst = edge_index[1]
    # n_layers=2 -> 3 GraphConv layers; relu after layers i=0,1 (i != n_layers)
    h = _gcn_conv(x, src, dst, W1, b1)
    h = jax.nn.relu(h)
    h = _gcn_conv(h, src, dst, W2, b2)
    h = jax.nn.relu(h)
    h = _gcn_conv(h, src, dst, W3, b3)
    return h

if __name__ == "__main__":
    import jax
    _d = setup_inputs()
    print(jax.jit(kernel)(*tuple(_d.values())))

</pallas_src>

<mosaic_0001>
#map = affine_map<(d0, d1) -> (0, 0)>
#map1 = affine_map<(d0, d1) -> (0, 0, 0, 0)>
module attributes {stable_mosaic.version = 14 : i64} {
  func.func @_prop_fused(%arg0: i32, %arg1: i32, %arg2: memref<10240x32xf32, #tpu.memory_space<hbm>>, %arg3: memref<10240x32xf32, #tpu.memory_space<hbm>>, %arg4: memref<10240x32xf32, #tpu.memory_space<hbm>>, %arg5: memref<10240x32xf32, #tpu.memory_space<hbm>>, %arg6: memref<2x16x80x128xi32, #tpu.memory_space<hbm>>, %arg7: memref<2x16x80x128xi32, #tpu.memory_space<hbm>>, %arg8: memref<640x32xf32, #tpu.memory_space<hbm>>, %arg9: memref<2x4x10240x32xf32, #tpu.memory_space<hbm>>, %arg10: memref<80x128xi32, #tpu.memory_space<vmem>>, %arg11: memref<80x128xi32, #tpu.memory_space<vmem>>, %arg12: memref<4x128x32xf32, #tpu.memory_space<vmem>>, %arg13: memref<640x32xf32, #tpu.memory_space<vmem>>, %arg14: memref<10240x32xf32, #tpu.memory_space<vmem_shared>>, %arg15: memref<!tpu.dma_semaphore, #tpu.memory_space<semaphore_mem>>) attributes {dimension_semantics = [#tpu.dimension_semantics<core_parallel>, #tpu.dimension_semantics<subcore_parallel>], iteration_bounds = array<i64: 2, 16>, scalar_prefetch = 0 : i64, scratch_operands = 6 : i64, tpu.core_type = #tpu.core_type<sc_vector_subcore>, window_params = [{transform_indices = #map}, {transform_indices = #map}, {transform_indices = #map}, {transform_indices = #map}, {transform_indices = #map1}, {transform_indices = #map1}, {transform_indices = #map}, {transform_indices = #map1}]} {
    "tpu.region"() ({
      %run_scoped3A_177 = tpu.sem_alloc : memref<!tpu.dma_semaphore, #tpu.memory_space<semaphore_mem>>
      %dma_start3A_178 = arith.constant 0 : i32
      %dma_start3A_179 = arith.constant 0 : i32
      %dma_start3A_180 = tpu.memref_slice %arg6[%arg0, %arg1, %dma_start3A_178, %dma_start3A_179] : memref<2x16x80x128xi32, #tpu.memory_space<hbm>> -> memref<1x1x80x128xi32, #tpu.memory_space<hbm>>
      %dma_start3A_181 = tpu.memref_squeeze %dma_start3A_180 : memref<1x1x80x128xi32, #tpu.memory_space<hbm>> -> memref<80x128xi32, #tpu.memory_space<hbm>>
      %dma_start3A_182 = arith.constant 0 : i32
      %dma_start3A_183 = arith.constant 0 : i32
      %dma_start3A_184 = tpu.memref_slice %arg6[%arg0, %arg1, %dma_start3A_182, %dma_start3A_183] : memref<2x16x80x128xi32, #tpu.memory_space<hbm>> -> memref<1x1x80x128xi32, #tpu.memory_space<hbm>>
      %dma_start3A_185 = tpu.memref_squeeze %dma_start3A_184 : memref<1x1x80x128xi32, #tpu.memory_space<hbm>> -> memref<80x128xi32, #tpu.memory_space<hbm>>
      tpu.enqueue_dma source(%dma_start3A_185 : memref<80x128xi32, #tpu.memory_space<hbm>>) target(%arg10 : memref<80x128xi32, #tpu.memory_space<vmem>>) target_semaphore(%run_scoped3A_177 : memref<!tpu.dma_semaphore, #tpu.memory_space<semaphore_mem>>)
      %dma_wait3A = arith.constant 0 : i32
      %dma_wait3A_186 = arith.constant 0 : i32
      %dma_wait3A_187 = tpu.memref_slice %arg6[%arg0, %arg1, %dma_wait3A, %dma_wait3A_186] : memref<2x16x80x128xi32, #tpu.memory_space<hbm>> -> memref<1x1x80x128xi32, #tpu.memory_space<hbm>>
      %dma_wait3A_188 = tpu.memref_squeeze %dma_wait3A_187 : memref<1x1x80x128xi32, #tpu.memory_space<hbm>> -> memref<80x128xi32, #tpu.memory_space<hbm>>
      %dma_wait3A_189 = arith.constant 0 : i32
      %dma_wait3A_190 = arith.constant 0 : i32
      %dma_wait3A_191 = tpu.memref_slice %arg6[%arg0, %arg1, %dma_wait3A_189, %dma_wait3A_190] : memref<2x16x80x128xi32, #tpu.memory_space<hbm>> -> memref<1x1x80x128xi32, #tpu.memory_space<hbm>>
      %dma_wait3A_192 = tpu.memref_squeeze %dma_wait3A_191 : memref<1x1x80x128xi32, #tpu.memory_space<hbm>> -> memref<80x128xi32, #tpu.memory_space<hbm>>
      tpu.wait_dma2 semaphore(%run_scoped3A_177 : memref<!tpu.dma_semaphore, #tpu.memory_space<semaphore_mem>>) src(%dma_wait3A_192 : memref<80x128xi32, #tpu.memory_space<hbm>>) dst(%arg10 : memref<80x128xi32, #tpu.memory_space<vmem>>)
      tpu.yield
    }) : () -> ()
    "tpu.region"() ({
      %run_scoped3A_177 = tpu.sem_alloc : memref<!tpu.dma_semaphore, #tpu.memory_space<semaphore_mem>>
      %dma_start3A_178 = arith.constant 0 : i32
      %dma_start3A_179 = arith.constant 0 : i32
      %dma_start3A_180 = tpu.memref_slice %arg7[%arg0, %arg1, %dma_start3A_178, %dma_start3A_179] : memref<2x16x80x128xi32, #tpu.memory_space<hbm>> -> memref<1x1x80x128xi32, #tpu.memory_space<hbm>>
      %dma_start3A_181 = tpu.memref_squeeze %dma_start3A_180 : memref<1x1x80x128xi32, #tpu.memory_space<hbm>> -> memref<80x128xi32, #tpu.memory_space<hbm>>
      %dma_start3A_182 = arith.constant 0 : i32
      %dma_start3A_183 = arith.constant 0 : i32
      %dma_start3A_184 = tpu.memref_slice %arg7[%arg0, %arg1, %dma_start3A_182, %dma_start3A_183] : memref<2x16x80x128xi32, #tpu.memory_space<hbm>> -> memref<1x1x80x128xi32, #tpu.memory_space<hbm>>
      %dma_start3A_185 = tpu.memref_squeeze %dma_start3A_184 : memref<1x1x80x128xi32, #tpu.memory_space<hbm>> -> memref<80x128xi32, #tpu.memory_space<hbm>>
      tpu.enqueue_dma source(%dma_start3A_185 : memref<80x128xi32, #tpu.memory_space<hbm>>) target(%arg11 : memref<80x128xi32, #tpu.memory_space<vmem>>) target_semaphore(%run_scoped3A_177 : memref<!tpu.dma_semaphore, #tpu.memory_space<semaphore_mem>>)
      %dma_wait3A = arith.constant 0 : i32
      %dma_wait3A_186 = arith.constant 0 : i32
      %dma_wait3A_187 = tpu.memref_slice %arg7[%arg0, %arg1, %dma_wait3A, %dma_wait3A_186] : memref<2x16x80x128xi32, #tpu.memory_space<hbm>> -> memref<1x1x80x128xi32, #tpu.memory_space<hbm>>
      %dma_wait3A_188 = tpu.memref_squeeze %dma_wait3A_187 : memref<1x1x80x128xi32, #tpu.memory_space<hbm>> -> memref<80x128xi32, #tpu.memory_space<hbm>>
      %dma_wait3A_189 = arith.constant 0 : i32
      %dma_wait3A_190 = arith.constant 0 : i32
      %dma_wait3A_191 = tpu.memref_slice %arg7[%arg0, %arg1, %dma_wait3A_189, %dma_wait3A_190] : memref<2x16x80x128xi32, #tpu.memory_space<hbm>> -> memref<1x1x80x128xi32, #tpu.memory_space<hbm>>
      %dma_wait3A_192 = tpu.memref_squeeze %dma_wait3A_191 : memref<1x1x80x128xi32, #tpu.memory_space<hbm>> -> memref<80x128xi32, #tpu.memory_space<hbm>>
      tpu.wait_dma2 semaphore(%run_scoped3A_177 : memref<!tpu.dma_semaphore, #tpu.memory_space<semaphore_mem>>) src(%dma_wait3A_192 : memref<80x128xi32, #tpu.memory_space<hbm>>) dst(%arg11 : memref<80x128xi32, #tpu.memory_space<vmem>>)
      tpu.yield
    }) : () -> ()
    "tpu.region"() ({
      %run_scoped3A_177 = tpu.sem_alloc : memref<!tpu.dma_semaphore, #tpu.memory_space<semaphore_mem>>
      tpu.enqueue_dma source(%arg8 : memref<640x32xf32, #tpu.memory_space<hbm>>) target(%arg13 : memref<640x32xf32, #tpu.memory_space<vmem>>) target_semaphore(%run_scoped3A_177 : memref<!tpu.dma_semaphore, #tpu.memory_space<semaphore_mem>>)
      tpu.wait_dma2 semaphore(%run_scoped3A_177 : memref<!tpu.dma_semaphore, #tpu.memory_space<semaphore_mem>>) src(%arg8 : memref<640x32xf32, #tpu.memory_space<hbm>>) dst(%arg13 : memref<640x32xf32, #tpu.memory_space<vmem>>)
      tpu.yield
    }) : () -> ()
    %mul3A = arith.constant 640 : i32
    %mul3A_0 = arith.muli %arg1, %mul3A : i32
    "tpu.region"() ({
      %run_scoped3A_177 = tpu.sem_alloc : memref<!tpu.dma_semaphore, #tpu.memory_space<semaphore_mem>>
      %dma_start3A_178 = arith.constant 0 : i32
      %dma_start3A_179 = tpu.memref_slice %arg14[%mul3A_0, %dma_start3A_178] : memref<10240x32xf32, #tpu.memory_space<vmem_shared>> -> memref<640x32xf32, #tpu.memory_space<vmem_shared>>
      %dma_start3A_180 = arith.constant 0 : i32
      %dma_start3A_181 = tpu.memref_slice %arg14[%mul3A_0, %dma_start3A_180] : memref<10240x32xf32, #tpu.memory_space<vmem_shared>> -> memref<640x32xf32, #tpu.memory_space<vmem_shared>>
      tpu.enqueue_dma source(%arg13 : memref<640x32xf32, #tpu.memory_space<vmem>>) target(%dma_start3A_181 : memref<640x32xf32, #tpu.memory_space<vmem_shared>>) target_semaphore(%run_scoped3A_177 : memref<!tpu.dma_semaphore, #tpu.memory_space<semaphore_mem>>)
      %dma_wait3A = arith.constant 0 : i32
      %dma_wait3A_182 = tpu.memref_slice %arg14[%mul3A_0, %dma_wait3A] : memref<10240x32xf32, #tpu.memory_space<vmem_shared>> -> memref<640x32xf32, #tpu.memory_space<vmem_shared>>
      %dma_wait3A_183 = arith.constant 0 : i32
      %dma_wait3A_184 = tpu.memref_slice %arg14[%mul3A_0, %dma_wait3A_183] : memref<10240x32xf32, #tpu.memory_space<vmem_shared>> -> memref<640x32xf32, #tpu.memory_space<vmem_shared>>
      tpu.wait_dma2 semaphore(%run_scoped3A_177 : memref<!tpu.dma_semaphore, #tpu.memory_space<semaphore_mem>>) src(%arg13 : memref<640x32xf32, #tpu.memory_space<vmem>>) dst(%dma_wait3A_184 : memref<640x32xf32, #tpu.memory_space<vmem_shared>>)
      tpu.yield
    }) : () -> ()
    %dma_start3A = arith.constant 0 : i32
    %dma_start3A_1 = arith.constant 0 : i32
    %dma_start3A_2 = arith.constant 0 : i32
    %dma_start3A_3 = arith.constant 0 : i32
    %dma_start3A_4 = tpu.memref_slice %arg12[%dma_start3A_1, %dma_start3A_2, %dma_start3A_3] : memref<4x128x32xf32, #tpu.memory_space<vmem>> -> memref<1x128x32xf32, #tpu.memory_space<vmem>>
    %dma_start3A_5 = tpu.memref_squeeze %dma_start3A_4 : memref<1x128x32xf32, #tpu.memory_space<vmem>> -> memref<128x32xf32, #tpu.memory_space<vmem>>
    %dma_start3A_6 = arith.constant 0 : i32
    %dma_start3A_7 = tpu.memref_slice %arg10[%dma_start3A, %dma_start3A_6] : memref<80x128xi32, #tpu.memory_space<vmem>> -> memref<1x128xi32, #tpu.memory_space<vmem>>
    %dma_start3A_8 = tpu.memref_squeeze %dma_start3A_7 : memref<1x128xi32, #tpu.memory_space<vmem>> -> memref<128xi32, #tpu.memory_space<vmem>>
    %dma_start3A_9 = arith.constant 0 : i32
    %dma_start3A_10 = arith.constant 0 : i32
    %dma_start3A_11 = tpu.memref_slice %arg2[%dma_start3A_9, %dma_start3A_10] : memref<10240x32xf32, #tpu.memory_space<hbm>> -> memref<10240x32xf32, #tpu.memory_space<hbm>>
    tpu.enqueue_indirect_dma source(%dma_start3A_11 : memref<10240x32xf32, #tpu.memory_space<hbm>>) target(%dma_start3A_5 : memref<128x32xf32, #tpu.memory_space<vmem>>) offsets(%dma_start3A_8 : memref<128xi32, #tpu.memory_space<vmem>>) semaphore(%arg15 : memref<!tpu.dma_semaphore, #tpu.memory_space<semaphore_mem>>)
    %dma_start3A_12 = arith.constant 1 : i32
    %dma_start3A_13 = arith.constant 1 : i32
    %dma_start3A_14 = arith.constant 0 : i32
    %dma_start3A_15 = arith.constant 0 : i32
    %dma_start3A_16 = tpu.memref_slice %arg12[%dma_start3A_13, %dma_start3A_14, %dma_start3A_15] : memref<4x128x32xf32, #tpu.memory_space<vmem>> -> memref<1x128x32xf32, #tpu.memory_space<vmem>>
    %dma_start3A_17 = tpu.memref_squeeze %dma_start3A_16 : memref<1x128x32xf32, #tpu.memory_space<vmem>> -> memref<128x32xf32, #tpu.memory_space<vmem>>
    %dma_start3A_18 = arith.constant 0 : i32
    %dma_start3A_19 = tpu.memref_slice %arg10[%dma_start3A_12, %dma_start3A_18] : memref<80x128xi32, #tpu.memory_space<vmem>> -> memref<1x128xi32, #tpu.memory_space<vmem>>
    %dma_start3A_20 = tpu.memref_squeeze %dma_start3A_19 : memref<1x128xi32, #tpu.memory_space<vmem>> -> memref<128xi32, #tpu.memory_space<vmem>>
    %dma_start3A_21 = arith.constant 0 : i32
    %dma_start3A_22 = arith.constant 0 : i32
    %dma_start3A_23 = tpu.memref_slice %arg2[%dma_start3A_21, %dma_start3A_22] : memref<10240x32xf32, #tpu.memory_space<hbm>> -> memref<10240x32xf32, #tpu.memory_space<hbm>>
    tpu.enqueue_indirect_dma source(%dma_start3A_23 : memref<10240x32xf32, #tpu.memory_space<hbm>>) target(%dma_start3A_17 : memref<128x32xf32, #tpu.memory_space<vmem>>) offsets(%dma_start3A_20 : memref<128xi32, #tpu.memory_space<vmem>>) semaphore(%arg15 : memref<!tpu.dma_semaphore, #tpu.memory_space<semaphore_mem>>)
    %dma_start3A_24 = arith.constant 2 : i32
    %dma_start3A_25 = arith.constant 2 : i32
    %dma_start3A_26 = arith.constant 0 : i32
    %dma_start3A_27 = arith.constant 0 : i32
    %dma_start3A_28 = tpu.memref_slice %arg12[%dma_start3A_25, %dma_start3A_26, %dma_start3A_27] : memref<4x128x32xf32, #tpu.memory_space<vmem>> -> memref<1x128x32xf32, #tpu.memory_space<vmem>>
    %dma_start3A_29 = tpu.memref_squeeze %dma_start3A_28 : memref<1x128x32xf32, #tpu.memory_space<vmem>> -> memref<128x32xf32, #tpu.memory_space<vmem>>
    %dma_start3A_30 = arith.constant 0 : i32
    %dma_start3A_31 = tpu.memref_slice %arg10[%dma_start3A_24, %dma_start3A_30] : memref<80x128xi32, #tpu.memory_space<vmem>> -> memref<1x128xi32, #tpu.memory_space<vmem>>
    %dma_start3A_32 = tpu.memref_squeeze %dma_start3A_31 : memref<1x128xi32, #tpu.memory_space<vmem>> -> memref<128xi32, #tpu.memory_space<vmem>>
    %dma_start3A_33 = arith.constant 0 : i32
    %dma_start3A_34 = arith.constant 0 : i32
    %dma_start3A_35 = tpu.memref_slice %arg2[%dma_start3A_33, %dma_start3A_34] : memref<10240x32xf32, #tpu.memory_space<hbm>> -> memref<10240x32xf32, #tpu.memory_space<hbm>>
    tpu.enqueue_indirect_dma source(%dma_start3A_35 : memref<10240x32xf32, #tpu.memory_space<hbm>>) target(%dma_start3A_29 : memref<128x32xf32, #tpu.memory_space<vmem>>) offsets(%dma_start3A_32 : memref<128xi32, #tpu.memory_space<vmem>>) semaphore(%arg15 : memref<!tpu.dma_semaphore, #tpu.memory_space<semaphore_mem>>)
    %barrier3A = arith.constant 0 : index
    tpu.barrier barrier_id(%barrier3A)
    %scan3A = arith.constant 0 : i32
    %scan3A_36 = arith.constant 0 : i32
    %scan3A_37 = arith.constant 80 : i32
    %scan3A_38 = arith.addi %scan3A_36, %scan3A_37 : i32
    %scan3A_39 = arith.constant 1 : i32
    scf.for %scan3A_177 = %scan3A_36 to %scan3A_38 step %scan3A_39  : i32 {
      %rem3A = arith.constant 4 : i32
      %rem3A_178 = arith.remsi %scan3A_177, %rem3A : i32
      %add3A = arith.constant 4 : i32
      %add3A_179 = arith.addi %scan3A_177, %add3A : i32
      %sub3A = arith.constant 1 : i32
      %sub3A_180 = arith.subi %add3A_179, %sub3A : i32
      %rem3A_181 = arith.constant 4 : i32
      %rem3A_182 = arith.remsi %sub3A_180, %rem3A_181 : i32
      %add3A_183 = arith.constant 4 : i32
      %add3A_184 = arith.addi %scan3A_177, %add3A_183 : i32
      %sub3A_185 = arith.constant 1 : i32
      %sub3A_186 = arith.subi %add3A_184, %sub3A_185 : i32
      %lt3A = arith.constant 80 : i32
      %lt3A_187 = arith.cmpi slt, %sub3A_186, %lt3A : i32
      %convert_element_type3A = arith.extui %lt3A_187 : i1 to i32
      %cond3A = arith.constant 0 : i32
      %cond3A_188 = arith.cmpi ne, %convert_element_type3A, %cond3A : i32
      scf.if %cond3A_188 {
        %add3A_198 = arith.constant 4 : i32
        %add3A_199 = arith.addi %scan3A_177, %add3A_198 : i32
        %sub3A_200 = arith.constant 1 : i32
        %sub3A_201 = arith.subi %add3A_199, %sub3A_200 : i32
        %dma_start3A_202 = arith.constant 0 : i32
        %dma_start3A_203 = arith.constant 0 : i32
        %dma_start3A_204 = tpu.memref_slice %arg12[%rem3A_182, %dma_start3A_202, %dma_start3A_203] : memref<4x128x32xf32, #tpu.memory_space<vmem>> -> memref<1x128x32xf32, #tpu.memory_space<vmem>>
        %dma_start3A_205 = tpu.memref_squeeze %dma_start3A_204 : memref<1x128x32xf32, #tpu.memory_space<vmem>> -> memref<128x32xf32, #tpu.memory_space<vmem>>
        %dma_start3A_206 = arith.constant 0 : i32
        %dma_start3A_207 = tpu.memref_slice %arg10[%sub3A_201, %dma_start3A_206] : memref<80x128xi32, #tpu.memory_space<vmem>> -> memref<1x128xi32, #tpu.memory_space<vmem>>
        %dma_start3A_208 = tpu.memref_squeeze %dma_start3A_207 : memref<1x128xi32, #tpu.memory_space<vmem>> -> memref<128xi32, #tpu.memory_space<vmem>>
        %dma_start3A_209 = arith.constant 0 : i32
        %dma_start3A_210 = arith.constant 0 : i32
        %dma_start3A_211 = tpu.memref_slice %arg2[%dma_start3A_209, %dma_start3A_210] : memref<10240x32xf32, #tpu.memory_space<hbm>> -> memref<10240x32xf32, #tpu.memory_space<hbm>>
        tpu.enqueue_indirect_dma source(%dma_start3A_211 : memref<10240x32xf32, #tpu.memory_space<hbm>>) target(%dma_start3A_205 : memref<128x32xf32, #tpu.memory_space<vmem>>) offsets(%dma_start3A_208 : memref<128xi32, #tpu.memory_space<vmem>>) semaphore(%arg15 : memref<!tpu.dma_semaphore, #tpu.memory_space<semaphore_mem>>)
      } else {
      }
      %dma_wait3A = arith.constant 0 : i32
      %dma_wait3A_189 = arith.constant 0 : i32
      %dma_wait3A_190 = tpu.memref_slice %arg12[%rem3A_178, %dma_wait3A, %dma_wait3A_189] : memref<4x128x32xf32, #tpu.memory_space<vmem>> -> memref<1x128x32xf32, #tpu.memory_space<vmem>>
      %dma_wait3A_191 = tpu.memref_squeeze %dma_wait3A_190 : memref<1x128x32xf32, #tpu.memory_space<vmem>> -> memref<128x32xf32, #tpu.memory_space<vmem>>
      %dma_wait3A_192 = arith.constant 0 : i32
      %dma_wait3A_193 = tpu.memref_slice %arg10[%scan3A_177, %dma_wait3A_192] : memref<80x128xi32, #tpu.memory_space<vmem>> -> memref<1x128xi32, #tpu.memory_space<vmem>>
      %dma_wait3A_194 = tpu.memref_squeeze %dma_wait3A_193 : memref<1x128xi32, #tpu.memory_space<vmem>> -> memref<128xi32, #tpu.memory_space<vmem>>
      %dma_wait3A_195 = arith.constant 0 : i32
      %dma_wait3A_196 = arith.constant 0 : i32
      %dma_wait3A_197 = tpu.memref_slice %arg2[%dma_wait3A_195, %dma_wait3A_196] : memref<10240x32xf32, #tpu.memory_space<hbm>> -> memref<10240x32xf32, #tpu.memory_space<hbm>>
      tpu.wait_indirect_dma semaphore(%arg15 : memref<!tpu.dma_semaphore, #tpu.memory_space<semaphore_mem>>) src(%dma_wait3A_197 : memref<10240x32xf32, #tpu.memory_space<hbm>>) dst(%dma_wait3A_191 : memref<128x32xf32, #tpu.memory_space<vmem>>)
      "tpu.region"() ({
        %run_scoped3A_198 = tpu.sem_alloc : memref<!tpu.dma_semaphore, #tpu.memory_space<semaphore_mem>>
        %dma_start3A_199 = arith.constant 0 : i32
        %dma_start3A_200 = arith.constant 0 : i32
        %dma_start3A_201 = tpu.memref_slice %arg12[%rem3A_178, %dma_start3A_199, %dma_start3A_200] : memref<4x128x32xf32, #tpu.memory_space<vmem>> -> memref<1x128x32xf32, #tpu.memory_space<vmem>>
        %dma_start3A_202 = tpu.memref_squeeze %dma_start3A_201 : memref<1x128x32xf32, #tpu.memory_space<vmem>> -> memref<128x32xf32, #tpu.memory_space<vmem>>
        %dma_start3A_203 = arith.constant 0 : i32
        %dma_start3A_204 = tpu.memref_slice %arg11[%scan3A_177, %dma_start3A_203] : memref<80x128xi32, #tpu.memory_space<vmem>> -> memref<1x128xi32, #tpu.memory_space<vmem>>
        %dma_start3A_205 = tpu.memref_squeeze %dma_start3A_204 : memref<1x128xi32, #tpu.memory_space<vmem>> -> memref<128xi32, #tpu.memory_space<vmem>>
        %dma_start3A_206 = arith.constant 0 : i32
        %dma_start3A_207 = arith.constant 0 : i32
        %dma_start3A_208 = tpu.memref_slice %arg14[%dma_start3A_206, %dma_start3A_207] : memref<10240x32xf32, #tpu.memory_space<vmem_shared>> -> memref<10240x32xf32, #tpu.memory_space<vmem_shared>>
        tpu.enqueue_indirect_dma source(%dma_start3A_202 : memref<128x32xf32, #tpu.memory_space<vmem>>) target(%dma_start3A_208 : memref<10240x32xf32, #tpu.memory_space<vmem_shared>>) offsets(%dma_start3A_205 : memref<128xi32, #tpu.memory_space<vmem>>) semaphore(%run_scoped3A_198 : memref<!tpu.dma_semaphore, #tpu.memory_space<semaphore_mem>>) {add = true}
        %dma_wait3A_209 = arith.constant 0 : i32
        %dma_wait3A_210 = arith.constant 0 : i32
        %dma_wait3A_211 = tpu.memref_slice %arg12[%rem3A_178, %dma_wait3A_209, %dma_wait3A_210] : memref<4x128x32xf32, #tpu.memory_space<vmem>> -> memref<1x128x32xf32, #tpu.memory_space<vmem>>
        %dma_wait3A_212 = tpu.memref_squeeze %dma_wait3A_211 : memref<1x128x32xf32, #tpu.memory_space<vmem>> -> memref<128x32xf32, #tpu.memory_space<vmem>>
        %dma_wait3A_213 = arith.constant 0 : i32
        %dma_wait3A_214 = tpu.memref_slice %arg11[%scan3A_177, %dma_wait3A_213] : memref<80x128xi32, #tpu.memory_space<vmem>> -> memref<1x128xi32, #tpu.memory_space<vmem>>
        %dma_wait3A_215 = tpu.memref_squeeze %dma_wait3A_214 : memref<1x128xi32, #tpu.memory_space<vmem>> -> memref<128xi32, #tpu.memory_space<vmem>>
        %dma_wait3A_216 = arith.constant 0 : i32
        %dma_wait3A_217 = arith.constant 0 : i32
        %dma_wait3A_218 = tpu.memref_slice %arg14[%dma_wait3A_216, %dma_wait3A_217] : memref<10240x32xf32, #tpu.memory_space<vmem_shared>> -> memref<10240x32xf32, #tpu.memory_space<vmem_shared>>
        tpu.wait_indirect_dma semaphore(%run_scoped3A_198 : memref<!tpu.dma_semaphore, #tpu.memory_space<semaphore_mem>>) src(%dma_wait3A_212 : memref<128x32xf32, #tpu.memory_space<vmem>>) dst(%dma_wait3A_218 : memref<10240x32xf32, #tpu.memory_space<vmem_shared>>)
        tpu.yield
      }) : () -> ()
    }
    %scan3A_40 = arith.constant 80 : i32
    %dma_start3A_41 = arith.constant 0 : i32
    %dma_start3A_42 = arith.constant 0 : i32
    %dma_start3A_43 = arith.constant 0 : i32
    %dma_start3A_44 = arith.constant 0 : i32
    %dma_start3A_45 = tpu.memref_slice %arg12[%dma_start3A_42, %dma_start3A_43, %dma_start3A_44] : memref<4x128x32xf32, #tpu.memory_space<vmem>> -> memref<1x128x32xf32, #tpu.memory_space<vmem>>
    %dma_start3A_46 = tpu.memref_squeeze %dma_start3A_45 : memref<1x128x32xf32, #tpu.memory_space<vmem>> -> memref<128x32xf32, #tpu.memory_space<vmem>>
    %dma_start3A_47 = arith.constant 0 : i32
    %dma_start3A_48 = tpu.memref_slice %arg10[%dma_start3A_41, %dma_start3A_47] : memref<80x128xi32, #tpu.memory_space<vmem>> -> memref<1x128xi32, #tpu.memory_space<vmem>>
    %dma_start3A_49 = tpu.memref_squeeze %dma_start3A_48 : memref<1x128xi32, #tpu.memory_space<vmem>> -> memref<128xi32, #tpu.memory_space<vmem>>
    %dma_start3A_50 = arith.constant 0 : i32
    %dma_start3A_51 = arith.constant 0 : i32
    %dma_start3A_52 = tpu.memref_slice %arg3[%dma_start3A_50, %dma_start3A_51] : memref<10240x32xf32, #tpu.memory_space<hbm>> -> memref<10240x32xf32, #tpu.memory_space<hbm>>
    tpu.enqueue_indirect_dma source(%dma_start3A_52 : memref<10240x32xf32, #tpu.memory_space<hbm>>) target(%dma_start3A_46 : memref<128x32xf32, #tpu.memory_space<vmem>>) offsets(%dma_start3A_49 : memref<128xi32, #tpu.memory_space<vmem>>) semaphore(%arg15 : memref<!tpu.dma_semaphore, #tpu.memory_space<semaphore_mem>>)
    %dma_start3A_53 = arith.constant 1 : i32
    %dma_start3A_54 = arith.constant 1 : i32
    %dma_start3A_55 = arith.constant 0 : i32
    %dma_start3A_56 = arith.constant 0 : i32
    %dma_start3A_57 = tpu.memref_slice %arg12[%dma_start3A_54, %dma_start3A_55, %dma_start3A_56] : memref<4x128x32xf32, #tpu.memory_space<vmem>> -> memref<1x128x32xf32, #tpu.memory_space<vmem>>
    %dma_start3A_58 = tpu.memref_squeeze %dma_start3A_57 : memref<1x128x32xf32, #tpu.memory_space<vmem>> -> memref<128x32xf32, #tpu.memory_space<vmem>>
    %dma_start3A_59 = arith.constant 0 : i32
    %dma_start3A_60 = tpu.memref_slice %arg10[%dma_start3A_53, %dma_start3A_59] : memref<80x128xi32, #tpu.memory_space<vmem>> -> memref<1x128xi32, #tpu.memory_space<vmem>>
    %dma_start3A_61 = tpu.memref_squeeze %dma_start3A_60 : memref<1x128xi32, #tpu.memory_space<vmem>> -> memref<128xi32, #tpu.memory_space<vmem>>
    %dma_start3A_62 = arith.constant 0 : i32
    %dma_start3A_63 = arith.constant 0 : i32
    %dma_start3A_64 = tpu.memref_slice %arg3[%dma_start3A_62, %dma_start3A_63] : memref<10240x32xf32, #tpu.memory_space<hbm>> -> memref<10240x32xf32, #tpu.memory_space<hbm>>
    tpu.enqueue_indirect_dma source(%dma_start3A_64 : memref<10240x32xf32, #tpu.memory_space<hbm>>) target(%dma_start3A_58 : memref<128x32xf32, #tpu.memory_space<vmem>>) offsets(%dma_start3A_61 : memref<128xi32, #tpu.memory_space<vmem>>) semaphore(%arg15 : memref<!tpu.dma_semaphore, #tpu.memory_space<semaphore_mem>>)
    %dma_start3A_65 = arith.constant 2 : i32
    %dma_start3A_66 = arith.constant 2 : i32
    %dma_start3A_67 = arith.constant 0 : i32
    %dma_start3A_68 = arith.constant 0 : i32
    %dma_start3A_69 = tpu.memref_slice %arg12[%dma_start3A_66, %dma_start3A_67, %dma_start3A_68] : memref<4x128x32xf32, #tpu.memory_space<vmem>> -> memref<1x128x32xf32, #tpu.memory_space<vmem>>
    %dma_start3A_70 = tpu.memref_squeeze %dma_start3A_69 : memref<1x128x32xf32, #tpu.memory_space<vmem>> -> memref<128x32xf32, #tpu.memory_space<vmem>>
    %dma_start3A_71 = arith.constant 0 : i32
    %dma_start3A_72 = tpu.memref_slice %arg10[%dma_start3A_65, %dma_start3A_71] : memref<80x128xi32, #tpu.memory_space<vmem>> -> memref<1x128xi32, #tpu.memory_space<vmem>>
    %dma_start3A_73 = tpu.memref_squeeze %dma_start3A_72 : memref<1x128xi32, #tpu.memory_space<vmem>> -> memref<128xi32, #tpu.memory_space<vmem>>
    %dma_start3A_74 = arith.constant 0 : i32
    %dma_start3A_75 = arith.constant 0 : i32
    %dma_start3A_76 = tpu.memref_slice %arg3[%dma_start3A_74, %dma_start3A_75] : memref<10240x32xf32, #tpu.memory_space<hbm>> -> memref<10240x32xf32, #tpu.memory_space<hbm>>
    tpu.enqueue_indirect_dma source(%dma_start3A_76 : memref<10240x32xf32, #tpu.memory_space<hbm>>) target(%dma_start3A_70 : memref<128x32xf32, #tpu.memory_space<vmem>>) offsets(%dma_start3A_73 : memref<128xi32, #tpu.memory_space<vmem>>) semaphore(%arg15 : memref<!tpu.dma_semaphore, #tpu.memory_space<semaphore_mem>>)
    %barrier3A_77 = arith.constant 0 : index
    tpu.barrier barrier_id(%barrier3A_77)
    %run_scoped3A = arith.constant 0 : i32
    "tpu.region"() ({
      %run_scoped3A_177 = tpu.sem_alloc : memref<!tpu.dma_semaphore, #tpu.memory_space<semaphore_mem>>
      %dma_start3A_178 = arith.constant 0 : i32
      %dma_start3A_179 = tpu.memref_slice %arg9[%arg0, %run_scoped3A, %mul3A_0, %dma_start3A_178] : memref<2x4x10240x32xf32, #tpu.memory_space<hbm>> -> memref<1x1x640x32xf32, #tpu.memory_space<hbm>>
      %dma_start3A_180 = tpu.memref_squeeze %dma_start3A_179 : memref<1x1x640x32xf32, #tpu.memory_space<hbm>> -> memref<640x32xf32, #tpu.memory_space<hbm>>
      %dma_start3A_181 = arith.constant 0 : i32
      %dma_start3A_182 = tpu.memref_slice %arg14[%mul3A_0, %dma_start3A_181] : memref<10240x32xf32, #tpu.memory_space<vmem_shared>> -> memref<640x32xf32, #tpu.memory_space<vmem_shared>>
      tpu.enqueue_dma source(%dma_start3A_182 : memref<640x32xf32, #tpu.memory_space<vmem_shared>>) target(%dma_start3A_180 : memref<640x32xf32, #tpu.memory_space<hbm>>) target_semaphore(%run_scoped3A_177 : memref<!tpu.dma_semaphore, #tpu.memory_space<semaphore_mem>>)
      %dma_wait3A = arith.constant 0 : i32
      %dma_wait3A_183 = tpu.memref_slice %arg9[%arg0, %run_scoped3A, %mul3A_0, %dma_wait3A] : memref<2x4x10240x32xf32, #tpu.memory_space<hbm>> -> memref<1x1x640x32xf32, #tpu.memory_space<hbm>>
      %dma_wait3A_184 = tpu.memref_squeeze %dma_wait3A_183 : memref<1x1x640x32xf32, #tpu.memory_space<hbm>> -> memref<640x32xf32, #tpu.memory_space<hbm>>
      %dma_wait3A_185 = arith.constant 0 : i32
      %dma_wait3A_186 = tpu.memref_slice %arg14[%mul3A_0, %dma_wait3A_185] : memref<10240x32xf32, #tpu.memory_space<vmem_shared>> -> memref<640x32xf32, #tpu.memory_space<vmem_shared>>
      tpu.wait_dma2 semaphore(%run_scoped3A_177 : memref<!tpu.dma_semaphore, #tpu.memory_space<semaphore_mem>>) src(%dma_wait3A_186 : memref<640x32xf32, #tpu.memory_space<vmem_shared>>) dst(%dma_wait3A_184 : memref<640x32xf32, #tpu.memory_space<hbm>>)
      tpu.yield
    }) : () -> ()
    "tpu.region"() ({
      %run_scoped3A_177 = tpu.sem_alloc : memref<!tpu.dma_semaphore, #tpu.memory_space<semaphore_mem>>
      %dma_start3A_178 = arith.constant 0 : i32
      %dma_start3A_179 = tpu.memref_slice %arg14[%mul3A_0, %dma_start3A_178] : memref<10240x32xf32, #tpu.memory_space<vmem_shared>> -> memref<640x32xf32, #tpu.memory_space<vmem_shared>>
      %dma_start3A_180 = arith.constant 0 : i32
      %dma_start3A_181 = tpu.memref_slice %arg14[%mul3A_0, %dma_start3A_180] : memref<10240x32xf32, #tpu.memory_space<vmem_shared>> -> memref<640x32xf32, #tpu.memory_space<vmem_shared>>
      tpu.enqueue_dma source(%arg13 : memref<640x32xf32, #tpu.memory_space<vmem>>) target(%dma_start3A_181 : memref<640x32xf32, #tpu.memory_space<vmem_shared>>) target_semaphore(%run_scoped3A_177 : memref<!tpu.dma_semaphore, #tpu.memory_space<semaphore_mem>>)
      %dma_wait3A = arith.constant 0 : i32
      %dma_wait3A_182 = tpu.memref_slice %arg14[%mul3A_0, %dma_wait3A] : memref<10240x32xf32, #tpu.memory_space<vmem_shared>> -> memref<640x32xf32, #tpu.memory_space<vmem_shared>>
      %dma_wait3A_183 = arith.constant 0 : i32
      %dma_wait3A_184 = tpu.memref_slice %arg14[%mul3A_0, %dma_wait3A_183] : memref<10240x32xf32, #tpu.memory_space<vmem_shared>> -> memref<640x32xf32, #tpu.memory_space<vmem_shared>>
      tpu.wait_dma2 semaphore(%run_scoped3A_177 : memref<!tpu.dma_semaphore, #tpu.memory_space<semaphore_mem>>) src(%arg13 : memref<640x32xf32, #tpu.memory_space<vmem>>) dst(%dma_wait3A_184 : memref<640x32xf32, #tpu.memory_space<vmem_shared>>)
      tpu.yield
    }) : () -> ()
    %barrier3A_78 = arith.constant 0 : index
    tpu.barrier barrier_id(%barrier3A_78)
    %scan3A_79 = arith.constant 0 : i32
    %scan3A_80 = arith.constant 0 : i32
    %scan3A_81 = arith.constant 80 : i32
    %scan3A_82 = arith.addi %scan3A_80, %scan3A_81 : i32
    %scan3A_83 = arith.constant 1 : i32
    scf.for %scan3A_177 = %scan3A_80 to %scan3A_82 step %scan3A_83  : i32 {
      %rem3A = arith.constant 4 : i32
      %rem3A_178 = arith.remsi %scan3A_177, %rem3A : i32
      %add3A = arith.constant 4 : i32
      %add3A_179 = arith.addi %scan3A_177, %add3A : i32
      %sub3A = arith.constant 1 : i32
      %sub3A_180 = arith.subi %add3A_179, %sub3A : i32
      %rem3A_181 = arith.constant 4 : i32
      %rem3A_182 = arith.remsi %sub3A_180, %rem3A_181 : i32
      %add3A_183 = arith.constant 4 : i32
      %add3A_184 = arith.addi %scan3A_177, %add3A_183 : i32
      %sub3A_185 = arith.constant 1 : i32
      %sub3A_186 = arith.subi %add3A_184, %sub3A_185 : i32
      %lt3A = arith.constant 80 : i32
      %lt3A_187 = arith.cmpi slt, %sub3A_186, %lt3A : i32
      %convert_element_type3A = arith.extui %lt3A_187 : i1 to i32
      %cond3A = arith.constant 0 : i32
      %cond3A_188 = arith.cmpi ne, %convert_element_type3A, %cond3A : i32
      scf.if %cond3A_188 {
        %add3A_198 = arith.constant 4 : i32
        %add3A_199 = arith.addi %scan3A_177, %add3A_198 : i32
        %sub3A_200 = arith.constant 1 : i32
        %sub3A_201 = arith.subi %add3A_199, %sub3A_200 : i32
        %dma_start3A_202 = arith.constant 0 : i32
        %dma_start3A_203 = arith.constant 0 : i32
        %dma_start3A_204 = tpu.memref_slice %arg12[%rem3A_182, %dma_start3A_202, %dma_start3A_203] : memref<4x128x32xf32, #tpu.memory_space<vmem>> -> memref<1x128x32xf32, #tpu.memory_space<vmem>>
        %dma_start3A_205 = tpu.memref_squeeze %dma_start3A_204 : memref<1x128x32xf32, #tpu.memory_space<vmem>> -> memref<128x32xf32, #tpu.memory_space<vmem>>
        %dma_start3A_206 = arith.constant 0 : i32
        %dma_start3A_207 = tpu.memref_slice %arg10[%sub3A_201, %dma_start3A_206] : memref<80x128xi32, #tpu.memory_space<vmem>> -> memref<1x128xi32, #tpu.memory_space<vmem>>
        %dma_start3A_208 = tpu.memref_squeeze %dma_start3A_207 : memref<1x128xi32, #tpu.memory_space<vmem>> -> memref<128xi32, #tpu.memory_space<vmem>>
        %dma_start3A_209 = arith.constant 0 : i32
        %dma_start3A_210 = arith.constant 0 : i32
        %dma_start3A_211 = tpu.memref_slice %arg3[%dma_start3A_209, %dma_start3A_210] : memref<10240x32xf32, #tpu.memory_space<hbm>> -> memref<10240x32xf32, #tpu.memory_space<hbm>>
        tpu.enqueue_indirect_dma source(%dma_start3A_211 : memref<10240x32xf32, #tpu.memory_space<hbm>>) target(%dma_start3A_205 : memref<128x32xf32, #tpu.memory_space<vmem>>) offsets(%dma_start3A_208 : memref<128xi32, #tpu.memory_space<vmem>>) semaphore(%arg15 : memref<!tpu.dma_semaphore, #tpu.memory_space<semaphore_mem>>)
      } else {
      }
      %dma_wait3A = arith.constant 0 : i32
      %dma_wait3A_189 = arith.constant 0 : i32
      %dma_wait3A_190 = tpu.memref_slice %arg12[%rem3A_178, %dma_wait3A, %dma_wait3A_189] : memref<4x128x32xf32, #tpu.memory_space<vmem>> -> memref<1x128x32xf32, #tpu.memory_space<vmem>>
      %dma_wait3A_191 = tpu.memref_squeeze %dma_wait3A_190 : memref<1x128x32xf32, #tpu.memory_space<vmem>> -> memref<128x32xf32, #tpu.memory_space<vmem>>
      %dma_wait3A_192 = arith.constant 0 : i32
      %dma_wait3A_193 = tpu.memref_slice %arg10[%scan3A_177, %dma_wait3A_192] : memref<80x128xi32, #tpu.memory_space<vmem>> -> memref<1x128xi32, #tpu.memory_space<vmem>>
      %dma_wait3A_194 = tpu.memref_squeeze %dma_wait3A_193 : memref<1x128xi32, #tpu.memory_space<vmem>> -> memref<128xi32, #tpu.memory_space<vmem>>
      %dma_wait3A_195 = arith.constant 0 : i32
      %dma_wait3A_196 = arith.constant 0 : i32
      %dma_wait3A_197 = tpu.memref_slice %arg3[%dma_wait3A_195, %dma_wait3A_196] : memref<10240x32xf32, #tpu.memory_space<hbm>> -> memref<10240x32xf32, #tpu.memory_space<hbm>>
      tpu.wait_indirect_dma semaphore(%arg15 : memref<!tpu.dma_semaphore, #tpu.memory_space<semaphore_mem>>) src(%dma_wait3A_197 : memref<10240x32xf32, #tpu.memory_space<hbm>>) dst(%dma_wait3A_191 : memref<128x32xf32, #tpu.memory_space<vmem>>)
      "tpu.region"() ({
        %run_scoped3A_198 = tpu.sem_alloc : memref<!tpu.dma_semaphore, #tpu.memory_space<semaphore_mem>>
        %dma_start3A_199 = arith.constant 0 : i32
        %dma_start3A_200 = arith.constant 0 : i32
        %dma_start3A_201 = tpu.memref_slice %arg12[%rem3A_178, %dma_start3A_199, %dma_start3A_200] : memref<4x128x32xf32, #tpu.memory_space<vmem>> -> memref<1x128x32xf32, #tpu.memory_space<vmem>>
        %dma_start3A_202 = tpu.memref_squeeze %dma_start3A_201 : memref<1x128x32xf32, #tpu.memory_space<vmem>> -> memref<128x32xf32, #tpu.memory_space<vmem>>
        %dma_start3A_203 = arith.constant 0 : i32
        %dma_start3A_204 = tpu.memref_slice %arg11[%scan3A_177, %dma_start3A_203] : memref<80x128xi32, #tpu.memory_space<vmem>> -> memref<1x128xi32, #tpu.memory_space<vmem>>
        %dma_start3A_205 = tpu.memref_squeeze %dma_start3A_204 : memref<1x128xi32, #tpu.memory_space<vmem>> -> memref<128xi32, #tpu.memory_space<vmem>>
        %dma_start3A_206 = arith.constant 0 : i32
        %dma_start3A_207 = arith.constant 0 : i32
        %dma_start3A_208 = tpu.memref_slice %arg14[%dma_start3A_206, %dma_start3A_207] : memref<10240x32xf32, #tpu.memory_space<vmem_shared>> -> memref<10240x32xf32, #tpu.memory_space<vmem_shared>>
        tpu.enqueue_indirect_dma source(%dma_start3A_202 : memref<128x32xf32, #tpu.memory_space<vmem>>) target(%dma_start3A_208 : memref<10240x32xf32, #tpu.memory_space<vmem_shared>>) offsets(%dma_start3A_205 : memref<128xi32, #tpu.memory_space<vmem>>) semaphore(%run_scoped3A_198 : memref<!tpu.dma_semaphore, #tpu.memory_space<semaphore_mem>>) {add = true}
        %dma_wait3A_209 = arith.constant 0 : i32
        %dma_wait3A_210 = arith.constant 0 : i32
        %dma_wait3A_211 = tpu.memref_slice %arg12[%rem3A_178, %dma_wait3A_209, %dma_wait3A_210] : memref<4x128x32xf32, #tpu.memory_space<vmem>> -> memref<1x128x32xf32, #tpu.memory_space<vmem>>
        %dma_wait3A_212 = tpu.memref_squeeze %dma_wait3A_211 : memref<1x128x32xf32, #tpu.memory_space<vmem>> -> memref<128x32xf32, #tpu.memory_space<vmem>>
        %dma_wait3A_213 = arith.constant 0 : i32
        %dma_wait3A_214 = tpu.memref_slice %arg11[%scan3A_177, %dma_wait3A_213] : memref<80x128xi32, #tpu.memory_space<vmem>> -> memref<1x128xi32, #tpu.memory_space<vmem>>
        %dma_wait3A_215 = tpu.memref_squeeze %dma_wait3A_214 : memref<1x128xi32, #tpu.memory_space<vmem>> -> memref<128xi32, #tpu.memory_space<vmem>>
        %dma_wait3A_216 = arith.constant 0 : i32
        %dma_wait3A_217 = arith.constant 0 : i32
        %dma_wait3A_218 = tpu.memref_slice %arg14[%dma_wait3A_216, %dma_wait3A_217] : memref<10240x32xf32, #tpu.memory_space<vmem_shared>> -> memref<10240x32xf32, #tpu.memory_space<vmem_shared>>
        tpu.wait_indirect_dma semaphore(%run_scoped3A_198 : memref<!tpu.dma_semaphore, #tpu.memory_space<semaphore_mem>>) src(%dma_wait3A_212 : memref<128x32xf32, #tpu.memory_space<vmem>>) dst(%dma_wait3A_218 : memref<10240x32xf32, #tpu.memory_space<vmem_shared>>)
        tpu.yield
      }) : () -> ()
    }
    %scan3A_84 = arith.constant 80 : i32
    %dma_start3A_85 = arith.constant 0 : i32
    %dma_start3A_86 = arith.constant 0 : i32
    %dma_start3A_87 = arith.constant 0 : i32
    %dma_start3A_88 = arith.constant 0 : i32
    %dma_start3A_89 = tpu.memref_slice %arg12[%dma_start3A_86, %dma_start3A_87, %dma_start3A_88] : memref<4x128x32xf32, #tpu.memory_space<vmem>> -> memref<1x128x32xf32, #tpu.memory_space<vmem>>
    %dma_start3A_90 = tpu.memref_squeeze %dma_start3A_89 : memref<1x128x32xf32, #tpu.memory_space<vmem>> -> memref<128x32xf32, #tpu.memory_space<vmem>>
    %dma_start3A_91 = arith.constant 0 : i32
    %dma_start3A_92 = tpu.memref_slice %arg10[%dma_start3A_85, %dma_start3A_91] : memref<80x128xi32, #tpu.memory_space<vmem>> -> memref<1x128xi32, #tpu.memory_space<vmem>>
    %dma_start3A_93 = tpu.memref_squeeze %dma_start3A_92 : memref<1x128xi32, #tpu.memory_space<vmem>> -> memref<128xi32, #tpu.memory_space<vmem>>
    %dma_start3A_94 = arith.constant 0 : i32
    %dma_start3A_95 = arith.constant 0 : i32
    %dma_start3A_96 = tpu.memref_slice %arg4[%dma_start3A_94, %dma_start3A_95] : memref<10240x32xf32, #tpu.memory_space<hbm>> -> memref<10240x32xf32, #tpu.memory_space<hbm>>
    tpu.enqueue_indirect_dma source(%dma_start3A_96 : memref<10240x32xf32, #tpu.memory_space<hbm>>) target(%dma_start3A_90 : memref<128x32xf32, #tpu.memory_space<vmem>>) offsets(%dma_start3A_93 : memref<128xi32, #tpu.memory_space<vmem>>) semaphore(%arg15 : memref<!tpu.dma_semaphore, #tpu.memory_space<semaphore_mem>>)
    %dma_start3A_97 = arith.constant 1 : i32
    %dma_start3A_98 = arith.constant 1 : i32
    %dma_start3A_99 = arith.constant 0 : i32
    %dma_start3A_100 = arith.constant 0 : i32
    %dma_start3A_101 = tpu.memref_slice %arg12[%dma_start3A_98, %dma_start3A_99, %dma_start3A_100] : memref<4x128x32xf32, #tpu.memory_space<vmem>> -> memref<1x128x32xf32, #tpu.memory_space<vmem>>
    %dma_start3A_102 = tpu.memref_squeeze %dma_start3A_101 : memref<1x128x32xf32, #tpu.memory_space<vmem>> -> memref<128x32xf32, #tpu.memory_space<vmem>>
    %dma_start3A_103 = arith.constant 0 : i32
    %dma_start3A_104 = tpu.memref_slice %arg10[%dma_start3A_97, %dma_start3A_103] : memref<80x128xi32, #tpu.memory_space<vmem>> -> memref<1x128xi32, #tpu.memory_space<vmem>>
    %dma_start3A_105 = tpu.memref_squeeze %dma_start3A_104 : memref<1x128xi32, #tpu.memory_space<vmem>> -> memref<128xi32, #tpu.memory_space<vmem>>
    %dma_start3A_106 = arith.constant 0 : i32
    %dma_start3A_107 = arith.constant 0 : i32
    %dma_start3A_108 = tpu.memref_slice %arg4[%dma_start3A_106, %dma_start3A_107] : memref<10240x32xf32, #tpu.memory_space<hbm>> -> memref<10240x32xf32, #tpu.memory_space<hbm>>
    tpu.enqueue_indirect_dma source(%dma_start3A_108 : memref<10240x32xf32, #tpu.memory_space<hbm>>) target(%dma_start3A_102 : memref<128x32xf32, #tpu.memory_space<vmem>>) offsets(%dma_start3A_105 : memref<128xi32, #tpu.memory_space<vmem>>) semaphore(%arg15 : memref<!tpu.dma_semaphore, #tpu.memory_space<semaphore_mem>>)
    %dma_start3A_109 = arith.constant 2 : i32
    %dma_start3A_110 = arith.constant 2 : i32
    %dma_start3A_111 = arith.constant 0 : i32
    %dma_start3A_112 = arith.constant 0 : i32
    %dma_start3A_113 = tpu.memref_slice %arg12[%dma_start3A_110, %dma_start3A_111, %dma_start3A_112] : memref<4x128x32xf32, #tpu.memory_space<vmem>> -> memref<1x128x32xf32, #tpu.memory_space<vmem>>
    %dma_start3A_114 = tpu.memref_squeeze %dma_start3A_113 : memref<1x128x32xf32, #tpu.memory_space<vmem>> -> memref<128x32xf32, #tpu.memory_space<vmem>>
    %dma_start3A_115 = arith.constant 0 : i32
    %dma_start3A_116 = tpu.memref_slice %arg10[%dma_start3A_109, %dma_start3A_115] : memref<80x128xi32, #tpu.memory_space<vmem>> -> memref<1x128xi32, #tpu.memory_space<vmem>>
    %dma_start3A_117 = tpu.memref_squeeze %dma_start3A_116 : memref<1x128xi32, #tpu.memory_space<vmem>> -> memref<128xi32, #tpu.memory_space<vmem>>
    %dma_start3A_118 = arith.constant 0 : i32
    %dma_start3A_119 = arith.constant 0 : i32
    %dma_start3A_120 = tpu.memref_slice %arg4[%dma_start3A_118, %dma_start3A_119] : memref<10240x32xf32, #tpu.memory_space<hbm>> -> memref<10240x32xf32, #tpu.memory_space<hbm>>
    tpu.enqueue_indirect_dma source(%dma_start3A_120 : memref<10240x32xf32, #tpu.memory_space<hbm>>) target(%dma_start3A_114 : memref<128x32xf32, #tpu.memory_space<vmem>>) offsets(%dma_start3A_117 : memref<128xi32, #tpu.memory_space<vmem>>) semaphore(%arg15 : memref<!tpu.dma_semaphore, #tpu.memory_space<semaphore_mem>>)
    %barrier3A_121 = arith.constant 0 : index
    tpu.barrier barrier_id(%barrier3A_121)
    %run_scoped3A_122 = arith.constant 1 : i32
    "tpu.region"() ({
      %run_scoped3A_177 = tpu.sem_alloc : memref<!tpu.dma_semaphore, #tpu.memory_space<semaphore_mem>>
      %dma_start3A_178 = arith.constant 0 : i32
      %dma_start3A_179 = tpu.memref_slice %arg9[%arg0, %run_scoped3A_122, %mul3A_0, %dma_start3A_178] : memref<2x4x10240x32xf32, #tpu.memory_space<hbm>> -> memref<1x1x640x32xf32, #tpu.memory_space<hbm>>
      %dma_start3A_180 = tpu.memref_squeeze %dma_start3A_179 : memref<1x1x640x32xf32, #tpu.memory_space<hbm>> -> memref<640x32xf32, #tpu.memory_space<hbm>>
      %dma_start3A_181 = arith.constant 0 : i32
      %dma_start3A_182 = tpu.memref_slice %arg14[%mul3A_0, %dma_start3A_181] : memref<10240x32xf32, #tpu.memory_space<vmem_shared>> -> memref<640x32xf32, #tpu.memory_space<vmem_shared>>
      tpu.enqueue_dma source(%dma_start3A_182 : memref<640x32xf32, #tpu.memory_space<vmem_shared>>) target(%dma_start3A_180 : memref<640x32xf32, #tpu.memory_space<hbm>>) target_semaphore(%run_scoped3A_177 : memref<!tpu.dma_semaphore, #tpu.memory_space<semaphore_mem>>)
      %dma_wait3A = arith.constant 0 : i32
      %dma_wait3A_183 = tpu.memref_slice %arg9[%arg0, %run_scoped3A_122, %mul3A_0, %dma_wait3A] : memref<2x4x10240x32xf32, #tpu.memory_space<hbm>> -> memref<1x1x640x32xf32, #tpu.memory_space<hbm>>
      %dma_wait3A_184 = tpu.memref_squeeze %dma_wait3A_183 : memref<1x1x640x32xf32, #tpu.memory_space<hbm>> -> memref<640x32xf32, #tpu.memory_space<hbm>>
      %dma_wait3A_185 = arith.constant 0 : i32
      %dma_wait3A_186 = tpu.memref_slice %arg14[%mul3A_0, %dma_wait3A_185] : memref<10240x32xf32, #tpu.memory_space<vmem_shared>> -> memref<640x32xf32, #tpu.memory_space<vmem_shared>>
      tpu.wait_dma2 semaphore(%run_scoped3A_177 : memref<!tpu.dma_semaphore, #tpu.memory_space<semaphore_mem>>) src(%dma_wait3A_186 : memref<640x32xf32, #tpu.memory_space<vmem_shared>>) dst(%dma_wait3A_184 : memref<640x32xf32, #tpu.memory_space<hbm>>)
      tpu.yield
    }) : () -> ()
    "tpu.region"() ({
      %run_scoped3A_177 = tpu.sem_alloc : memref<!tpu.dma_semaphore, #tpu.memory_space<semaphore_mem>>
      %dma_start3A_178 = arith.constant 0 : i32
      %dma_start3A_179 = tpu.memref_slice %arg14[%mul3A_0, %dma_start3A_178] : memref<10240x32xf32, #tpu.memory_space<vmem_shared>> -> memref<640x32xf32, #tpu.memory_space<vmem_shared>>
      %dma_start3A_180 = arith.constant 0 : i32
      %dma_start3A_181 = tpu.memref_slice %arg14[%mul3A_0, %dma_start3A_180] : memref<10240x32xf32, #tpu.memory_space<vmem_shared>> -> memref<640x32xf32, #tpu.memory_space<vmem_shared>>
      tpu.enqueue_dma source(%arg13 : memref<640x32xf32, #tpu.memory_space<vmem>>) target(%dma_start3A_181 : memref<640x32xf32, #tpu.memory_space<vmem_shared>>) target_semaphore(%run_scoped3A_177 : memref<!tpu.dma_semaphore, #tpu.memory_space<semaphore_mem>>)
      %dma_wait3A = arith.constant 0 : i32
      %dma_wait3A_182 = tpu.memref_slice %arg14[%mul3A_0, %dma_wait3A] : memref<10240x32xf32, #tpu.memory_space<vmem_shared>> -> memref<640x32xf32, #tpu.memory_space<vmem_shared>>
      %dma_wait3A_183 = arith.constant 0 : i32
      %dma_wait3A_184 = tpu.memref_slice %arg14[%mul3A_0, %dma_wait3A_183] : memref<10240x32xf32, #tpu.memory_space<vmem_shared>> -> memref<640x32xf32, #tpu.memory_space<vmem_shared>>
      tpu.wait_dma2 semaphore(%run_scoped3A_177 : memref<!tpu.dma_semaphore, #tpu.memory_space<semaphore_mem>>) src(%arg13 : memref<640x32xf32, #tpu.memory_space<vmem>>) dst(%dma_wait3A_184 : memref<640x32xf32, #tpu.memory_space<vmem_shared>>)
      tpu.yield
    }) : () -> ()
    %barrier3A_123 = arith.constant 0 : index
    tpu.barrier barrier_id(%barrier3A_123)
    %scan3A_124 = arith.constant 0 : i32
    %scan3A_125 = arith.constant 0 : i32
    %scan3A_126 = arith.constant 80 : i32
    %scan3A_127 = arith.addi %scan3A_125, %scan3A_126 : i32
    %scan3A_128 = arith.constant 1 : i32
    scf.for %scan3A_177 = %scan3A_125 to %scan3A_127 step %scan3A_128  : i32 {
      %rem3A = arith.constant 4 : i32
      %rem3A_178 = arith.remsi %scan3A_177, %rem3A : i32
      %add3A = arith.constant 4 : i32
      %add3A_179 = arith.addi %scan3A_177, %add3A : i32
      %sub3A = arith.constant 1 : i32
      %sub3A_180 = arith.subi %add3A_179, %sub3A : i32
      %rem3A_181 = arith.constant 4 : i32
      %rem3A_182 = arith.remsi %sub3A_180, %rem3A_181 : i32
      %add3A_183 = arith.constant 4 : i32
      %add3A_184 = arith.addi %scan3A_177, %add3A_183 : i32
      %sub3A_185 = arith.constant 1 : i32
      %sub3A_186 = arith.subi %add3A_184, %sub3A_185 : i32
      %lt3A = arith.constant 80 : i32
      %lt3A_187 = arith.cmpi slt, %sub3A_186, %lt3A : i32
      %convert_element_type3A = arith.extui %lt3A_187 : i1 to i32
      %cond3A = arith.constant 0 : i32
      %cond3A_188 = arith.cmpi ne, %convert_element_type3A, %cond3A : i32
      scf.if %cond3A_188 {
        %add3A_198 = arith.constant 4 : i32
        %add3A_199 = arith.addi %scan3A_177, %add3A_198 : i32
        %sub3A_200 = arith.constant 1 : i32
        %sub3A_201 = arith.subi %add3A_199, %sub3A_200 : i32
        %dma_start3A_202 = arith.constant 0 : i32
        %dma_start3A_203 = arith.constant 0 : i32
        %dma_start3A_204 = tpu.memref_slice %arg12[%rem3A_182, %dma_start3A_202, %dma_start3A_203] : memref<4x128x32xf32, #tpu.memory_space<vmem>> -> memref<1x128x32xf32, #tpu.memory_space<vmem>>
        %dma_start3A_205 = tpu.memref_squeeze %dma_start3A_204 : memref<1x128x32xf32, #tpu.memory_space<vmem>> -> memref<128x32xf32, #tpu.memory_space<vmem>>
        %dma_start3A_206 = arith.constant 0 : i32
        %dma_start3A_207 = tpu.memref_slice %arg10[%sub3A_201, %dma_start3A_206] : memref<80x128xi32, #tpu.memory_space<vmem>> -> memref<1x128xi32, #tpu.memory_space<vmem>>
        %dma_start3A_208 = tpu.memref_squeeze %dma_start3A_207 : memref<1x128xi32, #tpu.memory_space<vmem>> -> memref<128xi32, #tpu.memory_space<vmem>>
        %dma_start3A_209 = arith.constant 0 : i32
        %dma_start3A_210 = arith.constant 0 : i32
        %dma_start3A_211 = tpu.memref_slice %arg4[%dma_start3A_209, %dma_start3A_210] : memref<10240x32xf32, #tpu.memory_space<hbm>> -> memref<10240x32xf32, #tpu.memory_space<hbm>>
        tpu.enqueue_indirect_dma source(%dma_start3A_211 : memref<10240x32xf32, #tpu.memory_space<hbm>>) target(%dma_start3A_205 : memref<128x32xf32, #tpu.memory_space<vmem>>) offsets(%dma_start3A_208 : memref<128xi32, #tpu.memory_space<vmem>>) semaphore(%arg15 : memref<!tpu.dma_semaphore, #tpu.memory_space<semaphore_mem>>)
      } else {
      }
      %dma_wait3A = arith.constant 0 : i32
      %dma_wait3A_189 = arith.constant 0 : i32
      %dma_wait3A_190 = tpu.memref_slice %arg12[%rem3A_178, %dma_wait3A, %dma_wait3A_189] : memref<4x128x32xf32, #tpu.memory_space<vmem>> -> memref<1x128x32xf32, #tpu.memory_space<vmem>>
      %dma_wait3A_191 = tpu.memref_squeeze %dma_wait3A_190 : memref<1x128x32xf32, #tpu.memory_space<vmem>> -> memref<128x32xf32, #tpu.memory_space<vmem>>
      %dma_wait3A_192 = arith.constant 0 : i32
      %dma_wait3A_193 = tpu.memref_slice %arg10[%scan3A_177, %dma_wait3A_192] : memref<80x128xi32, #tpu.memory_space<vmem>> -> memref<1x128xi32, #tpu.memory_space<vmem>>
      %dma_wait3A_194 = tpu.memref_squeeze %dma_wait3A_193 : memref<1x128xi32, #tpu.memory_space<vmem>> -> memref<128xi32, #tpu.memory_space<vmem>>
      %dma_wait3A_195 = arith.constant 0 : i32
      %dma_wait3A_196 = arith.constant 0 : i32
      %dma_wait3A_197 = tpu.memref_slice %arg4[%dma_wait3A_195, %dma_wait3A_196] : memref<10240x32xf32, #tpu.memory_space<hbm>> -> memref<10240x32xf32, #tpu.memory_space<hbm>>
      tpu.wait_indirect_dma semaphore(%arg15 : memref<!tpu.dma_semaphore, #tpu.memory_space<semaphore_mem>>) src(%dma_wait3A_197 : memref<10240x32xf32, #tpu.memory_space<hbm>>) dst(%dma_wait3A_191 : memref<128x32xf32, #tpu.memory_space<vmem>>)
      "tpu.region"() ({
        %run_scoped3A_198 = tpu.sem_alloc : memref<!tpu.dma_semaphore, #tpu.memory_space<semaphore_mem>>
        %dma_start3A_199 = arith.constant 0 : i32
        %dma_start3A_200 = arith.constant 0 : i32
        %dma_start3A_201 = tpu.memref_slice %arg12[%rem3A_178, %dma_start3A_199, %dma_start3A_200] : memref<4x128x32xf32, #tpu.memory_space<vmem>> -> memref<1x128x32xf32, #tpu.memory_space<vmem>>
        %dma_start3A_202 = tpu.memref_squeeze %dma_start3A_201 : memref<1x128x32xf32, #tpu.memory_space<vmem>> -> memref<128x32xf32, #tpu.memory_space<vmem>>
        %dma_start3A_203 = arith.constant 0 : i32
        %dma_start3A_204 = tpu.memref_slice %arg11[%scan3A_177, %dma_start3A_203] : memref<80x128xi32, #tpu.memory_space<vmem>> -> memref<1x128xi32, #tpu.memory_space<vmem>>
        %dma_start3A_205 = tpu.memref_squeeze %dma_start3A_204 : memref<1x128xi32, #tpu.memory_space<vmem>> -> memref<128xi32, #tpu.memory_space<vmem>>
        %dma_start3A_206 = arith.constant 0 : i32
        %dma_start3A_207 = arith.constant 0 : i32
        %dma_start3A_208 = tpu.memref_slice %arg14[%dma_start3A_206, %dma_start3A_207] : memref<10240x32xf32, #tpu.memory_space<vmem_shared>> -> memref<10240x32xf32, #tpu.memory_space<vmem_shared>>
        tpu.enqueue_indirect_dma source(%dma_start3A_202 : memref<128x32xf32, #tpu.memory_space<vmem>>) target(%dma_start3A_208 : memref<10240x32xf32, #tpu.memory_space<vmem_shared>>) offsets(%dma_start3A_205 : memref<128xi32, #tpu.memory_space<vmem>>) semaphore(%run_scoped3A_198 : memref<!tpu.dma_semaphore, #tpu.memory_space<semaphore_mem>>) {add = true}
        %dma_wait3A_209 = arith.constant 0 : i32
        %dma_wait3A_210 = arith.constant 0 : i32
        %dma_wait3A_211 = tpu.memref_slice %arg12[%rem3A_178, %dma_wait3A_209, %dma_wait3A_210] : memref<4x128x32xf32, #tpu.memory_space<vmem>> -> memref<1x128x32xf32, #tpu.memory_space<vmem>>
        %dma_wait3A_212 = tpu.memref_squeeze %dma_wait3A_211 : memref<1x128x32xf32, #tpu.memory_space<vmem>> -> memref<128x32xf32, #tpu.memory_space<vmem>>
        %dma_wait3A_213 = arith.constant 0 : i32
        %dma_wait3A_214 = tpu.memref_slice %arg11[%scan3A_177, %dma_wait3A_213] : memref<80x128xi32, #tpu.memory_space<vmem>> -> memref<1x128xi32, #tpu.memory_space<vmem>>
        %dma_wait3A_215 = tpu.memref_squeeze %dma_wait3A_214 : memref<1x128xi32, #tpu.memory_space<vmem>> -> memref<128xi32, #tpu.memory_space<vmem>>
        %dma_wait3A_216 = arith.constant 0 : i32
        %dma_wait3A_217 = arith.constant 0 : i32
        %dma_wait3A_218 = tpu.memref_slice %arg14[%dma_wait3A_216, %dma_wait3A_217] : memref<10240x32xf32, #tpu.memory_space<vmem_shared>> -> memref<10240x32xf32, #tpu.memory_space<vmem_shared>>
        tpu.wait_indirect_dma semaphore(%run_scoped3A_198 : memref<!tpu.dma_semaphore, #tpu.memory_space<semaphore_mem>>) src(%dma_wait3A_212 : memref<128x32xf32, #tpu.memory_space<vmem>>) dst(%dma_wait3A_218 : memref<10240x32xf32, #tpu.memory_space<vmem_shared>>)
        tpu.yield
      }) : () -> ()
    }
    %scan3A_129 = arith.constant 80 : i32
    %dma_start3A_130 = arith.constant 0 : i32
    %dma_start3A_131 = arith.constant 0 : i32
    %dma_start3A_132 = arith.constant 0 : i32
    %dma_start3A_133 = arith.constant 0 : i32
    %dma_start3A_134 = tpu.memref_slice %arg12[%dma_start3A_131, %dma_start3A_132, %dma_start3A_133] : memref<4x128x32xf32, #tpu.memory_space<vmem>> -> memref<1x128x32xf32, #tpu.memory_space<vmem>>
    %dma_start3A_135 = tpu.memref_squeeze %dma_start3A_134 : memref<1x128x32xf32, #tpu.memory_space<vmem>> -> memref<128x32xf32, #tpu.memory_space<vmem>>
    %dma_start3A_136 = arith.constant 0 : i32
    %dma_start3A_137 = tpu.memref_slice %arg10[%dma_start3A_130, %dma_start3A_136] : memref<80x128xi32, #tpu.memory_space<vmem>> -> memref<1x128xi32, #tpu.memory_space<vmem>>
    %dma_start3A_138 = tpu.memref_squeeze %dma_start3A_137 : memref<1x128xi32, #tpu.memory_space<vmem>> -> memref<128xi32, #tpu.memory_space<vmem>>
    %dma_start3A_139 = arith.constant 0 : i32
    %dma_start3A_140 = arith.constant 0 : i32
    %dma_start3A_141 = tpu.memref_slice %arg5[%dma_start3A_139, %dma_start3A_140] : memref<10240x32xf32, #tpu.memory_space<hbm>> -> memref<10240x32xf32, #tpu.memory_space<hbm>>
    tpu.enqueue_indirect_dma source(%dma_start3A_141 : memref<10240x32xf32, #tpu.memory_space<hbm>>) target(%dma_start3A_135 : memref<128x32xf32, #tpu.memory_space<vmem>>) offsets(%dma_start3A_138 : memref<128xi32, #tpu.memory_space<vmem>>) semaphore(%arg15 : memref<!tpu.dma_semaphore, #tpu.memory_space<semaphore_mem>>)
    %dma_start3A_142 = arith.constant 1 : i32
    %dma_start3A_143 = arith.constant 1 : i32
    %dma_start3A_144 = arith.constant 0 : i32
    %dma_start3A_145 = arith.constant 0 : i32
    %dma_start3A_146 = tpu.memref_slice %arg12[%dma_start3A_143, %dma_start3A_144, %dma_start3A_145] : memref<4x128x32xf32, #tpu.memory_space<vmem>> -> memref<1x128x32xf32, #tpu.memory_space<vmem>>
    %dma_start3A_147 = tpu.memref_squeeze %dma_start3A_146 : memref<1x128x32xf32, #tpu.memory_space<vmem>> -> memref<128x32xf32, #tpu.memory_space<vmem>>
    %dma_start3A_148 = arith.constant 0 : i32
    %dma_start3A_149 = tpu.memref_slice %arg10[%dma_start3A_142, %dma_start3A_148] : memref<80x128xi32, #tpu.memory_space<vmem>> -> memref<1x128xi32, #tpu.memory_space<vmem>>
    %dma_start3A_150 = tpu.memref_squeeze %dma_start3A_149 : memref<1x128xi32, #tpu.memory_space<vmem>> -> memref<128xi32, #tpu.memory_space<vmem>>
    %dma_start3A_151 = arith.constant 0 : i32
    %dma_start3A_152 = arith.constant 0 : i32
    %dma_start3A_153 = tpu.memref_slice %arg5[%dma_start3A_151, %dma_start3A_152] : memref<10240x32xf32, #tpu.memory_space<hbm>> -> memref<10240x32xf32, #tpu.memory_space<hbm>>
    tpu.enqueue_indirect_dma source(%dma_start3A_153 : memref<10240x32xf32, #tpu.memory_space<hbm>>) target(%dma_start3A_147 : memref<128x32xf32, #tpu.memory_space<vmem>>) offsets(%dma_start3A_150 : memref<128xi32, #tpu.memory_space<vmem>>) semaphore(%arg15 : memref<!tpu.dma_semaphore, #tpu.memory_space<semaphore_mem>>)
    %dma_start3A_154 = arith.constant 2 : i32
    %dma_start3A_155 = arith.constant 2 : i32
    %dma_start3A_156 = arith.constant 0 : i32
    %dma_start3A_157 = arith.constant 0 : i32
    %dma_start3A_158 = tpu.memref_slice %arg12[%dma_start3A_155, %dma_start3A_156, %dma_start3A_157] : memref<4x128x32xf32, #tpu.memory_space<vmem>> -> memref<1x128x32xf32, #tpu.memory_space<vmem>>
    %dma_start3A_159 = tpu.memref_squeeze %dma_start3A_158 : memref<1x128x32xf32, #tpu.memory_space<vmem>> -> memref<128x32xf32, #tpu.memory_space<vmem>>
    %dma_start3A_160 = arith.constant 0 : i32
    %dma_start3A_161 = tpu.memref_slice %arg10[%dma_start3A_154, %dma_start3A_160] : memref<80x128xi32, #tpu.memory_space<vmem>> -> memref<1x128xi32, #tpu.memory_space<vmem>>
    %dma_start3A_162 = tpu.memref_squeeze %dma_start3A_161 : memref<1x128xi32, #tpu.memory_space<vmem>> -> memref<128xi32, #tpu.memory_space<vmem>>
    %dma_start3A_163 = arith.constant 0 : i32
    %dma_start3A_164 = arith.constant 0 : i32
    %dma_start3A_165 = tpu.memref_slice %arg5[%dma_start3A_163, %dma_start3A_164] : memref<10240x32xf32, #tpu.memory_space<hbm>> -> memref<10240x32xf32, #tpu.memory_space<hbm>>
    tpu.enqueue_indirect_dma source(%dma_start3A_165 : memref<10240x32xf32, #tpu.memory_space<hbm>>) target(%dma_start3A_159 : memref<128x32xf32, #tpu.memory_space<vmem>>) offsets(%dma_start3A_162 : memref<128xi32, #tpu.memory_space<vmem>>) semaphore(%arg15 : memref<!tpu.dma_semaphore, #tpu.memory_space<semaphore_mem>>)
    %barrier3A_166 = arith.constant 0 : index
    tpu.barrier barrier_id(%barrier3A_166)
    %run_scoped3A_167 = arith.constant 2 : i32
    "tpu.region"() ({
      %run_scoped3A_177 = tpu.sem_alloc : memref<!tpu.dma_semaphore, #tpu.memory_space<semaphore_mem>>
      %dma_start3A_178 = arith.constant 0 : i32
      %dma_start3A_179 = tpu.memref_slice %arg9[%arg0, %run_scoped3A_167, %mul3A_0, %dma_start3A_178] : memref<2x4x10240x32xf32, #tpu.memory_space<hbm>> -> memref<1x1x640x32xf32, #tpu.memory_space<hbm>>
      %dma_start3A_180 = tpu.memref_squeeze %dma_start3A_179 : memref<1x1x640x32xf32, #tpu.memory_space<hbm>> -> memref<640x32xf32, #tpu.memory_space<hbm>>
      %dma_start3A_181 = arith.constant 0 : i32
      %dma_start3A_182 = tpu.memref_slice %arg14[%mul3A_0, %dma_start3A_181] : memref<10240x32xf32, #tpu.memory_space<vmem_shared>> -> memref<640x32xf32, #tpu.memory_space<vmem_shared>>
      tpu.enqueue_dma source(%dma_start3A_182 : memref<640x32xf32, #tpu.memory_space<vmem_shared>>) target(%dma_start3A_180 : memref<640x32xf32, #tpu.memory_space<hbm>>) target_semaphore(%run_scoped3A_177 : memref<!tpu.dma_semaphore, #tpu.memory_space<semaphore_mem>>)
      %dma_wait3A = arith.constant 0 : i32
      %dma_wait3A_183 = tpu.memref_slice %arg9[%arg0, %run_scoped3A_167, %mul3A_0, %dma_wait3A] : memref<2x4x10240x32xf32, #tpu.memory_space<hbm>> -> memref<1x1x640x32xf32, #tpu.memory_space<hbm>>
      %dma_wait3A_184 = tpu.memref_squeeze %dma_wait3A_183 : memref<1x1x640x32xf32, #tpu.memory_space<hbm>> -> memref<640x32xf32, #tpu.memory_space<hbm>>
      %dma_wait3A_185 = arith.constant 0 : i32
      %dma_wait3A_186 = tpu.memref_slice %arg14[%mul3A_0, %dma_wait3A_185] : memref<10240x32xf32, #tpu.memory_space<vmem_shared>> -> memref<640x32xf32, #tpu.memory_space<vmem_shared>>
      tpu.wait_dma2 semaphore(%run_scoped3A_177 : memref<!tpu.dma_semaphore, #tpu.memory_space<semaphore_mem>>) src(%dma_wait3A_186 : memref<640x32xf32, #tpu.memory_space<vmem_shared>>) dst(%dma_wait3A_184 : memref<640x32xf32, #tpu.memory_space<hbm>>)
      tpu.yield
    }) : () -> ()
    "tpu.region"() ({
      %run_scoped3A_177 = tpu.sem_alloc : memref<!tpu.dma_semaphore, #tpu.memory_space<semaphore_mem>>
      %dma_start3A_178 = arith.constant 0 : i32
      %dma_start3A_179 = tpu.memref_slice %arg14[%mul3A_0, %dma_start3A_178] : memref<10240x32xf32, #tpu.memory_space<vmem_shared>> -> memref<640x32xf32, #tpu.memory_space<vmem_shared>>
      %dma_start3A_180 = arith.constant 0 : i32
      %dma_start3A_181 = tpu.memref_slice %arg14[%mul3A_0, %dma_start3A_180] : memref<10240x32xf32, #tpu.memory_space<vmem_shared>> -> memref<640x32xf32, #tpu.memory_space<vmem_shared>>
      tpu.enqueue_dma source(%arg13 : memref<640x32xf32, #tpu.memory_space<vmem>>) target(%dma_start3A_181 : memref<640x32xf32, #tpu.memory_space<vmem_shared>>) target_semaphore(%run_scoped3A_177 : memref<!tpu.dma_semaphore, #tpu.memory_space<semaphore_mem>>)
      %dma_wait3A = arith.constant 0 : i32
      %dma_wait3A_182 = tpu.memref_slice %arg14[%mul3A_0, %dma_wait3A] : memref<10240x32xf32, #tpu.memory_space<vmem_shared>> -> memref<640x32xf32, #tpu.memory_space<vmem_shared>>
      %dma_wait3A_183 = arith.constant 0 : i32
      %dma_wait3A_184 = tpu.memref_slice %arg14[%mul3A_0, %dma_wait3A_183] : memref<10240x32xf32, #tpu.memory_space<vmem_shared>> -> memref<640x32xf32, #tpu.memory_space<vmem_shared>>
      tpu.wait_dma2 semaphore(%run_scoped3A_177 : memref<!tpu.dma_semaphore, #tpu.memory_space<semaphore_mem>>) src(%arg13 : memref<640x32xf32, #tpu.memory_space<vmem>>) dst(%dma_wait3A_184 : memref<640x32xf32, #tpu.memory_space<vmem_shared>>)
      tpu.yield
    }) : () -> ()
    %barrier3A_168 = arith.constant 0 : index
    tpu.barrier barrier_id(%barrier3A_168)
    %scan3A_169 = arith.constant 0 : i32
    %scan3A_170 = arith.constant 0 : i32
    %scan3A_171 = arith.constant 80 : i32
    %scan3A_172 = arith.addi %scan3A_170, %scan3A_171 : i32
    %scan3A_173 = arith.constant 1 : i32
    scf.for %scan3A_177 = %scan3A_170 to %scan3A_172 step %scan3A_173  : i32 {
      %rem3A = arith.constant 4 : i32
      %rem3A_178 = arith.remsi %scan3A_177, %rem3A : i32
      %add3A = arith.constant 4 : i32
      %add3A_179 = arith.addi %scan3A_177, %add3A : i32
      %sub3A = arith.constant 1 : i32
      %sub3A_180 = arith.subi %add3A_179, %sub3A : i32
      %rem3A_181 = arith.constant 4 : i32
      %rem3A_182 = arith.remsi %sub3A_180, %rem3A_181 : i32
      %add3A_183 = arith.constant 4 : i32
      %add3A_184 = arith.addi %scan3A_177, %add3A_183 : i32
      %sub3A_185 = arith.constant 1 : i32
      %sub3A_186 = arith.subi %add3A_184, %sub3A_185 : i32
      %lt3A = arith.constant 80 : i32
      %lt3A_187 = arith.cmpi slt, %sub3A_186, %lt3A : i32
      %convert_element_type3A = arith.extui %lt3A_187 : i1 to i32
      %cond3A = arith.constant 0 : i32
      %cond3A_188 = arith.cmpi ne, %convert_element_type3A, %cond3A : i32
      scf.if %cond3A_188 {
        %add3A_198 = arith.constant 4 : i32
        %add3A_199 = arith.addi %scan3A_177, %add3A_198 : i32
        %sub3A_200 = arith.constant 1 : i32
        %sub3A_201 = arith.subi %add3A_199, %sub3A_200 : i32
        %dma_start3A_202 = arith.constant 0 : i32
        %dma_start3A_203 = arith.constant 0 : i32
        %dma_start3A_204 = tpu.memref_slice %arg12[%rem3A_182, %dma_start3A_202, %dma_start3A_203] : memref<4x128x32xf32, #tpu.memory_space<vmem>> -> memref<1x128x32xf32, #tpu.memory_space<vmem>>
        %dma_start3A_205 = tpu.memref_squeeze %dma_start3A_204 : memref<1x128x32xf32, #tpu.memory_space<vmem>> -> memref<128x32xf32, #tpu.memory_space<vmem>>
        %dma_start3A_206 = arith.constant 0 : i32
        %dma_start3A_207 = tpu.memref_slice %arg10[%sub3A_201, %dma_start3A_206] : memref<80x128xi32, #tpu.memory_space<vmem>> -> memref<1x128xi32, #tpu.memory_space<vmem>>
        %dma_start3A_208 = tpu.memref_squeeze %dma_start3A_207 : memref<1x128xi32, #tpu.memory_space<vmem>> -> memref<128xi32, #tpu.memory_space<vmem>>
        %dma_start3A_209 = arith.constant 0 : i32
        %dma_start3A_210 = arith.constant 0 : i32
        %dma_start3A_211 = tpu.memref_slice %arg5[%dma_start3A_209, %dma_start3A_210] : memref<10240x32xf32, #tpu.memory_space<hbm>> -> memref<10240x32xf32, #tpu.memory_space<hbm>>
        tpu.enqueue_indirect_dma source(%dma_start3A_211 : memref<10240x32xf32, #tpu.memory_space<hbm>>) target(%dma_start3A_205 : memref<128x32xf32, #tpu.memory_space<vmem>>) offsets(%dma_start3A_208 : memref<128xi32, #tpu.memory_space<vmem>>) semaphore(%arg15 : memref<!tpu.dma_semaphore, #tpu.memory_space<semaphore_mem>>)
      } else {
      }
      %dma_wait3A = arith.constant 0 : i32
      %dma_wait3A_189 = arith.constant 0 : i32
      %dma_wait3A_190 = tpu.memref_slice %arg12[%rem3A_178, %dma_wait3A, %dma_wait3A_189] : memref<4x128x32xf32, #tpu.memory_space<vmem>> -> memref<1x128x32xf32, #tpu.memory_space<vmem>>
      %dma_wait3A_191 = tpu.memref_squeeze %dma_wait3A_190 : memref<1x128x32xf32, #tpu.memory_space<vmem>> -> memref<128x32xf32, #tpu.memory_space<vmem>>
      %dma_wait3A_192 = arith.constant 0 : i32
      %dma_wait3A_193 = tpu.memref_slice %arg10[%scan3A_177, %dma_wait3A_192] : memref<80x128xi32, #tpu.memory_space<vmem>> -> memref<1x128xi32, #tpu.memory_space<vmem>>
      %dma_wait3A_194 = tpu.memref_squeeze %dma_wait3A_193 : memref<1x128xi32, #tpu.memory_space<vmem>> -> memref<128xi32, #tpu.memory_space<vmem>>
      %dma_wait3A_195 = arith.constant 0 : i32
      %dma_wait3A_196 = arith.constant 0 : i32
      %dma_wait3A_197 = tpu.memref_slice %arg5[%dma_wait3A_195, %dma_wait3A_196] : memref<10240x32xf32, #tpu.memory_space<hbm>> -> memref<10240x32xf32, #tpu.memory_space<hbm>>
      tpu.wait_indirect_dma semaphore(%arg15 : memref<!tpu.dma_semaphore, #tpu.memory_space<semaphore_mem>>) src(%dma_wait3A_197 : memref<10240x32xf32, #tpu.memory_space<hbm>>) dst(%dma_wait3A_191 : memref<128x32xf32, #tpu.memory_space<vmem>>)
      "tpu.region"() ({
        %run_scoped3A_198 = tpu.sem_alloc : memref<!tpu.dma_semaphore, #tpu.memory_space<semaphore_mem>>
        %dma_start3A_199 = arith.constant 0 : i32
        %dma_start3A_200 = arith.constant 0 : i32
        %dma_start3A_201 = tpu.memref_slice %arg12[%rem3A_178, %dma_start3A_199, %dma_start3A_200] : memref<4x128x32xf32, #tpu.memory_space<vmem>> -> memref<1x128x32xf32, #tpu.memory_space<vmem>>
        %dma_start3A_202 = tpu.memref_squeeze %dma_start3A_201 : memref<1x128x32xf32, #tpu.memory_space<vmem>> -> memref<128x32xf32, #tpu.memory_space<vmem>>
        %dma_start3A_203 = arith.constant 0 : i32
        %dma_start3A_204 = tpu.memref_slice %arg11[%scan3A_177, %dma_start3A_203] : memref<80x128xi32, #tpu.memory_space<vmem>> -> memref<1x128xi32, #tpu.memory_space<vmem>>
        %dma_start3A_205 = tpu.memref_squeeze %dma_start3A_204 : memref<1x128xi32, #tpu.memory_space<vmem>> -> memref<128xi32, #tpu.memory_space<vmem>>
        %dma_start3A_206 = arith.constant 0 : i32
        %dma_start3A_207 = arith.constant 0 : i32
        %dma_start3A_208 = tpu.memref_slice %arg14[%dma_start3A_206, %dma_start3A_207] : memref<10240x32xf32, #tpu.memory_space<vmem_shared>> -> memref<10240x32xf32, #tpu.memory_space<vmem_shared>>
        tpu.enqueue_indirect_dma source(%dma_start3A_202 : memref<128x32xf32, #tpu.memory_space<vmem>>) target(%dma_start3A_208 : memref<10240x32xf32, #tpu.memory_space<vmem_shared>>) offsets(%dma_start3A_205 : memref<128xi32, #tpu.memory_space<vmem>>) semaphore(%run_scoped3A_198 : memref<!tpu.dma_semaphore, #tpu.memory_space<semaphore_mem>>) {add = true}
        %dma_wait3A_209 = arith.constant 0 : i32
        %dma_wait3A_210 = arith.constant 0 : i32
        %dma_wait3A_211 = tpu.memref_slice %arg12[%rem3A_178, %dma_wait3A_209, %dma_wait3A_210] : memref<4x128x32xf32, #tpu.memory_space<vmem>> -> memref<1x128x32xf32, #tpu.memory_space<vmem>>
        %dma_wait3A_212 = tpu.memref_squeeze %dma_wait3A_211 : memref<1x128x32xf32, #tpu.memory_space<vmem>> -> memref<128x32xf32, #tpu.memory_space<vmem>>
        %dma_wait3A_213 = arith.constant 0 : i32
        %dma_wait3A_214 = tpu.memref_slice %arg11[%scan3A_177, %dma_wait3A_213] : memref<80x128xi32, #tpu.memory_space<vmem>> -> memref<1x128xi32, #tpu.memory_space<vmem>>
        %dma_wait3A_215 = tpu.memref_squeeze %dma_wait3A_214 : memref<1x128xi32, #tpu.memory_space<vmem>> -> memref<128xi32, #tpu.memory_space<vmem>>
        %dma_wait3A_216 = arith.constant 0 : i32
        %dma_wait3A_217 = arith.constant 0 : i32
        %dma_wait3A_218 = tpu.memref_slice %arg14[%dma_wait3A_216, %dma_wait3A_217] : memref<10240x32xf32, #tpu.memory_space<vmem_shared>> -> memref<10240x32xf32, #tpu.memory_space<vmem_shared>>
        tpu.wait_indirect_dma semaphore(%run_scoped3A_198 : memref<!tpu.dma_semaphore, #tpu.memory_space<semaphore_mem>>) src(%dma_wait3A_212 : memref<128x32xf32, #tpu.memory_space<vmem>>) dst(%dma_wait3A_218 : memref<10240x32xf32, #tpu.memory_space<vmem_shared>>)
        tpu.yield
      }) : () -> ()
    }
    %scan3A_174 = arith.constant 80 : i32
    %barrier3A_175 = arith.constant 0 : index
    tpu.barrier barrier_id(%barrier3A_175)
    %run_scoped3A_176 = arith.constant 3 : i32
    "tpu.region"() ({
      %run_scoped3A_177 = tpu.sem_alloc : memref<!tpu.dma_semaphore, #tpu.memory_space<semaphore_mem>>
      %dma_start3A_178 = arith.constant 0 : i32
      %dma_start3A_179 = tpu.memref_slice %arg9[%arg0, %run_scoped3A_176, %mul3A_0, %dma_start3A_178] : memref<2x4x10240x32xf32, #tpu.memory_space<hbm>> -> memref<1x1x640x32xf32, #tpu.memory_space<hbm>>
      %dma_start3A_180 = tpu.memref_squeeze %dma_start3A_179 : memref<1x1x640x32xf32, #tpu.memory_space<hbm>> -> memref<640x32xf32, #tpu.memory_space<hbm>>
      %dma_start3A_181 = arith.constant 0 : i32
      %dma_start3A_182 = tpu.memref_slice %arg14[%mul3A_0, %dma_start3A_181] : memref<10240x32xf32, #tpu.memory_space<vmem_shared>> -> memref<640x32xf32, #tpu.memory_space<vmem_shared>>
      tpu.enqueue_dma source(%dma_start3A_182 : memref<640x32xf32, #tpu.memory_space<vmem_shared>>) target(%dma_start3A_180 : memref<640x32xf32, #tpu.memory_space<hbm>>) target_semaphore(%run_scoped3A_177 : memref<!tpu.dma_semaphore, #tpu.memory_space<semaphore_mem>>)
      %dma_wait3A = arith.constant 0 : i32
      %dma_wait3A_183 = tpu.memref_slice %arg9[%arg0, %run_scoped3A_176, %mul3A_0, %dma_wait3A] : memref<2x4x10240x32xf32, #tpu.memory_space<hbm>> -> memref<1x1x640x32xf32, #tpu.memory_space<hbm>>
      %dma_wait3A_184 = tpu.memref_squeeze %dma_wait3A_183 : memref<1x1x640x32xf32, #tpu.memory_space<hbm>> -> memref<640x32xf32, #tpu.memory_space<hbm>>
      %dma_wait3A_185 = arith.constant 0 : i32
      %dma_wait3A_186 = tpu.memref_slice %arg14[%mul3A_0, %dma_wait3A_185] : memref<10240x32xf32, #tpu.memory_space<vmem_shared>> -> memref<640x32xf32, #tpu.memory_space<vmem_shared>>
      tpu.wait_dma2 semaphore(%run_scoped3A_177 : memref<!tpu.dma_semaphore, #tpu.memory_space<semaphore_mem>>) src(%dma_wait3A_186 : memref<640x32xf32, #tpu.memory_space<vmem_shared>>) dst(%dma_wait3A_184 : memref<640x32xf32, #tpu.memory_space<hbm>>)
      tpu.yield
    }) : () -> ()
    return
  }
}

#map = affine_map<(d0, d1) -> (0, 0)>
#map1 = affine_map<(d0, d1) -> (0, 0, 0, 0)>
module attributes {stable_mosaic.version = 14 : i64} {
  func.func @_prop_fused(%arg0: i32, %arg1: i32, %arg2: memref<10240x32xf32, #tpu.memory_space<hbm>>, %arg3: memref<10240x32xf32, #tpu.memory_space<hbm>>, %arg4: memref<2x16x80x128xi32, #tpu.memory_space<hbm>>, %arg5: memref<2x16x80x128xi32, #tpu.memory_space<hbm>>, %arg6: memref<640x32xf32, #tpu.memory_space<hbm>>, %arg7: memref<2x2x10240x32xf32, #tpu.memory_space<hbm>>, %arg8: memref<80x128xi32, #tpu.memory_space<vmem>>, %arg9: memref<80x128xi32, #tpu.memory_space<vmem>>, %arg10: memref<4x128x32xf32, #tpu.memory_space<vmem>>, %arg11: memref<640x32xf32, #tpu.memory_space<vmem>>, %arg12: memref<10240x32xf32, #tpu.memory_space<vmem_shared>>, %arg13: memref<!tpu.dma_semaphore, #tpu.memory_space<semaphore_mem>>) attributes {dimension_semantics = [#tpu.dimension_semantics<core_parallel>, #tpu.dimension_semantics<subcore_parallel>], iteration_bounds = array<i64: 2, 16>, scalar_prefetch = 0 : i64, scratch_operands = 6 : i64, tpu.core_type = #tpu.core_type<sc_vector_subcore>, window_params = [{transform_indices = #map}, {transform_indices = #map}, {transform_indices = #map1}, {transform_indices = #map1}, {transform_indices = #map}, {transform_indices = #map1}]} {
    "tpu.region"() ({
      %run_scoped3A_87 = tpu.sem_alloc : memref<!tpu.dma_semaphore, #tpu.memory_space<semaphore_mem>>
      %dma_start3A_88 = arith.constant 0 : i32
      %dma_start3A_89 = arith.constant 0 : i32
      %dma_start3A_90 = tpu.memref_slice %arg4[%arg0, %arg1, %dma_start3A_88, %dma_start3A_89] : memref<2x16x80x128xi32, #tpu.memory_space<hbm>> -> memref<1x1x80x128xi32, #tpu.memory_space<hbm>>
      %dma_start3A_91 = tpu.memref_squeeze %dma_start3A_90 : memref<1x1x80x128xi32, #tpu.memory_space<hbm>> -> memref<80x128xi32, #tpu.memory_space<hbm>>
      %dma_start3A_92 = arith.constant 0 : i32
      %dma_start3A_93 = arith.constant 0 : i32
      %dma_start3A_94 = tpu.memref_slice %arg4[%arg0, %arg1, %dma_start3A_92, %dma_start3A_93] : memref<2x16x80x128xi32, #tpu.memory_space<hbm>> -> memref<1x1x80x128xi32, #tpu.memory_space<hbm>>
      %dma_start3A_95 = tpu.memref_squeeze %dma_start3A_94 : memref<1x1x80x128xi32, #tpu.memory_space<hbm>> -> memref<80x128xi32, #tpu.memory_space<hbm>>
      tpu.enqueue_dma source(%dma_start3A_95 : memref<80x128xi32, #tpu.memory_space<hbm>>) target(%arg8 : memref<80x128xi32, #tpu.memory_space<vmem>>) target_semaphore(%run_scoped3A_87 : memref<!tpu.dma_semaphore, #tpu.memory_space<semaphore_mem>>)
      %dma_wait3A = arith.constant 0 : i32
      %dma_wait3A_96 = arith.constant 0 : i32
      %dma_wait3A_97 = tpu.memref_slice %arg4[%arg0, %arg1, %dma_wait3A, %dma_wait3A_96] : memref<2x16x80x128xi32, #tpu.memory_space<hbm>> -> memref<1x1x80x128xi32, #tpu.memory_space<hbm>>
      %dma_wait3A_98 = tpu.memref_squeeze %dma_wait3A_97 : memref<1x1x80x128xi32, #tpu.memory_space<hbm>> -> memref<80x128xi32, #tpu.memory_space<hbm>>
      %dma_wait3A_99 = arith.constant 0 : i32
      %dma_wait3A_100 = arith.constant 0 : i32
      %dma_wait3A_101 = tpu.memref_slice %arg4[%arg0, %arg1, %dma_wait3A_99, %dma_wait3A_100] : memref<2x16x80x128xi32, #tpu.memory_space<hbm>> -> memref<1x1x80x128xi32, #tpu.memory_space<hbm>>
      %dma_wait3A_102 = tpu.memref_squeeze %dma_wait3A_101 : memref<1x1x80x128xi32, #tpu.memory_space<hbm>> -> memref<80x128xi32, #tpu.memory_space<hbm>>
      tpu.wait_dma2 semaphore(%run_scoped3A_87 : memref<!tpu.dma_semaphore, #tpu.memory_space<semaphore_mem>>) src(%dma_wait3A_102 : memref<80x128xi32, #tpu.memory_space<hbm>>) dst(%arg8 : memref<80x128xi32, #tpu.memory_space<vmem>>)
      tpu.yield
    }) : () -> ()
    "tpu.region"() ({
      %run_scoped3A_87 = tpu.sem_alloc : memref<!tpu.dma_semaphore, #tpu.memory_space<semaphore_mem>>
      %dma_start3A_88 = arith.constant 0 : i32
      %dma_start3A_89 = arith.constant 0 : i32
      %dma_start3A_90 = tpu.memref_slice %arg5[%arg0, %arg1, %dma_start3A_88, %dma_start3A_89] : memref<2x16x80x128xi32, #tpu.memory_space<hbm>> -> memref<1x1x80x128xi32, #tpu.memory_space<hbm>>
      %dma_start3A_91 = tpu.memref_squeeze %dma_start3A_90 : memref<1x1x80x128xi32, #tpu.memory_space<hbm>> -> memref<80x128xi32, #tpu.memory_space<hbm>>
      %dma_start3A_92 = arith.constant 0 : i32
      %dma_start3A_93 = arith.constant 0 : i32
      %dma_start3A_94 = tpu.memref_slice %arg5[%arg0, %arg1, %dma_start3A_92, %dma_start3A_93] : memref<2x16x80x128xi32, #tpu.memory_space<hbm>> -> memref<1x1x80x128xi32, #tpu.memory_space<hbm>>
      %dma_start3A_95 = tpu.memref_squeeze %dma_start3A_94 : memref<1x1x80x128xi32, #tpu.memory_space<hbm>> -> memref<80x128xi32, #tpu.memory_space<hbm>>
      tpu.enqueue_dma source(%dma_start3A_95 : memref<80x128xi32, #tpu.memory_space<hbm>>) target(%arg9 : memref<80x128xi32, #tpu.memory_space<vmem>>) target_semaphore(%run_scoped3A_87 : memref<!tpu.dma_semaphore, #tpu.memory_space<semaphore_mem>>)
      %dma_wait3A = arith.constant 0 : i32
      %dma_wait3A_96 = arith.constant 0 : i32
      %dma_wait3A_97 = tpu.memref_slice %arg5[%arg0, %arg1, %dma_wait3A, %dma_wait3A_96] : memref<2x16x80x128xi32, #tpu.memory_space<hbm>> -> memref<1x1x80x128xi32, #tpu.memory_space<hbm>>
      %dma_wait3A_98 = tpu.memref_squeeze %dma_wait3A_97 : memref<1x1x80x128xi32, #tpu.memory_space<hbm>> -> memref<80x128xi32, #tpu.memory_space<hbm>>
      %dma_wait3A_99 = arith.constant 0 : i32
      %dma_wait3A_100 = arith.constant 0 : i32
      %dma_wait3A_101 = tpu.memref_slice %arg5[%arg0, %arg1, %dma_wait3A_99, %dma_wait3A_100] : memref<2x16x80x128xi32, #tpu.memory_space<hbm>> -> memref<1x1x80x128xi32, #tpu.memory_space<hbm>>
      %dma_wait3A_102 = tpu.memref_squeeze %dma_wait3A_101 : memref<1x1x80x128xi32, #tpu.memory_space<hbm>> -> memref<80x128xi32, #tpu.memory_space<hbm>>
      tpu.wait_dma2 semaphore(%run_scoped3A_87 : memref<!tpu.dma_semaphore, #tpu.memory_space<semaphore_mem>>) src(%dma_wait3A_102 : memref<80x128xi32, #tpu.memory_space<hbm>>) dst(%arg9 : memref<80x128xi32, #tpu.memory_space<vmem>>)
      tpu.yield
    }) : () -> ()
    "tpu.region"() ({
      %run_scoped3A_87 = tpu.sem_alloc : memref<!tpu.dma_semaphore, #tpu.memory_space<semaphore_mem>>
      tpu.enqueue_dma source(%arg6 : memref<640x32xf32, #tpu.memory_space<hbm>>) target(%arg11 : memref<640x32xf32, #tpu.memory_space<vmem>>) target_semaphore(%run_scoped3A_87 : memref<!tpu.dma_semaphore, #tpu.memory_space<semaphore_mem>>)
      tpu.wait_dma2 semaphore(%run_scoped3A_87 : memref<!tpu.dma_semaphore, #tpu.memory_space<semaphore_mem>>) src(%arg6 : memref<640x32xf32, #tpu.memory_space<hbm>>) dst(%arg11 : memref<640x32xf32, #tpu.memory_space<vmem>>)
      tpu.yield
    }) : () -> ()
    %mul3A = arith.constant 640 : i32
    %mul3A_0 = arith.muli %arg1, %mul3A : i32
    "tpu.region"() ({
      %run_scoped3A_87 = tpu.sem_alloc : memref<!tpu.dma_semaphore, #tpu.memory_space<semaphore_mem>>
      %dma_start3A_88 = arith.constant 0 : i32
      %dma_start3A_89 = tpu.memref_slice %arg12[%mul3A_0, %dma_start3A_88] : memref<10240x32xf32, #tpu.memory_space<vmem_shared>> -> memref<640x32xf32, #tpu.memory_space<vmem_shared>>
      %dma_start3A_90 = arith.constant 0 : i32
      %dma_start3A_91 = tpu.memref_slice %arg12[%mul3A_0, %dma_start3A_90] : memref<10240x32xf32, #tpu.memory_space<vmem_shared>> -> memref<640x32xf32, #tpu.memory_space<vmem_shared>>
      tpu.enqueue_dma source(%arg11 : memref<640x32xf32, #tpu.memory_space<vmem>>) target(%dma_start3A_91 : memref<640x32xf32, #tpu.memory_space<vmem_shared>>) target_semaphore(%run_scoped3A_87 : memref<!tpu.dma_semaphore, #tpu.memory_space<semaphore_mem>>)
      %dma_wait3A = arith.constant 0 : i32
      %dma_wait3A_92 = tpu.memref_slice %arg12[%mul3A_0, %dma_wait3A] : memref<10240x32xf32, #tpu.memory_space<vmem_shared>> -> memref<640x32xf32, #tpu.memory_space<vmem_shared>>
      %dma_wait3A_93 = arith.constant 0 : i32
      %dma_wait3A_94 = tpu.memref_slice %arg12[%mul3A_0, %dma_wait3A_93] : memref<10240x32xf32, #tpu.memory_space<vmem_shared>> -> memref<640x32xf32, #tpu.memory_space<vmem_shared>>
      tpu.wait_dma2 semaphore(%run_scoped3A_87 : memref<!tpu.dma_semaphore, #tpu.memory_space<semaphore_mem>>) src(%arg11 : memref<640x32xf32, #tpu.memory_space<vmem>>) dst(%dma_wait3A_94 : memref<640x32xf32, #tpu.memory_space<vmem_shared>>)
      tpu.yield
    }) : () -> ()
    %dma_start3A = arith.constant 0 : i32
    %dma_start3A_1 = arith.constant 0 : i32
    %dma_start3A_2 = arith.constant 0 : i32
    %dma_start3A_3 = arith.constant 0 : i32
    %dma_start3A_4 = tpu.memref_slice %arg10[%dma_start3A_1, %dma_start3A_2, %dma_start3A_3] : memref<4x128x32xf32, #tpu.memory_space<vmem>> -> memref<1x128x32xf32, #tpu.memory_space<vmem>>
    %dma_start3A_5 = tpu.memref_squeeze %dma_start3A_4 : memref<1x128x32xf32, #tpu.memory_space<vmem>> -> memref<128x32xf32, #tpu.memory_space<vmem>>
    %dma_start3A_6 = arith.constant 0 : i32
    %dma_start3A_7 = tpu.memref_slice %arg8[%dma_start3A, %dma_start3A_6] : memref<80x128xi32, #tpu.memory_space<vmem>> -> memref<1x128xi32, #tpu.memory_space<vmem>>
    %dma_start3A_8 = tpu.memref_squeeze %dma_start3A_7 : memref<1x128xi32, #tpu.memory_space<vmem>> -> memref<128xi32, #tpu.memory_space<vmem>>
    %dma_start3A_9 = arith.constant 0 : i32
    %dma_start3A_10 = arith.constant 0 : i32
    %dma_start3A_11 = tpu.memref_slice %arg2[%dma_start3A_9, %dma_start3A_10] : memref<10240x32xf32, #tpu.memory_space<hbm>> -> memref<10240x32xf32, #tpu.memory_space<hbm>>
    tpu.enqueue_indirect_dma source(%dma_start3A_11 : memref<10240x32xf32, #tpu.memory_space<hbm>>) target(%dma_start3A_5 : memref<128x32xf32, #tpu.memory_space<vmem>>) offsets(%dma_start3A_8 : memref<128xi32, #tpu.memory_space<vmem>>) semaphore(%arg13 : memref<!tpu.dma_semaphore, #tpu.memory_space<semaphore_mem>>)
    %dma_start3A_12 = arith.constant 1 : i32
    %dma_start3A_13 = arith.constant 1 : i32
    %dma_start3A_14 = arith.constant 0 : i32
    %dma_start3A_15 = arith.constant 0 : i32
    %dma_start3A_16 = tpu.memref_slice %arg10[%dma_start3A_13, %dma_start3A_14, %dma_start3A_15] : memref<4x128x32xf32, #tpu.memory_space<vmem>> -> memref<1x128x32xf32, #tpu.memory_space<vmem>>
    %dma_start3A_17 = tpu.memref_squeeze %dma_start3A_16 : memref<1x128x32xf32, #tpu.memory_space<vmem>> -> memref<128x32xf32, #tpu.memory_space<vmem>>
    %dma_start3A_18 = arith.constant 0 : i32
    %dma_start3A_19 = tpu.memref_slice %arg8[%dma_start3A_12, %dma_start3A_18] : memref<80x128xi32, #tpu.memory_space<vmem>> -> memref<1x128xi32, #tpu.memory_space<vmem>>
    %dma_start3A_20 = tpu.memref_squeeze %dma_start3A_19 : memref<1x128xi32, #tpu.memory_space<vmem>> -> memref<128xi32, #tpu.memory_space<vmem>>
    %dma_start3A_21 = arith.constant 0 : i32
    %dma_start3A_22 = arith.constant 0 : i32
    %dma_start3A_23 = tpu.memref_slice %arg2[%dma_start3A_21, %dma_start3A_22] : memref<10240x32xf32, #tpu.memory_space<hbm>> -> memref<10240x32xf32, #tpu.memory_space<hbm>>
    tpu.enqueue_indirect_dma source(%dma_start3A_23 : memref<10240x32xf32, #tpu.memory_space<hbm>>) target(%dma_start3A_17 : memref<128x32xf32, #tpu.memory_space<vmem>>) offsets(%dma_start3A_20 : memref<128xi32, #tpu.memory_space<vmem>>) semaphore(%arg13 : memref<!tpu.dma_semaphore, #tpu.memory_space<semaphore_mem>>)
    %dma_start3A_24 = arith.constant 2 : i32
    %dma_start3A_25 = arith.constant 2 : i32
    %dma_start3A_26 = arith.constant 0 : i32
    %dma_start3A_27 = arith.constant 0 : i32
    %dma_start3A_28 = tpu.memref_slice %arg10[%dma_start3A_25, %dma_start3A_26, %dma_start3A_27] : memref<4x128x32xf32, #tpu.memory_space<vmem>> -> memref<1x128x32xf32, #tpu.memory_space<vmem>>
    %dma_start3A_29 = tpu.memref_squeeze %dma_start3A_28 : memref<1x128x32xf32, #tpu.memory_space<vmem>> -> memref<128x32xf32, #tpu.memory_space<vmem>>
    %dma_start3A_30 = arith.constant 0 : i32
    %dma_start3A_31 = tpu.memref_slice %arg8[%dma_start3A_24, %dma_start3A_30] : memref<80x128xi32, #tpu.memory_space<vmem>> -> memref<1x128xi32, #tpu.memory_space<vmem>>
    %dma_start3A_32 = tpu.memref_squeeze %dma_start3A_31 : memref<1x128xi32, #tpu.memory_space<vmem>> -> memref<128xi32, #tpu.memory_space<vmem>>
    %dma_start3A_33 = arith.constant 0 : i32
    %dma_start3A_34 = arith.constant 0 : i32
    %dma_start3A_35 = tpu.memref_slice %arg2[%dma_start3A_33, %dma_start3A_34] : memref<10240x32xf32, #tpu.memory_space<hbm>> -> memref<10240x32xf32, #tpu.memory_space<hbm>>
    tpu.enqueue_indirect_dma source(%dma_start3A_35 : memref<10240x32xf32, #tpu.memory_space<hbm>>) target(%dma_start3A_29 : memref<128x32xf32, #tpu.memory_space<vmem>>) offsets(%dma_start3A_32 : memref<128xi32, #tpu.memory_space<vmem>>) semaphore(%arg13 : memref<!tpu.dma_semaphore, #tpu.memory_space<semaphore_mem>>)
    %barrier3A = arith.constant 0 : index
    tpu.barrier barrier_id(%barrier3A)
    %scan3A = arith.constant 0 : i32
    %scan3A_36 = arith.constant 0 : i32
    %scan3A_37 = arith.constant 80 : i32
    %scan3A_38 = arith.addi %scan3A_36, %scan3A_37 : i32
    %scan3A_39 = arith.constant 1 : i32
    scf.for %scan3A_87 = %scan3A_36 to %scan3A_38 step %scan3A_39  : i32 {
      %rem3A = arith.constant 4 : i32
      %rem3A_88 = arith.remsi %scan3A_87, %rem3A : i32
      %add3A = arith.constant 4 : i32
      %add3A_89 = arith.addi %scan3A_87, %add3A : i32
      %sub3A = arith.constant 1 : i32
      %sub3A_90 = arith.subi %add3A_89, %sub3A : i32
      %rem3A_91 = arith.constant 4 : i32
      %rem3A_92 = arith.remsi %sub3A_90, %rem3A_91 : i32
      %add3A_93 = arith.constant 4 : i32
      %add3A_94 = arith.addi %scan3A_87, %add3A_93 : i32
      %sub3A_95 = arith.constant 1 : i32
      %sub3A_96 = arith.subi %add3A_94, %sub3A_95 : i32
      %lt3A = arith.constant 80 : i32
      %lt3A_97 = arith.cmpi slt, %sub3A_96, %lt3A : i32
      %convert_element_type3A = arith.extui %lt3A_97 : i1 to i32
      %cond3A = arith.constant 0 : i32
      %cond3A_98 = arith.cmpi ne, %convert_element_type3A, %cond3A : i32
      scf.if %cond3A_98 {
        %add3A_108 = arith.constant 4 : i32
        %add3A_109 = arith.addi %scan3A_87, %add3A_108 : i32
        %sub3A_110 = arith.constant 1 : i32
        %sub3A_111 = arith.subi %add3A_109, %sub3A_110 : i32
        %dma_start3A_112 = arith.constant 0 : i32
        %dma_start3A_113 = arith.constant 0 : i32
        %dma_start3A_114 = tpu.memref_slice %arg10[%rem3A_92, %dma_start3A_112, %dma_start3A_113] : memref<4x128x32xf32, #tpu.memory_space<vmem>> -> memref<1x128x32xf32, #tpu.memory_space<vmem>>
        %dma_start3A_115 = tpu.memref_squeeze %dma_start3A_114 : memref<1x128x32xf32, #tpu.memory_space<vmem>> -> memref<128x32xf32, #tpu.memory_space<vmem>>
        %dma_start3A_116 = arith.constant 0 : i32
        %dma_start3A_117 = tpu.memref_slice %arg8[%sub3A_111, %dma_start3A_116] : memref<80x128xi32, #tpu.memory_space<vmem>> -> memref<1x128xi32, #tpu.memory_space<vmem>>
        %dma_start3A_118 = tpu.memref_squeeze %dma_start3A_117 : memref<1x128xi32, #tpu.memory_space<vmem>> -> memref<128xi32, #tpu.memory_space<vmem>>
        %dma_start3A_119 = arith.constant 0 : i32
        %dma_start3A_120 = arith.constant 0 : i32
        %dma_start3A_121 = tpu.memref_slice %arg2[%dma_start3A_119, %dma_start3A_120] : memref<10240x32xf32, #tpu.memory_space<hbm>> -> memref<10240x32xf32, #tpu.memory_space<hbm>>
        tpu.enqueue_indirect_dma source(%dma_start3A_121 : memref<10240x32xf32, #tpu.memory_space<hbm>>) target(%dma_start3A_115 : memref<128x32xf32, #tpu.memory_space<vmem>>) offsets(%dma_start3A_118 : memref<128xi32, #tpu.memory_space<vmem>>) semaphore(%arg13 : memref<!tpu.dma_semaphore, #tpu.memory_space<semaphore_mem>>)
      } else {
      }
      %dma_wait3A = arith.constant 0 : i32
      %dma_wait3A_99 = arith.constant 0 : i32
      %dma_wait3A_100 = tpu.memref_slice %arg10[%rem3A_88, %dma_wait3A, %dma_wait3A_99] : memref<4x128x32xf32, #tpu.memory_space<vmem>> -> memref<1x128x32xf32, #tpu.memory_space<vmem>>
      %dma_wait3A_101 = tpu.memref_squeeze %dma_wait3A_100 : memref<1x128x32xf32, #tpu.memory_space<vmem>> -> memref<128x32xf32, #tpu.memory_space<vmem>>
      %dma_wait3A_102 = arith.constant 0 : i32
      %dma_wait3A_103 = tpu.memref_slice %arg8[%scan3A_87, %dma_wait3A_102] : memref<80x128xi32, #tpu.memory_space<vmem>> -> memref<1x128xi32, #tpu.memory_space<vmem>>
      %dma_wait3A_104 = tpu.memref_squeeze %dma_wait3A_103 : memref<1x128xi32, #tpu.memory_space<vmem>> -> memref<128xi32, #tpu.memory_space<vmem>>
      %dma_wait3A_105 = arith.constant 0 : i32
      %dma_wait3A_106 = arith.constant 0 : i32
      %dma_wait3A_107 = tpu.memref_slice %arg2[%dma_wait3A_105, %dma_wait3A_106] : memref<10240x32xf32, #tpu.memory_space<hbm>> -> memref<10240x32xf32, #tpu.memory_space<hbm>>
      tpu.wait_indirect_dma semaphore(%arg13 : memref<!tpu.dma_semaphore, #tpu.memory_space<semaphore_mem>>) src(%dma_wait3A_107 : memref<10240x32xf32, #tpu.memory_space<hbm>>) dst(%dma_wait3A_101 : memref<128x32xf32, #tpu.memory_space<vmem>>)
      "tpu.region"() ({
        %run_scoped3A_108 = tpu.sem_alloc : memref<!tpu.dma_semaphore, #tpu.memory_space<semaphore_mem>>
        %dma_start3A_109 = arith.constant 0 : i32
        %dma_start3A_110 = arith.constant 0 : i32
        %dma_start3A_111 = tpu.memref_slice %arg10[%rem3A_88, %dma_start3A_109, %dma_start3A_110] : memref<4x128x32xf32, #tpu.memory_space<vmem>> -> memref<1x128x32xf32, #tpu.memory_space<vmem>>
        %dma_start3A_112 = tpu.memref_squeeze %dma_start3A_111 : memref<1x128x32xf32, #tpu.memory_space<vmem>> -> memref<128x32xf32, #tpu.memory_space<vmem>>
        %dma_start3A_113 = arith.constant 0 : i32
        %dma_start3A_114 = tpu.memref_slice %arg9[%scan3A_87, %dma_start3A_113] : memref<80x128xi32, #tpu.memory_space<vmem>> -> memref<1x128xi32, #tpu.memory_space<vmem>>
        %dma_start3A_115 = tpu.memref_squeeze %dma_start3A_114 : memref<1x128xi32, #tpu.memory_space<vmem>> -> memref<128xi32, #tpu.memory_space<vmem>>
        %dma_start3A_116 = arith.constant 0 : i32
        %dma_start3A_117 = arith.constant 0 : i32
        %dma_start3A_118 = tpu.memref_slice %arg12[%dma_start3A_116, %dma_start3A_117] : memref<10240x32xf32, #tpu.memory_space<vmem_shared>> -> memref<10240x32xf32, #tpu.memory_space<vmem_shared>>
        tpu.enqueue_indirect_dma source(%dma_start3A_112 : memref<128x32xf32, #tpu.memory_space<vmem>>) target(%dma_start3A_118 : memref<10240x32xf32, #tpu.memory_space<vmem_shared>>) offsets(%dma_start3A_115 : memref<128xi32, #tpu.memory_space<vmem>>) semaphore(%run_scoped3A_108 : memref<!tpu.dma_semaphore, #tpu.memory_space<semaphore_mem>>) {add = true}
        %dma_wait3A_119 = arith.constant 0 : i32
        %dma_wait3A_120 = arith.constant 0 : i32
        %dma_wait3A_121 = tpu.memref_slice %arg10[%rem3A_88, %dma_wait3A_119, %dma_wait3A_120] : memref<4x128x32xf32, #tpu.memory_space<vmem>> -> memref<1x128x32xf32, #tpu.memory_space<vmem>>
        %dma_wait3A_122 = tpu.memref_squeeze %dma_wait3A_121 : memref<1x128x32xf32, #tpu.memory_space<vmem>> -> memref<128x32xf32, #tpu.memory_space<vmem>>
        %dma_wait3A_123 = arith.constant 0 : i32
        %dma_wait3A_124 = tpu.memref_slice %arg9[%scan3A_87, %dma_wait3A_123] : memref<80x128xi32, #tpu.memory_space<vmem>> -> memref<1x128xi32, #tpu.memory_space<vmem>>
        %dma_wait3A_125 = tpu.memref_squeeze %dma_wait3A_124 : memref<1x128xi32, #tpu.memory_space<vmem>> -> memref<128xi32, #tpu.memory_space<vmem>>
        %dma_wait3A_126 = arith.constant 0 : i32
        %dma_wait3A_127 = arith.constant 0 : i32
        %dma_wait3A_128 = tpu.memref_slice %arg12[%dma_wait3A_126, %dma_wait3A_127] : memref<10240x32xf32, #tpu.memory_space<vmem_shared>> -> memref<10240x32xf32, #tpu.memory_space<vmem_shared>>
        tpu.wait_indirect_dma semaphore(%run_scoped3A_108 : memref<!tpu.dma_semaphore, #tpu.memory_space<semaphore_mem>>) src(%dma_wait3A_122 : memref<128x32xf32, #tpu.memory_space<vmem>>) dst(%dma_wait3A_128 : memref<10240x32xf32, #tpu.memory_space<vmem_shared>>)
        tpu.yield
      }) : () -> ()
    }
    %scan3A_40 = arith.constant 80 : i32
    %dma_start3A_41 = arith.constant 0 : i32
    %dma_start3A_42 = arith.constant 0 : i32
    %dma_start3A_43 = arith.constant 0 : i32
    %dma_start3A_44 = arith.constant 0 : i32
    %dma_start3A_45 = tpu.memref_slice %arg10[%dma_start3A_42, %dma_start3A_43, %dma_start3A_44] : memref<4x128x32xf32, #tpu.memory_space<vmem>> -> memref<1x128x32xf32, #tpu.memory_space<vmem>>
    %dma_start3A_46 = tpu.memref_squeeze %dma_start3A_45 : memref<1x128x32xf32, #tpu.memory_space<vmem>> -> memref<128x32xf32, #tpu.memory_space<vmem>>
    %dma_start3A_47 = arith.constant 0 : i32
    %dma_start3A_48 = tpu.memref_slice %arg8[%dma_start3A_41, %dma_start3A_47] : memref<80x128xi32, #tpu.memory_space<vmem>> -> memref<1x128xi32, #tpu.memory_space<vmem>>
    %dma_start3A_49 = tpu.memref_squeeze %dma_start3A_48 : memref<1x128xi32, #tpu.memory_space<vmem>> -> memref<128xi32, #tpu.memory_space<vmem>>
    %dma_start3A_50 = arith.constant 0 : i32
    %dma_start3A_51 = arith.constant 0 : i32
    %dma_start3A_52 = tpu.memref_slice %arg3[%dma_start3A_50, %dma_start3A_51] : memref<10240x32xf32, #tpu.memory_space<hbm>> -> memref<10240x32xf32, #tpu.memory_space<hbm>>
    tpu.enqueue_indirect_dma source(%dma_start3A_52 : memref<10240x32xf32, #tpu.memory_space<hbm>>) target(%dma_start3A_46 : memref<128x32xf32, #tpu.memory_space<vmem>>) offsets(%dma_start3A_49 : memref<128xi32, #tpu.memory_space<vmem>>) semaphore(%arg13 : memref<!tpu.dma_semaphore, #tpu.memory_space<semaphore_mem>>)
    %dma_start3A_53 = arith.constant 1 : i32
    %dma_start3A_54 = arith.constant 1 : i32
    %dma_start3A_55 = arith.constant 0 : i32
    %dma_start3A_56 = arith.constant 0 : i32
    %dma_start3A_57 = tpu.memref_slice %arg10[%dma_start3A_54, %dma_start3A_55, %dma_start3A_56] : memref<4x128x32xf32, #tpu.memory_space<vmem>> -> memref<1x128x32xf32, #tpu.memory_space<vmem>>
    %dma_start3A_58 = tpu.memref_squeeze %dma_start3A_57 : memref<1x128x32xf32, #tpu.memory_space<vmem>> -> memref<128x32xf32, #tpu.memory_space<vmem>>
    %dma_start3A_59 = arith.constant 0 : i32
    %dma_start3A_60 = tpu.memref_slice %arg8[%dma_start3A_53, %dma_start3A_59] : memref<80x128xi32, #tpu.memory_space<vmem>> -> memref<1x128xi32, #tpu.memory_space<vmem>>
    %dma_start3A_61 = tpu.memref_squeeze %dma_start3A_60 : memref<1x128xi32, #tpu.memory_space<vmem>> -> memref<128xi32, #tpu.memory_space<vmem>>
    %dma_start3A_62 = arith.constant 0 : i32
    %dma_start3A_63 = arith.constant 0 : i32
    %dma_start3A_64 = tpu.memref_slice %arg3[%dma_start3A_62, %dma_start3A_63] : memref<10240x32xf32, #tpu.memory_space<hbm>> -> memref<10240x32xf32, #tpu.memory_space<hbm>>
    tpu.enqueue_indirect_dma source(%dma_start3A_64 : memref<10240x32xf32, #tpu.memory_space<hbm>>) target(%dma_start3A_58 : memref<128x32xf32, #tpu.memory_space<vmem>>) offsets(%dma_start3A_61 : memref<128xi32, #tpu.memory_space<vmem>>) semaphore(%arg13 : memref<!tpu.dma_semaphore, #tpu.memory_space<semaphore_mem>>)
    %dma_start3A_65 = arith.constant 2 : i32
    %dma_start3A_66 = arith.constant 2 : i32
    %dma_start3A_67 = arith.constant 0 : i32
    %dma_start3A_68 = arith.constant 0 : i32
    %dma_start3A_69 = tpu.memref_slice %arg10[%dma_start3A_66, %dma_start3A_67, %dma_start3A_68] : memref<4x128x32xf32, #tpu.memory_space<vmem>> -> memref<1x128x32xf32, #tpu.memory_space<vmem>>
    %dma_start3A_70 = tpu.memref_squeeze %dma_start3A_69 : memref<1x128x32xf32, #tpu.memory_space<vmem>> -> memref<128x32xf32, #tpu.memory_space<vmem>>
    %dma_start3A_71 = arith.constant 0 : i32
    %dma_start3A_72 = tpu.memref_slice %arg8[%dma_start3A_65, %dma_start3A_71] : memref<80x128xi32, #tpu.memory_space<vmem>> -> memref<1x128xi32, #tpu.memory_space<vmem>>
    %dma_start3A_73 = tpu.memref_squeeze %dma_start3A_72 : memref<1x128xi32, #tpu.memory_space<vmem>> -> memref<128xi32, #tpu.memory_space<vmem>>
    %dma_start3A_74 = arith.constant 0 : i32
    %dma_start3A_75 = arith.constant 0 : i32
    %dma_start3A_76 = tpu.memref_slice %arg3[%dma_start3A_74, %dma_start3A_75] : memref<10240x32xf32, #tpu.memory_space<hbm>> -> memref<10240x32xf32, #tpu.memory_space<hbm>>
    tpu.enqueue_indirect_dma source(%dma_start3A_76 : memref<10240x32xf32, #tpu.memory_space<hbm>>) target(%dma_start3A_70 : memref<128x32xf32, #tpu.memory_space<vmem>>) offsets(%dma_start3A_73 : memref<128xi32, #tpu.memory_space<vmem>>) semaphore(%arg13 : memref<!tpu.dma_semaphore, #tpu.memory_space<semaphore_mem>>)
    %barrier3A_77 = arith.constant 0 : index
    tpu.barrier barrier_id(%barrier3A_77)
    %run_scoped3A = arith.constant 0 : i32
    "tpu.region"() ({
      %run_scoped3A_87 = tpu.sem_alloc : memref<!tpu.dma_semaphore, #tpu.memory_space<semaphore_mem>>
      %dma_start3A_88 = arith.constant 0 : i32
      %dma_start3A_89 = tpu.memref_slice %arg7[%arg0, %run_scoped3A, %mul3A_0, %dma_start3A_88] : memref<2x2x10240x32xf32, #tpu.memory_space<hbm>> -> memref<1x1x640x32xf32, #tpu.memory_space<hbm>>
      %dma_start3A_90 = tpu.memref_squeeze %dma_start3A_89 : memref<1x1x640x32xf32, #tpu.memory_space<hbm>> -> memref<640x32xf32, #tpu.memory_space<hbm>>
      %dma_start3A_91 = arith.constant 0 : i32
      %dma_start3A_92 = tpu.memref_slice %arg12[%mul3A_0, %dma_start3A_91] : memref<10240x32xf32, #tpu.memory_space<vmem_shared>> -> memref<640x32xf32, #tpu.memory_space<vmem_shared>>
      tpu.enqueue_dma source(%dma_start3A_92 : memref<640x32xf32, #tpu.memory_space<vmem_shared>>) target(%dma_start3A_90 : memref<640x32xf32, #tpu.memory_space<hbm>>) target_semaphore(%run_scoped3A_87 : memref<!tpu.dma_semaphore, #tpu.memory_space<semaphore_mem>>)
      %dma_wait3A = arith.constant 0 : i32
      %dma_wait3A_93 = tpu.memref_slice %arg7[%arg0, %run_scoped3A, %mul3A_0, %dma_wait3A] : memref<2x2x10240x32xf32, #tpu.memory_space<hbm>> -> memref<1x1x640x32xf32, #tpu.memory_space<hbm>>
      %dma_wait3A_94 = tpu.memref_squeeze %dma_wait3A_93 : memref<1x1x640x32xf32, #tpu.memory_space<hbm>> -> memref<640x32xf32, #tpu.memory_space<hbm>>
      %dma_wait3A_95 = arith.constant 0 : i32
      %dma_wait3A_96 = tpu.memref_slice %arg12[%mul3A_0, %dma_wait3A_95] : memref<10240x32xf32, #tpu.memory_space<vmem_shared>> -> memref<640x32xf32, #tpu.memory_space<vmem_shared>>
      tpu.wait_dma2 semaphore(%run_scoped3A_87 : memref<!tpu.dma_semaphore, #tpu.memory_space<semaphore_mem>>) src(%dma_wait3A_96 : memref<640x32xf32, #tpu.memory_space<vmem_shared>>) dst(%dma_wait3A_94 : memref<640x32xf32, #tpu.memory_space<hbm>>)
      tpu.yield
    }) : () -> ()
    "tpu.region"() ({
      %run_scoped3A_87 = tpu.sem_alloc : memref<!tpu.dma_semaphore, #tpu.memory_space<semaphore_mem>>
      %dma_start3A_88 = arith.constant 0 : i32
      %dma_start3A_89 = tpu.memref_slice %arg12[%mul3A_0, %dma_start3A_88] : memref<10240x32xf32, #tpu.memory_space<vmem_shared>> -> memref<640x32xf32, #tpu.memory_space<vmem_shared>>
      %dma_start3A_90 = arith.constant 0 : i32
      %dma_start3A_91 = tpu.memref_slice %arg12[%mul3A_0, %dma_start3A_90] : memref<10240x32xf32, #tpu.memory_space<vmem_shared>> -> memref<640x32xf32, #tpu.memory_space<vmem_shared>>
      tpu.enqueue_dma source(%arg11 : memref<640x32xf32, #tpu.memory_space<vmem>>) target(%dma_start3A_91 : memref<640x32xf32, #tpu.memory_space<vmem_shared>>) target_semaphore(%run_scoped3A_87 : memref<!tpu.dma_semaphore, #tpu.memory_space<semaphore_mem>>)
      %dma_wait3A = arith.constant 0 : i32
      %dma_wait3A_92 = tpu.memref_slice %arg12[%mul3A_0, %dma_wait3A] : memref<10240x32xf32, #tpu.memory_space<vmem_shared>> -> memref<640x32xf32, #tpu.memory_space<vmem_shared>>
      %dma_wait3A_93 = arith.constant 0 : i32
      %dma_wait3A_94 = tpu.memref_slice %arg12[%mul3A_0, %dma_wait3A_93] : memref<10240x32xf32, #tpu.memory_space<vmem_shared>> -> memref<640x32xf32, #tpu.memory_space<vmem_shared>>
      tpu.wait_dma2 semaphore(%run_scoped3A_87 : memref<!tpu.dma_semaphore, #tpu.memory_space<semaphore_mem>>) src(%arg11 : memref<640x32xf32, #tpu.memory_space<vmem>>) dst(%dma_wait3A_94 : memref<640x32xf32, #tpu.memory_space<vmem_shared>>)
      tpu.yield
    }) : () -> ()
    %barrier3A_78 = arith.constant 0 : index
    tpu.barrier barrier_id(%barrier3A_78)
    %scan3A_79 = arith.constant 0 : i32
    %scan3A_80 = arith.constant 0 : i32
    %scan3A_81 = arith.constant 80 : i32
    %scan3A_82 = arith.addi %scan3A_80, %scan3A_81 : i32
    %scan3A_83 = arith.constant 1 : i32
    scf.for %scan3A_87 = %scan3A_80 to %scan3A_82 step %scan3A_83  : i32 {
      %rem3A = arith.constant 4 : i32
      %rem3A_88 = arith.remsi %scan3A_87, %rem3A : i32
      %add3A = arith.constant 4 : i32
      %add3A_89 = arith.addi %scan3A_87, %add3A : i32
      %sub3A = arith.constant 1 : i32
      %sub3A_90 = arith.subi %add3A_89, %sub3A : i32
      %rem3A_91 = arith.constant 4 : i32
      %rem3A_92 = arith.remsi %sub3A_90, %rem3A_91 : i32
      %add3A_93 = arith.constant 4 : i32
      %add3A_94 = arith.addi %scan3A_87, %add3A_93 : i32
      %sub3A_95 = arith.constant 1 : i32
      %sub3A_96 = arith.subi %add3A_94, %sub3A_95 : i32
      %lt3A = arith.constant 80 : i32
      %lt3A_97 = arith.cmpi slt, %sub3A_96, %lt3A : i32
      %convert_element_type3A = arith.extui %lt3A_97 : i1 to i32
      %cond3A = arith.constant 0 : i32
      %cond3A_98 = arith.cmpi ne, %convert_element_type3A, %cond3A : i32
      scf.if %cond3A_98 {
        %add3A_108 = arith.constant 4 : i32
        %add3A_109 = arith.addi %scan3A_87, %add3A_108 : i32
        %sub3A_110 = arith.constant 1 : i32
        %sub3A_111 = arith.subi %add3A_109, %sub3A_110 : i32
        %dma_start3A_112 = arith.constant 0 : i32
        %dma_start3A_113 = arith.constant 0 : i32
        %dma_start3A_114 = tpu.memref_slice %arg10[%rem3A_92, %dma_start3A_112, %dma_start3A_113] : memref<4x128x32xf32, #tpu.memory_space<vmem>> -> memref<1x128x32xf32, #tpu.memory_space<vmem>>
        %dma_start3A_115 = tpu.memref_squeeze %dma_start3A_114 : memref<1x128x32xf32, #tpu.memory_space<vmem>> -> memref<128x32xf32, #tpu.memory_space<vmem>>
        %dma_start3A_116 = arith.constant 0 : i32
        %dma_start3A_117 = tpu.memref_slice %arg8[%sub3A_111, %dma_start3A_116] : memref<80x128xi32, #tpu.memory_space<vmem>> -> memref<1x128xi32, #tpu.memory_space<vmem>>
        %dma_start3A_118 = tpu.memref_squeeze %dma_start3A_117 : memref<1x128xi32, #tpu.memory_space<vmem>> -> memref<128xi32, #tpu.memory_space<vmem>>
        %dma_start3A_119 = arith.constant 0 : i32
        %dma_start3A_120 = arith.constant 0 : i32
        %dma_start3A_121 = tpu.memref_slice %arg3[%dma_start3A_119, %dma_start3A_120] : memref<10240x32xf32, #tpu.memory_space<hbm>> -> memref<10240x32xf32, #tpu.memory_space<hbm>>
        tpu.enqueue_indirect_dma source(%dma_start3A_121 : memref<10240x32xf32, #tpu.memory_space<hbm>>) target(%dma_start3A_115 : memref<128x32xf32, #tpu.memory_space<vmem>>) offsets(%dma_start3A_118 : memref<128xi32, #tpu.memory_space<vmem>>) semaphore(%arg13 : memref<!tpu.dma_semaphore, #tpu.memory_space<semaphore_mem>>)
      } else {
      }
      %dma_wait3A = arith.constant 0 : i32
      %dma_wait3A_99 = arith.constant 0 : i32
      %dma_wait3A_100 = tpu.memref_slice %arg10[%rem3A_88, %dma_wait3A, %dma_wait3A_99] : memref<4x128x32xf32, #tpu.memory_space<vmem>> -> memref<1x128x32xf32, #tpu.memory_space<vmem>>
      %dma_wait3A_101 = tpu.memref_squeeze %dma_wait3A_100 : memref<1x128x32xf32, #tpu.memory_space<vmem>> -> memref<128x32xf32, #tpu.memory_space<vmem>>
      %dma_wait3A_102 = arith.constant 0 : i32
      %dma_wait3A_103 = tpu.memref_slice %arg8[%scan3A_87, %dma_wait3A_102] : memref<80x128xi32, #tpu.memory_space<vmem>> -> memref<1x128xi32, #tpu.memory_space<vmem>>
      %dma_wait3A_104 = tpu.memref_squeeze %dma_wait3A_103 : memref<1x128xi32, #tpu.memory_space<vmem>> -> memref<128xi32, #tpu.memory_space<vmem>>
      %dma_wait3A_105 = arith.constant 0 : i32
      %dma_wait3A_106 = arith.constant 0 : i32
      %dma_wait3A_107 = tpu.memref_slice %arg3[%dma_wait3A_105, %dma_wait3A_106] : memref<10240x32xf32, #tpu.memory_space<hbm>> -> memref<10240x32xf32, #tpu.memory_space<hbm>>
      tpu.wait_indirect_dma semaphore(%arg13 : memref<!tpu.dma_semaphore, #tpu.memory_space<semaphore_mem>>) src(%dma_wait3A_107 : memref<10240x32xf32, #tpu.memory_space<hbm>>) dst(%dma_wait3A_101 : memref<128x32xf32, #tpu.memory_space<vmem>>)
      "tpu.region"() ({
        %run_scoped3A_108 = tpu.sem_alloc : memref<!tpu.dma_semaphore, #tpu.memory_space<semaphore_mem>>
        %dma_start3A_109 = arith.constant 0 : i32
        %dma_start3A_110 = arith.constant 0 : i32
        %dma_start3A_111 = tpu.memref_slice %arg10[%rem3A_88, %dma_start3A_109, %dma_start3A_110] : memref<4x128x32xf32, #tpu.memory_space<vmem>> -> memref<1x128x32xf32, #tpu.memory_space<vmem>>
        %dma_start3A_112 = tpu.memref_squeeze %dma_start3A_111 : memref<1x128x32xf32, #tpu.memory_space<vmem>> -> memref<128x32xf32, #tpu.memory_space<vmem>>
        %dma_start3A_113 = arith.constant 0 : i32
        %dma_start3A_114 = tpu.memref_slice %arg9[%scan3A_87, %dma_start3A_113] : memref<80x128xi32, #tpu.memory_space<vmem>> -> memref<1x128xi32, #tpu.memory_space<vmem>>
        %dma_start3A_115 = tpu.memref_squeeze %dma_start3A_114 : memref<1x128xi32, #tpu.memory_space<vmem>> -> memref<128xi32, #tpu.memory_space<vmem>>
        %dma_start3A_116 = arith.constant 0 : i32
        %dma_start3A_117 = arith.constant 0 : i32
        %dma_start3A_118 = tpu.memref_slice %arg12[%dma_start3A_116, %dma_start3A_117] : memref<10240x32xf32, #tpu.memory_space<vmem_shared>> -> memref<10240x32xf32, #tpu.memory_space<vmem_shared>>
        tpu.enqueue_indirect_dma source(%dma_start3A_112 : memref<128x32xf32, #tpu.memory_space<vmem>>) target(%dma_start3A_118 : memref<10240x32xf32, #tpu.memory_space<vmem_shared>>) offsets(%dma_start3A_115 : memref<128xi32, #tpu.memory_space<vmem>>) semaphore(%run_scoped3A_108 : memref<!tpu.dma_semaphore, #tpu.memory_space<semaphore_mem>>) {add = true}
        %dma_wait3A_119 = arith.constant 0 : i32
        %dma_wait3A_120 = arith.constant 0 : i32
        %dma_wait3A_121 = tpu.memref_slice %arg10[%rem3A_88, %dma_wait3A_119, %dma_wait3A_120] : memref<4x128x32xf32, #tpu.memory_space<vmem>> -> memref<1x128x32xf32, #tpu.memory_space<vmem>>
        %dma_wait3A_122 = tpu.memref_squeeze %dma_wait3A_121 : memref<1x128x32xf32, #tpu.memory_space<vmem>> -> memref<128x32xf32, #tpu.memory_space<vmem>>
        %dma_wait3A_123 = arith.constant 0 : i32
        %dma_wait3A_124 = tpu.memref_slice %arg9[%scan3A_87, %dma_wait3A_123] : memref<80x128xi32, #tpu.memory_space<vmem>> -> memref<1x128xi32, #tpu.memory_space<vmem>>
        %dma_wait3A_125 = tpu.memref_squeeze %dma_wait3A_124 : memref<1x128xi32, #tpu.memory_space<vmem>> -> memref<128xi32, #tpu.memory_space<vmem>>
        %dma_wait3A_126 = arith.constant 0 : i32
        %dma_wait3A_127 = arith.constant 0 : i32
        %dma_wait3A_128 = tpu.memref_slice %arg12[%dma_wait3A_126, %dma_wait3A_127] : memref<10240x32xf32, #tpu.memory_space<vmem_shared>> -> memref<10240x32xf32, #tpu.memory_space<vmem_shared>>
        tpu.wait_indirect_dma semaphore(%run_scoped3A_108 : memref<!tpu.dma_semaphore, #tpu.memory_space<semaphore_mem>>) src(%dma_wait3A_122 : memref<128x32xf32, #tpu.memory_space<vmem>>) dst(%dma_wait3A_128 : memref<10240x32xf32, #tpu.memory_space<vmem_shared>>)
        tpu.yield
      }) : () -> ()
    }
    %scan3A_84 = arith.constant 80 : i32
    %barrier3A_85 = arith.constant 0 : index
    tpu.barrier barrier_id(%barrier3A_85)
    %run_scoped3A_86 = arith.constant 1 : i32
    "tpu.region"() ({
      %run_scoped3A_87 = tpu.sem_alloc : memref<!tpu.dma_semaphore, #tpu.memory_space<semaphore_mem>>
      %dma_start3A_88 = arith.constant 0 : i32
      %dma_start3A_89 = tpu.memref_slice %arg7[%arg0, %run_scoped3A_86, %mul3A_0, %dma_start3A_88] : memref<2x2x10240x32xf32, #tpu.memory_space<hbm>> -> memref<1x1x640x32xf32, #tpu.memory_space<hbm>>
      %dma_start3A_90 = tpu.memref_squeeze %dma_start3A_89 : memref<1x1x640x32xf32, #tpu.memory_space<hbm>> -> memref<640x32xf32, #tpu.memory_space<hbm>>
      %dma_start3A_91 = arith.constant 0 : i32
      %dma_start3A_92 = tpu.memref_slice %arg12[%mul3A_0, %dma_start3A_91] : memref<10240x32xf32, #tpu.memory_space<vmem_shared>> -> memref<640x32xf32, #tpu.memory_space<vmem_shared>>
      tpu.enqueue_dma source(%dma_start3A_92 : memref<640x32xf32, #tpu.memory_space<vmem_shared>>) target(%dma_start3A_90 : memref<640x32xf32, #tpu.memory_space<hbm>>) target_semaphore(%run_scoped3A_87 : memref<!tpu.dma_semaphore, #tpu.memory_space<semaphore_mem>>)
      %dma_wait3A = arith.constant 0 : i32
      %dma_wait3A_93 = tpu.memref_slice %arg7[%arg0, %run_scoped3A_86, %mul3A_0, %dma_wait3A] : memref<2x2x10240x32xf32, #tpu.memory_space<hbm>> -> memref<1x1x640x32xf32, #tpu.memory_space<hbm>>
      %dma_wait3A_94 = tpu.memref_squeeze %dma_wait3A_93 : memref<1x1x640x32xf32, #tpu.memory_space<hbm>> -> memref<640x32xf32, #tpu.memory_space<hbm>>
      %dma_wait3A_95 = arith.constant 0 : i32
      %dma_wait3A_96 = tpu.memref_slice %arg12[%mul3A_0, %dma_wait3A_95] : memref<10240x32xf32, #tpu.memory_space<vmem_shared>> -> memref<640x32xf32, #tpu.memory_space<vmem_shared>>
      tpu.wait_dma2 semaphore(%run_scoped3A_87 : memref<!tpu.dma_semaphore, #tpu.memory_space<semaphore_mem>>) src(%dma_wait3A_96 : memref<640x32xf32, #tpu.memory_space<vmem_shared>>) dst(%dma_wait3A_94 : memref<640x32xf32, #tpu.memory_space<hbm>>)
      tpu.yield
    }) : () -> ()
    return
  }
}

#map = affine_map<(d0, d1) -> (0, 0, 0, 0)>
#map1 = affine_map<(d0, d1) -> (0, 0)>
module attributes {stable_mosaic.version = 14 : i64} {
  func.func @_deg(%arg0: i32, %arg1: i32, %arg2: memref<2x16x80x128xi32, #tpu.memory_space<hbm>>, %arg3: memref<2x16x80x128xi32, #tpu.memory_space<hbm>>, %arg4: memref<128x16xf32, #tpu.memory_space<hbm>>, %arg5: memref<160x16xf32, #tpu.memory_space<hbm>>, %arg6: memref<2x2x10240x16xf32, #tpu.memory_space<hbm>>, %arg7: memref<80x128xi32, #tpu.memory_space<vmem>>, %arg8: memref<80x128xi32, #tpu.memory_space<vmem>>, %arg9: memref<128x16xf32, #tpu.memory_space<vmem>>, %arg10: memref<160x16xf32, #tpu.memory_space<vmem>>, %arg11: memref<10240x16xf32, #tpu.memory_space<vmem_shared>>, %arg12: memref<10240x16xf32, #tpu.memory_space<vmem_shared>>) attributes {dimension_semantics = [#tpu.dimension_semantics<core_parallel>, #tpu.dimension_semantics<subcore_parallel>], iteration_bounds = array<i64: 2, 16>, scalar_prefetch = 0 : i64, scratch_operands = 6 : i64, tpu.core_type = #tpu.core_type<sc_vector_subcore>, window_params = [{transform_indices = #map}, {transform_indices = #map}, {transform_indices = #map1}, {transform_indices = #map1}, {transform_indices = #map}]} {
    "tpu.region"() ({
      %run_scoped3A_61 = tpu.sem_alloc : memref<!tpu.dma_semaphore, #tpu.memory_space<semaphore_mem>>
      %dma_start3A = arith.constant 0 : i32
      %dma_start3A_62 = arith.constant 0 : i32
      %dma_start3A_63 = tpu.memref_slice %arg2[%arg0, %arg1, %dma_start3A, %dma_start3A_62] : memref<2x16x80x128xi32, #tpu.memory_space<hbm>> -> memref<1x1x80x128xi32, #tpu.memory_space<hbm>>
      %dma_start3A_64 = tpu.memref_squeeze %dma_start3A_63 : memref<1x1x80x128xi32, #tpu.memory_space<hbm>> -> memref<80x128xi32, #tpu.memory_space<hbm>>
      %dma_start3A_65 = arith.constant 0 : i32
      %dma_start3A_66 = arith.constant 0 : i32
      %dma_start3A_67 = tpu.memref_slice %arg2[%arg0, %arg1, %dma_start3A_65, %dma_start3A_66] : memref<2x16x80x128xi32, #tpu.memory_space<hbm>> -> memref<1x1x80x128xi32, #tpu.memory_space<hbm>>
      %dma_start3A_68 = tpu.memref_squeeze %dma_start3A_67 : memref<1x1x80x128xi32, #tpu.memory_space<hbm>> -> memref<80x128xi32, #tpu.memory_space<hbm>>
      tpu.enqueue_dma source(%dma_start3A_68 : memref<80x128xi32, #tpu.memory_space<hbm>>) target(%arg7 : memref<80x128xi32, #tpu.memory_space<vmem>>) target_semaphore(%run_scoped3A_61 : memref<!tpu.dma_semaphore, #tpu.memory_space<semaphore_mem>>)
      %dma_wait3A = arith.constant 0 : i32
      %dma_wait3A_69 = arith.constant 0 : i32
      %dma_wait3A_70 = tpu.memref_slice %arg2[%arg0, %arg1, %dma_wait3A, %dma_wait3A_69] : memref<2x16x80x128xi32, #tpu.memory_space<hbm>> -> memref<1x1x80x128xi32, #tpu.memory_space<hbm>>
      %dma_wait3A_71 = tpu.memref_squeeze %dma_wait3A_70 : memref<1x1x80x128xi32, #tpu.memory_space<hbm>> -> memref<80x128xi32, #tpu.memory_space<hbm>>
      %dma_wait3A_72 = arith.constant 0 : i32
      %dma_wait3A_73 = arith.constant 0 : i32
      %dma_wait3A_74 = tpu.memref_slice %arg2[%arg0, %arg1, %dma_wait3A_72, %dma_wait3A_73] : memref<2x16x80x128xi32, #tpu.memory_space<hbm>> -> memref<1x1x80x128xi32, #tpu.memory_space<hbm>>
      %dma_wait3A_75 = tpu.memref_squeeze %dma_wait3A_74 : memref<1x1x80x128xi32, #tpu.memory_space<hbm>> -> memref<80x128xi32, #tpu.memory_space<hbm>>
      tpu.wait_dma2 semaphore(%run_scoped3A_61 : memref<!tpu.dma_semaphore, #tpu.memory_space<semaphore_mem>>) src(%dma_wait3A_75 : memref<80x128xi32, #tpu.memory_space<hbm>>) dst(%arg7 : memref<80x128xi32, #tpu.memory_space<vmem>>)
      tpu.yield
    }) : () -> ()
    "tpu.region"() ({
      %run_scoped3A_61 = tpu.sem_alloc : memref<!tpu.dma_semaphore, #tpu.memory_space<semaphore_mem>>
      %dma_start3A = arith.constant 0 : i32
      %dma_start3A_62 = arith.constant 0 : i32
      %dma_start3A_63 = tpu.memref_slice %arg3[%arg0, %arg1, %dma_start3A, %dma_start3A_62] : memref<2x16x80x128xi32, #tpu.memory_space<hbm>> -> memref<1x1x80x128xi32, #tpu.memory_space<hbm>>
      %dma_start3A_64 = tpu.memref_squeeze %dma_start3A_63 : memref<1x1x80x128xi32, #tpu.memory_space<hbm>> -> memref<80x128xi32, #tpu.memory_space<hbm>>
      %dma_start3A_65 = arith.constant 0 : i32
      %dma_start3A_66 = arith.constant 0 : i32
      %dma_start3A_67 = tpu.memref_slice %arg3[%arg0, %arg1, %dma_start3A_65, %dma_start3A_66] : memref<2x16x80x128xi32, #tpu.memory_space<hbm>> -> memref<1x1x80x128xi32, #tpu.memory_space<hbm>>
      %dma_start3A_68 = tpu.memref_squeeze %dma_start3A_67 : memref<1x1x80x128xi32, #tpu.memory_space<hbm>> -> memref<80x128xi32, #tpu.memory_space<hbm>>
      tpu.enqueue_dma source(%dma_start3A_68 : memref<80x128xi32, #tpu.memory_space<hbm>>) target(%arg8 : memref<80x128xi32, #tpu.memory_space<vmem>>) target_semaphore(%run_scoped3A_61 : memref<!tpu.dma_semaphore, #tpu.memory_space<semaphore_mem>>)
      %dma_wait3A = arith.constant 0 : i32
      %dma_wait3A_69 = arith.constant 0 : i32
      %dma_wait3A_70 = tpu.memref_slice %arg3[%arg0, %arg1, %dma_wait3A, %dma_wait3A_69] : memref<2x16x80x128xi32, #tpu.memory_space<hbm>> -> memref<1x1x80x128xi32, #tpu.memory_space<hbm>>
      %dma_wait3A_71 = tpu.memref_squeeze %dma_wait3A_70 : memref<1x1x80x128xi32, #tpu.memory_space<hbm>> -> memref<80x128xi32, #tpu.memory_space<hbm>>
      %dma_wait3A_72 = arith.constant 0 : i32
      %dma_wait3A_73 = arith.constant 0 : i32
      %dma_wait3A_74 = tpu.memref_slice %arg3[%arg0, %arg1, %dma_wait3A_72, %dma_wait3A_73] : memref<2x16x80x128xi32, #tpu.memory_space<hbm>> -> memref<1x1x80x128xi32, #tpu.memory_space<hbm>>
      %dma_wait3A_75 = tpu.memref_squeeze %dma_wait3A_74 : memref<1x1x80x128xi32, #tpu.memory_space<hbm>> -> memref<80x128xi32, #tpu.memory_space<hbm>>
      tpu.wait_dma2 semaphore(%run_scoped3A_61 : memref<!tpu.dma_semaphore, #tpu.memory_space<semaphore_mem>>) src(%dma_wait3A_75 : memref<80x128xi32, #tpu.memory_space<hbm>>) dst(%arg8 : memref<80x128xi32, #tpu.memory_space<vmem>>)
      tpu.yield
    }) : () -> ()
    "tpu.region"() ({
      %run_scoped3A_61 = tpu.sem_alloc : memref<!tpu.dma_semaphore, #tpu.memory_space<semaphore_mem>>
      tpu.enqueue_dma source(%arg4 : memref<128x16xf32, #tpu.memory_space<hbm>>) target(%arg9 : memref<128x16xf32, #tpu.memory_space<vmem>>) target_semaphore(%run_scoped3A_61 : memref<!tpu.dma_semaphore, #tpu.memory_space<semaphore_mem>>)
      tpu.wait_dma2 semaphore(%run_scoped3A_61 : memref<!tpu.dma_semaphore, #tpu.memory_space<semaphore_mem>>) src(%arg4 : memref<128x16xf32, #tpu.memory_space<hbm>>) dst(%arg9 : memref<128x16xf32, #tpu.memory_space<vmem>>)
      tpu.yield
    }) : () -> ()
    "tpu.region"() ({
      %run_scoped3A_61 = tpu.sem_alloc : memref<!tpu.dma_semaphore, #tpu.memory_space<semaphore_mem>>
      tpu.enqueue_dma source(%arg5 : memref<160x16xf32, #tpu.memory_space<hbm>>) target(%arg10 : memref<160x16xf32, #tpu.memory_space<vmem>>) target_semaphore(%run_scoped3A_61 : memref<!tpu.dma_semaphore, #tpu.memory_space<semaphore_mem>>)
      tpu.wait_dma2 semaphore(%run_scoped3A_61 : memref<!tpu.dma_semaphore, #tpu.memory_space<semaphore_mem>>) src(%arg5 : memref<160x16xf32, #tpu.memory_space<hbm>>) dst(%arg10 : memref<160x16xf32, #tpu.memory_space<vmem>>)
      tpu.yield
    }) : () -> ()
    %mul3A = arith.constant 640 : i32
    %mul3A_0 = arith.muli %arg1, %mul3A : i32
    %add3A = arith.constant 0 : i32
    %add3A_1 = arith.addi %mul3A_0, %add3A : i32
    "tpu.region"() ({
      %run_scoped3A_61 = tpu.sem_alloc : memref<!tpu.dma_semaphore, #tpu.memory_space<semaphore_mem>>
      %dma_start3A = arith.constant 0 : i32
      %dma_start3A_62 = tpu.memref_slice %arg11[%add3A_1, %dma_start3A] : memref<10240x16xf32, #tpu.memory_space<vmem_shared>> -> memref<160x16xf32, #tpu.memory_space<vmem_shared>>
      %dma_start3A_63 = arith.constant 0 : i32
      %dma_start3A_64 = tpu.memref_slice %arg11[%add3A_1, %dma_start3A_63] : memref<10240x16xf32, #tpu.memory_space<vmem_shared>> -> memref<160x16xf32, #tpu.memory_space<vmem_shared>>
      tpu.enqueue_dma source(%arg10 : memref<160x16xf32, #tpu.memory_space<vmem>>) target(%dma_start3A_64 : memref<160x16xf32, #tpu.memory_space<vmem_shared>>) target_semaphore(%run_scoped3A_61 : memref<!tpu.dma_semaphore, #tpu.memory_space<semaphore_mem>>)
      %dma_wait3A = arith.constant 0 : i32
      %dma_wait3A_65 = tpu.memref_slice %arg11[%add3A_1, %dma_wait3A] : memref<10240x16xf32, #tpu.memory_space<vmem_shared>> -> memref<160x16xf32, #tpu.memory_space<vmem_shared>>
      %dma_wait3A_66 = arith.constant 0 : i32
      %dma_wait3A_67 = tpu.memref_slice %arg11[%add3A_1, %dma_wait3A_66] : memref<10240x16xf32, #tpu.memory_space<vmem_shared>> -> memref<160x16xf32, #tpu.memory_space<vmem_shared>>
      tpu.wait_dma2 semaphore(%run_scoped3A_61 : memref<!tpu.dma_semaphore, #tpu.memory_space<semaphore_mem>>) src(%arg10 : memref<160x16xf32, #tpu.memory_space<vmem>>) dst(%dma_wait3A_67 : memref<160x16xf32, #tpu.memory_space<vmem_shared>>)
      tpu.yield
    }) : () -> ()
    %add3A_2 = arith.constant 0 : i32
    %add3A_3 = arith.addi %mul3A_0, %add3A_2 : i32
    "tpu.region"() ({
      %run_scoped3A_61 = tpu.sem_alloc : memref<!tpu.dma_semaphore, #tpu.memory_space<semaphore_mem>>
      %dma_start3A = arith.constant 0 : i32
      %dma_start3A_62 = tpu.memref_slice %arg12[%add3A_3, %dma_start3A] : memref<10240x16xf32, #tpu.memory_space<vmem_shared>> -> memref<160x16xf32, #tpu.memory_space<vmem_shared>>
      %dma_start3A_63 = arith.constant 0 : i32
      %dma_start3A_64 = tpu.memref_slice %arg12[%add3A_3, %dma_start3A_63] : memref<10240x16xf32, #tpu.memory_space<vmem_shared>> -> memref<160x16xf32, #tpu.memory_space<vmem_shared>>
      tpu.enqueue_dma source(%arg10 : memref<160x16xf32, #tpu.memory_space<vmem>>) target(%dma_start3A_64 : memref<160x16xf32, #tpu.memory_space<vmem_shared>>) target_semaphore(%run_scoped3A_61 : memref<!tpu.dma_semaphore, #tpu.memory_space<semaphore_mem>>)
      %dma_wait3A = arith.constant 0 : i32
      %dma_wait3A_65 = tpu.memref_slice %arg12[%add3A_3, %dma_wait3A] : memref<10240x16xf32, #tpu.memory_space<vmem_shared>> -> memref<160x16xf32, #tpu.memory_space<vmem_shared>>
      %dma_wait3A_66 = arith.constant 0 : i32
      %dma_wait3A_67 = tpu.memref_slice %arg12[%add3A_3, %dma_wait3A_66] : memref<10240x16xf32, #tpu.memory_space<vmem_shared>> -> memref<160x16xf32, #tpu.memory_space<vmem_shared>>
      tpu.wait_dma2 semaphore(%run_scoped3A_61 : memref<!tpu.dma_semaphore, #tpu.memory_space<semaphore_mem>>) src(%arg10 : memref<160x16xf32, #tpu.memory_space<vmem>>) dst(%dma_wait3A_67 : memref<160x16xf32, #tpu.memory_space<vmem_shared>>)
      tpu.yield
    }) : () -> ()
    %add3A_4 = arith.constant 160 : i32
    %add3A_5 = arith.addi %mul3A_0, %add3A_4 : i32
    "tpu.region"() ({
      %run_scoped3A_61 = tpu.sem_alloc : memref<!tpu.dma_semaphore, #tpu.memory_space<semaphore_mem>>
      %dma_start3A = arith.constant 0 : i32
      %dma_start3A_62 = tpu.memref_slice %arg11[%add3A_5, %dma_start3A] : memref<10240x16xf32, #tpu.memory_space<vmem_shared>> -> memref<160x16xf32, #tpu.memory_space<vmem_shared>>
      %dma_start3A_63 = arith.constant 0 : i32
      %dma_start3A_64 = tpu.memref_slice %arg11[%add3A_5, %dma_start3A_63] : memref<10240x16xf32, #tpu.memory_space<vmem_shared>> -> memref<160x16xf32, #tpu.memory_space<vmem_shared>>
      tpu.enqueue_dma source(%arg10 : memref<160x16xf32, #tpu.memory_space<vmem>>) target(%dma_start3A_64 : memref<160x16xf32, #tpu.memory_space<vmem_shared>>) target_semaphore(%run_scoped3A_61 : memref<!tpu.dma_semaphore, #tpu.memory_space<semaphore_mem>>)
      %dma_wait3A = arith.constant 0 : i32
      %dma_wait3A_65 = tpu.memref_slice %arg11[%add3A_5, %dma_wait3A] : memref<10240x16xf32, #tpu.memory_space<vmem_shared>> -> memref<160x16xf32, #tpu.memory_space<vmem_shared>>
      %dma_wait3A_66 = arith.constant 0 : i32
      %dma_wait3A_67 = tpu.memref_slice %arg11[%add3A_5, %dma_wait3A_66] : memref<10240x16xf32, #tpu.memory_space<vmem_shared>> -> memref<160x16xf32, #tpu.memory_space<vmem_shared>>
      tpu.wait_dma2 semaphore(%run_scoped3A_61 : memref<!tpu.dma_semaphore, #tpu.memory_space<semaphore_mem>>) src(%arg10 : memref<160x16xf32, #tpu.memory_space<vmem>>) dst(%dma_wait3A_67 : memref<160x16xf32, #tpu.memory_space<vmem_shared>>)
      tpu.yield
    }) : () -> ()
    %add3A_6 = arith.constant 160 : i32
    %add3A_7 = arith.addi %mul3A_0, %add3A_6 : i32
    "tpu.region"() ({
      %run_scoped3A_61 = tpu.sem_alloc : memref<!tpu.dma_semaphore, #tpu.memory_space<semaphore_mem>>
      %dma_start3A = arith.constant 0 : i32
      %dma_start3A_62 = tpu.memref_slice %arg12[%add3A_7, %dma_start3A] : memref<10240x16xf32, #tpu.memory_space<vmem_shared>> -> memref<160x16xf32, #tpu.memory_space<vmem_shared>>
      %dma_start3A_63 = arith.constant 0 : i32
      %dma_start3A_64 = tpu.memref_slice %arg12[%add3A_7, %dma_start3A_63] : memref<10240x16xf32, #tpu.memory_space<vmem_shared>> -> memref<160x16xf32, #tpu.memory_space<vmem_shared>>
      tpu.enqueue_dma source(%arg10 : memref<160x16xf32, #tpu.memory_space<vmem>>) target(%dma_start3A_64 : memref<160x16xf32, #tpu.memory_space<vmem_shared>>) target_semaphore(%run_scoped3A_61 : memref<!tpu.dma_semaphore, #tpu.memory_space<semaphore_mem>>)
      %dma_wait3A = arith.constant 0 : i32
      %dma_wait3A_65 = tpu.memref_slice %arg12[%add3A_7, %dma_wait3A] : memref<10240x16xf32, #tpu.memory_space<vmem_shared>> -> memref<160x16xf32, #tpu.memory_space<vmem_shared>>
      %dma_wait3A_66 = arith.constant 0 : i32
      %dma_wait3A_67 = tpu.memref_slice %arg12[%add3A_7, %dma_wait3A_66] : memref<10240x16xf32, #tpu.memory_space<vmem_shared>> -> memref<160x16xf32, #tpu.memory_space<vmem_shared>>
      tpu.wait_dma2 semaphore(%run_scoped3A_61 : memref<!tpu.dma_semaphore, #tpu.memory_space<semaphore_mem>>) src(%arg10 : memref<160x16xf32, #tpu.memory_space<vmem>>) dst(%dma_wait3A_67 : memref<160x16xf32, #tpu.memory_space<vmem_shared>>)
      tpu.yield
    }) : () -> ()
    %add3A_8 = arith.constant 320 : i32
    %add3A_9 = arith.addi %mul3A_0, %add3A_8 : i32
    "tpu.region"() ({
      %run_scoped3A_61 = tpu.sem_alloc : memref<!tpu.dma_semaphore, #tpu.memory_space<semaphore_mem>>
      %dma_start3A = arith.constant 0 : i32
      %dma_start3A_62 = tpu.memref_slice %arg11[%add3A_9, %dma_start3A] : memref<10240x16xf32, #tpu.memory_space<vmem_shared>> -> memref<160x16xf32, #tpu.memory_space<vmem_shared>>
      %dma_start3A_63 = arith.constant 0 : i32
      %dma_start3A_64 = tpu.memref_slice %arg11[%add3A_9, %dma_start3A_63] : memref<10240x16xf32, #tpu.memory_space<vmem_shared>> -> memref<160x16xf32, #tpu.memory_space<vmem_shared>>
      tpu.enqueue_dma source(%arg10 : memref<160x16xf32, #tpu.memory_space<vmem>>) target(%dma_start3A_64 : memref<160x16xf32, #tpu.memory_space<vmem_shared>>) target_semaphore(%run_scoped3A_61 : memref<!tpu.dma_semaphore, #tpu.memory_space<semaphore_mem>>)
      %dma_wait3A = arith.constant 0 : i32
      %dma_wait3A_65 = tpu.memref_slice %arg11[%add3A_9, %dma_wait3A] : memref<10240x16xf32, #tpu.memory_space<vmem_shared>> -> memref<160x16xf32, #tpu.memory_space<vmem_shared>>
      %dma_wait3A_66 = arith.constant 0 : i32
      %dma_wait3A_67 = tpu.memref_slice %arg11[%add3A_9, %dma_wait3A_66] : memref<10240x16xf32, #tpu.memory_space<vmem_shared>> -> memref<160x16xf32, #tpu.memory_space<vmem_shared>>
      tpu.wait_dma2 semaphore(%run_scoped3A_61 : memref<!tpu.dma_semaphore, #tpu.memory_space<semaphore_mem>>) src(%arg10 : memref<160x16xf32, #tpu.memory_space<vmem>>) dst(%dma_wait3A_67 : memref<160x16xf32, #tpu.memory_space<vmem_shared>>)
      tpu.yield
    }) : () -> ()
    %add3A_10 = arith.constant 320 : i32
    %add3A_11 = arith.addi %mul3A_0, %add3A_10 : i32
    "tpu.region"() ({
      %run_scoped3A_61 = tpu.sem_alloc : memref<!tpu.dma_semaphore, #tpu.memory_space<semaphore_mem>>
      %dma_start3A = arith.constant 0 : i32
      %dma_start3A_62 = tpu.memref_slice %arg12[%add3A_11, %dma_start3A] : memref<10240x16xf32, #tpu.memory_space<vmem_shared>> -> memref<160x16xf32, #tpu.memory_space<vmem_shared>>
      %dma_start3A_63 = arith.constant 0 : i32
      %dma_start3A_64 = tpu.memref_slice %arg12[%add3A_11, %dma_start3A_63] : memref<10240x16xf32, #tpu.memory_space<vmem_shared>> -> memref<160x16xf32, #tpu.memory_space<vmem_shared>>
      tpu.enqueue_dma source(%arg10 : memref<160x16xf32, #tpu.memory_space<vmem>>) target(%dma_start3A_64 : memref<160x16xf32, #tpu.memory_space<vmem_shared>>) target_semaphore(%run_scoped3A_61 : memref<!tpu.dma_semaphore, #tpu.memory_space<semaphore_mem>>)
      %dma_wait3A = arith.constant 0 : i32
      %dma_wait3A_65 = tpu.memref_slice %arg12[%add3A_11, %dma_wait3A] : memref<10240x16xf32, #tpu.memory_space<vmem_shared>> -> memref<160x16xf32, #tpu.memory_space<vmem_shared>>
      %dma_wait3A_66 = arith.constant 0 : i32
      %dma_wait3A_67 = tpu.memref_slice %arg12[%add3A_11, %dma_wait3A_66] : memref<10240x16xf32, #tpu.memory_space<vmem_shared>> -> memref<160x16xf32, #tpu.memory_space<vmem_shared>>
      tpu.wait_dma2 semaphore(%run_scoped3A_61 : memref<!tpu.dma_semaphore, #tpu.memory_space<semaphore_mem>>) src(%arg10 : memref<160x16xf32, #tpu.memory_space<vmem>>) dst(%dma_wait3A_67 : memref<160x16xf32, #tpu.memory_space<vmem_shared>>)
      tpu.yield
    }) : () -> ()
    %add3A_12 = arith.constant 480 : i32
    %add3A_13 = arith.addi %mul3A_0, %add3A_12 : i32
    "tpu.region"() ({
      %run_scoped3A_61 = tpu.sem_alloc : memref<!tpu.dma_semaphore, #tpu.memory_space<semaphore_mem>>
      %dma_start3A = arith.constant 0 : i32
      %dma_start3A_62 = tpu.memref_slice %arg11[%add3A_13, %dma_start3A] : memref<10240x16xf32, #tpu.memory_space<vmem_shared>> -> memref<160x16xf32, #tpu.memory_space<vmem_shared>>
      %dma_start3A_63 = arith.constant 0 : i32
      %dma_start3A_64 = tpu.memref_slice %arg11[%add3A_13, %dma_start3A_63] : memref<10240x16xf32, #tpu.memory_space<vmem_shared>> -> memref<160x16xf32, #tpu.memory_space<vmem_shared>>
      tpu.enqueue_dma source(%arg10 : memref<160x16xf32, #tpu.memory_space<vmem>>) target(%dma_start3A_64 : memref<160x16xf32, #tpu.memory_space<vmem_shared>>) target_semaphore(%run_scoped3A_61 : memref<!tpu.dma_semaphore, #tpu.memory_space<semaphore_mem>>)
      %dma_wait3A = arith.constant 0 : i32
      %dma_wait3A_65 = tpu.memref_slice %arg11[%add3A_13, %dma_wait3A] : memref<10240x16xf32, #tpu.memory_space<vmem_shared>> -> memref<160x16xf32, #tpu.memory_space<vmem_shared>>
      %dma_wait3A_66 = arith.constant 0 : i32
      %dma_wait3A_67 = tpu.memref_slice %arg11[%add3A_13, %dma_wait3A_66] : memref<10240x16xf32, #tpu.memory_space<vmem_shared>> -> memref<160x16xf32, #tpu.memory_space<vmem_shared>>
      tpu.wait_dma2 semaphore(%run_scoped3A_61 : memref<!tpu.dma_semaphore, #tpu.memory_space<semaphore_mem>>) src(%arg10 : memref<160x16xf32, #tpu.memory_space<vmem>>) dst(%dma_wait3A_67 : memref<160x16xf32, #tpu.memory_space<vmem_shared>>)
      tpu.yield
    }) : () -> ()
    %add3A_14 = arith.constant 480 : i32
    %add3A_15 = arith.addi %mul3A_0, %add3A_14 : i32
    "tpu.region"() ({
      %run_scoped3A_61 = tpu.sem_alloc : memref<!tpu.dma_semaphore, #tpu.memory_space<semaphore_mem>>
      %dma_start3A = arith.constant 0 : i32
      %dma_start3A_62 = tpu.memref_slice %arg12[%add3A_15, %dma_start3A] : memref<10240x16xf32, #tpu.memory_space<vmem_shared>> -> memref<160x16xf32, #tpu.memory_space<vmem_shared>>
      %dma_start3A_63 = arith.constant 0 : i32
      %dma_start3A_64 = tpu.memref_slice %arg12[%add3A_15, %dma_start3A_63] : memref<10240x16xf32, #tpu.memory_space<vmem_shared>> -> memref<160x16xf32, #tpu.memory_space<vmem_shared>>
      tpu.enqueue_dma source(%arg10 : memref<160x16xf32, #tpu.memory_space<vmem>>) target(%dma_start3A_64 : memref<160x16xf32, #tpu.memory_space<vmem_shared>>) target_semaphore(%run_scoped3A_61 : memref<!tpu.dma_semaphore, #tpu.memory_space<semaphore_mem>>)
      %dma_wait3A = arith.constant 0 : i32
      %dma_wait3A_65 = tpu.memref_slice %arg12[%add3A_15, %dma_wait3A] : memref<10240x16xf32, #tpu.memory_space<vmem_shared>> -> memref<160x16xf32, #tpu.memory_space<vmem_shared>>
      %dma_wait3A_66 = arith.constant 0 : i32
      %dma_wait3A_67 = tpu.memref_slice %arg12[%add3A_15, %dma_wait3A_66] : memref<10240x16xf32, #tpu.memory_space<vmem_shared>> -> memref<160x16xf32, #tpu.memory_space<vmem_shared>>
      tpu.wait_dma2 semaphore(%run_scoped3A_61 : memref<!tpu.dma_semaphore, #tpu.memory_space<semaphore_mem>>) src(%arg10 : memref<160x16xf32, #tpu.memory_space<vmem>>) dst(%dma_wait3A_67 : memref<160x16xf32, #tpu.memory_space<vmem_shared>>)
      tpu.yield
    }) : () -> ()
    %barrier3A = arith.constant 0 : index
    tpu.barrier barrier_id(%barrier3A)
    %scan3A = arith.constant 0 : i32
    %scan3A_16 = arith.constant 0 : i32
    %scan3A_17 = arith.constant 80 : i32
    %scan3A_18 = arith.addi %scan3A_16, %scan3A_17 : i32
    %scan3A_19 = arith.constant 1 : i32
    scf.for %scan3A_61 = %scan3A_16 to %scan3A_18 step %scan3A_19  : i32 {
      "tpu.region"() ({
        %run_scoped3A_62 = tpu.sem_alloc : memref<!tpu.dma_semaphore, #tpu.memory_space<semaphore_mem>>
        %dma_start3A = arith.constant 0 : i32
        %dma_start3A_63 = tpu.memref_slice %arg7[%scan3A_61, %dma_start3A] : memref<80x128xi32, #tpu.memory_space<vmem>> -> memref<1x128xi32, #tpu.memory_space<vmem>>
        %dma_start3A_64 = tpu.memref_squeeze %dma_start3A_63 : memref<1x128xi32, #tpu.memory_space<vmem>> -> memref<128xi32, #tpu.memory_space<vmem>>
        %dma_start3A_65 = arith.constant 0 : i32
        %dma_start3A_66 = arith.constant 0 : i32
        %dma_start3A_67 = tpu.memref_slice %arg11[%dma_start3A_65, %dma_start3A_66] : memref<10240x16xf32, #tpu.memory_space<vmem_shared>> -> memref<10240x16xf32, #tpu.memory_space<vmem_shared>>
        tpu.enqueue_indirect_dma source(%arg9 : memref<128x16xf32, #tpu.memory_space<vmem>>) target(%dma_start3A_67 : memref<10240x16xf32, #tpu.memory_space<vmem_shared>>) offsets(%dma_start3A_64 : memref<128xi32, #tpu.memory_space<vmem>>) semaphore(%run_scoped3A_62 : memref<!tpu.dma_semaphore, #tpu.memory_space<semaphore_mem>>) {add = true}
        %dma_wait3A = arith.constant 0 : i32
        %dma_wait3A_68 = tpu.memref_slice %arg7[%scan3A_61, %dma_wait3A] : memref<80x128xi32, #tpu.memory_space<vmem>> -> memref<1x128xi32, #tpu.memory_space<vmem>>
        %dma_wait3A_69 = tpu.memref_squeeze %dma_wait3A_68 : memref<1x128xi32, #tpu.memory_space<vmem>> -> memref<128xi32, #tpu.memory_space<vmem>>
        %dma_wait3A_70 = arith.constant 0 : i32
        %dma_wait3A_71 = arith.constant 0 : i32
        %dma_wait3A_72 = tpu.memref_slice %arg11[%dma_wait3A_70, %dma_wait3A_71] : memref<10240x16xf32, #tpu.memory_space<vmem_shared>> -> memref<10240x16xf32, #tpu.memory_space<vmem_shared>>
        tpu.wait_indirect_dma semaphore(%run_scoped3A_62 : memref<!tpu.dma_semaphore, #tpu.memory_space<semaphore_mem>>) src(%arg9 : memref<128x16xf32, #tpu.memory_space<vmem>>) dst(%dma_wait3A_72 : memref<10240x16xf32, #tpu.memory_space<vmem_shared>>)
        tpu.yield
      }) : () -> ()
      "tpu.region"() ({
        %run_scoped3A_62 = tpu.sem_alloc : memref<!tpu.dma_semaphore, #tpu.memory_space<semaphore_mem>>
        %dma_start3A = arith.constant 0 : i32
        %dma_start3A_63 = tpu.memref_slice %arg8[%scan3A_61, %dma_start3A] : memref<80x128xi32, #tpu.memory_space<vmem>> -> memref<1x128xi32, #tpu.memory_space<vmem>>
        %dma_start3A_64 = tpu.memref_squeeze %dma_start3A_63 : memref<1x128xi32, #tpu.memory_space<vmem>> -> memref<128xi32, #tpu.memory_space<vmem>>
        %dma_start3A_65 = arith.constant 0 : i32
        %dma_start3A_66 = arith.constant 0 : i32
        %dma_start3A_67 = tpu.memref_slice %arg12[%dma_start3A_65, %dma_start3A_66] : memref<10240x16xf32, #tpu.memory_space<vmem_shared>> -> memref<10240x16xf32, #tpu.memory_space<vmem_shared>>
        tpu.enqueue_indirect_dma source(%arg9 : memref<128x16xf32, #tpu.memory_space<vmem>>) target(%dma_start3A_67 : memref<10240x16xf32, #tpu.memory_space<vmem_shared>>) offsets(%dma_start3A_64 : memref<128xi32, #tpu.memory_space<vmem>>) semaphore(%run_scoped3A_62 : memref<!tpu.dma_semaphore, #tpu.memory_space<semaphore_mem>>) {add = true}
        %dma_wait3A = arith.constant 0 : i32
        %dma_wait3A_68 = tpu.memref_slice %arg8[%scan3A_61, %dma_wait3A] : memref<80x128xi32, #tpu.memory_space<vmem>> -> memref<1x128xi32, #tpu.memory_space<vmem>>
        %dma_wait3A_69 = tpu.memref_squeeze %dma_wait3A_68 : memref<1x128xi32, #tpu.memory_space<vmem>> -> memref<128xi32, #tpu.memory_space<vmem>>
        %dma_wait3A_70 = arith.constant 0 : i32
        %dma_wait3A_71 = arith.constant 0 : i32
        %dma_wait3A_72 = tpu.memref_slice %arg12[%dma_wait3A_70, %dma_wait3A_71] : memref<10240x16xf32, #tpu.memory_space<vmem_shared>> -> memref<10240x16xf32, #tpu.memory_space<vmem_shared>>
        tpu.wait_indirect_dma semaphore(%run_scoped3A_62 : memref<!tpu.dma_semaphore, #tpu.memory_space<semaphore_mem>>) src(%arg9 : memref<128x16xf32, #tpu.memory_space<vmem>>) dst(%dma_wait3A_72 : memref<10240x16xf32, #tpu.memory_space<vmem_shared>>)
        tpu.yield
      }) : () -> ()
    }
    %scan3A_20 = arith.constant 80 : i32
    %barrier3A_21 = arith.constant 0 : index
    tpu.barrier barrier_id(%barrier3A_21)
    %add3A_22 = arith.constant 0 : i32
    %add3A_23 = arith.addi %mul3A_0, %add3A_22 : i32
    "tpu.region"() ({
      %run_scoped3A_61 = tpu.sem_alloc : memref<!tpu.dma_semaphore, #tpu.memory_space<semaphore_mem>>
      %dma_start3A = arith.constant 0 : i32
      %dma_start3A_62 = tpu.memref_slice %arg11[%add3A_23, %dma_start3A] : memref<10240x16xf32, #tpu.memory_space<vmem_shared>> -> memref<160x16xf32, #tpu.memory_space<vmem_shared>>
      %dma_start3A_63 = arith.constant 0 : i32
      %dma_start3A_64 = tpu.memref_slice %arg11[%add3A_23, %dma_start3A_63] : memref<10240x16xf32, #tpu.memory_space<vmem_shared>> -> memref<160x16xf32, #tpu.memory_space<vmem_shared>>
      tpu.enqueue_dma source(%dma_start3A_64 : memref<160x16xf32, #tpu.memory_space<vmem_shared>>) target(%arg10 : memref<160x16xf32, #tpu.memory_space<vmem>>) target_semaphore(%run_scoped3A_61 : memref<!tpu.dma_semaphore, #tpu.memory_space<semaphore_mem>>)
      %dma_wait3A = arith.constant 0 : i32
      %dma_wait3A_65 = tpu.memref_slice %arg11[%add3A_23, %dma_wait3A] : memref<10240x16xf32, #tpu.memory_space<vmem_shared>> -> memref<160x16xf32, #tpu.memory_space<vmem_shared>>
      %dma_wait3A_66 = arith.constant 0 : i32
      %dma_wait3A_67 = tpu.memref_slice %arg11[%add3A_23, %dma_wait3A_66] : memref<10240x16xf32, #tpu.memory_space<vmem_shared>> -> memref<160x16xf32, #tpu.memory_space<vmem_shared>>
      tpu.wait_dma2 semaphore(%run_scoped3A_61 : memref<!tpu.dma_semaphore, #tpu.memory_space<semaphore_mem>>) src(%dma_wait3A_67 : memref<160x16xf32, #tpu.memory_space<vmem_shared>>) dst(%arg10 : memref<160x16xf32, #tpu.memory_space<vmem>>)
      tpu.yield
    }) : () -> ()
    %add3A_24 = arith.constant 0 : i32
    %add3A_25 = arith.addi %mul3A_0, %add3A_24 : i32
    %run_scoped3A = arith.constant 0 : i32
    "tpu.region"() ({
      %run_scoped3A_61 = tpu.sem_alloc : memref<!tpu.dma_semaphore, #tpu.memory_space<semaphore_mem>>
      %dma_start3A = arith.constant 0 : i32
      %dma_start3A_62 = tpu.memref_slice %arg6[%arg0, %run_scoped3A, %add3A_25, %dma_start3A] : memref<2x2x10240x16xf32, #tpu.memory_space<hbm>> -> memref<1x1x160x16xf32, #tpu.memory_space<hbm>>
      %dma_start3A_63 = tpu.memref_squeeze %dma_start3A_62 : memref<1x1x160x16xf32, #tpu.memory_space<hbm>> -> memref<160x16xf32, #tpu.memory_space<hbm>>
      %dma_start3A_64 = arith.constant 0 : i32
      %dma_start3A_65 = tpu.memref_slice %arg6[%arg0, %run_scoped3A, %add3A_25, %dma_start3A_64] : memref<2x2x10240x16xf32, #tpu.memory_space<hbm>> -> memref<1x1x160x16xf32, #tpu.memory_space<hbm>>
      %dma_start3A_66 = tpu.memref_squeeze %dma_start3A_65 : memref<1x1x160x16xf32, #tpu.memory_space<hbm>> -> memref<160x16xf32, #tpu.memory_space<hbm>>
      tpu.enqueue_dma source(%arg10 : memref<160x16xf32, #tpu.memory_space<vmem>>) target(%dma_start3A_66 : memref<160x16xf32, #tpu.memory_space<hbm>>) target_semaphore(%run_scoped3A_61 : memref<!tpu.dma_semaphore, #tpu.memory_space<semaphore_mem>>)
      %dma_wait3A = arith.constant 0 : i32
      %dma_wait3A_67 = tpu.memref_slice %arg6[%arg0, %run_scoped3A, %add3A_25, %dma_wait3A] : memref<2x2x10240x16xf32, #tpu.memory_space<hbm>> -> memref<1x1x160x16xf32, #tpu.memory_space<hbm>>
      %dma_wait3A_68 = tpu.memref_squeeze %dma_wait3A_67 : memref<1x1x160x16xf32, #tpu.memory_space<hbm>> -> memref<160x16xf32, #tpu.memory_space<hbm>>
      %dma_wait3A_69 = arith.constant 0 : i32
      %dma_wait3A_70 = tpu.memref_slice %arg6[%arg0, %run_scoped3A, %add3A_25, %dma_wait3A_69] : memref<2x2x10240x16xf32, #tpu.memory_space<hbm>> -> memref<1x1x160x16xf32, #tpu.memory_space<hbm>>
      %dma_wait3A_71 = tpu.memref_squeeze %dma_wait3A_70 : memref<1x1x160x16xf32, #tpu.memory_space<hbm>> -> memref<160x16xf32, #tpu.memory_space<hbm>>
      tpu.wait_dma2 semaphore(%run_scoped3A_61 : memref<!tpu.dma_semaphore, #tpu.memory_space<semaphore_mem>>) src(%arg10 : memref<160x16xf32, #tpu.memory_space<vmem>>) dst(%dma_wait3A_71 : memref<160x16xf32, #tpu.memory_space<hbm>>)
      tpu.yield
    }) : () -> ()
    %add3A_26 = arith.constant 0 : i32
    %add3A_27 = arith.addi %mul3A_0, %add3A_26 : i32
    "tpu.region"() ({
      %run_scoped3A_61 = tpu.sem_alloc : memref<!tpu.dma_semaphore, #tpu.memory_space<semaphore_mem>>
      %dma_start3A = arith.constant 0 : i32
      %dma_start3A_62 = tpu.memref_slice %arg12[%add3A_27, %dma_start3A] : memref<10240x16xf32, #tpu.memory_space<vmem_shared>> -> memref<160x16xf32, #tpu.memory_space<vmem_shared>>
      %dma_start3A_63 = arith.constant 0 : i32
      %dma_start3A_64 = tpu.memref_slice %arg12[%add3A_27, %dma_start3A_63] : memref<10240x16xf32, #tpu.memory_space<vmem_shared>> -> memref<160x16xf32, #tpu.memory_space<vmem_shared>>
      tpu.enqueue_dma source(%dma_start3A_64 : memref<160x16xf32, #tpu.memory_space<vmem_shared>>) target(%arg10 : memref<160x16xf32, #tpu.memory_space<vmem>>) target_semaphore(%run_scoped3A_61 : memref<!tpu.dma_semaphore, #tpu.memory_space<semaphore_mem>>)
      %dma_wait3A = arith.constant 0 : i32
      %dma_wait3A_65 = tpu.memref_slice %arg12[%add3A_27, %dma_wait3A] : memref<10240x16xf32, #tpu.memory_space<vmem_shared>> -> memref<160x16xf32, #tpu.memory_space<vmem_shared>>
      %dma_wait3A_66 = arith.constant 0 : i32
      %dma_wait3A_67 = tpu.memref_slice %arg12[%add3A_27, %dma_wait3A_66] : memref<10240x16xf32, #tpu.memory_space<vmem_shared>> -> memref<160x16xf32, #tpu.memory_space<vmem_shared>>
      tpu.wait_dma2 semaphore(%run_scoped3A_61 : memref<!tpu.dma_semaphore, #tpu.memory_space<semaphore_mem>>) src(%dma_wait3A_67 : memref<160x16xf32, #tpu.memory_space<vmem_shared>>) dst(%arg10 : memref<160x16xf32, #tpu.memory_space<vmem>>)
      tpu.yield
    }) : () -> ()
    %add3A_28 = arith.constant 0 : i32
    %add3A_29 = arith.addi %mul3A_0, %add3A_28 : i32
    %run_scoped3A_30 = arith.constant 1 : i32
    "tpu.region"() ({
      %run_scoped3A_61 = tpu.sem_alloc : memref<!tpu.dma_semaphore, #tpu.memory_space<semaphore_mem>>
      %dma_start3A = arith.constant 0 : i32
      %dma_start3A_62 = tpu.memref_slice %arg6[%arg0, %run_scoped3A_30, %add3A_29, %dma_start3A] : memref<2x2x10240x16xf32, #tpu.memory_space<hbm>> -> memref<1x1x160x16xf32, #tpu.memory_space<hbm>>
      %dma_start3A_63 = tpu.memref_squeeze %dma_start3A_62 : memref<1x1x160x16xf32, #tpu.memory_space<hbm>> -> memref<160x16xf32, #tpu.memory_space<hbm>>
      %dma_start3A_64 = arith.constant 0 : i32
      %dma_start3A_65 = tpu.memref_slice %arg6[%arg0, %run_scoped3A_30, %add3A_29, %dma_start3A_64] : memref<2x2x10240x16xf32, #tpu.memory_space<hbm>> -> memref<1x1x160x16xf32, #tpu.memory_space<hbm>>
      %dma_start3A_66 = tpu.memref_squeeze %dma_start3A_65 : memref<1x1x160x16xf32, #tpu.memory_space<hbm>> -> memref<160x16xf32, #tpu.memory_space<hbm>>
      tpu.enqueue_dma source(%arg10 : memref<160x16xf32, #tpu.memory_space<vmem>>) target(%dma_start3A_66 : memref<160x16xf32, #tpu.memory_space<hbm>>) target_semaphore(%run_scoped3A_61 : memref<!tpu.dma_semaphore, #tpu.memory_space<semaphore_mem>>)
      %dma_wait3A = arith.constant 0 : i32
      %dma_wait3A_67 = tpu.memref_slice %arg6[%arg0, %run_scoped3A_30, %add3A_29, %dma_wait3A] : memref<2x2x10240x16xf32, #tpu.memory_space<hbm>> -> memref<1x1x160x16xf32, #tpu.memory_space<hbm>>
      %dma_wait3A_68 = tpu.memref_squeeze %dma_wait3A_67 : memref<1x1x160x16xf32, #tpu.memory_space<hbm>> -> memref<160x16xf32, #tpu.memory_space<hbm>>
      %dma_wait3A_69 = arith.constant 0 : i32
      %dma_wait3A_70 = tpu.memref_slice %arg6[%arg0, %run_scoped3A_30, %add3A_29, %dma_wait3A_69] : memref<2x2x10240x16xf32, #tpu.memory_space<hbm>> -> memref<1x1x160x16xf32, #tpu.memory_space<hbm>>
      %dma_wait3A_71 = tpu.memref_squeeze %dma_wait3A_70 : memref<1x1x160x16xf32, #tpu.memory_space<hbm>> -> memref<160x16xf32, #tpu.memory_space<hbm>>
      tpu.wait_dma2 semaphore(%run_scoped3A_61 : memref<!tpu.dma_semaphore, #tpu.memory_space<semaphore_mem>>) src(%arg10 : memref<160x16xf32, #tpu.memory_space<vmem>>) dst(%dma_wait3A_71 : memref<160x16xf32, #tpu.memory_space<hbm>>)
      tpu.yield
    }) : () -> ()
    %add3A_31 = arith.constant 160 : i32
    %add3A_32 = arith.addi %mul3A_0, %add3A_31 : i32
    "tpu.region"() ({
      %run_scoped3A_61 = tpu.sem_alloc : memref<!tpu.dma_semaphore, #tpu.memory_space<semaphore_mem>>
      %dma_start3A = arith.constant 0 : i32
      %dma_start3A_62 = tpu.memref_slice %arg11[%add3A_32, %dma_start3A] : memref<10240x16xf32, #tpu.memory_space<vmem_shared>> -> memref<160x16xf32, #tpu.memory_space<vmem_shared>>
      %dma_start3A_63 = arith.constant 0 : i32
      %dma_start3A_64 = tpu.memref_slice %arg11[%add3A_32, %dma_start3A_63] : memref<10240x16xf32, #tpu.memory_space<vmem_shared>> -> memref<160x16xf32, #tpu.memory_space<vmem_shared>>
      tpu.enqueue_dma source(%dma_start3A_64 : memref<160x16xf32, #tpu.memory_space<vmem_shared>>) target(%arg10 : memref<160x16xf32, #tpu.memory_space<vmem>>) target_semaphore(%run_scoped3A_61 : memref<!tpu.dma_semaphore, #tpu.memory_space<semaphore_mem>>)
      %dma_wait3A = arith.constant 0 : i32
      %dma_wait3A_65 = tpu.memref_slice %arg11[%add3A_32, %dma_wait3A] : memref<10240x16xf32, #tpu.memory_space<vmem_shared>> -> memref<160x16xf32, #tpu.memory_space<vmem_shared>>
      %dma_wait3A_66 = arith.constant 0 : i32
      %dma_wait3A_67 = tpu.memref_slice %arg11[%add3A_32, %dma_wait3A_66] : memref<10240x16xf32, #tpu.memory_space<vmem_shared>> -> memref<160x16xf32, #tpu.memory_space<vmem_shared>>
      tpu.wait_dma2 semaphore(%run_scoped3A_61 : memref<!tpu.dma_semaphore, #tpu.memory_space<semaphore_mem>>) src(%dma_wait3A_67 : memref<160x16xf32, #tpu.memory_space<vmem_shared>>) dst(%arg10 : memref<160x16xf32, #tpu.memory_space<vmem>>)
      tpu.yield
    }) : () -> ()
    %add3A_33 = arith.constant 160 : i32
    %add3A_34 = arith.addi %mul3A_0, %add3A_33 : i32
    %run_scoped3A_35 = arith.constant 0 : i32
    "tpu.region"() ({
      %run_scoped3A_61 = tpu.sem_alloc : memref<!tpu.dma_semaphore, #tpu.memory_space<semaphore_mem>>
      %dma_start3A = arith.constant 0 : i32
      %dma_start3A_62 = tpu.memref_slice %arg6[%arg0, %run_scoped3A_35, %add3A_34, %dma_start3A] : memref<2x2x10240x16xf32, #tpu.memory_space<hbm>> -> memref<1x1x160x16xf32, #tpu.memory_space<hbm>>
      %dma_start3A_63 = tpu.memref_squeeze %dma_start3A_62 : memref<1x1x160x16xf32, #tpu.memory_space<hbm>> -> memref<160x16xf32, #tpu.memory_space<hbm>>
      %dma_start3A_64 = arith.constant 0 : i32
      %dma_start3A_65 = tpu.memref_slice %arg6[%arg0, %run_scoped3A_35, %add3A_34, %dma_start3A_64] : memref<2x2x10240x16xf32, #tpu.memory_space<hbm>> -> memref<1x1x160x16xf32, #tpu.memory_space<hbm>>
      %dma_start3A_66 = tpu.memref_squeeze %dma_start3A_65 : memref<1x1x160x16xf32, #tpu.memory_space<hbm>> -> memref<160x16xf32, #tpu.memory_space<hbm>>
      tpu.enqueue_dma source(%arg10 : memref<160x16xf32, #tpu.memory_space<vmem>>) target(%dma_start3A_66 : memref<160x16xf32, #tpu.memory_space<hbm>>) target_semaphore(%run_scoped3A_61 : memref<!tpu.dma_semaphore, #tpu.memory_space<semaphore_mem>>)
      %dma_wait3A = arith.constant 0 : i32
      %dma_wait3A_67 = tpu.memref_slice %arg6[%arg0, %run_scoped3A_35, %add3A_34, %dma_wait3A] : memref<2x2x10240x16xf32, #tpu.memory_space<hbm>> -> memref<1x1x160x16xf32, #tpu.memory_space<hbm>>
      %dma_wait3A_68 = tpu.memref_squeeze %dma_wait3A_67 : memref<1x1x160x16xf32, #tpu.memory_space<hbm>> -> memref<160x16xf32, #tpu.memory_space<hbm>>
      %dma_wait3A_69 = arith.constant 0 : i32
      %dma_wait3A_70 = tpu.memref_slice %arg6[%arg0, %run_scoped3A_35, %add3A_34, %dma_wait3A_69] : memref<2x2x10240x16xf32, #tpu.memory_space<hbm>> -> memref<1x1x160x16xf32, #tpu.memory_space<hbm>>
      %dma_wait3A_71 = tpu.memref_squeeze %dma_wait3A_70 : memref<1x1x160x16xf32, #tpu.memory_space<hbm>> -> memref<160x16xf32, #tpu.memory_space<hbm>>
      tpu.wait_dma2 semaphore(%run_scoped3A_61 : memref<!tpu.dma_semaphore, #tpu.memory_space<semaphore_mem>>) src(%arg10 : memref<160x16xf32, #tpu.memory_space<vmem>>) dst(%dma_wait3A_71 : memref<160x16xf32, #tpu.memory_space<hbm>>)
      tpu.yield
    }) : () -> ()
    %add3A_36 = arith.constant 160 : i32
    %add3A_37 = arith.addi %mul3A_0, %add3A_36 : i32
    "tpu.region"() ({
      %run_scoped3A_61 = tpu.sem_alloc : memref<!tpu.dma_semaphore, #tpu.memory_space<semaphore_mem>>
      %dma_start3A = arith.constant 0 : i32
      %dma_start3A_62 = tpu.memref_slice %arg12[%add3A_37, %dma_start3A] : memref<10240x16xf32, #tpu.memory_space<vmem_shared>> -> memref<160x16xf32, #tpu.memory_space<vmem_shared>>
      %dma_start3A_63 = arith.constant 0 : i32
      %dma_start3A_64 = tpu.memref_slice %arg12[%add3A_37, %dma_start3A_63] : memref<10240x16xf32, #tpu.memory_space<vmem_shared>> -> memref<160x16xf32, #tpu.memory_space<vmem_shared>>
      tpu.enqueue_dma source(%dma_start3A_64 : memref<160x16xf32, #tpu.memory_space<vmem_shared>>) target(%arg10 : memref<160x16xf32, #tpu.memory_space<vmem>>) target_semaphore(%run_scoped3A_61 : memref<!tpu.dma_semaphore, #tpu.memory_space<semaphore_mem>>)
      %dma_wait3A = arith.constant 0 : i32
      %dma_wait3A_65 = tpu.memref_slice %arg12[%add3A_37, %dma_wait3A] : memref<10240x16xf32, #tpu.memory_space<vmem_shared>> -> memref<160x16xf32, #tpu.memory_space<vmem_shared>>
      %dma_wait3A_66 = arith.constant 0 : i32
      %dma_wait3A_67 = tpu.memref_slice %arg12[%add3A_37, %dma_wait3A_66] : memref<10240x16xf32, #tpu.memory_space<vmem_shared>> -> memref<160x16xf32, #tpu.memory_space<vmem_shared>>
      tpu.wait_dma2 semaphore(%run_scoped3A_61 : memref<!tpu.dma_semaphore, #tpu.memory_space<semaphore_mem>>) src(%dma_wait3A_67 : memref<160x16xf32, #tpu.memory_space<vmem_shared>>) dst(%arg10 : memref<160x16xf32, #tpu.memory_space<vmem>>)
      tpu.yield
    }) : () -> ()
    %add3A_38 = arith.constant 160 : i32
    %add3A_39 = arith.addi %mul3A_0, %add3A_38 : i32
    %run_scoped3A_40 = arith.constant 1 : i32
    "tpu.region"() ({
      %run_scoped3A_61 = tpu.sem_alloc : memref<!tpu.dma_semaphore, #tpu.memory_space<semaphore_mem>>
      %dma_start3A = arith.constant 0 : i32
      %dma_start3A_62 = tpu.memref_slice %arg6[%arg0, %run_scoped3A_40, %add3A_39, %dma_start3A] : memref<2x2x10240x16xf32, #tpu.memory_space<hbm>> -> memref<1x1x160x16xf32, #tpu.memory_space<hbm>>
      %dma_start3A_63 = tpu.memref_squeeze %dma_start3A_62 : memref<1x1x160x16xf32, #tpu.memory_space<hbm>> -> memref<160x16xf32, #tpu.memory_space<hbm>>
      %dma_start3A_64 = arith.constant 0 : i32
      %dma_start3A_65 = tpu.memref_slice %arg6[%arg0, %run_scoped3A_40, %add3A_39, %dma_start3A_64] : memref<2x2x10240x16xf32, #tpu.memory_space<hbm>> -> memref<1x1x160x16xf32, #tpu.memory_space<hbm>>
      %dma_start3A_66 = tpu.memref_squeeze %dma_start3A_65 : memref<1x1x160x16xf32, #tpu.memory_space<hbm>> -> memref<160x16xf32, #tpu.memory_space<hbm>>
      tpu.enqueue_dma source(%arg10 : memref<160x16xf32, #tpu.memory_space<vmem>>) target(%dma_start3A_66 : memref<160x16xf32, #tpu.memory_space<hbm>>) target_semaphore(%run_scoped3A_61 : memref<!tpu.dma_semaphore, #tpu.memory_space<semaphore_mem>>)
      %dma_wait3A = arith.constant 0 : i32
      %dma_wait3A_67 = tpu.memref_slice %arg6[%arg0, %run_scoped3A_40, %add3A_39, %dma_wait3A] : memref<2x2x10240x16xf32, #tpu.memory_space<hbm>> -> memref<1x1x160x16xf32, #tpu.memory_space<hbm>>
      %dma_wait3A_68 = tpu.memref_squeeze %dma_wait3A_67 : memref<1x1x160x16xf32, #tpu.memory_space<hbm>> -> memref<160x16xf32, #tpu.memory_space<hbm>>
      %dma_wait3A_69 = arith.constant 0 : i32
      %dma_wait3A_70 = tpu.memref_slice %arg6[%arg0, %run_scoped3A_40, %add3A_39, %dma_wait3A_69] : memref<2x2x10240x16xf32, #tpu.memory_space<hbm>> -> memref<1x1x160x16xf32, #tpu.memory_space<hbm>>
      %dma_wait3A_71 = tpu.memref_squeeze %dma_wait3A_70 : memref<1x1x160x16xf32, #tpu.memory_space<hbm>> -> memref<160x16xf32, #tpu.memory_space<hbm>>
      tpu.wait_dma2 semaphore(%run_scoped3A_61 : memref<!tpu.dma_semaphore, #tpu.memory_space<semaphore_mem>>) src(%arg10 : memref<160x16xf32, #tpu.memory_space<vmem>>) dst(%dma_wait3A_71 : memref<160x16xf32, #tpu.memory_space<hbm>>)
      tpu.yield
    }) : () -> ()
    %add3A_41 = arith.constant 320 : i32
    %add3A_42 = arith.addi %mul3A_0, %add3A_41 : i32
    "tpu.region"() ({
      %run_scoped3A_61 = tpu.sem_alloc : memref<!tpu.dma_semaphore, #tpu.memory_space<semaphore_mem>>
      %dma_start3A = arith.constant 0 : i32
      %dma_start3A_62 = tpu.memref_slice %arg11[%add3A_42, %dma_start3A] : memref<10240x16xf32, #tpu.memory_space<vmem_shared>> -> memref<160x16xf32, #tpu.memory_space<vmem_shared>>
      %dma_start3A_63 = arith.constant 0 : i32
      %dma_start3A_64 = tpu.memref_slice %arg11[%add3A_42, %dma_start3A_63] : memref<10240x16xf32, #tpu.memory_space<vmem_shared>> -> memref<160x16xf32, #tpu.memory_space<vmem_shared>>
      tpu.enqueue_dma source(%dma_start3A_64 : memref<160x16xf32, #tpu.memory_space<vmem_shared>>) target(%arg10 : memref<160x16xf32, #tpu.memory_space<vmem>>) target_semaphore(%run_scoped3A_61 : memref<!tpu.dma_semaphore, #tpu.memory_space<semaphore_mem>>)
      %dma_wait3A = arith.constant 0 : i32
      %dma_wait3A_65 = tpu.memref_slice %arg11[%add3A_42, %dma_wait3A] : memref<10240x16xf32, #tpu.memory_space<vmem_shared>> -> memref<160x16xf32, #tpu.memory_space<vmem_shared>>
      %dma_wait3A_66 = arith.constant 0 : i32
      %dma_wait3A_67 = tpu.memref_slice %arg11[%add3A_42, %dma_wait3A_66] : memref<10240x16xf32, #tpu.memory_space<vmem_shared>> -> memref<160x16xf32, #tpu.memory_space<vmem_shared>>
      tpu.wait_dma2 semaphore(%run_scoped3A_61 : memref<!tpu.dma_semaphore, #tpu.memory_space<semaphore_mem>>) src(%dma_wait3A_67 : memref<160x16xf32, #tpu.memory_space<vmem_shared>>) dst(%arg10 : memref<160x16xf32, #tpu.memory_space<vmem>>)
      tpu.yield
    }) : () -> ()
    %add3A_43 = arith.constant 320 : i32
    %add3A_44 = arith.addi %mul3A_0, %add3A_43 : i32
    %run_scoped3A_45 = arith.constant 0 : i32
    "tpu.region"() ({
      %run_scoped3A_61 = tpu.sem_alloc : memref<!tpu.dma_semaphore, #tpu.memory_space<semaphore_mem>>
      %dma_start3A = arith.constant 0 : i32
      %dma_start3A_62 = tpu.memref_slice %arg6[%arg0, %run_scoped3A_45, %add3A_44, %dma_start3A] : memref<2x2x10240x16xf32, #tpu.memory_space<hbm>> -> memref<1x1x160x16xf32, #tpu.memory_space<hbm>>
      %dma_start3A_63 = tpu.memref_squeeze %dma_start3A_62 : memref<1x1x160x16xf32, #tpu.memory_space<hbm>> -> memref<160x16xf32, #tpu.memory_space<hbm>>
      %dma_start3A_64 = arith.constant 0 : i32
      %dma_start3A_65 = tpu.memref_slice %arg6[%arg0, %run_scoped3A_45, %add3A_44, %dma_start3A_64] : memref<2x2x10240x16xf32, #tpu.memory_space<hbm>> -> memref<1x1x160x16xf32, #tpu.memory_space<hbm>>
      %dma_start3A_66 = tpu.memref_squeeze %dma_start3A_65 : memref<1x1x160x16xf32, #tpu.memory_space<hbm>> -> memref<160x16xf32, #tpu.memory_space<hbm>>
      tpu.enqueue_dma source(%arg10 : memref<160x16xf32, #tpu.memory_space<vmem>>) target(%dma_start3A_66 : memref<160x16xf32, #tpu.memory_space<hbm>>) target_semaphore(%run_scoped3A_61 : memref<!tpu.dma_semaphore, #tpu.memory_space<semaphore_mem>>)
      %dma_wait3A = arith.constant 0 : i32
      %dma_wait3A_67 = tpu.memref_slice %arg6[%arg0, %run_scoped3A_45, %add3A_44, %dma_wait3A] : memref<2x2x10240x16xf32, #tpu.memory_space<hbm>> -> memref<1x1x160x16xf32, #tpu.memory_space<hbm>>
      %dma_wait3A_68 = tpu.memref_squeeze %dma_wait3A_67 : memref<1x1x160x16xf32, #tpu.memory_space<hbm>> -> memref<160x16xf32, #tpu.memory_space<hbm>>
      %dma_wait3A_69 = arith.constant 0 : i32
      %dma_wait3A_70 = tpu.memref_slice %arg6[%arg0, %run_scoped3A_45, %add3A_44, %dma_wait3A_69] : memref<2x2x10240x16xf32, #tpu.memory_space<hbm>> -> memref<1x1x160x16xf32, #tpu.memory_space<hbm>>
      %dma_wait3A_71 = tpu.memref_squeeze %dma_wait3A_70 : memref<1x1x160x16xf32, #tpu.memory_space<hbm>> -> memref<160x16xf32, #tpu.memory_space<hbm>>
      tpu.wait_dma2 semaphore(%run_scoped3A_61 : memref<!tpu.dma_semaphore, #tpu.memory_space<semaphore_mem>>) src(%arg10 : memref<160x16xf32, #tpu.memory_space<vmem>>) dst(%dma_wait3A_71 : memref<160x16xf32, #tpu.memory_space<hbm>>)
      tpu.yield
    }) : () -> ()
    %add3A_46 = arith.constant 320 : i32
    %add3A_47 = arith.addi %mul3A_0, %add3A_46 : i32
    "tpu.region"() ({
      %run_scoped3A_61 = tpu.sem_alloc : memref<!tpu.dma_semaphore, #tpu.memory_space<semaphore_mem>>
      %dma_start3A = arith.constant 0 : i32
      %dma_start3A_62 = tpu.memref_slice %arg12[%add3A_47, %dma_start3A] : memref<10240x16xf32, #tpu.memory_space<vmem_shared>> -> memref<160x16xf32, #tpu.memory_space<vmem_shared>>
      %dma_start3A_63 = arith.constant 0 : i32
      %dma_start3A_64 = tpu.memref_slice %arg12[%add3A_47, %dma_start3A_63] : memref<10240x16xf32, #tpu.memory_space<vmem_shared>> -> memref<160x16xf32, #tpu.memory_space<vmem_shared>>
      tpu.enqueue_dma source(%dma_start3A_64 : memref<160x16xf32, #tpu.memory_space<vmem_shared>>) target(%arg10 : memref<160x16xf32, #tpu.memory_space<vmem>>) target_semaphore(%run_scoped3A_61 : memref<!tpu.dma_semaphore, #tpu.memory_space<semaphore_mem>>)
      %dma_wait3A = arith.constant 0 : i32
      %dma_wait3A_65 = tpu.memref_slice %arg12[%add3A_47, %dma_wait3A] : memref<10240x16xf32, #tpu.memory_space<vmem_shared>> -> memref<160x16xf32, #tpu.memory_space<vmem_shared>>
      %dma_wait3A_66 = arith.constant 0 : i32
      %dma_wait3A_67 = tpu.memref_slice %arg12[%add3A_47, %dma_wait3A_66] : memref<10240x16xf32, #tpu.memory_space<vmem_shared>> -> memref<160x16xf32, #tpu.memory_space<vmem_shared>>
      tpu.wait_dma2 semaphore(%run_scoped3A_61 : memref<!tpu.dma_semaphore, #tpu.memory_space<semaphore_mem>>) src(%dma_wait3A_67 : memref<160x16xf32, #tpu.memory_space<vmem_shared>>) dst(%arg10 : memref<160x16xf32, #tpu.memory_space<vmem>>)
      tpu.yield
    }) : () -> ()
    %add3A_48 = arith.constant 320 : i32
    %add3A_49 = arith.addi %mul3A_0, %add3A_48 : i32
    %run_scoped3A_50 = arith.constant 1 : i32
    "tpu.region"() ({
      %run_scoped3A_61 = tpu.sem_alloc : memref<!tpu.dma_semaphore, #tpu.memory_space<semaphore_mem>>
      %dma_start3A = arith.constant 0 : i32
      %dma_start3A_62 = tpu.memref_slice %arg6[%arg0, %run_scoped3A_50, %add3A_49, %dma_start3A] : memref<2x2x10240x16xf32, #tpu.memory_space<hbm>> -> memref<1x1x160x16xf32, #tpu.memory_space<hbm>>
      %dma_start3A_63 = tpu.memref_squeeze %dma_start3A_62 : memref<1x1x160x16xf32, #tpu.memory_space<hbm>> -> memref<160x16xf32, #tpu.memory_space<hbm>>
      %dma_start3A_64 = arith.constant 0 : i32
      %dma_start3A_65 = tpu.memref_slice %arg6[%arg0, %run_scoped3A_50, %add3A_49, %dma_start3A_64] : memref<2x2x10240x16xf32, #tpu.memory_space<hbm>> -> memref<1x1x160x16xf32, #tpu.memory_space<hbm>>
      %dma_start3A_66 = tpu.memref_squeeze %dma_start3A_65 : memref<1x1x160x16xf32, #tpu.memory_space<hbm>> -> memref<160x16xf32, #tpu.memory_space<hbm>>
      tpu.enqueue_dma source(%arg10 : memref<160x16xf32, #tpu.memory_space<vmem>>) target(%dma_start3A_66 : memref<160x16xf32, #tpu.memory_space<hbm>>) target_semaphore(%run_scoped3A_61 : memref<!tpu.dma_semaphore, #tpu.memory_space<semaphore_mem>>)
      %dma_wait3A = arith.constant 0 : i32
      %dma_wait3A_67 = tpu.memref_slice %arg6[%arg0, %run_scoped3A_50, %add3A_49, %dma_wait3A] : memref<2x2x10240x16xf32, #tpu.memory_space<hbm>> -> memref<1x1x160x16xf32, #tpu.memory_space<hbm>>
      %dma_wait3A_68 = tpu.memref_squeeze %dma_wait3A_67 : memref<1x1x160x16xf32, #tpu.memory_space<hbm>> -> memref<160x16xf32, #tpu.memory_space<hbm>>
      %dma_wait3A_69 = arith.constant 0 : i32
      %dma_wait3A_70 = tpu.memref_slice %arg6[%arg0, %run_scoped3A_50, %add3A_49, %dma_wait3A_69] : memref<2x2x10240x16xf32, #tpu.memory_space<hbm>> -> memref<1x1x160x16xf32, #tpu.memory_space<hbm>>
      %dma_wait3A_71 = tpu.memref_squeeze %dma_wait3A_70 : memref<1x1x160x16xf32, #tpu.memory_space<hbm>> -> memref<160x16xf32, #tpu.memory_space<hbm>>
      tpu.wait_dma2 semaphore(%run_scoped3A_61 : memref<!tpu.dma_semaphore, #tpu.memory_space<semaphore_mem>>) src(%arg10 : memref<160x16xf32, #tpu.memory_space<vmem>>) dst(%dma_wait3A_71 : memref<160x16xf32, #tpu.memory_space<hbm>>)
      tpu.yield
    }) : () -> ()
    %add3A_51 = arith.constant 480 : i32
    %add3A_52 = arith.addi %mul3A_0, %add3A_51 : i32
    "tpu.region"() ({
      %run_scoped3A_61 = tpu.sem_alloc : memref<!tpu.dma_semaphore, #tpu.memory_space<semaphore_mem>>
      %dma_start3A = arith.constant 0 : i32
      %dma_start3A_62 = tpu.memref_slice %arg11[%add3A_52, %dma_start3A] : memref<10240x16xf32, #tpu.memory_space<vmem_shared>> -> memref<160x16xf32, #tpu.memory_space<vmem_shared>>
      %dma_start3A_63 = arith.constant 0 : i32
      %dma_start3A_64 = tpu.memref_slice %arg11[%add3A_52, %dma_start3A_63] : memref<10240x16xf32, #tpu.memory_space<vmem_shared>> -> memref<160x16xf32, #tpu.memory_space<vmem_shared>>
      tpu.enqueue_dma source(%dma_start3A_64 : memref<160x16xf32, #tpu.memory_space<vmem_shared>>) target(%arg10 : memref<160x16xf32, #tpu.memory_space<vmem>>) target_semaphore(%run_scoped3A_61 : memref<!tpu.dma_semaphore, #tpu.memory_space<semaphore_mem>>)
      %dma_wait3A = arith.constant 0 : i32
      %dma_wait3A_65 = tpu.memref_slice %arg11[%add3A_52, %dma_wait3A] : memref<10240x16xf32, #tpu.memory_space<vmem_shared>> -> memref<160x16xf32, #tpu.memory_space<vmem_shared>>
      %dma_wait3A_66 = arith.constant 0 : i32
      %dma_wait3A_67 = tpu.memref_slice %arg11[%add3A_52, %dma_wait3A_66] : memref<10240x16xf32, #tpu.memory_space<vmem_shared>> -> memref<160x16xf32, #tpu.memory_space<vmem_shared>>
      tpu.wait_dma2 semaphore(%run_scoped3A_61 : memref<!tpu.dma_semaphore, #tpu.memory_space<semaphore_mem>>) src(%dma_wait3A_67 : memref<160x16xf32, #tpu.memory_space<vmem_shared>>) dst(%arg10 : memref<160x16xf32, #tpu.memory_space<vmem>>)
      tpu.yield
    }) : () -> ()
    %add3A_53 = arith.constant 480 : i32
    %add3A_54 = arith.addi %mul3A_0, %add3A_53 : i32
    %run_scoped3A_55 = arith.constant 0 : i32
    "tpu.region"() ({
      %run_scoped3A_61 = tpu.sem_alloc : memref<!tpu.dma_semaphore, #tpu.memory_space<semaphore_mem>>
      %dma_start3A = arith.constant 0 : i32
      %dma_start3A_62 = tpu.memref_slice %arg6[%arg0, %run_scoped3A_55, %add3A_54, %dma_start3A] : memref<2x2x10240x16xf32, #tpu.memory_space<hbm>> -> memref<1x1x160x16xf32, #tpu.memory_space<hbm>>
      %dma_start3A_63 = tpu.memref_squeeze %dma_start3A_62 : memref<1x1x160x16xf32, #tpu.memory_space<hbm>> -> memref<160x16xf32, #tpu.memory_space<hbm>>
      %dma_start3A_64 = arith.constant 0 : i32
      %dma_start3A_65 = tpu.memref_slice %arg6[%arg0, %run_scoped3A_55, %add3A_54, %dma_start3A_64] : memref<2x2x10240x16xf32, #tpu.memory_space<hbm>> -> memref<1x1x160x16xf32, #tpu.memory_space<hbm>>
      %dma_start3A_66 = tpu.memref_squeeze %dma_start3A_65 : memref<1x1x160x16xf32, #tpu.memory_space<hbm>> -> memref<160x16xf32, #tpu.memory_space<hbm>>
      tpu.enqueue_dma source(%arg10 : memref<160x16xf32, #tpu.memory_space<vmem>>) target(%dma_start3A_66 : memref<160x16xf32, #tpu.memory_space<hbm>>) target_semaphore(%run_scoped3A_61 : memref<!tpu.dma_semaphore, #tpu.memory_space<semaphore_mem>>)
      %dma_wait3A = arith.constant 0 : i32
      %dma_wait3A_67 = tpu.memref_slice %arg6[%arg0, %run_scoped3A_55, %add3A_54, %dma_wait3A] : memref<2x2x10240x16xf32, #tpu.memory_space<hbm>> -> memref<1x1x160x16xf32, #tpu.memory_space<hbm>>
      %dma_wait3A_68 = tpu.memref_squeeze %dma_wait3A_67 : memref<1x1x160x16xf32, #tpu.memory_space<hbm>> -> memref<160x16xf32, #tpu.memory_space<hbm>>
      %dma_wait3A_69 = arith.constant 0 : i32
      %dma_wait3A_70 = tpu.memref_slice %arg6[%arg0, %run_scoped3A_55, %add3A_54, %dma_wait3A_69] : memref<2x2x10240x16xf32, #tpu.memory_space<hbm>> -> memref<1x1x160x16xf32, #tpu.memory_space<hbm>>
      %dma_wait3A_71 = tpu.memref_squeeze %dma_wait3A_70 : memref<1x1x160x16xf32, #tpu.memory_space<hbm>> -> memref<160x16xf32, #tpu.memory_space<hbm>>
      tpu.wait_dma2 semaphore(%run_scoped3A_61 : memref<!tpu.dma_semaphore, #tpu.memory_space<semaphore_mem>>) src(%arg10 : memref<160x16xf32, #tpu.memory_space<vmem>>) dst(%dma_wait3A_71 : memref<160x16xf32, #tpu.memory_space<hbm>>)
      tpu.yield
    }) : () -> ()
    %add3A_56 = arith.constant 480 : i32
    %add3A_57 = arith.addi %mul3A_0, %add3A_56 : i32
    "tpu.region"() ({
      %run_scoped3A_61 = tpu.sem_alloc : memref<!tpu.dma_semaphore, #tpu.memory_space<semaphore_mem>>
      %dma_start3A = arith.constant 0 : i32
      %dma_start3A_62 = tpu.memref_slice %arg12[%add3A_57, %dma_start3A] : memref<10240x16xf32, #tpu.memory_space<vmem_shared>> -> memref<160x16xf32, #tpu.memory_space<vmem_shared>>
      %dma_start3A_63 = arith.constant 0 : i32
      %dma_start3A_64 = tpu.memref_slice %arg12[%add3A_57, %dma_start3A_63] : memref<10240x16xf32, #tpu.memory_space<vmem_shared>> -> memref<160x16xf32, #tpu.memory_space<vmem_shared>>
      tpu.enqueue_dma source(%dma_start3A_64 : memref<160x16xf32, #tpu.memory_space<vmem_shared>>) target(%arg10 : memref<160x16xf32, #tpu.memory_space<vmem>>) target_semaphore(%run_scoped3A_61 : memref<!tpu.dma_semaphore, #tpu.memory_space<semaphore_mem>>)
      %dma_wait3A = arith.constant 0 : i32
      %dma_wait3A_65 = tpu.memref_slice %arg12[%add3A_57, %dma_wait3A] : memref<10240x16xf32, #tpu.memory_space<vmem_shared>> -> memref<160x16xf32, #tpu.memory_space<vmem_shared>>
      %dma_wait3A_66 = arith.constant 0 : i32
      %dma_wait3A_67 = tpu.memref_slice %arg12[%add3A_57, %dma_wait3A_66] : memref<10240x16xf32, #tpu.memory_space<vmem_shared>> -> memref<160x16xf32, #tpu.memory_space<vmem_shared>>
      tpu.wait_dma2 semaphore(%run_scoped3A_61 : memref<!tpu.dma_semaphore, #tpu.memory_space<semaphore_mem>>) src(%dma_wait3A_67 : memref<160x16xf32, #tpu.memory_space<vmem_shared>>) dst(%arg10 : memref<160x16xf32, #tpu.memory_space<vmem>>)
      tpu.yield
    }) : () -> ()
    %add3A_58 = arith.constant 480 : i32
    %add3A_59 = arith.addi %mul3A_0, %add3A_58 : i32
    %run_scoped3A_60 = arith.constant 1 : i32
    "tpu.region"() ({
      %run_scoped3A_61 = tpu.sem_alloc : memref<!tpu.dma_semaphore, #tpu.memory_space<semaphore_mem>>
      %dma_start3A = arith.constant 0 : i32
      %dma_start3A_62 = tpu.memref_slice %arg6[%arg0, %run_scoped3A_60, %add3A_59, %dma_start3A] : memref<2x2x10240x16xf32, #tpu.memory_space<hbm>> -> memref<1x1x160x16xf32, #tpu.memory_space<hbm>>
      %dma_start3A_63 = tpu.memref_squeeze %dma_start3A_62 : memref<1x1x160x16xf32, #tpu.memory_space<hbm>> -> memref<160x16xf32, #tpu.memory_space<hbm>>
      %dma_start3A_64 = arith.constant 0 : i32
      %dma_start3A_65 = tpu.memref_slice %arg6[%arg0, %run_scoped3A_60, %add3A_59, %dma_start3A_64] : memref<2x2x10240x16xf32, #tpu.memory_space<hbm>> -> memref<1x1x160x16xf32, #tpu.memory_space<hbm>>
      %dma_start3A_66 = tpu.memref_squeeze %dma_start3A_65 : memref<1x1x160x16xf32, #tpu.memory_space<hbm>> -> memref<160x16xf32, #tpu.memory_space<hbm>>
      tpu.enqueue_dma source(%arg10 : memref<160x16xf32, #tpu.memory_space<vmem>>) target(%dma_start3A_66 : memref<160x16xf32, #tpu.memory_space<hbm>>) target_semaphore(%run_scoped3A_61 : memref<!tpu.dma_semaphore, #tpu.memory_space<semaphore_mem>>)
      %dma_wait3A = arith.constant 0 : i32
      %dma_wait3A_67 = tpu.memref_slice %arg6[%arg0, %run_scoped3A_60, %add3A_59, %dma_wait3A] : memref<2x2x10240x16xf32, #tpu.memory_space<hbm>> -> memref<1x1x160x16xf32, #tpu.memory_space<hbm>>
      %dma_wait3A_68 = tpu.memref_squeeze %dma_wait3A_67 : memref<1x1x160x16xf32, #tpu.memory_space<hbm>> -> memref<160x16xf32, #tpu.memory_space<hbm>>
      %dma_wait3A_69 = arith.constant 0 : i32
      %dma_wait3A_70 = tpu.memref_slice %arg6[%arg0, %run_scoped3A_60, %add3A_59, %dma_wait3A_69] : memref<2x2x10240x16xf32, #tpu.memory_space<hbm>> -> memref<1x1x160x16xf32, #tpu.memory_space<hbm>>
      %dma_wait3A_71 = tpu.memref_squeeze %dma_wait3A_70 : memref<1x1x160x16xf32, #tpu.memory_space<hbm>> -> memref<160x16xf32, #tpu.memory_space<hbm>>
      tpu.wait_dma2 semaphore(%run_scoped3A_61 : memref<!tpu.dma_semaphore, #tpu.memory_space<semaphore_mem>>) src(%arg10 : memref<160x16xf32, #tpu.memory_space<vmem>>) dst(%dma_wait3A_71 : memref<160x16xf32, #tpu.memory_space<hbm>>)
      tpu.yield
    }) : () -> ()
    return
  }
}

#map = affine_map<(d0, d1) -> (0, 0)>
#map1 = affine_map<(d0, d1) -> (0, 0, 0, 0)>
module attributes {stable_mosaic.version = 14 : i64} {
  func.func @_prop_fused(%arg0: i32, %arg1: i32, %arg2: memref<10240x32xf32, #tpu.memory_space<hbm>>, %arg3: memref<10240x32xf32, #tpu.memory_space<hbm>>, %arg4: memref<10240x32xf32, #tpu.memory_space<hbm>>, %arg5: memref<10240x32xf32, #tpu.memory_space<hbm>>, %arg6: memref<2x16x80x128xi32, #tpu.memory_space<hbm>>, %arg7: memref<2x16x80x128xi32, #tpu.memory_space<hbm>>, %arg8: memref<640x32xf32, #tpu.memory_space<hbm>>, %arg9: memref<2x4x10240x32xf32, #tpu.memory_space<hbm>>, %arg10: memref<80x128xi32, #tpu.memory_space<vmem>>, %arg11: memref<80x128xi32, #tpu.memory_space<vmem>>, %arg12: memref<4x128x32xf32, #tpu.memory_space<vmem>>, %arg13: memref<640x32xf32, #tpu.memory_space<vmem>>, %arg14: memref<10240x32xf32, #tpu.memory_space<vmem_shared>>, %arg15: memref<!tpu.dma_semaphore, #tpu.memory_space<semaphore_mem>>) attributes {dimension_semantics = [#tpu.dimension_semantics<core_parallel>, #tpu.dimension_semantics<subcore_parallel>], iteration_bounds = array<i64: 2, 16>, scalar_prefetch = 0 : i64, scratch_operands = 6 : i64, tpu.core_type = #tpu.core_type<sc_vector_subcore>, window_params = [{transform_indices = #map}, {transform_indices = #map}, {transform_indices = #map}, {transform_indices = #map}, {transform_indices = #map1}, {transform_indices = #map1}, {transform_indices = #map}, {transform_indices = #map1}]} {
    "tpu.region"() ({
      %run_scoped3A_177 = tpu.sem_alloc : memref<!tpu.dma_semaphore, #tpu.memory_space<semaphore_mem>>
      %dma_start3A_178 = arith.constant 0 : i32
      %dma_start3A_179 = arith.constant 0 : i32
      %dma_start3A_180 = tpu.memref_slice %arg6[%arg0, %arg1, %dma_start3A_178, %dma_start3A_179] : memref<2x16x80x128xi32, #tpu.memory_space<hbm>> -> memref<1x1x80x128xi32, #tpu.memory_space<hbm>>
      %dma_start3A_181 = tpu.memref_squeeze %dma_start3A_180 : memref<1x1x80x128xi32, #tpu.memory_space<hbm>> -> memref<80x128xi32, #tpu.memory_space<hbm>>
      %dma_start3A_182 = arith.constant 0 : i32
      %dma_start3A_183 = arith.constant 0 : i32
      %dma_start3A_184 = tpu.memref_slice %arg6[%arg0, %arg1, %dma_start3A_182, %dma_start3A_183] : memref<2x16x80x128xi32, #tpu.memory_space<hbm>> -> memref<1x1x80x128xi32, #tpu.memory_space<hbm>>
      %dma_start3A_185 = tpu.memref_squeeze %dma_start3A_184 : memref<1x1x80x128xi32, #tpu.memory_space<hbm>> -> memref<80x128xi32, #tpu.memory_space<hbm>>
      tpu.enqueue_dma source(%dma_start3A_185 : memref<80x128xi32, #tpu.memory_space<hbm>>) target(%arg10 : memref<80x128xi32, #tpu.memory_space<vmem>>) target_semaphore(%run_scoped3A_177 : memref<!tpu.dma_semaphore, #tpu.memory_space<semaphore_mem>>)
      %dma_wait3A = arith.constant 0 : i32
      %dma_wait3A_186 = arith.constant 0 : i32
      %dma_wait3A_187 = tpu.memref_slice %arg6[%arg0, %arg1, %dma_wait3A, %dma_wait3A_186] : memref<2x16x80x128xi32, #tpu.memory_space<hbm>> -> memref<1x1x80x128xi32, #tpu.memory_space<hbm>>
      %dma_wait3A_188 = tpu.memref_squeeze %dma_wait3A_187 : memref<1x1x80x128xi32, #tpu.memory_space<hbm>> -> memref<80x128xi32, #tpu.memory_space<hbm>>
      %dma_wait3A_189 = arith.constant 0 : i32
      %dma_wait3A_190 = arith.constant 0 : i32
      %dma_wait3A_191 = tpu.memref_slice %arg6[%arg0, %arg1, %dma_wait3A_189, %dma_wait3A_190] : memref<2x16x80x128xi32, #tpu.memory_space<hbm>> -> memref<1x1x80x128xi32, #tpu.memory_space<hbm>>
      %dma_wait3A_192 = tpu.memref_squeeze %dma_wait3A_191 : memref<1x1x80x128xi32, #tpu.memory_space<hbm>> -> memref<80x128xi32, #tpu.memory_space<hbm>>
      tpu.wait_dma2 semaphore(%run_scoped3A_177 : memref<!tpu.dma_semaphore, #tpu.memory_space<semaphore_mem>>) src(%dma_wait3A_192 : memref<80x128xi32, #tpu.memory_space<hbm>>) dst(%arg10 : memref<80x128xi32, #tpu.memory_space<vmem>>)
      tpu.yield
    }) : () -> ()
    "tpu.region"() ({
      %run_scoped3A_177 = tpu.sem_alloc : memref<!tpu.dma_semaphore, #tpu.memory_space<semaphore_mem>>
      %dma_start3A_178 = arith.constant 0 : i32
      %dma_start3A_179 = arith.constant 0 : i32
      %dma_start3A_180 = tpu.memref_slice %arg7[%arg0, %arg1, %dma_start3A_178, %dma_start3A_179] : memref<2x16x80x128xi32, #tpu.memory_space<hbm>> -> memref<1x1x80x128xi32, #tpu.memory_space<hbm>>
      %dma_start3A_181 = tpu.memref_squeeze %dma_start3A_180 : memref<1x1x80x128xi32, #tpu.memory_space<hbm>> -> memref<80x128xi32, #tpu.memory_space<hbm>>
      %dma_start3A_182 = arith.constant 0 : i32
      %dma_start3A_183 = arith.constant 0 : i32
      %dma_start3A_184 = tpu.memref_slice %arg7[%arg0, %arg1, %dma_start3A_182, %dma_start3A_183] : memref<2x16x80x128xi32, #tpu.memory_space<hbm>> -> memref<1x1x80x128xi32, #tpu.memory_space<hbm>>
      %dma_start3A_185 = tpu.memref_squeeze %dma_start3A_184 : memref<1x1x80x128xi32, #tpu.memory_space<hbm>> -> memref<80x128xi32, #tpu.memory_space<hbm>>
      tpu.enqueue_dma source(%dma_start3A_185 : memref<80x128xi32, #tpu.memory_space<hbm>>) target(%arg11 : memref<80x128xi32, #tpu.memory_space<vmem>>) target_semaphore(%run_scoped3A_177 : memref<!tpu.dma_semaphore, #tpu.memory_space<semaphore_mem>>)
      %dma_wait3A = arith.constant 0 : i32
      %dma_wait3A_186 = arith.constant 0 : i32
      %dma_wait3A_187 = tpu.memref_slice %arg7[%arg0, %arg1, %dma_wait3A, %dma_wait3A_186] : memref<2x16x80x128xi32, #tpu.memory_space<hbm>> -> memref<1x1x80x128xi32, #tpu.memory_space<hbm>>
      %dma_wait3A_188 = tpu.memref_squeeze %dma_wait3A_187 : memref<1x1x80x128xi32, #tpu.memory_space<hbm>> -> memref<80x128xi32, #tpu.memory_space<hbm>>
      %dma_wait3A_189 = arith.constant 0 : i32
      %dma_wait3A_190 = arith.constant 0 : i32
      %dma_wait3A_191 = tpu.memref_slice %arg7[%arg0, %arg1, %dma_wait3A_189, %dma_wait3A_190] : memref<2x16x80x128xi32, #tpu.memory_space<hbm>> -> memref<1x1x80x128xi32, #tpu.memory_space<hbm>>
      %dma_wait3A_192 = tpu.memref_squeeze %dma_wait3A_191 : memref<1x1x80x128xi32, #tpu.memory_space<hbm>> -> memref<80x128xi32, #tpu.memory_space<hbm>>
      tpu.wait_dma2 semaphore(%run_scoped3A_177 : memref<!tpu.dma_semaphore, #tpu.memory_space<semaphore_mem>>) src(%dma_wait3A_192 : memref<80x128xi32, #tpu.memory_space<hbm>>) dst(%arg11 : memref<80x128xi32, #tpu.memory_space<vmem>>)
      tpu.yield
    }) : () -> ()
    "tpu.region"() ({
      %run_scoped3A_177 = tpu.sem_alloc : memref<!tpu.dma_semaphore, #tpu.memory_space<semaphore_mem>>
      tpu.enqueue_dma source(%arg8 : memref<640x32xf32, #tpu.memory_space<hbm>>) target(%arg13 : memref<640x32xf32, #tpu.memory_space<vmem>>) target_semaphore(%run_scoped3A_177 : memref<!tpu.dma_semaphore, #tpu.memory_space<semaphore_mem>>)
      tpu.wait_dma2 semaphore(%run_scoped3A_177 : memref<!tpu.dma_semaphore, #tpu.memory_space<semaphore_mem>>) src(%arg8 : memref<640x32xf32, #tpu.memory_space<hbm>>) dst(%arg13 : memref<640x32xf32, #tpu.memory_space<vmem>>)
      tpu.yield
    }) : () -> ()
    %mul3A = arith.constant 640 : i32
    %mul3A_0 = arith.muli %arg1, %mul3A : i32
    "tpu.region"() ({
      %run_scoped3A_177 = tpu.sem_alloc : memref<!tpu.dma_semaphore, #tpu.memory_space<semaphore_mem>>
      %dma_start3A_178 = arith.constant 0 : i32
      %dma_start3A_179 = tpu.memref_slice %arg14[%mul3A_0, %dma_start3A_178] : memref<10240x32xf32, #tpu.memory_space<vmem_shared>> -> memref<640x32xf32, #tpu.memory_space<vmem_shared>>
      %dma_start3A_180 = arith.constant 0 : i32
      %dma_start3A_181 = tpu.memref_slice %arg14[%mul3A_0, %dma_start3A_180] : memref<10240x32xf32, #tpu.memory_space<vmem_shared>> -> memref<640x32xf32, #tpu.memory_space<vmem_shared>>
      tpu.enqueue_dma source(%arg13 : memref<640x32xf32, #tpu.memory_space<vmem>>) target(%dma_start3A_181 : memref<640x32xf32, #tpu.memory_space<vmem_shared>>) target_semaphore(%run_scoped3A_177 : memref<!tpu.dma_semaphore, #tpu.memory_space<semaphore_mem>>)
      %dma_wait3A = arith.constant 0 : i32
      %dma_wait3A_182 = tpu.memref_slice %arg14[%mul3A_0, %dma_wait3A] : memref<10240x32xf32, #tpu.memory_space<vmem_shared>> -> memref<640x32xf32, #tpu.memory_space<vmem_shared>>
      %dma_wait3A_183 = arith.constant 0 : i32
      %dma_wait3A_184 = tpu.memref_slice %arg14[%mul3A_0, %dma_wait3A_183] : memref<10240x32xf32, #tpu.memory_space<vmem_shared>> -> memref<640x32xf32, #tpu.memory_space<vmem_shared>>
      tpu.wait_dma2 semaphore(%run_scoped3A_177 : memref<!tpu.dma_semaphore, #tpu.memory_space<semaphore_mem>>) src(%arg13 : memref<640x32xf32, #tpu.memory_space<vmem>>) dst(%dma_wait3A_184 : memref<640x32xf32, #tpu.memory_space<vmem_shared>>)
      tpu.yield
    }) : () -> ()
    %dma_start3A = arith.constant 0 : i32
    %dma_start3A_1 = arith.constant 0 : i32
    %dma_start3A_2 = arith.constant 0 : i32
    %dma_start3A_3 = arith.constant 0 : i32
    %dma_start3A_4 = tpu.memref_slice %arg12[%dma_start3A_1, %dma_start3A_2, %dma_start3A_3] : memref<4x128x32xf32, #tpu.memory_space<vmem>> -> memref<1x128x32xf32, #tpu.memory_space<vmem>>
    %dma_start3A_5 = tpu.memref_squeeze %dma_start3A_4 : memref<1x128x32xf32, #tpu.memory_space<vmem>> -> memref<128x32xf32, #tpu.memory_space<vmem>>
    %dma_start3A_6 = arith.constant 0 : i32
    %dma_start3A_7 = tpu.memref_slice %arg10[%dma_start3A, %dma_start3A_6] : memref<80x128xi32, #tpu.memory_space<vmem>> -> memref<1x128xi32, #tpu.memory_space<vmem>>
    %dma_start3A_8 = tpu.memref_squeeze %dma_start3A_7 : memref<1x128xi32, #tpu.memory_space<vmem>> -> memref<128xi32, #tpu.memory_space<vmem>>
    %dma_start3A_9 = arith.constant 0 : i32
    %dma_start3A_10 = arith.constant 0 : i32
    %dma_start3A_11 = tpu.memref_slice %arg2[%dma_start3A_9, %dma_start3A_10] : memref<10240x32xf32, #tpu.memory_space<hbm>> -> memref<10240x32xf32, #tpu.memory_space<hbm>>
    tpu.enqueue_indirect_dma source(%dma_start3A_11 : memref<10240x32xf32, #tpu.memory_space<hbm>>) target(%dma_start3A_5 : memref<128x32xf32, #tpu.memory_space<vmem>>) offsets(%dma_start3A_8 : memref<128xi32, #tpu.memory_space<vmem>>) semaphore(%arg15 : memref<!tpu.dma_semaphore, #tpu.memory_space<semaphore_mem>>)
    %dma_start3A_12 = arith.constant 1 : i32
    %dma_start3A_13 = arith.constant 1 : i32
    %dma_start3A_14 = arith.constant 0 : i32
    %dma_start3A_15 = arith.constant 0 : i32
    %dma_start3A_16 = tpu.memref_slice %arg12[%dma_start3A_13, %dma_start3A_14, %dma_start3A_15] : memref<4x128x32xf32, #tpu.memory_space<vmem>> -> memref<1x128x32xf32, #tpu.memory_space<vmem>>
    %dma_start3A_17 = tpu.memref_squeeze %dma_start3A_16 : memref<1x128x32xf32, #tpu.memory_space<vmem>> -> memref<128x32xf32, #tpu.memory_space<vmem>>
    %dma_start3A_18 = arith.constant 0 : i32
    %dma_start3A_19 = tpu.memref_slice %arg10[%dma_start3A_12, %dma_start3A_18] : memref<80x128xi32, #tpu.memory_space<vmem>> -> memref<1x128xi32, #tpu.memory_space<vmem>>
    %dma_start3A_20 = tpu.memref_squeeze %dma_start3A_19 : memref<1x128xi32, #tpu.memory_space<vmem>> -> memref<128xi32, #tpu.memory_space<vmem>>
    %dma_start3A_21 = arith.constant 0 : i32
    %dma_start3A_22 = arith.constant 0 : i32
    %dma_start3A_23 = tpu.memref_slice %arg2[%dma_start3A_21, %dma_start3A_22] : memref<10240x32xf32, #tpu.memory_space<hbm>> -> memref<10240x32xf32, #tpu.memory_space<hbm>>
    tpu.enqueue_indirect_dma source(%dma_start3A_23 : memref<10240x32xf32, #tpu.memory_space<hbm>>) target(%dma_start3A_17 : memref<128x32xf32, #tpu.memory_space<vmem>>) offsets(%dma_start3A_20 : memref<128xi32, #tpu.memory_space<vmem>>) semaphore(%arg15 : memref<!tpu.dma_semaphore, #tpu.memory_space<semaphore_mem>>)
    %dma_start3A_24 = arith.constant 2 : i32
    %dma_start3A_25 = arith.constant 2 : i32
    %dma_start3A_26 = arith.constant 0 : i32
    %dma_start3A_27 = arith.constant 0 : i32
    %dma_start3A_28 = tpu.memref_slice %arg12[%dma_start3A_25, %dma_start3A_26, %dma_start3A_27] : memref<4x128x32xf32, #tpu.memory_space<vmem>> -> memref<1x128x32xf32, #tpu.memory_space<vmem>>
    %dma_start3A_29 = tpu.memref_squeeze %dma_start3A_28 : memref<1x128x32xf32, #tpu.memory_space<vmem>> -> memref<128x32xf32, #tpu.memory_space<vmem>>
    %dma_start3A_30 = arith.constant 0 : i32
    %dma_start3A_31 = tpu.memref_slice %arg10[%dma_start3A_24, %dma_start3A_30] : memref<80x128xi32, #tpu.memory_space<vmem>> -> memref<1x128xi32, #tpu.memory_space<vmem>>
    %dma_start3A_32 = tpu.memref_squeeze %dma_start3A_31 : memref<1x128xi32, #tpu.memory_space<vmem>> -> memref<128xi32, #tpu.memory_space<vmem>>
    %dma_start3A_33 = arith.constant 0 : i32
    %dma_start3A_34 = arith.constant 0 : i32
    %dma_start3A_35 = tpu.memref_slice %arg2[%dma_start3A_33, %dma_start3A_34] : memref<10240x32xf32, #tpu.memory_space<hbm>> -> memref<10240x32xf32, #tpu.memory_space<hbm>>
    tpu.enqueue_indirect_dma source(%dma_start3A_35 : memref<10240x32xf32, #tpu.memory_space<hbm>>) target(%dma_start3A_29 : memref<128x32xf32, #tpu.memory_space<vmem>>) offsets(%dma_start3A_32 : memref<128xi32, #tpu.memory_space<vmem>>) semaphore(%arg15 : memref<!tpu.dma_semaphore, #tpu.memory_space<semaphore_mem>>)
    %barrier3A = arith.constant 0 : index
    tpu.barrier barrier_id(%barrier3A)
    %scan3A = arith.constant 0 : i32
    %scan3A_36 = arith.constant 0 : i32
    %scan3A_37 = arith.constant 80 : i32
    %scan3A_38 = arith.addi %scan3A_36, %scan3A_37 : i32
    %scan3A_39 = arith.constant 1 : i32
    scf.for %scan3A_177 = %scan3A_36 to %scan3A_38 step %scan3A_39  : i32 {
      %rem3A = arith.constant 4 : i32
      %rem3A_178 = arith.remsi %scan3A_177, %rem3A : i32
      %add3A = arith.constant 4 : i32
      %add3A_179 = arith.addi %scan3A_177, %add3A : i32
      %sub3A = arith.constant 1 : i32
      %sub3A_180 = arith.subi %add3A_179, %sub3A : i32
      %rem3A_181 = arith.constant 4 : i32
      %rem3A_182 = arith.remsi %sub3A_180, %rem3A_181 : i32
      %add3A_183 = arith.constant 4 : i32
      %add3A_184 = arith.addi %scan3A_177, %add3A_183 : i32
      %sub3A_185 = arith.constant 1 : i32
      %sub3A_186 = arith.subi %add3A_184, %sub3A_185 : i32
      %lt3A = arith.constant 80 : i32
      %lt3A_187 = arith.cmpi slt, %sub3A_186, %lt3A : i32
      %convert_element_type3A = arith.extui %lt3A_187 : i1 to i32
      %cond3A = arith.constant 0 : i32
      %cond3A_188 = arith.cmpi ne, %convert_element_type3A, %cond3A : i32
      scf.if %cond3A_188 {
        %add3A_198 = arith.constant 4 : i32
        %add3A_199 = arith.addi %scan3A_177, %add3A_198 : i32
        %sub3A_200 = arith.constant 1 : i32
        %sub3A_201 = arith.subi %add3A_199, %sub3A_200 : i32
        %dma_start3A_202 = arith.constant 0 : i32
        %dma_start3A_203 = arith.constant 0 : i32
        %dma_start3A_204 = tpu.memref_slice %arg12[%rem3A_182, %dma_start3A_202, %dma_start3A_203] : memref<4x128x32xf32, #tpu.memory_space<vmem>> -> memref<1x128x32xf32, #tpu.memory_space<vmem>>
        %dma_start3A_205 = tpu.memref_squeeze %dma_start3A_204 : memref<1x128x32xf32, #tpu.memory_space<vmem>> -> memref<128x32xf32, #tpu.memory_space<vmem>>
        %dma_start3A_206 = arith.constant 0 : i32
        %dma_start3A_207 = tpu.memref_slice %arg10[%sub3A_201, %dma_start3A_206] : memref<80x128xi32, #tpu.memory_space<vmem>> -> memref<1x128xi32, #tpu.memory_space<vmem>>
        %dma_start3A_208 = tpu.memref_squeeze %dma_start3A_207 : memref<1x128xi32, #tpu.memory_space<vmem>> -> memref<128xi32, #tpu.memory_space<vmem>>
        %dma_start3A_209 = arith.constant 0 : i32
        %dma_start3A_210 = arith.constant 0 : i32
        %dma_start3A_211 = tpu.memref_slice %arg2[%dma_start3A_209, %dma_start3A_210] : memref<10240x32xf32, #tpu.memory_space<hbm>> -> memref<10240x32xf32, #tpu.memory_space<hbm>>
        tpu.enqueue_indirect_dma source(%dma_start3A_211 : memref<10240x32xf32, #tpu.memory_space<hbm>>) target(%dma_start3A_205 : memref<128x32xf32, #tpu.memory_space<vmem>>) offsets(%dma_start3A_208 : memref<128xi32, #tpu.memory_space<vmem>>) semaphore(%arg15 : memref<!tpu.dma_semaphore, #tpu.memory_space<semaphore_mem>>)
      } else {
      }
      %dma_wait3A = arith.constant 0 : i32
      %dma_wait3A_189 = arith.constant 0 : i32
      %dma_wait3A_190 = tpu.memref_slice %arg12[%rem3A_178, %dma_wait3A, %dma_wait3A_189] : memref<4x128x32xf32, #tpu.memory_space<vmem>> -> memref<1x128x32xf32, #tpu.memory_space<vmem>>
      %dma_wait3A_191 = tpu.memref_squeeze %dma_wait3A_190 : memref<1x128x32xf32, #tpu.memory_space<vmem>> -> memref<128x32xf32, #tpu.memory_space<vmem>>
      %dma_wait3A_192 = arith.constant 0 : i32
      %dma_wait3A_193 = tpu.memref_slice %arg10[%scan3A_177, %dma_wait3A_192] : memref<80x128xi32, #tpu.memory_space<vmem>> -> memref<1x128xi32, #tpu.memory_space<vmem>>
      %dma_wait3A_194 = tpu.memref_squeeze %dma_wait3A_193 : memref<1x128xi32, #tpu.memory_space<vmem>> -> memref<128xi32, #tpu.memory_space<vmem>>
      %dma_wait3A_195 = arith.constant 0 : i32
      %dma_wait3A_196 = arith.constant 0 : i32
      %dma_wait3A_197 = tpu.memref_slice %arg2[%dma_wait3A_195, %dma_wait3A_196] : memref<10240x32xf32, #tpu.memory_space<hbm>> -> memref<10240x32xf32, #tpu.memory_space<hbm>>
      tpu.wait_indirect_dma semaphore(%arg15 : memref<!tpu.dma_semaphore, #tpu.memory_space<semaphore_mem>>) src(%dma_wait3A_197 : memref<10240x32xf32, #tpu.memory_space<hbm>>) dst(%dma_wait3A_191 : memref<128x32xf32, #tpu.memory_space<vmem>>)
      "tpu.region"() ({
        %run_scoped3A_198 = tpu.sem_alloc : memref<!tpu.dma_semaphore, #tpu.memory_space<semaphore_mem>>
        %dma_start3A_199 = arith.constant 0 : i32
        %dma_start3A_200 = arith.constant 0 : i32
        %dma_start3A_201 = tpu.memref_slice %arg12[%rem3A_178, %dma_start3A_199, %dma_start3A_200] : memref<4x128x32xf32, #tpu.memory_space<vmem>> -> memref<1x128x32xf32, #tpu.memory_space<vmem>>
        %dma_start3A_202 = tpu.memref_squeeze %dma_start3A_201 : memref<1x128x32xf32, #tpu.memory_space<vmem>> -> memref<128x32xf32, #tpu.memory_space<vmem>>
        %dma_start3A_203 = arith.constant 0 : i32
        %dma_start3A_204 = tpu.memref_slice %arg11[%scan3A_177, %dma_start3A_203] : memref<80x128xi32, #tpu.memory_space<vmem>> -> memref<1x128xi32, #tpu.memory_space<vmem>>
        %dma_start3A_205 = tpu.memref_squeeze %dma_start3A_204 : memref<1x128xi32, #tpu.memory_space<vmem>> -> memref<128xi32, #tpu.memory_space<vmem>>
        %dma_start3A_206 = arith.constant 0 : i32
        %dma_start3A_207 = arith.constant 0 : i32
        %dma_start3A_208 = tpu.memref_slice %arg14[%dma_start3A_206, %dma_start3A_207] : memref<10240x32xf32, #tpu.memory_space<vmem_shared>> -> memref<10240x32xf32, #tpu.memory_space<vmem_shared>>
        tpu.enqueue_indirect_dma source(%dma_start3A_202 : memref<128x32xf32, #tpu.memory_space<vmem>>) target(%dma_start3A_208 : memref<10240x32xf32, #tpu.memory_space<vmem_shared>>) offsets(%dma_start3A_205 : memref<128xi32, #tpu.memory_space<vmem>>) semaphore(%run_scoped3A_198 : memref<!tpu.dma_semaphore, #tpu.memory_space<semaphore_mem>>) {add = true}
        %dma_wait3A_209 = arith.constant 0 : i32
        %dma_wait3A_210 = arith.constant 0 : i32
        %dma_wait3A_211 = tpu.memref_slice %arg12[%rem3A_178, %dma_wait3A_209, %dma_wait3A_210] : memref<4x128x32xf32, #tpu.memory_space<vmem>> -> memref<1x128x32xf32, #tpu.memory_space<vmem>>
        %dma_wait3A_212 = tpu.memref_squeeze %dma_wait3A_211 : memref<1x128x32xf32, #tpu.memory_space<vmem>> -> memref<128x32xf32, #tpu.memory_space<vmem>>
        %dma_wait3A_213 = arith.constant 0 : i32
        %dma_wait3A_214 = tpu.memref_slice %arg11[%scan3A_177, %dma_wait3A_213] : memref<80x128xi32, #tpu.memory_space<vmem>> -> memref<1x128xi32, #tpu.memory_space<vmem>>
        %dma_wait3A_215 = tpu.memref_squeeze %dma_wait3A_214 : memref<1x128xi32, #tpu.memory_space<vmem>> -> memref<128xi32, #tpu.memory_space<vmem>>
        %dma_wait3A_216 = arith.constant 0 : i32
        %dma_wait3A_217 = arith.constant 0 : i32
        %dma_wait3A_218 = tpu.memref_slice %arg14[%dma_wait3A_216, %dma_wait3A_217] : memref<10240x32xf32, #tpu.memory_space<vmem_shared>> -> memref<10240x32xf32, #tpu.memory_space<vmem_shared>>
        tpu.wait_indirect_dma semaphore(%run_scoped3A_198 : memref<!tpu.dma_semaphore, #tpu.memory_space<semaphore_mem>>) src(%dma_wait3A_212 : memref<128x32xf32, #tpu.memory_space<vmem>>) dst(%dma_wait3A_218 : memref<10240x32xf32, #tpu.memory_space<vmem_shared>>)
        tpu.yield
      }) : () -> ()
    }
    %scan3A_40 = arith.constant 80 : i32
    %dma_start3A_41 = arith.constant 0 : i32
    %dma_start3A_42 = arith.constant 0 : i32
    %dma_start3A_43 = arith.constant 0 : i32
    %dma_start3A_44 = arith.constant 0 : i32
    %dma_start3A_45 = tpu.memref_slice %arg12[%dma_start3A_42, %dma_start3A_43, %dma_start3A_44] : memref<4x128x32xf32, #tpu.memory_space<vmem>> -> memref<1x128x32xf32, #tpu.memory_space<vmem>>
    %dma_start3A_46 = tpu.memref_squeeze %dma_start3A_45 : memref<1x128x32xf32, #tpu.memory_space<vmem>> -> memref<128x32xf32, #tpu.memory_space<vmem>>
    %dma_start3A_47 = arith.constant 0 : i32
    %dma_start3A_48 = tpu.memref_slice %arg10[%dma_start3A_41, %dma_start3A_47] : memref<80x128xi32, #tpu.memory_space<vmem>> -> memref<1x128xi32, #tpu.memory_space<vmem>>
    %dma_start3A_49 = tpu.memref_squeeze %dma_start3A_48 : memref<1x128xi32, #tpu.memory_space<vmem>> -> memref<128xi32, #tpu.memory_space<vmem>>
    %dma_start3A_50 = arith.constant 0 : i32
    %dma_start3A_51 = arith.constant 0 : i32
    %dma_start3A_52 = tpu.memref_slice %arg3[%dma_start3A_50, %dma_start3A_51] : memref<10240x32xf32, #tpu.memory_space<hbm>> -> memref<10240x32xf32, #tpu.memory_space<hbm>>
    tpu.enqueue_indirect_dma source(%dma_start3A_52 : memref<10240x32xf32, #tpu.memory_space<hbm>>) target(%dma_start3A_46 : memref<128x32xf32, #tpu.memory_space<vmem>>) offsets(%dma_start3A_49 : memref<128xi32, #tpu.memory_space<vmem>>) semaphore(%arg15 : memref<!tpu.dma_semaphore, #tpu.memory_space<semaphore_mem>>)
    %dma_start3A_53 = arith.constant 1 : i32
    %dma_start3A_54 = arith.constant 1 : i32
    %dma_start3A_55 = arith.constant 0 : i32
    %dma_start3A_56 = arith.constant 0 : i32
    %dma_start3A_57 = tpu.memref_slice %arg12[%dma_start3A_54, %dma_start3A_55, %dma_start3A_56] : memref<4x128x32xf32, #tpu.memory_space<vmem>> -> memref<1x128x32xf32, #tpu.memory_space<vmem>>
    %dma_start3A_58 = tpu.memref_squeeze %dma_start3A_57 : memref<1x128x32xf32, #tpu.memory_space<vmem>> -> memref<128x32xf32, #tpu.memory_space<vmem>>
    %dma_start3A_59 = arith.constant 0 : i32
    %dma_start3A_60 = tpu.memref_slice %arg10[%dma_start3A_53, %dma_start3A_59] : memref<80x128xi32, #tpu.memory_space<vmem>> -> memref<1x128xi32, #tpu.memory_space<vmem>>
    %dma_start3A_61 = tpu.memref_squeeze %dma_start3A_60 : memref<1x128xi32, #tpu.memory_space<vmem>> -> memref<128xi32, #tpu.memory_space<vmem>>
    %dma_start3A_62 = arith.constant 0 : i32
    %dma_start3A_63 = arith.constant 0 : i32
    %dma_start3A_64 = tpu.memref_slice %arg3[%dma_start3A_62, %dma_start3A_63] : memref<10240x32xf32, #tpu.memory_space<hbm>> -> memref<10240x32xf32, #tpu.memory_space<hbm>>
    tpu.enqueue_indirect_dma source(%dma_start3A_64 : memref<10240x32xf32, #tpu.memory_space<hbm>>) target(%dma_start3A_58 : memref<128x32xf32, #tpu.memory_space<vmem>>) offsets(%dma_start3A_61 : memref<128xi32, #tpu.memory_space<vmem>>) semaphore(%arg15 : memref<!tpu.dma_semaphore, #tpu.memory_space<semaphore_mem>>)
    %dma_start3A_65 = arith.constant 2 : i32
    %dma_start3A_66 = arith.constant 2 : i32
    %dma_start3A_67 = arith.constant 0 : i32
    %dma_start3A_68 = arith.constant 0 : i32
    %dma_start3A_69 = tpu.memref_slice %arg12[%dma_start3A_66, %dma_start3A_67, %dma_start3A_68] : memref<4x128x32xf32, #tpu.memory_space<vmem>> -> memref<1x128x32xf32, #tpu.memory_space<vmem>>
    %dma_start3A_70 = tpu.memref_squeeze %dma_start3A_69 : memref<1x128x32xf32, #tpu.memory_space<vmem>> -> memref<128x32xf32, #tpu.memory_space<vmem>>
    %dma_start3A_71 = arith.constant 0 : i32
    %dma_start3A_72 = tpu.memref_slice %arg10[%dma_start3A_65, %dma_start3A_71] : memref<80x128xi32, #tpu.memory_space<vmem>> -> memref<1x128xi32, #tpu.memory_space<vmem>>
    %dma_start3A_73 = tpu.memref_squeeze %dma_start3A_72 : memref<1x128xi32, #tpu.memory_space<vmem>> -> memref<128xi32, #tpu.memory_space<vmem>>
    %dma_start3A_74 = arith.constant 0 : i32
    %dma_start3A_75 = arith.constant 0 : i32
    %dma_start3A_76 = tpu.memref_slice %arg3[%dma_start3A_74, %dma_start3A_75] : memref<10240x32xf32, #tpu.memory_space<hbm>> -> memref<10240x32xf32, #tpu.memory_space<hbm>>
    tpu.enqueue_indirect_dma source(%dma_start3A_76 : memref<10240x32xf32, #tpu.memory_space<hbm>>) target(%dma_start3A_70 : memref<128x32xf32, #tpu.memory_space<vmem>>) offsets(%dma_start3A_73 : memref<128xi32, #tpu.memory_space<vmem>>) semaphore(%arg15 : memref<!tpu.dma_semaphore, #tpu.memory_space<semaphore_mem>>)
    %barrier3A_77 = arith.constant 0 : index
    tpu.barrier barrier_id(%barrier3A_77)
    %run_scoped3A = arith.constant 0 : i32
    "tpu.region"() ({
      %run_scoped3A_177 = tpu.sem_alloc : memref<!tpu.dma_semaphore, #tpu.memory_space<semaphore_mem>>
      %dma_start3A_178 = arith.constant 0 : i32
      %dma_start3A_179 = tpu.memref_slice %arg9[%arg0, %run_scoped3A, %mul3A_0, %dma_start3A_178] : memref<2x4x10240x32xf32, #tpu.memory_space<hbm>> -> memref<1x1x640x32xf32, #tpu.memory_space<hbm>>
      %dma_start3A_180 = tpu.memref_squeeze %dma_start3A_179 : memref<1x1x640x32xf32, #tpu.memory_space<hbm>> -> memref<640x32xf32, #tpu.memory_space<hbm>>
      %dma_start3A_181 = arith.constant 0 : i32
      %dma_start3A_182 = tpu.memref_slice %arg14[%mul3A_0, %dma_start3A_181] : memref<10240x32xf32, #tpu.memory_space<vmem_shared>> -> memref<640x32xf32, #tpu.memory_space<vmem_shared>>
      tpu.enqueue_dma source(%dma_start3A_182 : memref<640x32xf32, #tpu.memory_space<vmem_shared>>) target(%dma_start3A_180 : memref<640x32xf32, #tpu.memory_space<hbm>>) target_semaphore(%run_scoped3A_177 : memref<!tpu.dma_semaphore, #tpu.memory_space<semaphore_mem>>)
      %dma_wait3A = arith.constant 0 : i32
      %dma_wait3A_183 = tpu.memref_slice %arg9[%arg0, %run_scoped3A, %mul3A_0, %dma_wait3A] : memref<2x4x10240x32xf32, #tpu.memory_space<hbm>> -> memref<1x1x640x32xf32, #tpu.memory_space<hbm>>
      %dma_wait3A_184 = tpu.memref_squeeze %dma_wait3A_183 : memref<1x1x640x32xf32, #tpu.memory_space<hbm>> -> memref<640x32xf32, #tpu.memory_space<hbm>>
      %dma_wait3A_185 = arith.constant 0 : i32
      %dma_wait3A_186 = tpu.memref_slice %arg14[%mul3A_0, %dma_wait3A_185] : memref<10240x32xf32, #tpu.memory_space<vmem_shared>> -> memref<640x32xf32, #tpu.memory_space<vmem_shared>>
      tpu.wait_dma2 semaphore(%run_scoped3A_177 : memref<!tpu.dma_semaphore, #tpu.memory_space<semaphore_mem>>) src(%dma_wait3A_186 : memref<640x32xf32, #tpu.memory_space<vmem_shared>>) dst(%dma_wait3A_184 : memref<640x32xf32, #tpu.memory_space<hbm>>)
      tpu.yield
    }) : () -> ()
    "tpu.region"() ({
      %run_scoped3A_177 = tpu.sem_alloc : memref<!tpu.dma_semaphore, #tpu.memory_space<semaphore_mem>>
      %dma_start3A_178 = arith.constant 0 : i32
      %dma_start3A_179 = tpu.memref_slice %arg14[%mul3A_0, %dma_start3A_178] : memref<10240x32xf32, #tpu.memory_space<vmem_shared>> -> memref<640x32xf32, #tpu.memory_space<vmem_shared>>
      %dma_start3A_180 = arith.constant 0 : i32
      %dma_start3A_181 = tpu.memref_slice %arg14[%mul3A_0, %dma_start3A_180] : memref<10240x32xf32, #tpu.memory_space<vmem_shared>> -> memref<640x32xf32, #tpu.memory_space<vmem_shared>>
      tpu.enqueue_dma source(%arg13 : memref<640x32xf32, #tpu.memory_space<vmem>>) target(%dma_start3A_181 : memref<640x32xf32, #tpu.memory_space<vmem_shared>>) target_semaphore(%run_scoped3A_177 : memref<!tpu.dma_semaphore, #tpu.memory_space<semaphore_mem>>)
      %dma_wait3A = arith.constant 0 : i32
      %dma_wait3A_182 = tpu.memref_slice %arg14[%mul3A_0, %dma_wait3A] : memref<10240x32xf32, #tpu.memory_space<vmem_shared>> -> memref<640x32xf32, #tpu.memory_space<vmem_shared>>
      %dma_wait3A_183 = arith.constant 0 : i32
      %dma_wait3A_184 = tpu.memref_slice %arg14[%mul3A_0, %dma_wait3A_183] : memref<10240x32xf32, #tpu.memory_space<vmem_shared>> -> memref<640x32xf32, #tpu.memory_space<vmem_shared>>
      tpu.wait_dma2 semaphore(%run_scoped3A_177 : memref<!tpu.dma_semaphore, #tpu.memory_space<semaphore_mem>>) src(%arg13 : memref<640x32xf32, #tpu.memory_space<vmem>>) dst(%dma_wait3A_184 : memref<640x32xf32, #tpu.memory_space<vmem_shared>>)
      tpu.yield
    }) : () -> ()
    %barrier3A_78 = arith.constant 0 : index
    tpu.barrier barrier_id(%barrier3A_78)
    %scan3A_79 = arith.constant 0 : i32
    %scan3A_80 = arith.constant 0 : i32
    %scan3A_81 = arith.constant 80 : i32
    %scan3A_82 = arith.addi %scan3A_80, %scan3A_81 : i32
    %scan3A_83 = arith.constant 1 : i32
    scf.for %scan3A_177 = %scan3A_80 to %scan3A_82 step %scan3A_83  : i32 {
      %rem3A = arith.constant 4 : i32
      %rem3A_178 = arith.remsi %scan3A_177, %rem3A : i32
      %add3A = arith.constant 4 : i32
      %add3A_179 = arith.addi %scan3A_177, %add3A : i32
      %sub3A = arith.constant 1 : i32
      %sub3A_180 = arith.subi %add3A_179, %sub3A : i32
      %rem3A_181 = arith.constant 4 : i32
      %rem3A_182 = arith.remsi %sub3A_180, %rem3A_181 : i32
      %add3A_183 = arith.constant 4 : i32
      %add3A_184 = arith.addi %scan3A_177, %add3A_183 : i32
      %sub3A_185 = arith.constant 1 : i32
      %sub3A_186 = arith.subi %add3A_184, %sub3A_185 : i32
      %lt3A = arith.constant 80 : i32
      %lt3A_187 = arith.cmpi slt, %sub3A_186, %lt3A : i32
      %convert_element_type3A = arith.extui %lt3A_187 : i1 to i32
      %cond3A = arith.constant 0 : i32
      %cond3A_188 = arith.cmpi ne, %convert_element_type3A, %cond3A : i32
      scf.if %cond3A_188 {
        %add3A_198 = arith.constant 4 : i32
        %add3A_199 = arith.addi %scan3A_177, %add3A_198 : i32
        %sub3A_200 = arith.constant 1 : i32
        %sub3A_201 = arith.subi %add3A_199, %sub3A_200 : i32
        %dma_start3A_202 = arith.constant 0 : i32
        %dma_start3A_203 = arith.constant 0 : i32
        %dma_start3A_204 = tpu.memref_slice %arg12[%rem3A_182, %dma_start3A_202, %dma_start3A_203] : memref<4x128x32xf32, #tpu.memory_space<vmem>> -> memref<1x128x32xf32, #tpu.memory_space<vmem>>
        %dma_start3A_205 = tpu.memref_squeeze %dma_start3A_204 : memref<1x128x32xf32, #tpu.memory_space<vmem>> -> memref<128x32xf32, #tpu.memory_space<vmem>>
        %dma_start3A_206 = arith.constant 0 : i32
        %dma_start3A_207 = tpu.memref_slice %arg10[%sub3A_201, %dma_start3A_206] : memref<80x128xi32, #tpu.memory_space<vmem>> -> memref<1x128xi32, #tpu.memory_space<vmem>>
        %dma_start3A_208 = tpu.memref_squeeze %dma_start3A_207 : memref<1x128xi32, #tpu.memory_space<vmem>> -> memref<128xi32, #tpu.memory_space<vmem>>
        %dma_start3A_209 = arith.constant 0 : i32
        %dma_start3A_210 = arith.constant 0 : i32
        %dma_start3A_211 = tpu.memref_slice %arg3[%dma_start3A_209, %dma_start3A_210] : memref<10240x32xf32, #tpu.memory_space<hbm>> -> memref<10240x32xf32, #tpu.memory_space<hbm>>
        tpu.enqueue_indirect_dma source(%dma_start3A_211 : memref<10240x32xf32, #tpu.memory_space<hbm>>) target(%dma_start3A_205 : memref<128x32xf32, #tpu.memory_space<vmem>>) offsets(%dma_start3A_208 : memref<128xi32, #tpu.memory_space<vmem>>) semaphore(%arg15 : memref<!tpu.dma_semaphore, #tpu.memory_space<semaphore_mem>>)
      } else {
      }
      %dma_wait3A = arith.constant 0 : i32
      %dma_wait3A_189 = arith.constant 0 : i32
      %dma_wait3A_190 = tpu.memref_slice %arg12[%rem3A_178, %dma_wait3A, %dma_wait3A_189] : memref<4x128x32xf32, #tpu.memory_space<vmem>> -> memref<1x128x32xf32, #tpu.memory_space<vmem>>
      %dma_wait3A_191 = tpu.memref_squeeze %dma_wait3A_190 : memref<1x128x32xf32, #tpu.memory_space<vmem>> -> memref<128x32xf32, #tpu.memory_space<vmem>>
      %dma_wait3A_192 = arith.constant 0 : i32
      %dma_wait3A_193 = tpu.memref_slice %arg10[%scan3A_177, %dma_wait3A_192] : memref<80x128xi32, #tpu.memory_space<vmem>> -> memref<1x128xi32, #tpu.memory_space<vmem>>
      %dma_wait3A_194 = tpu.memref_squeeze %dma_wait3A_193 : memref<1x128xi32, #tpu.memory_space<vmem>> -> memref<128xi32, #tpu.memory_space<vmem>>
      %dma_wait3A_195 = arith.constant 0 : i32
      %dma_wait3A_196 = arith.constant 0 : i32
      %dma_wait3A_197 = tpu.memref_slice %arg3[%dma_wait3A_195, %dma_wait3A_196] : memref<10240x32xf32, #tpu.memory_space<hbm>> -> memref<10240x32xf32, #tpu.memory_space<hbm>>
      tpu.wait_indirect_dma semaphore(%arg15 : memref<!tpu.dma_semaphore, #tpu.memory_space<semaphore_mem>>) src(%dma_wait3A_197 : memref<10240x32xf32, #tpu.memory_space<hbm>>) dst(%dma_wait3A_191 : memref<128x32xf32, #tpu.memory_space<vmem>>)
      "tpu.region"() ({
        %run_scoped3A_198 = tpu.sem_alloc : memref<!tpu.dma_semaphore, #tpu.memory_space<semaphore_mem>>
        %dma_start3A_199 = arith.constant 0 : i32
        %dma_start3A_200 = arith.constant 0 : i32
        %dma_start3A_201 = tpu.memref_slice %arg12[%rem3A_178, %dma_start3A_199, %dma_start3A_200] : memref<4x128x32xf32, #tpu.memory_space<vmem>> -> memref<1x128x32xf32, #tpu.memory_space<vmem>>
        %dma_start3A_202 = tpu.memref_squeeze %dma_start3A_201 : memref<1x128x32xf32, #tpu.memory_space<vmem>> -> memref<128x32xf32, #tpu.memory_space<vmem>>
        %dma_start3A_203 = arith.constant 0 : i32
        %dma_start3A_204 = tpu.memref_slice %arg11[%scan3A_177, %dma_start3A_203] : memref<80x128xi32, #tpu.memory_space<vmem>> -> memref<1x128xi32, #tpu.memory_space<vmem>>
        %dma_start3A_205 = tpu.memref_squeeze %dma_start3A_204 : memref<1x128xi32, #tpu.memory_space<vmem>> -> memref<128xi32, #tpu.memory_space<vmem>>
        %dma_start3A_206 = arith.constant 0 : i32
        %dma_start3A_207 = arith.constant 0 : i32
        %dma_start3A_208 = tpu.memref_slice %arg14[%dma_start3A_206, %dma_start3A_207] : memref<10240x32xf32, #tpu.memory_space<vmem_shared>> -> memref<10240x32xf32, #tpu.memory_space<vmem_shared>>
        tpu.enqueue_indirect_dma source(%dma_start3A_202 : memref<128x32xf32, #tpu.memory_space<vmem>>) target(%dma_start3A_208 : memref<10240x32xf32, #tpu.memory_space<vmem_shared>>) offsets(%dma_start3A_205 : memref<128xi32, #tpu.memory_space<vmem>>) semaphore(%run_scoped3A_198 : memref<!tpu.dma_semaphore, #tpu.memory_space<semaphore_mem>>) {add = true}
        %dma_wait3A_209 = arith.constant 0 : i32
        %dma_wait3A_210 = arith.constant 0 : i32
        %dma_wait3A_211 = tpu.memref_slice %arg12[%rem3A_178, %dma_wait3A_209, %dma_wait3A_210] : memref<4x128x32xf32, #tpu.memory_space<vmem>> -> memref<1x128x32xf32, #tpu.memory_space<vmem>>
        %dma_wait3A_212 = tpu.memref_squeeze %dma_wait3A_211 : memref<1x128x32xf32, #tpu.memory_space<vmem>> -> memref<128x32xf32, #tpu.memory_space<vmem>>
        %dma_wait3A_213 = arith.constant 0 : i32
        %dma_wait3A_214 = tpu.memref_slice %arg11[%scan3A_177, %dma_wait3A_213] : memref<80x128xi32, #tpu.memory_space<vmem>> -> memref<1x128xi32, #tpu.memory_space<vmem>>
        %dma_wait3A_215 = tpu.memref_squeeze %dma_wait3A_214 : memref<1x128xi32, #tpu.memory_space<vmem>> -> memref<128xi32, #tpu.memory_space<vmem>>
        %dma_wait3A_216 = arith.constant 0 : i32
        %dma_wait3A_217 = arith.constant 0 : i32
        %dma_wait3A_218 = tpu.memref_slice %arg14[%dma_wait3A_216, %dma_wait3A_217] : memref<10240x32xf32, #tpu.memory_space<vmem_shared>> -> memref<10240x32xf32, #tpu.memory_space<vmem_shared>>
        tpu.wait_indirect_dma semaphore(%run_scoped3A_198 : memref<!tpu.dma_semaphore, #tpu.memory_space<semaphore_mem>>) src(%dma_wait3A_212 : memref<128x32xf32, #tpu.memory_space<vmem>>) dst(%dma_wait3A_218 : memref<10240x32xf32, #tpu.memory_space<vmem_shared>>)
        tpu.yield
      }) : () -> ()
    }
    %scan3A_84 = arith.constant 80 : i32
    %dma_start3A_85 = arith.constant 0 : i32
    %dma_start3A_86 = arith.constant 0 : i32
    %dma_start3A_87 = arith.constant 0 : i32
    %dma_start3A_88 = arith.constant 0 : i32
    %dma_start3A_89 = tpu.memref_slice %arg12[%dma_start3A_86, %dma_start3A_87, %dma_start3A_88] : memref<4x128x32xf32, #tpu.memory_space<vmem>> -> memref<1x128x32xf32, #tpu.memory_space<vmem>>
    %dma_start3A_90 = tpu.memref_squeeze %dma_start3A_89 : memref<1x128x32xf32, #tpu.memory_space<vmem>> -> memref<128x32xf32, #tpu.memory_space<vmem>>
    %dma_start3A_91 = arith.constant 0 : i32
    %dma_start3A_92 = tpu.memref_slice %arg10[%dma_start3A_85, %dma_start3A_91] : memref<80x128xi32, #tpu.memory_space<vmem>> -> memref<1x128xi32, #tpu.memory_space<vmem>>
    %dma_start3A_93 = tpu.memref_squeeze %dma_start3A_92 : memref<1x128xi32, #tpu.memory_space<vmem>> -> memref<128xi32, #tpu.memory_space<vmem>>
    %dma_start3A_94 = arith.constant 0 : i32
    %dma_start3A_95 = arith.constant 0 : i32
    %dma_start3A_96 = tpu.memref_slice %arg4[%dma_start3A_94, %dma_start3A_95] : memref<10240x32xf32, #tpu.memory_space<hbm>> -> memref<10240x32xf32, #tpu.memory_space<hbm>>
    tpu.enqueue_indirect_dma source(%dma_start3A_96 : memref<10240x32xf32, #tpu.memory_space<hbm>>) target(%dma_start3A_90 : memref<128x32xf32, #tpu.memory_space<vmem>>) offsets(%dma_start3A_93 : memref<128xi32, #tpu.memory_space<vmem>>) semaphore(%arg15 : memref<!tpu.dma_semaphore, #tpu.memory_space<semaphore_mem>>)
    %dma_start3A_97 = arith.constant 1 : i32
    %dma_start3A_98 = arith.constant 1 : i32
    %dma_start3A_99 = arith.constant 0 : i32
    %dma_start3A_100 = arith.constant 0 : i32
    %dma_start3A_101 = tpu.memref_slice %arg12[%dma_start3A_98, %dma_start3A_99, %dma_start3A_100] : memref<4x128x32xf32, #tpu.memory_space<vmem>> -> memref<1x128x32xf32, #tpu.memory_space<vmem>>
    %dma_start3A_102 = tpu.memref_squeeze %dma_start3A_101 : memref<1x128x32xf32, #tpu.memory_space<vmem>> -> memref<128x32xf32, #tpu.memory_space<vmem>>
    %dma_start3A_103 = arith.constant 0 : i32
    %dma_start3A_104 = tpu.memref_slice %arg10[%dma_start3A_97, %dma_start3A_103] : memref<80x128xi32, #tpu.memory_space<vmem>> -> memref<1x128xi32, #tpu.memory_space<vmem>>
    %dma_start3A_105 = tpu.memref_squeeze %dma_start3A_104 : memref<1x128xi32, #tpu.memory_space<vmem>> -> memref<128xi32, #tpu.memory_space<vmem>>
    %dma_start3A_106 = arith.constant 0 : i32
    %dma_start3A_107 = arith.constant 0 : i32
    %dma_start3A_108 = tpu.memref_slice %arg4[%dma_start3A_106, %dma_start3A_107] : memref<10240x32xf32, #tpu.memory_space<hbm>> -> memref<10240x32xf32, #tpu.memory_space<hbm>>
    tpu.enqueue_indirect_dma source(%dma_start3A_108 : memref<10240x32xf32, #tpu.memory_space<hbm>>) target(%dma_start3A_102 : memref<128x32xf32, #tpu.memory_space<vmem>>) offsets(%dma_start3A_105 : memref<128xi32, #tpu.memory_space<vmem>>) semaphore(%arg15 : memref<!tpu.dma_semaphore, #tpu.memory_space<semaphore_mem>>)
    %dma_start3A_109 = arith.constant 2 : i32
    %dma_start3A_110 = arith.constant 2 : i32
    %dma_start3A_111 = arith.constant 0 : i32
    %dma_start3A_112 = arith.constant 0 : i32
    %dma_start3A_113 = tpu.memref_slice %arg12[%dma_start3A_110, %dma_start3A_111, %dma_start3A_112] : memref<4x128x32xf32, #tpu.memory_space<vmem>> -> memref<1x128x32xf32, #tpu.memory_space<vmem>>
    %dma_start3A_114 = tpu.memref_squeeze %dma_start3A_113 : memref<1x128x32xf32, #tpu.memory_space<vmem>> -> memref<128x32xf32, #tpu.memory_space<vmem>>
    %dma_start3A_115 = arith.constant 0 : i32
    %dma_start3A_116 = tpu.memref_slice %arg10[%dma_start3A_109, %dma_start3A_115] : memref<80x128xi32, #tpu.memory_space<vmem>> -> memref<1x128xi32, #tpu.memory_space<vmem>>
    %dma_start3A_117 = tpu.memref_squeeze %dma_start3A_116 : memref<1x128xi32, #tpu.memory_space<vmem>> -> memref<128xi32, #tpu.memory_space<vmem>>
    %dma_start3A_118 = arith.constant 0 : i32
    %dma_start3A_119 = arith.constant 0 : i32
    %dma_start3A_120 = tpu.memref_slice %arg4[%dma_start3A_118, %dma_start3A_119] : memref<10240x32xf32, #tpu.memory_space<hbm>> -> memref<10240x32xf32, #tpu.memory_space<hbm>>
    tpu.enqueue_indirect_dma source(%dma_start3A_120 : memref<10240x32xf32, #tpu.memory_space<hbm>>) target(%dma_start3A_114 : memref<128x32xf32, #tpu.memory_space<vmem>>) offsets(%dma_start3A_117 : memref<128xi32, #tpu.memory_space<vmem>>) semaphore(%arg15 : memref<!tpu.dma_semaphore, #tpu.memory_space<semaphore_mem>>)
    %barrier3A_121 = arith.constant 0 : index
    tpu.barrier barrier_id(%barrier3A_121)
    %run_scoped3A_122 = arith.constant 1 : i32
    "tpu.region"() ({
      %run_scoped3A_177 = tpu.sem_alloc : memref<!tpu.dma_semaphore, #tpu.memory_space<semaphore_mem>>
      %dma_start3A_178 = arith.constant 0 : i32
      %dma_start3A_179 = tpu.memref_slice %arg9[%arg0, %run_scoped3A_122, %mul3A_0, %dma_start3A_178] : memref<2x4x10240x32xf32, #tpu.memory_space<hbm>> -> memref<1x1x640x32xf32, #tpu.memory_space<hbm>>
      %dma_start3A_180 = tpu.memref_squeeze %dma_start3A_179 : memref<1x1x640x32xf32, #tpu.memory_space<hbm>> -> memref<640x32xf32, #tpu.memory_space<hbm>>
      %dma_start3A_181 = arith.constant 0 : i32
      %dma_start3A_182 = tpu.memref_slice %arg14[%mul3A_0, %dma_start3A_181] : memref<10240x32xf32, #tpu.memory_space<vmem_shared>> -> memref<640x32xf32, #tpu.memory_space<vmem_shared>>
      tpu.enqueue_dma source(%dma_start3A_182 : memref<640x32xf32, #tpu.memory_space<vmem_shared>>) target(%dma_start3A_180 : memref<640x32xf32, #tpu.memory_space<hbm>>) target_semaphore(%run_scoped3A_177 : memref<!tpu.dma_semaphore, #tpu.memory_space<semaphore_mem>>)
      %dma_wait3A = arith.constant 0 : i32
      %dma_wait3A_183 = tpu.memref_slice %arg9[%arg0, %run_scoped3A_122, %mul3A_0, %dma_wait3A] : memref<2x4x10240x32xf32, #tpu.memory_space<hbm>> -> memref<1x1x640x32xf32, #tpu.memory_space<hbm>>
      %dma_wait3A_184 = tpu.memref_squeeze %dma_wait3A_183 : memref<1x1x640x32xf32, #tpu.memory_space<hbm>> -> memref<640x32xf32, #tpu.memory_space<hbm>>
      %dma_wait3A_185 = arith.constant 0 : i32
      %dma_wait3A_186 = tpu.memref_slice %arg14[%mul3A_0, %dma_wait3A_185] : memref<10240x32xf32, #tpu.memory_space<vmem_shared>> -> memref<640x32xf32, #tpu.memory_space<vmem_shared>>
      tpu.wait_dma2 semaphore(%run_scoped3A_177 : memref<!tpu.dma_semaphore, #tpu.memory_space<semaphore_mem>>) src(%dma_wait3A_186 : memref<640x32xf32, #tpu.memory_space<vmem_shared>>) dst(%dma_wait3A_184 : memref<640x32xf32, #tpu.memory_space<hbm>>)
      tpu.yield
    }) : () -> ()
    "tpu.region"() ({
      %run_scoped3A_177 = tpu.sem_alloc : memref<!tpu.dma_semaphore, #tpu.memory_space<semaphore_mem>>
      %dma_start3A_178 = arith.constant 0 : i32
      %dma_start3A_179 = tpu.memref_slice %arg14[%mul3A_0, %dma_start3A_178] : memref<10240x32xf32, #tpu.memory_space<vmem_shared>> -> memref<640x32xf32, #tpu.memory_space<vmem_shared>>
      %dma_start3A_180 = arith.constant 0 : i32
      %dma_start3A_181 = tpu.memref_slice %arg14[%mul3A_0, %dma_start3A_180] : memref<10240x32xf32, #tpu.memory_space<vmem_shared>> -> memref<640x32xf32, #tpu.memory_space<vmem_shared>>
      tpu.enqueue_dma source(%arg13 : memref<640x32xf32, #tpu.memory_space<vmem>>) target(%dma_start3A_181 : memref<640x32xf32, #tpu.memory_space<vmem_shared>>) target_semaphore(%run_scoped3A_177 : memref<!tpu.dma_semaphore, #tpu.memory_space<semaphore_mem>>)
      %dma_wait3A = arith.constant 0 : i32
      %dma_wait3A_182 = tpu.memref_slice %arg14[%mul3A_0, %dma_wait3A] : memref<10240x32xf32, #tpu.memory_space<vmem_shared>> -> memref<640x32xf32, #tpu.memory_space<vmem_shared>>
      %dma_wait3A_183 = arith.constant 0 : i32
      %dma_wait3A_184 = tpu.memref_slice %arg14[%mul3A_0, %dma_wait3A_183] : memref<10240x32xf32, #tpu.memory_space<vmem_shared>> -> memref<640x32xf32, #tpu.memory_space<vmem_shared>>
      tpu.wait_dma2 semaphore(%run_scoped3A_177 : memref<!tpu.dma_semaphore, #tpu.memory_space<semaphore_mem>>) src(%arg13 : memref<640x32xf32, #tpu.memory_space<vmem>>) dst(%dma_wait3A_184 : memref<640x32xf32, #tpu.memory_space<vmem_shared>>)
      tpu.yield
    }) : () -> ()
    %barrier3A_123 = arith.constant 0 : index
    tpu.barrier barrier_id(%barrier3A_123)
    %scan3A_124 = arith.constant 0 : i32
    %scan3A_125 = arith.constant 0 : i32
    %scan3A_126 = arith.constant 80 : i32
    %scan3A_127 = arith.addi %scan3A_125, %scan3A_126 : i32
    %scan3A_128 = arith.constant 1 : i32
    scf.for %scan3A_177 = %scan3A_125 to %scan3A_127 step %scan3A_128  : i32 {
      %rem3A = arith.constant 4 : i32
      %rem3A_178 = arith.remsi %scan3A_177, %rem3A : i32
      %add3A = arith.constant 4 : i32
      %add3A_179 = arith.addi %scan3A_177, %add3A : i32
      %sub3A = arith.constant 1 : i32
      %sub3A_180 = arith.subi %add3A_179, %sub3A : i32
      %rem3A_181 = arith.constant 4 : i32
      %rem3A_182 = arith.remsi %sub3A_180, %rem3A_181 : i32
      %add3A_183 = arith.constant 4 : i32
      %add3A_184 = arith.addi %scan3A_177, %add3A_183 : i32
      %sub3A_185 = arith.constant 1 : i32
      %sub3A_186 = arith.subi %add3A_184, %sub3A_185 : i32
      %lt3A = arith.constant 80 : i32
      %lt3A_187 = arith.cmpi slt, %sub3A_186, %lt3A : i32
      %convert_element_type3A = arith.extui %lt3A_187 : i1 to i32
      %cond3A = arith.constant 0 : i32
      %cond3A_188 = arith.cmpi ne, %convert_element_type3A, %cond3A : i32
      scf.if %cond3A_188 {
        %add3A_198 = arith.constant 4 : i32
        %add3A_199 = arith.addi %scan3A_177, %add3A_198 : i32
        %sub3A_200 = arith.constant 1 : i32
        %sub3A_201 = arith.subi %add3A_199, %sub3A_200 : i32
        %dma_start3A_202 = arith.constant 0 : i32
        %dma_start3A_203 = arith.constant 0 : i32
        %dma_start3A_204 = tpu.memref_slice %arg12[%rem3A_182, %dma_start3A_202, %dma_start3A_203] : memref<4x128x32xf32, #tpu.memory_space<vmem>> -> memref<1x128x32xf32, #tpu.memory_space<vmem>>
        %dma_start3A_205 = tpu.memref_squeeze %dma_start3A_204 : memref<1x128x32xf32, #tpu.memory_space<vmem>> -> memref<128x32xf32, #tpu.memory_space<vmem>>
        %dma_start3A_206 = arith.constant 0 : i32
        %dma_start3A_207 = tpu.memref_slice %arg10[%sub3A_201, %dma_start3A_206] : memref<80x128xi32, #tpu.memory_space<vmem>> -> memref<1x128xi32, #tpu.memory_space<vmem>>
        %dma_start3A_208 = tpu.memref_squeeze %dma_start3A_207 : memref<1x128xi32, #tpu.memory_space<vmem>> -> memref<128xi32, #tpu.memory_space<vmem>>
        %dma_start3A_209 = arith.constant 0 : i32
        %dma_start3A_210 = arith.constant 0 : i32
        %dma_start3A_211 = tpu.memref_slice %arg4[%dma_start3A_209, %dma_start3A_210] : memref<10240x32xf32, #tpu.memory_space<hbm>> -> memref<10240x32xf32, #tpu.memory_space<hbm>>
        tpu.enqueue_indirect_dma source(%dma_start3A_211 : memref<10240x32xf32, #tpu.memory_space<hbm>>) target(%dma_start3A_205 : memref<128x32xf32, #tpu.memory_space<vmem>>) offsets(%dma_start3A_208 : memref<128xi32, #tpu.memory_space<vmem>>) semaphore(%arg15 : memref<!tpu.dma_semaphore, #tpu.memory_space<semaphore_mem>>)
      } else {
      }
      %dma_wait3A = arith.constant 0 : i32
      %dma_wait3A_189 = arith.constant 0 : i32
      %dma_wait3A_190 = tpu.memref_slice %arg12[%rem3A_178, %dma_wait3A, %dma_wait3A_189] : memref<4x128x32xf32, #tpu.memory_space<vmem>> -> memref<1x128x32xf32, #tpu.memory_space<vmem>>
      %dma_wait3A_191 = tpu.memref_squeeze %dma_wait3A_190 : memref<1x128x32xf32, #tpu.memory_space<vmem>> -> memref<128x32xf32, #tpu.memory_space<vmem>>
      %dma_wait3A_192 = arith.constant 0 : i32
      %dma_wait3A_193 = tpu.memref_slice %arg10[%scan3A_177, %dma_wait3A_192] : memref<80x128xi32, #tpu.memory_space<vmem>> -> memref<1x128xi32, #tpu.memory_space<vmem>>
      %dma_wait3A_194 = tpu.memref_squeeze %dma_wait3A_193 : memref<1x128xi32, #tpu.memory_space<vmem>> -> memref<128xi32, #tpu.memory_space<vmem>>
      %dma_wait3A_195 = arith.constant 0 : i32
      %dma_wait3A_196 = arith.constant 0 : i32
      %dma_wait3A_197 = tpu.memref_slice %arg4[%dma_wait3A_195, %dma_wait3A_196] : memref<10240x32xf32, #tpu.memory_space<hbm>> -> memref<10240x32xf32, #tpu.memory_space<hbm>>
      tpu.wait_indirect_dma semaphore(%arg15 : memref<!tpu.dma_semaphore, #tpu.memory_space<semaphore_mem>>) src(%dma_wait3A_197 : memref<10240x32xf32, #tpu.memory_space<hbm>>) dst(%dma_wait3A_191 : memref<128x32xf32, #tpu.memory_space<vmem>>)
      "tpu.region"() ({
        %run_scoped3A_198 = tpu.sem_alloc : memref<!tpu.dma_semaphore, #tpu.memory_space<semaphore_mem>>
        %dma_start3A_199 = arith.constant 0 : i32
        %dma_start3A_200 = arith.constant 0 : i32
        %dma_start3A_201 = tpu.memref_slice %arg12[%rem3A_178, %dma_start3A_199, %dma_start3A_200] : memref<4x128x32xf32, #tpu.memory_space<vmem>> -> memref<1x128x32xf32, #tpu.memory_space<vmem>>
        %dma_start3A_202 = tpu.memref_squeeze %dma_start3A_201 : memref<1x128x32xf32, #tpu.memory_space<vmem>> -> memref<128x32xf32, #tpu.memory_space<vmem>>
        %dma_start3A_203 = arith.constant 0 : i32
        %dma_start3A_204 = tpu.memref_slice %arg11[%scan3A_177, %dma_start3A_203] : memref<80x128xi32, #tpu.memory_space<vmem>> -> memref<1x128xi32, #tpu.memory_space<vmem>>
        %dma_start3A_205 = tpu.memref_squeeze %dma_start3A_204 : memref<1x128xi32, #tpu.memory_space<vmem>> -> memref<128xi32, #tpu.memory_space<vmem>>
        %dma_start3A_206 = arith.constant 0 : i32
        %dma_start3A_207 = arith.constant 0 : i32
        %dma_start3A_208 = tpu.memref_slice %arg14[%dma_start3A_206, %dma_start3A_207] : memref<10240x32xf32, #tpu.memory_space<vmem_shared>> -> memref<10240x32xf32, #tpu.memory_space<vmem_shared>>
        tpu.enqueue_indirect_dma source(%dma_start3A_202 : memref<128x32xf32, #tpu.memory_space<vmem>>) target(%dma_start3A_208 : memref<10240x32xf32, #tpu.memory_space<vmem_shared>>) offsets(%dma_start3A_205 : memref<128xi32, #tpu.memory_space<vmem>>) semaphore(%run_scoped3A_198 : memref<!tpu.dma_semaphore, #tpu.memory_space<semaphore_mem>>) {add = true}
        %dma_wait3A_209 = arith.constant 0 : i32
        %dma_wait3A_210 = arith.constant 0 : i32
        %dma_wait3A_211 = tpu.memref_slice %arg12[%rem3A_178, %dma_wait3A_209, %dma_wait3A_210] : memref<4x128x32xf32, #tpu.memory_space<vmem>> -> memref<1x128x32xf32, #tpu.memory_space<vmem>>
        %dma_wait3A_212 = tpu.memref_squeeze %dma_wait3A_211 : memref<1x128x32xf32, #tpu.memory_space<vmem>> -> memref<128x32xf32, #tpu.memory_space<vmem>>
        %dma_wait3A_213 = arith.constant 0 : i32
        %dma_wait3A_214 = tpu.memref_slice %arg11[%scan3A_177, %dma_wait3A_213] : memref<80x128xi32, #tpu.memory_space<vmem>> -> memref<1x128xi32, #tpu.memory_space<vmem>>
        %dma_wait3A_215 = tpu.memref_squeeze %dma_wait3A_214 : memref<1x128xi32, #tpu.memory_space<vmem>> -> memref<128xi32, #tpu.memory_space<vmem>>
        %dma_wait3A_216 = arith.constant 0 : i32
        %dma_wait3A_217 = arith.constant 0 : i32
        %dma_wait3A_218 = tpu.memref_slice %arg14[%dma_wait3A_216, %dma_wait3A_217] : memref<10240x32xf32, #tpu.memory_space<vmem_shared>> -> memref<10240x32xf32, #tpu.memory_space<vmem_shared>>
        tpu.wait_indirect_dma semaphore(%run_scoped3A_198 : memref<!tpu.dma_semaphore, #tpu.memory_space<semaphore_mem>>) src(%dma_wait3A_212 : memref<128x32xf32, #tpu.memory_space<vmem>>) dst(%dma_wait3A_218 : memref<10240x32xf32, #tpu.memory_space<vmem_shared>>)
        tpu.yield
      }) : () -> ()
    }
    %scan3A_129 = arith.constant 80 : i32
    %dma_start3A_130 = arith.constant 0 : i32
    %dma_start3A_131 = arith.constant 0 : i32
    %dma_start3A_132 = arith.constant 0 : i32
    %dma_start3A_133 = arith.constant 0 : i32
    %dma_start3A_134 = tpu.memref_slice %arg12[%dma_start3A_131, %dma_start3A_132, %dma_start3A_133] : memref<4x128x32xf32, #tpu.memory_space<vmem>> -> memref<1x128x32xf32, #tpu.memory_space<vmem>>
    %dma_start3A_135 = tpu.memref_squeeze %dma_start3A_134 : memref<1x128x32xf32, #tpu.memory_space<vmem>> -> memref<128x32xf32, #tpu.memory_space<vmem>>
    %dma_start3A_136 = arith.constant 0 : i32
    %dma_start3A_137 = tpu.memref_slice %arg10[%dma_start3A_130, %dma_start3A_136] : memref<80x128xi32, #tpu.memory_space<vmem>> -> memref<1x128xi32, #tpu.memory_space<vmem>>
    %dma_start3A_138 = tpu.memref_squeeze %dma_start3A_137 : memref<1x128xi32, #tpu.memory_space<vmem>> -> memref<128xi32, #tpu.memory_space<vmem>>
    %dma_start3A_139 = arith.constant 0 : i32
    %dma_start3A_140 = arith.constant 0 : i32
    %dma_start3A_141 = tpu.memref_slice %arg5[%dma_start3A_139, %dma_start3A_140] : memref<10240x32xf32, #tpu.memory_space<hbm>> -> memref<10240x32xf32, #tpu.memory_space<hbm>>
    tpu.enqueue_indirect_dma source(%dma_start3A_141 : memref<10240x32xf32, #tpu.memory_space<hbm>>) target(%dma_start3A_135 : memref<128x32xf32, #tpu.memory_space<vmem>>) offsets(%dma_start3A_138 : memref<128xi32, #tpu.memory_space<vmem>>) semaphore(%arg15 : memref<!tpu.dma_semaphore, #tpu.memory_space<semaphore_mem>>)
    %dma_start3A_142 = arith.constant 1 : i32
    %dma_start3A_143 = arith.constant 1 : i32
    %dma_start3A_144 = arith.constant 0 : i32
    %dma_start3A_145 = arith.constant 0 : i32
    %dma_start3A_146 = tpu.memref_slice %arg12[%dma_start3A_143, %dma_start3A_144, %dma_start3A_145] : memref<4x128x32xf32, #tpu.memory_space<vmem>> -> memref<1x128x32xf32, #tpu.memory_space<vmem>>
    %dma_start3A_147 = tpu.memref_squeeze %dma_start3A_146 : memref<1x128x32xf32, #tpu.memory_space<vmem>> -> memref<128x32xf32, #tpu.memory_space<vmem>>
    %dma_start3A_148 = arith.constant 0 : i32
    %dma_start3A_149 = tpu.memref_slice %arg10[%dma_start3A_142, %dma_start3A_148] : memref<80x128xi32, #tpu.memory_space<vmem>> -> memref<1x128xi32, #tpu.memory_space<vmem>>
    %dma_start3A_150 = tpu.memref_squeeze %dma_start3A_149 : memref<1x128xi32, #tpu.memory_space<vmem>> -> memref<128xi32, #tpu.memory_space<vmem>>
    %dma_start3A_151 = arith.constant 0 : i32
    %dma_start3A_152 = arith.constant 0 : i32
    %dma_start3A_153 = tpu.memref_slice %arg5[%dma_start3A_151, %dma_start3A_152] : memref<10240x32xf32, #tpu.memory_space<hbm>> -> memref<10240x32xf32, #tpu.memory_space<hbm>>
    tpu.enqueue_indirect_dma source(%dma_start3A_153 : memref<10240x32xf32, #tpu.memory_space<hbm>>) target(%dma_start3A_147 : memref<128x32xf32, #tpu.memory_space<vmem>>) offsets(%dma_start3A_150 : memref<128xi32, #tpu.memory_space<vmem>>) semaphore(%arg15 : memref<!tpu.dma_semaphore, #tpu.memory_space<semaphore_mem>>)
    %dma_start3A_154 = arith.constant 2 : i32
    %dma_start3A_155 = arith.constant 2 : i32
    %dma_start3A_156 = arith.constant 0 : i32
    %dma_start3A_157 = arith.constant 0 : i32
    %dma_start3A_158 = tpu.memref_slice %arg12[%dma_start3A_155, %dma_start3A_156, %dma_start3A_157] : memref<4x128x32xf32, #tpu.memory_space<vmem>> -> memref<1x128x32xf32, #tpu.memory_space<vmem>>
    %dma_start3A_159 = tpu.memref_squeeze %dma_start3A_158 : memref<1x128x32xf32, #tpu.memory_space<vmem>> -> memref<128x32xf32, #tpu.memory_space<vmem>>
    %dma_start3A_160 = arith.constant 0 : i32
    %dma_start3A_161 = tpu.memref_slice %arg10[%dma_start3A_154, %dma_start3A_160] : memref<80x128xi32, #tpu.memory_space<vmem>> -> memref<1x128xi32, #tpu.memory_space<vmem>>
    %dma_start3A_162 = tpu.memref_squeeze %dma_start3A_161 : memref<1x128xi32, #tpu.memory_space<vmem>> -> memref<128xi32, #tpu.memory_space<vmem>>
    %dma_start3A_163 = arith.constant 0 : i32
    %dma_start3A_164 = arith.constant 0 : i32
    %dma_start3A_165 = tpu.memref_slice %arg5[%dma_start3A_163, %dma_start3A_164] : memref<10240x32xf32, #tpu.memory_space<hbm>> -> memref<10240x32xf32, #tpu.memory_space<hbm>>
    tpu.enqueue_indirect_dma source(%dma_start3A_165 : memref<10240x32xf32, #tpu.memory_space<hbm>>) target(%dma_start3A_159 : memref<128x32xf32, #tpu.memory_space<vmem>>) offsets(%dma_start3A_162 : memref<128xi32, #tpu.memory_space<vmem>>) semaphore(%arg15 : memref<!tpu.dma_semaphore, #tpu.memory_space<semaphore_mem>>)
    %barrier3A_166 = arith.constant 0 : index
    tpu.barrier barrier_id(%barrier3A_166)
    %run_scoped3A_167 = arith.constant 2 : i32
    "tpu.region"() ({
      %run_scoped3A_177 = tpu.sem_alloc : memref<!tpu.dma_semaphore, #tpu.memory_space<semaphore_mem>>
      %dma_start3A_178 = arith.constant 0 : i32
      %dma_start3A_179 = tpu.memref_slice %arg9[%arg0, %run_scoped3A_167, %mul3A_0, %dma_start3A_178] : memref<2x4x10240x32xf32, #tpu.memory_space<hbm>> -> memref<1x1x640x32xf32, #tpu.memory_space<hbm>>
      %dma_start3A_180 = tpu.memref_squeeze %dma_start3A_179 : memref<1x1x640x32xf32, #tpu.memory_space<hbm>> -> memref<640x32xf32, #tpu.memory_space<hbm>>
      %dma_start3A_181 = arith.constant 0 : i32
      %dma_start3A_182 = tpu.memref_slice %arg14[%mul3A_0, %dma_start3A_181] : memref<10240x32xf32, #tpu.memory_space<vmem_shared>> -> memref<640x32xf32, #tpu.memory_space<vmem_shared>>
      tpu.enqueue_dma source(%dma_start3A_182 : memref<640x32xf32, #tpu.memory_space<vmem_shared>>) target(%dma_start3A_180 : memref<640x32xf32, #tpu.memory_space<hbm>>) target_semaphore(%run_scoped3A_177 : memref<!tpu.dma_semaphore, #tpu.memory_space<semaphore_mem>>)
      %dma_wait3A = arith.constant 0 : i32
      %dma_wait3A_183 = tpu.memref_slice %arg9[%arg0, %run_scoped3A_167, %mul3A_0, %dma_wait3A] : memref<2x4x10240x32xf32, #tpu.memory_space<hbm>> -> memref<1x1x640x32xf32, #tpu.memory_space<hbm>>
      %dma_wait3A_184 = tpu.memref_squeeze %dma_wait3A_183 : memref<1x1x640x32xf32, #tpu.memory_space<hbm>> -> memref<640x32xf32, #tpu.memory_space<hbm>>
      %dma_wait3A_185 = arith.constant 0 : i32
      %dma_wait3A_186 = tpu.memref_slice %arg14[%mul3A_0, %dma_wait3A_185] : memref<10240x32xf32, #tpu.memory_space<vmem_shared>> -> memref<640x32xf32, #tpu.memory_space<vmem_shared>>
      tpu.wait_dma2 semaphore(%run_scoped3A_177 : memref<!tpu.dma_semaphore, #tpu.memory_space<semaphore_mem>>) src(%dma_wait3A_186 : memref<640x32xf32, #tpu.memory_space<vmem_shared>>) dst(%dma_wait3A_184 : memref<640x32xf32, #tpu.memory_space<hbm>>)
      tpu.yield
    }) : () -> ()
    "tpu.region"() ({
      %run_scoped3A_177 = tpu.sem_alloc : memref<!tpu.dma_semaphore, #tpu.memory_space<semaphore_mem>>
      %dma_start3A_178 = arith.constant 0 : i32
      %dma_start3A_179 = tpu.memref_slice %arg14[%mul3A_0, %dma_start3A_178] : memref<10240x32xf32, #tpu.memory_space<vmem_shared>> -> memref<640x32xf32, #tpu.memory_space<vmem_shared>>
      %dma_start3A_180 = arith.constant 0 : i32
      %dma_start3A_181 = tpu.memref_slice %arg14[%mul3A_0, %dma_start3A_180] : memref<10240x32xf32, #tpu.memory_space<vmem_shared>> -> memref<640x32xf32, #tpu.memory_space<vmem_shared>>
      tpu.enqueue_dma source(%arg13 : memref<640x32xf32, #tpu.memory_space<vmem>>) target(%dma_start3A_181 : memref<640x32xf32, #tpu.memory_space<vmem_shared>>) target_semaphore(%run_scoped3A_177 : memref<!tpu.dma_semaphore, #tpu.memory_space<semaphore_mem>>)
      %dma_wait3A = arith.constant 0 : i32
      %dma_wait3A_182 = tpu.memref_slice %arg14[%mul3A_0, %dma_wait3A] : memref<10240x32xf32, #tpu.memory_space<vmem_shared>> -> memref<640x32xf32, #tpu.memory_space<vmem_shared>>
      %dma_wait3A_183 = arith.constant 0 : i32
      %dma_wait3A_184 = tpu.memref_slice %arg14[%mul3A_0, %dma_wait3A_183] : memref<10240x32xf32, #tpu.memory_space<vmem_shared>> -> memref<640x32xf32, #tpu.memory_space<vmem_shared>>
      tpu.wait_dma2 semaphore(%run_scoped3A_177 : memref<!tpu.dma_semaphore, #tpu.memory_space<semaphore_mem>>) src(%arg13 : memref<640x32xf32, #tpu.memory_space<vmem>>) dst(%dma_wait3A_184 : memref<640x32xf32, #tpu.memory_space<vmem_shared>>)
      tpu.yield
    }) : () -> ()
    %barrier3A_168 = arith.constant 0 : index
    tpu.barrier barrier_id(%barrier3A_168)
    %scan3A_169 = arith.constant 0 : i32
    %scan3A_170 = arith.constant 0 : i32
    %scan3A_171 = arith.constant 80 : i32
    %scan3A_172 = arith.addi %scan3A_170, %scan3A_171 : i32
    %scan3A_173 = arith.constant 1 : i32
    scf.for %scan3A_177 = %scan3A_170 to %scan3A_172 step %scan3A_173  : i32 {
      %rem3A = arith.constant 4 : i32
      %rem3A_178 = arith.remsi %scan3A_177, %rem3A : i32
      %add3A = arith.constant 4 : i32
      %add3A_179 = arith.addi %scan3A_177, %add3A : i32
      %sub3A = arith.constant 1 : i32
      %sub3A_180 = arith.subi %add3A_179, %sub3A : i32
      %rem3A_181 = arith.constant 4 : i32
      %rem3A_182 = arith.remsi %sub3A_180, %rem3A_181 : i32
      %add3A_183 = arith.constant 4 : i32
      %add3A_184 = arith.addi %scan3A_177, %add3A_183 : i32
      %sub3A_185 = arith.constant 1 : i32
      %sub3A_186 = arith.subi %add3A_184, %sub3A_185 : i32
      %lt3A = arith.constant 80 : i32
      %lt3A_187 = arith.cmpi slt, %sub3A_186, %lt3A : i32
      %convert_element_type3A = arith.extui %lt3A_187 : i1 to i32
      %cond3A = arith.constant 0 : i32
      %cond3A_188 = arith.cmpi ne, %convert_element_type3A, %cond3A : i32
      scf.if %cond3A_188 {
        %add3A_198 = arith.constant 4 : i32
        %add3A_199 = arith.addi %scan3A_177, %add3A_198 : i32
        %sub3A_200 = arith.constant 1 : i32
        %sub3A_201 = arith.subi %add3A_199, %sub3A_200 : i32
        %dma_start3A_202 = arith.constant 0 : i32
        %dma_start3A_203 = arith.constant 0 : i32
        %dma_start3A_204 = tpu.memref_slice %arg12[%rem3A_182, %dma_start3A_202, %dma_start3A_203] : memref<4x128x32xf32, #tpu.memory_space<vmem>> -> memref<1x128x32xf32, #tpu.memory_space<vmem>>
        %dma_start3A_205 = tpu.memref_squeeze %dma_start3A_204 : memref<1x128x32xf32, #tpu.memory_space<vmem>> -> memref<128x32xf32, #tpu.memory_space<vmem>>
        %dma_start3A_206 = arith.constant 0 : i32
        %dma_start3A_207 = tpu.memref_slice %arg10[%sub3A_201, %dma_start3A_206] : memref<80x128xi32, #tpu.memory_space<vmem>> -> memref<1x128xi32, #tpu.memory_space<vmem>>
        %dma_start3A_208 = tpu.memref_squeeze %dma_start3A_207 : memref<1x128xi32, #tpu.memory_space<vmem>> -> memref<128xi32, #tpu.memory_space<vmem>>
        %dma_start3A_209 = arith.constant 0 : i32
        %dma_start3A_210 = arith.constant 0 : i32
        %dma_start3A_211 = tpu.memref_slice %arg5[%dma_start3A_209, %dma_start3A_210] : memref<10240x32xf32, #tpu.memory_space<hbm>> -> memref<10240x32xf32, #tpu.memory_space<hbm>>
        tpu.enqueue_indirect_dma source(%dma_start3A_211 : memref<10240x32xf32, #tpu.memory_space<hbm>>) target(%dma_start3A_205 : memref<128x32xf32, #tpu.memory_space<vmem>>) offsets(%dma_start3A_208 : memref<128xi32, #tpu.memory_space<vmem>>) semaphore(%arg15 : memref<!tpu.dma_semaphore, #tpu.memory_space<semaphore_mem>>)
      } else {
      }
      %dma_wait3A = arith.constant 0 : i32
      %dma_wait3A_189 = arith.constant 0 : i32
      %dma_wait3A_190 = tpu.memref_slice %arg12[%rem3A_178, %dma_wait3A, %dma_wait3A_189] : memref<4x128x32xf32, #tpu.memory_space<vmem>> -> memref<1x128x32xf32, #tpu.memory_space<vmem>>
      %dma_wait3A_191 = tpu.memref_squeeze %dma_wait3A_190 : memref<1x128x32xf32, #tpu.memory_space<vmem>> -> memref<128x32xf32, #tpu.memory_space<vmem>>
      %dma_wait3A_192 = arith.constant 0 : i32
      %dma_wait3A_193 = tpu.memref_slice %arg10[%scan3A_177, %dma_wait3A_192] : memref<80x128xi32, #tpu.memory_space<vmem>> -> memref<1x128xi32, #tpu.memory_space<vmem>>
      %dma_wait3A_194 = tpu.memref_squeeze %dma_wait3A_193 : memref<1x128xi32, #tpu.memory_space<vmem>> -> memref<128xi32, #tpu.memory_space<vmem>>
      %dma_wait3A_195 = arith.constant 0 : i32
      %dma_wait3A_196 = arith.constant 0 : i32
      %dma_wait3A_197 = tpu.memref_slice %arg5[%dma_wait3A_195, %dma_wait3A_196] : memref<10240x32xf32, #tpu.memory_space<hbm>> -> memref<10240x32xf32, #tpu.memory_space<hbm>>
      tpu.wait_indirect_dma semaphore(%arg15 : memref<!tpu.dma_semaphore, #tpu.memory_space<semaphore_mem>>) src(%dma_wait3A_197 : memref<10240x32xf32, #tpu.memory_space<hbm>>) dst(%dma_wait3A_191 : memref<128x32xf32, #tpu.memory_space<vmem>>)
      "tpu.region"() ({
        %run_scoped3A_198 = tpu.sem_alloc : memref<!tpu.dma_semaphore, #tpu.memory_space<semaphore_mem>>
        %dma_start3A_199 = arith.constant 0 : i32
        %dma_start3A_200 = arith.constant 0 : i32
        %dma_start3A_201 = tpu.memref_slice %arg12[%rem3A_178, %dma_start3A_199, %dma_start3A_200] : memref<4x128x32xf32, #tpu.memory_space<vmem>> -> memref<1x128x32xf32, #tpu.memory_space<vmem>>
        %dma_start3A_202 = tpu.memref_squeeze %dma_start3A_201 : memref<1x128x32xf32, #tpu.memory_space<vmem>> -> memref<128x32xf32, #tpu.memory_space<vmem>>
        %dma_start3A_203 = arith.constant 0 : i32
        %dma_start3A_204 = tpu.memref_slice %arg11[%scan3A_177, %dma_start3A_203] : memref<80x128xi32, #tpu.memory_space<vmem>> -> memref<1x128xi32, #tpu.memory_space<vmem>>
        %dma_start3A_205 = tpu.memref_squeeze %dma_start3A_204 : memref<1x128xi32, #tpu.memory_space<vmem>> -> memref<128xi32, #tpu.memory_space<vmem>>
        %dma_start3A_206 = arith.constant 0 : i32
        %dma_start3A_207 = arith.constant 0 : i32
        %dma_start3A_208 = tpu.memref_slice %arg14[%dma_start3A_206, %dma_start3A_207] : memref<10240x32xf32, #tpu.memory_space<vmem_shared>> -> memref<10240x32xf32, #tpu.memory_space<vmem_shared>>
        tpu.enqueue_indirect_dma source(%dma_start3A_202 : memref<128x32xf32, #tpu.memory_space<vmem>>) target(%dma_start3A_208 : memref<10240x32xf32, #tpu.memory_space<vmem_shared>>) offsets(%dma_start3A_205 : memref<128xi32, #tpu.memory_space<vmem>>) semaphore(%run_scoped3A_198 : memref<!tpu.dma_semaphore, #tpu.memory_space<semaphore_mem>>) {add = true}
        %dma_wait3A_209 = arith.constant 0 : i32
        %dma_wait3A_210 = arith.constant 0 : i32
        %dma_wait3A_211 = tpu.memref_slice %arg12[%rem3A_178, %dma_wait3A_209, %dma_wait3A_210] : memref<4x128x32xf32, #tpu.memory_space<vmem>> -> memref<1x128x32xf32, #tpu.memory_space<vmem>>
        %dma_wait3A_212 = tpu.memref_squeeze %dma_wait3A_211 : memref<1x128x32xf32, #tpu.memory_space<vmem>> -> memref<128x32xf32, #tpu.memory_space<vmem>>
        %dma_wait3A_213 = arith.constant 0 : i32
        %dma_wait3A_214 = tpu.memref_slice %arg11[%scan3A_177, %dma_wait3A_213] : memref<80x128xi32, #tpu.memory_space<vmem>> -> memref<1x128xi32, #tpu.memory_space<vmem>>
        %dma_wait3A_215 = tpu.memref_squeeze %dma_wait3A_214 : memref<1x128xi32, #tpu.memory_space<vmem>> -> memref<128xi32, #tpu.memory_space<vmem>>
        %dma_wait3A_216 = arith.constant 0 : i32
        %dma_wait3A_217 = arith.constant 0 : i32
        %dma_wait3A_218 = tpu.memref_slice %arg14[%dma_wait3A_216, %dma_wait3A_217] : memref<10240x32xf32, #tpu.memory_space<vmem_shared>> -> memref<10240x32xf32, #tpu.memory_space<vmem_shared>>
        tpu.wait_indirect_dma semaphore(%run_scoped3A_198 : memref<!tpu.dma_semaphore, #tpu.memory_space<semaphore_mem>>) src(%dma_wait3A_212 : memref<128x32xf32, #tpu.memory_space<vmem>>) dst(%dma_wait3A_218 : memref<10240x32xf32, #tpu.memory_space<vmem_shared>>)
        tpu.yield
      }) : () -> ()
    }
    %scan3A_174 = arith.constant 80 : i32
    %barrier3A_175 = arith.constant 0 : index
    tpu.barrier barrier_id(%barrier3A_175)
    %run_scoped3A_176 = arith.constant 3 : i32
    "tpu.region"() ({
      %run_scoped3A_177 = tpu.sem_alloc : memref<!tpu.dma_semaphore, #tpu.memory_space<semaphore_mem>>
      %dma_start3A_178 = arith.constant 0 : i32
      %dma_start3A_179 = tpu.memref_slice %arg9[%arg0, %run_scoped3A_176, %mul3A_0, %dma_start3A_178] : memref<2x4x10240x32xf32, #tpu.memory_space<hbm>> -> memref<1x1x640x32xf32, #tpu.memory_space<hbm>>
      %dma_start3A_180 = tpu.memref_squeeze %dma_start3A_179 : memref<1x1x640x32xf32, #tpu.memory_space<hbm>> -> memref<640x32xf32, #tpu.memory_space<hbm>>
      %dma_start3A_181 = arith.constant 0 : i32
      %dma_start3A_182 = tpu.memref_slice %arg14[%mul3A_0, %dma_start3A_181] : memref<10240x32xf32, #tpu.memory_space<vmem_shared>> -> memref<640x32xf32, #tpu.memory_space<vmem_shared>>
      tpu.enqueue_dma source(%dma_start3A_182 : memref<640x32xf32, #tpu.memory_space<vmem_shared>>) target(%dma_start3A_180 : memref<640x32xf32, #tpu.memory_space<hbm>>) target_semaphore(%run_scoped3A_177 : memref<!tpu.dma_semaphore, #tpu.memory_space<semaphore_mem>>)
      %dma_wait3A = arith.constant 0 : i32
      %dma_wait3A_183 = tpu.memref_slice %arg9[%arg0, %run_scoped3A_176, %mul3A_0, %dma_wait3A] : memref<2x4x10240x32xf32, #tpu.memory_space<hbm>> -> memref<1x1x640x32xf32, #tpu.memory_space<hbm>>
      %dma_wait3A_184 = tpu.memref_squeeze %dma_wait3A_183 : memref<1x1x640x32xf32, #tpu.memory_space<hbm>> -> memref<640x32xf32, #tpu.memory_space<hbm>>
      %dma_wait3A_185 = arith.constant 0 : i32
      %dma_wait3A_186 = tpu.memref_slice %arg14[%mul3A_0, %dma_wait3A_185] : memref<10240x32xf32, #tpu.memory_space<vmem_shared>> -> memref<640x32xf32, #tpu.memory_space<vmem_shared>>
      tpu.wait_dma2 semaphore(%run_scoped3A_177 : memref<!tpu.dma_semaphore, #tpu.memory_space<semaphore_mem>>) src(%dma_wait3A_186 : memref<640x32xf32, #tpu.memory_space<vmem_shared>>) dst(%dma_wait3A_184 : memref<640x32xf32, #tpu.memory_space<hbm>>)
      tpu.yield
    }) : () -> ()
    return
  }
}

module attributes {stable_mosaic.version = 14 : i64} {
  func.func @_norms_body(%arg0: i32, %arg1: memref<2x2x256x16xf32, #tpu.memory_space<vmem>>, %arg2: memref<256x128xf32, #tpu.memory_space<vmem>>, %arg3: memref<256x32xf32, #tpu.memory_space<vmem>>, %arg4: memref<256x32xf32, #tpu.memory_space<vmem>>, %arg5: memref<256x32xf32, #tpu.memory_space<vmem>>, %arg6: memref<256x32xf32, #tpu.memory_space<vmem>>, %arg7: memref<256x8xf32, #tpu.memory_space<vmem>>, %arg8: memref<256x8xf32, #tpu.memory_space<vmem>>) attributes {dimension_semantics = [#tpu.dimension_semantics<arbitrary>], iteration_bounds = array<i64: 40>, scalar_prefetch = 0 : i64, scratch_operands = 0 : i64, tpu.core_type = #tpu.core_type<tc>, window_params = [{transform_indices = @transform_0, window_bounds = array<i64: 2, 2, 256, 16>}, {transform_indices = @transform_1, window_bounds = array<i64: 256, 128>}, {transform_indices = @transform_2, window_bounds = array<i64: 256, 32>}, {transform_indices = @transform_3, window_bounds = array<i64: 256, 32>}, {transform_indices = @transform_4, window_bounds = array<i64: 256, 32>}, {transform_indices = @transform_5, window_bounds = array<i64: 256, 32>}, {transform_indices = @transform_6, window_bounds = array<i64: 256, 8>}, {transform_indices = @transform_7, window_bounds = array<i64: 256, 8>}]} {
    %get3A = arith.constant 0 : index
    %get3A_0 = arith.constant 0 : index
    %get3A_1 = arith.constant 0 : index
    %get3A_2 = arith.constant 0 : index
    %get3A_3 = vector.load %arg1[%get3A, %get3A_0, %get3A_1, %get3A_2] : memref<2x2x256x16xf32, #tpu.memory_space<vmem>>, vector<1x1x256x16xf32>
    %get3A_4 = vector.shape_cast %get3A_3 : vector<1x1x256x16xf32> to vector<256x16xf32>
    %get3A_5 = arith.constant 1 : index
    %get3A_6 = arith.constant 0 : index
    %get3A_7 = arith.constant 0 : index
    %get3A_8 = arith.constant 0 : index
    %get3A_9 = vector.load %arg1[%get3A_5, %get3A_6, %get3A_7, %get3A_8] : memref<2x2x256x16xf32, #tpu.memory_space<vmem>>, vector<1x1x256x16xf32>
    %get3A_10 = vector.shape_cast %get3A_9 : vector<1x1x256x16xf32> to vector<256x16xf32>
    %add3A = arith.addf %get3A_4, %get3A_10 : vector<256x16xf32>
    %get3A_11 = arith.constant 0 : index
    %get3A_12 = arith.constant 1 : index
    %get3A_13 = arith.constant 0 : index
    %get3A_14 = arith.constant 0 : index
    %get3A_15 = vector.load %arg1[%get3A_11, %get3A_12, %get3A_13, %get3A_14] : memref<2x2x256x16xf32, #tpu.memory_space<vmem>>, vector<1x1x256x16xf32>
    %get3A_16 = vector.shape_cast %get3A_15 : vector<1x1x256x16xf32> to vector<256x16xf32>
    %get3A_17 = arith.constant 1 : index
    %get3A_18 = arith.constant 1 : index
    %get3A_19 = arith.constant 0 : index
    %get3A_20 = arith.constant 0 : index
    %get3A_21 = vector.load %arg1[%get3A_17, %get3A_18, %get3A_19, %get3A_20] : memref<2x2x256x16xf32, #tpu.memory_space<vmem>>, vector<1x1x256x16xf32>
    %get3A_22 = vector.shape_cast %get3A_21 : vector<1x1x256x16xf32> to vector<256x16xf32>
    %add3A_23 = arith.addf %get3A_16, %get3A_22 : vector<256x16xf32>
    %gt3A = arith.constant 0.000000e+00 : f32
    %gt3A_24 = vector.broadcast %gt3A : f32 to vector<256x16xf32>
    %gt3A_25 = arith.cmpf ogt, %add3A, %gt3A_24 : vector<256x16xf32>
    %rsqrt3A = math.rsqrt %add3A : vector<256x16xf32>
    %jit3A = arith.constant 0.000000e+00 : f32
    %broadcast_in_dim3A = vector.broadcast %jit3A : f32 to vector<256x16xf32>
    %select_n3A = arith.select %gt3A_25, %rsqrt3A, %broadcast_in_dim3A : vector<256x16xi1>, vector<256x16xf32>
    %gt3A_26 = arith.constant 0.000000e+00 : f32
    %gt3A_27 = vector.broadcast %gt3A_26 : f32 to vector<256x16xf32>
    %gt3A_28 = arith.cmpf ogt, %add3A_23, %gt3A_27 : vector<256x16xf32>
    %rsqrt3A_29 = math.rsqrt %add3A_23 : vector<256x16xf32>
    %jit3A_30 = arith.constant 0.000000e+00 : f32
    %broadcast_in_dim3A_31 = vector.broadcast %jit3A_30 : f32 to vector<256x16xf32>
    %select_n3A_32 = arith.select %gt3A_28, %rsqrt3A_29, %broadcast_in_dim3A_31 : vector<256x16xi1>, vector<256x16xf32>
    %get3A_33 = arith.constant 0 : index
    %get3A_34 = arith.constant 0 : index
    %get3A_35 = vector.load %arg2[%get3A_33, %get3A_34] : memref<256x128xf32, #tpu.memory_space<vmem>>, vector<256x128xf32>
    %slice3A = vector.extract_strided_slice %select_n3A {offsets = [0, 0], sizes = [256, 1], strides = [1, 1]} : vector<256x16xf32> to vector<256x1xf32>
    %mul3A = vector.broadcast %slice3A : vector<256x1xf32> to vector<256x128xf32>
    %mul3A_36 = arith.mulf %get3A_35, %mul3A : vector<256x128xf32>
    %slice3A_37 = vector.extract_strided_slice %mul3A_36 {offsets = [0, 0], sizes = [256, 32], strides = [1, 1]} : vector<256x128xf32> to vector<256x32xf32>
    %swap3A = arith.constant 0 : index
    %swap3A_38 = arith.constant 0 : index
    %swap3A_39 = vector.load %arg3[%swap3A, %swap3A_38] : memref<256x32xf32, #tpu.memory_space<vmem>>, vector<256x32xf32>
    tpu.vector_store %arg3[%swap3A, %swap3A_38], %slice3A_37 {strides = array<i32>} : memref<256x32xf32, #tpu.memory_space<vmem>>, vector<256x32xf32>,
    %slice3A_40 = vector.extract_strided_slice %mul3A_36 {offsets = [0, 32], sizes = [256, 32], strides = [1, 1]} : vector<256x128xf32> to vector<256x32xf32>
    %swap3A_41 = arith.constant 0 : index
    %swap3A_42 = arith.constant 0 : index
    %swap3A_43 = vector.load %arg4[%swap3A_41, %swap3A_42] : memref<256x32xf32, #tpu.memory_space<vmem>>, vector<256x32xf32>
    tpu.vector_store %arg4[%swap3A_41, %swap3A_42], %slice3A_40 {strides = array<i32>} : memref<256x32xf32, #tpu.memory_space<vmem>>, vector<256x32xf32>,
    %slice3A_44 = vector.extract_strided_slice %mul3A_36 {offsets = [0, 64], sizes = [256, 32], strides = [1, 1]} : vector<256x128xf32> to vector<256x32xf32>
    %swap3A_45 = arith.constant 0 : index
    %swap3A_46 = arith.constant 0 : index
    %swap3A_47 = vector.load %arg5[%swap3A_45, %swap3A_46] : memref<256x32xf32, #tpu.memory_space<vmem>>, vector<256x32xf32>
    tpu.vector_store %arg5[%swap3A_45, %swap3A_46], %slice3A_44 {strides = array<i32>} : memref<256x32xf32, #tpu.memory_space<vmem>>, vector<256x32xf32>,
    %slice3A_48 = vector.extract_strided_slice %mul3A_36 {offsets = [0, 96], sizes = [256, 32], strides = [1, 1]} : vector<256x128xf32> to vector<256x32xf32>
    %swap3A_49 = arith.constant 0 : index
    %swap3A_50 = arith.constant 0 : index
    %swap3A_51 = vector.load %arg6[%swap3A_49, %swap3A_50] : memref<256x32xf32, #tpu.memory_space<vmem>>, vector<256x32xf32>
    tpu.vector_store %arg6[%swap3A_49, %swap3A_50], %slice3A_48 {strides = array<i32>} : memref<256x32xf32, #tpu.memory_space<vmem>>, vector<256x32xf32>,
    %slice3A_52 = vector.extract_strided_slice %select_n3A {offsets = [0, 0], sizes = [256, 8], strides = [1, 1]} : vector<256x16xf32> to vector<256x8xf32>
    %swap3A_53 = arith.constant 0 : index
    %swap3A_54 = arith.constant 0 : index
    %swap3A_55 = vector.load %arg7[%swap3A_53, %swap3A_54] : memref<256x8xf32, #tpu.memory_space<vmem>>, vector<256x8xf32>
    tpu.vector_store %arg7[%swap3A_53, %swap3A_54], %slice3A_52 {strides = array<i32>} : memref<256x8xf32, #tpu.memory_space<vmem>>, vector<256x8xf32>,
    %slice3A_56 = vector.extract_strided_slice %select_n3A_32 {offsets = [0, 0], sizes = [256, 8], strides = [1, 1]} : vector<256x16xf32> to vector<256x8xf32>
    %swap3A_57 = arith.constant 0 : index
    %swap3A_58 = arith.constant 0 : index
    %swap3A_59 = vector.load %arg8[%swap3A_57, %swap3A_58] : memref<256x8xf32, #tpu.memory_space<vmem>>, vector<256x8xf32>
    tpu.vector_store %arg8[%swap3A_57, %swap3A_58], %slice3A_56 {strides = array<i32>} : memref<256x8xf32, #tpu.memory_space<vmem>>, vector<256x8xf32>,
    return
  }
  func.func @transform_0(%arg0: i32) -> (i32, i32, i32, i32) {
    %c0_i32 = arith.constant 0 : i32
    %c0_i32_0 = arith.constant 0 : i32
    %c0_i32_1 = arith.constant 0 : i32
    %c0_i32_2 = arith.constant 0 : i32
    return %c0_i32, %c0_i32_0, %arg0, %c0_i32_1 : i32, i32, i32, i32
  }
  func.func @transform_1(%arg0: i32) -> (i32, i32) {
    %c0_i32 = arith.constant 0 : i32
    %c0_i32_0 = arith.constant 0 : i32
    return %arg0, %c0_i32 : i32, i32
  }
  func.func @transform_2(%arg0: i32) -> (i32, i32) {
    %c0_i32 = arith.constant 0 : i32
    %c0_i32_0 = arith.constant 0 : i32
    return %arg0, %c0_i32 : i32, i32
  }
  func.func @transform_3(%arg0: i32) -> (i32, i32) {
    %c0_i32 = arith.constant 0 : i32
    %c0_i32_0 = arith.constant 0 : i32
    return %arg0, %c0_i32 : i32, i32
  }
  func.func @transform_4(%arg0: i32) -> (i32, i32) {
    %c0_i32 = arith.constant 0 : i32
    %c0_i32_0 = arith.constant 0 : i32
    return %arg0, %c0_i32 : i32, i32
  }
  func.func @transform_5(%arg0: i32) -> (i32, i32) {
    %c0_i32 = arith.constant 0 : i32
    %c0_i32_0 = arith.constant 0 : i32
    return %arg0, %c0_i32 : i32, i32
  }
  func.func @transform_6(%arg0: i32) -> (i32, i32) {
    %c0_i32 = arith.constant 0 : i32
    %c0_i32_0 = arith.constant 0 : i32
    return %arg0, %c0_i32 : i32, i32
  }
  func.func @transform_7(%arg0: i32) -> (i32, i32) {
    %c0_i32 = arith.constant 0 : i32
    %c0_i32_0 = arith.constant 0 : i32
    return %arg0, %c0_i32 : i32, i32
  }
}

module attributes {stable_mosaic.version = 14 : i64} {
  func.func @_layer_body(%arg0: i32, %arg1: memref<2x4x256x32xf32, #tpu.memory_space<vmem>>, %arg2: memref<256x8xf32, #tpu.memory_space<vmem>>, %arg3: memref<256x8xf32, #tpu.memory_space<vmem>>, %arg4: memref<128x128xf32, #tpu.memory_space<vmem>>, %arg5: memref<1x128xf32, #tpu.memory_space<vmem>>, %arg6: memref<256x32xf32, #tpu.memory_space<vmem>>, %arg7: memref<256x32xf32, #tpu.memory_space<vmem>>, %arg8: memref<256x32xf32, #tpu.memory_space<vmem>>, %arg9: memref<256x32xf32, #tpu.memory_space<vmem>>) attributes {dimension_semantics = [#tpu.dimension_semantics<arbitrary>], iteration_bounds = array<i64: 40>, scalar_prefetch = 0 : i64, scratch_operands = 0 : i64, tpu.core_type = #tpu.core_type<tc>, window_params = [{transform_indices = @transform_0, window_bounds = array<i64: 2, 4, 256, 32>}, {transform_indices = @transform_1, window_bounds = array<i64: 256, 8>}, {transform_indices = @transform_2, window_bounds = array<i64: 256, 8>}, {pipeline_mode = #tpu.pipeline_mode<synchronous>, transform_indices = @transform_3, window_bounds = array<i64: 128, 128>}, {pipeline_mode = #tpu.pipeline_mode<synchronous>, transform_indices = @transform_4, window_bounds = array<i64: 1, 128>}, {transform_indices = @transform_5, window_bounds = array<i64: 256, 32>}, {transform_indices = @transform_6, window_bounds = array<i64: 256, 32>}, {transform_indices = @transform_7, window_bounds = array<i64: 256, 32>}, {transform_indices = @transform_8, window_bounds = array<i64: 256, 32>}]} {
    %get3A = arith.constant 0 : index
    %get3A_0 = arith.constant 0 : index
    %get3A_1 = vector.load %arg3[%get3A, %get3A_0] : memref<256x8xf32, #tpu.memory_space<vmem>>, vector<256x1xf32>
    %get3A_2 = arith.constant 0 : index
    %get3A_3 = arith.constant 0 : index
    %get3A_4 = arith.constant 0 : index
    %get3A_5 = arith.constant 0 : index
    %get3A_6 = vector.load %arg1[%get3A_2, %get3A_3, %get3A_4, %get3A_5] : memref<2x4x256x32xf32, #tpu.memory_space<vmem>>, vector<1x1x256x32xf32>
    %get3A_7 = vector.shape_cast %get3A_6 : vector<1x1x256x32xf32> to vector<256x32xf32>
    %get3A_8 = arith.constant 1 : index
    %get3A_9 = arith.constant 0 : index
    %get3A_10 = arith.constant 0 : index
    %get3A_11 = arith.constant 0 : index
    %get3A_12 = vector.load %arg1[%get3A_8, %get3A_9, %get3A_10, %get3A_11] : memref<2x4x256x32xf32, #tpu.memory_space<vmem>>, vector<1x1x256x32xf32>
    %get3A_13 = vector.shape_cast %get3A_12 : vector<1x1x256x32xf32> to vector<256x32xf32>
    %add3A = arith.addf %get3A_7, %get3A_13 : vector<256x32xf32>
    %mul3A = vector.broadcast %get3A_1 : vector<256x1xf32> to vector<256x32xf32>
    %mul3A_14 = arith.mulf %add3A, %mul3A : vector<256x32xf32>
    %get3A_15 = arith.constant 0 : index
    %get3A_16 = arith.constant 1 : index
    %get3A_17 = arith.constant 0 : index
    %get3A_18 = arith.constant 0 : index
    %get3A_19 = vector.load %arg1[%get3A_15, %get3A_16, %get3A_17, %get3A_18] : memref<2x4x256x32xf32, #tpu.memory_space<vmem>>, vector<1x1x256x32xf32>
    %get3A_20 = vector.shape_cast %get3A_19 : vector<1x1x256x32xf32> to vector<256x32xf32>
    %get3A_21 = arith.constant 1 : index
    %get3A_22 = arith.constant 1 : index
    %get3A_23 = arith.constant 0 : index
    %get3A_24 = arith.constant 0 : index
    %get3A_25 = vector.load %arg1[%get3A_21, %get3A_22, %get3A_23, %get3A_24] : memref<2x4x256x32xf32, #tpu.memory_space<vmem>>, vector<1x1x256x32xf32>
    %get3A_26 = vector.shape_cast %get3A_25 : vector<1x1x256x32xf32> to vector<256x32xf32>
    %add3A_27 = arith.addf %get3A_20, %get3A_26 : vector<256x32xf32>
    %mul3A_28 = vector.broadcast %get3A_1 : vector<256x1xf32> to vector<256x32xf32>
    %mul3A_29 = arith.mulf %add3A_27, %mul3A_28 : vector<256x32xf32>
    %get3A_30 = arith.constant 0 : index
    %get3A_31 = arith.constant 2 : index
    %get3A_32 = arith.constant 0 : index
    %get3A_33 = arith.constant 0 : index
    %get3A_34 = vector.load %arg1[%get3A_30, %get3A_31, %get3A_32, %get3A_33] : memref<2x4x256x32xf32, #tpu.memory_space<vmem>>, vector<1x1x256x32xf32>
    %get3A_35 = vector.shape_cast %get3A_34 : vector<1x1x256x32xf32> to vector<256x32xf32>
    %get3A_36 = arith.constant 1 : index
    %get3A_37 = arith.constant 2 : index
    %get3A_38 = arith.constant 0 : index
    %get3A_39 = arith.constant 0 : index
    %get3A_40 = vector.load %arg1[%get3A_36, %get3A_37, %get3A_38, %get3A_39] : memref<2x4x256x32xf32, #tpu.memory_space<vmem>>, vector<1x1x256x32xf32>
    %get3A_41 = vector.shape_cast %get3A_40 : vector<1x1x256x32xf32> to vector<256x32xf32>
    %add3A_42 = arith.addf %get3A_35, %get3A_41 : vector<256x32xf32>
    %mul3A_43 = vector.broadcast %get3A_1 : vector<256x1xf32> to vector<256x32xf32>
    %mul3A_44 = arith.mulf %add3A_42, %mul3A_43 : vector<256x32xf32>
    %get3A_45 = arith.constant 0 : index
    %get3A_46 = arith.constant 3 : index
    %get3A_47 = arith.constant 0 : index
    %get3A_48 = arith.constant 0 : index
    %get3A_49 = vector.load %arg1[%get3A_45, %get3A_46, %get3A_47, %get3A_48] : memref<2x4x256x32xf32, #tpu.memory_space<vmem>>, vector<1x1x256x32xf32>
    %get3A_50 = vector.shape_cast %get3A_49 : vector<1x1x256x32xf32> to vector<256x32xf32>
    %get3A_51 = arith.constant 1 : index
    %get3A_52 = arith.constant 3 : index
    %get3A_53 = arith.constant 0 : index
    %get3A_54 = arith.constant 0 : index
    %get3A_55 = vector.load %arg1[%get3A_51, %get3A_52, %get3A_53, %get3A_54] : memref<2x4x256x32xf32, #tpu.memory_space<vmem>>, vector<1x1x256x32xf32>
    %get3A_56 = vector.shape_cast %get3A_55 : vector<1x1x256x32xf32> to vector<256x32xf32>
    %add3A_57 = arith.addf %get3A_50, %get3A_56 : vector<256x32xf32>
    %mul3A_58 = vector.broadcast %get3A_1 : vector<256x1xf32> to vector<256x32xf32>
    %mul3A_59 = arith.mulf %add3A_57, %mul3A_58 : vector<256x32xf32>
    %concatenate3A = tpu.concatenate %mul3A_14, %mul3A_29, %mul3A_44, %mul3A_59 in 1 : vector<256x32xf32>, vector<256x32xf32>, vector<256x32xf32>, vector<256x32xf32> -> vector<256x128xf32>
    %get3A_60 = arith.constant 0 : index
    %get3A_61 = arith.constant 0 : index
    %get3A_62 = vector.load %arg4[%get3A_60, %get3A_61] : memref<128x128xf32, #tpu.memory_space<vmem>>, vector<128x128xf32>
    %dot_general3A = arith.constant dense<0.000000e+00> : vector<256x128xf32>
    %dot_general3A_63 = tpu.matmul %concatenate3A, %get3A_62, %dot_general3A {dimension_numbers = #tpu.dot_dimension_numbers<[1], [0], [0], [1], [0, 0, 1, 1], [], []>, precision = #tpu.contract_precision<fp32>, transpose_lhs_hint = false} : vector<256x128xf32>, vector<128x128xf32>, vector<256x128xf32> -> vector<256x128xf32>
    %get3A_64 = arith.constant 0 : index
    %get3A_65 = arith.constant 0 : index
    %get3A_66 = vector.load %arg5[%get3A_64, %get3A_65] : memref<1x128xf32, #tpu.memory_space<vmem>>, vector<1x128xf32>
    %add3A_67 = vector.broadcast %get3A_66 : vector<1x128xf32> to vector<256x128xf32>
    %add3A_68 = arith.addf %dot_general3A_63, %add3A_67 : vector<256x128xf32>
    %max3A = arith.constant 0.000000e+00 : f32
    %max3A_69 = vector.broadcast %max3A : f32 to vector<256x128xf32>
    %max3A_70 = arith.maximumf %add3A_68, %max3A_69 : vector<256x128xf32>
    %get3A_71 = arith.constant 0 : index
    %get3A_72 = arith.constant 0 : index
    %get3A_73 = vector.load %arg2[%get3A_71, %get3A_72] : memref<256x8xf32, #tpu.memory_space<vmem>>, vector<256x1xf32>
    %mul3A_74 = vector.broadcast %get3A_73 : vector<256x1xf32> to vector<256x128xf32>
    %mul3A_75 = arith.mulf %max3A_70, %mul3A_74 : vector<256x128xf32>
    %slice3A = vector.extract_strided_slice %mul3A_75 {offsets = [0, 0], sizes = [256, 32], strides = [1, 1]} : vector<256x128xf32> to vector<256x32xf32>
    %swap3A = arith.constant 0 : index
    %swap3A_76 = arith.constant 0 : index
    %swap3A_77 = vector.load %arg6[%swap3A, %swap3A_76] : memref<256x32xf32, #tpu.memory_space<vmem>>, vector<256x32xf32>
    tpu.vector_store %arg6[%swap3A, %swap3A_76], %slice3A {strides = array<i32>} : memref<256x32xf32, #tpu.memory_space<vmem>>, vector<256x32xf32>,
    %slice3A_78 = vector.extract_strided_slice %mul3A_75 {offsets = [0, 32], sizes = [256, 32], strides = [1, 1]} : vector<256x128xf32> to vector<256x32xf32>
    %swap3A_79 = arith.constant 0 : index
    %swap3A_80 = arith.constant 0 : index
    %swap3A_81 = vector.load %arg7[%swap3A_79, %swap3A_80] : memref<256x32xf32, #tpu.memory_space<vmem>>, vector<256x32xf32>
    tpu.vector_store %arg7[%swap3A_79, %swap3A_80], %slice3A_78 {strides = array<i32>} : memref<256x32xf32, #tpu.memory_space<vmem>>, vector<256x32xf32>,
    %slice3A_82 = vector.extract_strided_slice %mul3A_75 {offsets = [0, 64], sizes = [256, 32], strides = [1, 1]} : vector<256x128xf32> to vector<256x32xf32>
    %swap3A_83 = arith.constant 0 : index
    %swap3A_84 = arith.constant 0 : index
    %swap3A_85 = vector.load %arg8[%swap3A_83, %swap3A_84] : memref<256x32xf32, #tpu.memory_space<vmem>>, vector<256x32xf32>
    tpu.vector_store %arg8[%swap3A_83, %swap3A_84], %slice3A_82 {strides = array<i32>} : memref<256x32xf32, #tpu.memory_space<vmem>>, vector<256x32xf32>,
    %slice3A_86 = vector.extract_strided_slice %mul3A_75 {offsets = [0, 96], sizes = [256, 32], strides = [1, 1]} : vector<256x128xf32> to vector<256x32xf32>
    %swap3A_87 = arith.constant 0 : index
    %swap3A_88 = arith.constant 0 : index
    %swap3A_89 = vector.load %arg9[%swap3A_87, %swap3A_88] : memref<256x32xf32, #tpu.memory_space<vmem>>, vector<256x32xf32>
    tpu.vector_store %arg9[%swap3A_87, %swap3A_88], %slice3A_86 {strides = array<i32>} : memref<256x32xf32, #tpu.memory_space<vmem>>, vector<256x32xf32>,
    return
  }
  func.func @transform_0(%arg0: i32) -> (i32, i32, i32, i32) {
    %c0_i32 = arith.constant 0 : i32
    %c0_i32_0 = arith.constant 0 : i32
    %c0_i32_1 = arith.constant 0 : i32
    %c0_i32_2 = arith.constant 0 : i32
    return %c0_i32, %c0_i32_0, %arg0, %c0_i32_1 : i32, i32, i32, i32
  }
  func.func @transform_1(%arg0: i32) -> (i32, i32) {
    %c0_i32 = arith.constant 0 : i32
    %c0_i32_0 = arith.constant 0 : i32
    return %arg0, %c0_i32 : i32, i32
  }
  func.func @transform_2(%arg0: i32) -> (i32, i32) {
    %c0_i32 = arith.constant 0 : i32
    %c0_i32_0 = arith.constant 0 : i32
    return %arg0, %c0_i32 : i32, i32
  }
  func.func @transform_3(%arg0: i32) -> (i32, i32) {
    %c0_i32 = arith.constant 0 : i32
    %c0_i32_0 = arith.constant 0 : i32
    %c0_i32_1 = arith.constant 0 : i32
    return %c0_i32, %c0_i32_0 : i32, i32
  }
  func.func @transform_4(%arg0: i32) -> (i32, i32) {
    %c0_i32 = arith.constant 0 : i32
    %c0_i32_0 = arith.constant 0 : i32
    %c0_i32_1 = arith.constant 0 : i32
    return %c0_i32, %c0_i32_0 : i32, i32
  }
  func.func @transform_5(%arg0: i32) -> (i32, i32) {
    %c0_i32 = arith.constant 0 : i32
    %c0_i32_0 = arith.constant 0 : i32
    return %arg0, %c0_i32 : i32, i32
  }
  func.func @transform_6(%arg0: i32) -> (i32, i32) {
    %c0_i32 = arith.constant 0 : i32
    %c0_i32_0 = arith.constant 0 : i32
    return %arg0, %c0_i32 : i32, i32
  }
  func.func @transform_7(%arg0: i32) -> (i32, i32) {
    %c0_i32 = arith.constant 0 : i32
    %c0_i32_0 = arith.constant 0 : i32
    return %arg0, %c0_i32 : i32, i32
  }
  func.func @transform_8(%arg0: i32) -> (i32, i32) {
    %c0_i32 = arith.constant 0 : i32
    %c0_i32_0 = arith.constant 0 : i32
    return %arg0, %c0_i32 : i32, i32
  }
}

module attributes {stable_mosaic.version = 14 : i64} {
  func.func @_layer2_body(%arg0: i32, %arg1: memref<2x4x256x32xf32, #tpu.memory_space<vmem>>, %arg2: memref<256x8xf32, #tpu.memory_space<vmem>>, %arg3: memref<256x8xf32, #tpu.memory_space<vmem>>, %arg4: memref<128x128xf32, #tpu.memory_space<vmem>>, %arg5: memref<1x128xf32, #tpu.memory_space<vmem>>, %arg6: memref<128x64xf32, #tpu.memory_space<vmem>>, %arg7: memref<256x32xf32, #tpu.memory_space<vmem>>, %arg8: memref<256x32xf32, #tpu.memory_space<vmem>>) attributes {dimension_semantics = [#tpu.dimension_semantics<arbitrary>], iteration_bounds = array<i64: 40>, scalar_prefetch = 0 : i64, scratch_operands = 0 : i64, tpu.core_type = #tpu.core_type<tc>, window_params = [{transform_indices = @transform_0, window_bounds = array<i64: 2, 4, 256, 32>}, {transform_indices = @transform_1, window_bounds = array<i64: 256, 8>}, {transform_indices = @transform_2, window_bounds = array<i64: 256, 8>}, {pipeline_mode = #tpu.pipeline_mode<synchronous>, transform_indices = @transform_3, window_bounds = array<i64: 128, 128>}, {pipeline_mode = #tpu.pipeline_mode<synchronous>, transform_indices = @transform_4, window_bounds = array<i64: 1, 128>}, {pipeline_mode = #tpu.pipeline_mode<synchronous>, transform_indices = @transform_5, window_bounds = array<i64: 128, 64>}, {transform_indices = @transform_6, window_bounds = array<i64: 256, 32>}, {transform_indices = @transform_7, window_bounds = array<i64: 256, 32>}]} {
    %get3A = arith.constant 0 : index
    %get3A_0 = arith.constant 0 : index
    %get3A_1 = vector.load %arg3[%get3A, %get3A_0] : memref<256x8xf32, #tpu.memory_space<vmem>>, vector<256x1xf32>
    %get3A_2 = arith.constant 0 : index
    %get3A_3 = arith.constant 0 : index
    %get3A_4 = arith.constant 0 : index
    %get3A_5 = arith.constant 0 : index
    %get3A_6 = vector.load %arg1[%get3A_2, %get3A_3, %get3A_4, %get3A_5] : memref<2x4x256x32xf32, #tpu.memory_space<vmem>>, vector<1x1x256x32xf32>
    %get3A_7 = vector.shape_cast %get3A_6 : vector<1x1x256x32xf32> to vector<256x32xf32>
    %get3A_8 = arith.constant 1 : index
    %get3A_9 = arith.constant 0 : index
    %get3A_10 = arith.constant 0 : index
    %get3A_11 = arith.constant 0 : index
    %get3A_12 = vector.load %arg1[%get3A_8, %get3A_9, %get3A_10, %get3A_11] : memref<2x4x256x32xf32, #tpu.memory_space<vmem>>, vector<1x1x256x32xf32>
    %get3A_13 = vector.shape_cast %get3A_12 : vector<1x1x256x32xf32> to vector<256x32xf32>
    %add3A = arith.addf %get3A_7, %get3A_13 : vector<256x32xf32>
    %mul3A = vector.broadcast %get3A_1 : vector<256x1xf32> to vector<256x32xf32>
    %mul3A_14 = arith.mulf %add3A, %mul3A : vector<256x32xf32>
    %get3A_15 = arith.constant 0 : index
    %get3A_16 = arith.constant 1 : index
    %get3A_17 = arith.constant 0 : index
    %get3A_18 = arith.constant 0 : index
    %get3A_19 = vector.load %arg1[%get3A_15, %get3A_16, %get3A_17, %get3A_18] : memref<2x4x256x32xf32, #tpu.memory_space<vmem>>, vector<1x1x256x32xf32>
    %get3A_20 = vector.shape_cast %get3A_19 : vector<1x1x256x32xf32> to vector<256x32xf32>
    %get3A_21 = arith.constant 1 : index
    %get3A_22 = arith.constant 1 : index
    %get3A_23 = arith.constant 0 : index
    %get3A_24 = arith.constant 0 : index
    %get3A_25 = vector.load %arg1[%get3A_21, %get3A_22, %get3A_23, %get3A_24] : memref<2x4x256x32xf32, #tpu.memory_space<vmem>>, vector<1x1x256x32xf32>
    %get3A_26 = vector.shape_cast %get3A_25 : vector<1x1x256x32xf32> to vector<256x32xf32>
    %add3A_27 = arith.addf %get3A_20, %get3A_26 : vector<256x32xf32>
    %mul3A_28 = vector.broadcast %get3A_1 : vector<256x1xf32> to vector<256x32xf32>
    %mul3A_29 = arith.mulf %add3A_27, %mul3A_28 : vector<256x32xf32>
    %get3A_30 = arith.constant 0 : index
    %get3A_31 = arith.constant 2 : index
    %get3A_32 = arith.constant 0 : index
    %get3A_33 = arith.constant 0 : index
    %get3A_34 = vector.load %arg1[%get3A_30, %get3A_31, %get3A_32, %get3A_33] : memref<2x4x256x32xf32, #tpu.memory_space<vmem>>, vector<1x1x256x32xf32>
    %get3A_35 = vector.shape_cast %get3A_34 : vector<1x1x256x32xf32> to vector<256x32xf32>
    %get3A_36 = arith.constant 1 : index
    %get3A_37 = arith.constant 2 : index
    %get3A_38 = arith.constant 0 : index
    %get3A_39 = arith.constant 0 : index
    %get3A_40 = vector.load %arg1[%get3A_36, %get3A_37, %get3A_38, %get3A_39] : memref<2x4x256x32xf32, #tpu.memory_space<vmem>>, vector<1x1x256x32xf32>
    %get3A_41 = vector.shape_cast %get3A_40 : vector<1x1x256x32xf32> to vector<256x32xf32>
    %add3A_42 = arith.addf %get3A_35, %get3A_41 : vector<256x32xf32>
    %mul3A_43 = vector.broadcast %get3A_1 : vector<256x1xf32> to vector<256x32xf32>
    %mul3A_44 = arith.mulf %add3A_42, %mul3A_43 : vector<256x32xf32>
    %get3A_45 = arith.constant 0 : index
    %get3A_46 = arith.constant 3 : index
    %get3A_47 = arith.constant 0 : index
    %get3A_48 = arith.constant 0 : index
    %get3A_49 = vector.load %arg1[%get3A_45, %get3A_46, %get3A_47, %get3A_48] : memref<2x4x256x32xf32, #tpu.memory_space<vmem>>, vector<1x1x256x32xf32>
    %get3A_50 = vector.shape_cast %get3A_49 : vector<1x1x256x32xf32> to vector<256x32xf32>
    %get3A_51 = arith.constant 1 : index
    %get3A_52 = arith.constant 3 : index
    %get3A_53 = arith.constant 0 : index
    %get3A_54 = arith.constant 0 : index
    %get3A_55 = vector.load %arg1[%get3A_51, %get3A_52, %get3A_53, %get3A_54] : memref<2x4x256x32xf32, #tpu.memory_space<vmem>>, vector<1x1x256x32xf32>
    %get3A_56 = vector.shape_cast %get3A_55 : vector<1x1x256x32xf32> to vector<256x32xf32>
    %add3A_57 = arith.addf %get3A_50, %get3A_56 : vector<256x32xf32>
    %mul3A_58 = vector.broadcast %get3A_1 : vector<256x1xf32> to vector<256x32xf32>
    %mul3A_59 = arith.mulf %add3A_57, %mul3A_58 : vector<256x32xf32>
    %concatenate3A = tpu.concatenate %mul3A_14, %mul3A_29, %mul3A_44, %mul3A_59 in 1 : vector<256x32xf32>, vector<256x32xf32>, vector<256x32xf32>, vector<256x32xf32> -> vector<256x128xf32>
    %get3A_60 = arith.constant 0 : index
    %get3A_61 = arith.constant 0 : index
    %get3A_62 = vector.load %arg4[%get3A_60, %get3A_61] : memref<128x128xf32, #tpu.memory_space<vmem>>, vector<128x128xf32>
    %dot_general3A = arith.constant dense<0.000000e+00> : vector<256x128xf32>
    %dot_general3A_63 = tpu.matmul %concatenate3A, %get3A_62, %dot_general3A {dimension_numbers = #tpu.dot_dimension_numbers<[1], [0], [0], [1], [0, 0, 1, 1], [], []>, precision = #tpu.contract_precision<fp32>, transpose_lhs_hint = false} : vector<256x128xf32>, vector<128x128xf32>, vector<256x128xf32> -> vector<256x128xf32>
    %get3A_64 = arith.constant 0 : index
    %get3A_65 = arith.constant 0 : index
    %get3A_66 = vector.load %arg5[%get3A_64, %get3A_65] : memref<1x128xf32, #tpu.memory_space<vmem>>, vector<1x128xf32>
    %add3A_67 = vector.broadcast %get3A_66 : vector<1x128xf32> to vector<256x128xf32>
    %add3A_68 = arith.addf %dot_general3A_63, %add3A_67 : vector<256x128xf32>
    %max3A = arith.constant 0.000000e+00 : f32
    %max3A_69 = vector.broadcast %max3A : f32 to vector<256x128xf32>
    %max3A_70 = arith.maximumf %add3A_68, %max3A_69 : vector<256x128xf32>
    %get3A_71 = arith.constant 0 : index
    %get3A_72 = arith.constant 0 : index
    %get3A_73 = vector.load %arg2[%get3A_71, %get3A_72] : memref<256x8xf32, #tpu.memory_space<vmem>>, vector<256x1xf32>
    %mul3A_74 = vector.broadcast %get3A_73 : vector<256x1xf32> to vector<256x128xf32>
    %mul3A_75 = arith.mulf %max3A_70, %mul3A_74 : vector<256x128xf32>
    %get3A_76 = arith.constant 0 : index
    %get3A_77 = arith.constant 0 : index
    %get3A_78 = vector.load %arg6[%get3A_76, %get3A_77] : memref<128x64xf32, #tpu.memory_space<vmem>>, vector<128x64xf32>
    %dot_general3A_79 = arith.constant dense<0.000000e+00> : vector<256x64xf32>
    %dot_general3A_80 = tpu.matmul %mul3A_75, %get3A_78, %dot_general3A_79 {dimension_numbers = #tpu.dot_dimension_numbers<[1], [0], [0], [1], [0, 0, 1, 1], [], []>, precision = #tpu.contract_precision<fp32>, transpose_lhs_hint = false} : vector<256x128xf32>, vector<128x64xf32>, vector<256x64xf32> -> vector<256x64xf32>
    %slice3A = vector.extract_strided_slice %dot_general3A_80 {offsets = [0, 0], sizes = [256, 32], strides = [1, 1]} : vector<256x64xf32> to vector<256x32xf32>
    %swap3A = arith.constant 0 : index
    %swap3A_81 = arith.constant 0 : index
    %swap3A_82 = vector.load %arg7[%swap3A, %swap3A_81] : memref<256x32xf32, #tpu.memory_space<vmem>>, vector<256x32xf32>
    tpu.vector_store %arg7[%swap3A, %swap3A_81], %slice3A {strides = array<i32>} : memref<256x32xf32, #tpu.memory_space<vmem>>, vector<256x32xf32>,
    %slice3A_83 = vector.extract_strided_slice %dot_general3A_80 {offsets = [0, 32], sizes = [256, 32], strides = [1, 1]} : vector<256x64xf32> to vector<256x32xf32>
    %swap3A_84 = arith.constant 0 : index
    %swap3A_85 = arith.constant 0 : index
    %swap3A_86 = vector.load %arg8[%swap3A_84, %swap3A_85] : memref<256x32xf32, #tpu.memory_space<vmem>>, vector<256x32xf32>
    tpu.vector_store %arg8[%swap3A_84, %swap3A_85], %slice3A_83 {strides = array<i32>} : memref<256x32xf32, #tpu.memory_space<vmem>>, vector<256x32xf32>,
    return
  }
  func.func @transform_0(%arg0: i32) -> (i32, i32, i32, i32) {
    %c0_i32 = arith.constant 0 : i32
    %c0_i32_0 = arith.constant 0 : i32
    %c0_i32_1 = arith.constant 0 : i32
    %c0_i32_2 = arith.constant 0 : i32
    return %c0_i32, %c0_i32_0, %arg0, %c0_i32_1 : i32, i32, i32, i32
  }
  func.func @transform_1(%arg0: i32) -> (i32, i32) {
    %c0_i32 = arith.constant 0 : i32
    %c0_i32_0 = arith.constant 0 : i32
    return %arg0, %c0_i32 : i32, i32
  }
  func.func @transform_2(%arg0: i32) -> (i32, i32) {
    %c0_i32 = arith.constant 0 : i32
    %c0_i32_0 = arith.constant 0 : i32
    return %arg0, %c0_i32 : i32, i32
  }
  func.func @transform_3(%arg0: i32) -> (i32, i32) {
    %c0_i32 = arith.constant 0 : i32
    %c0_i32_0 = arith.constant 0 : i32
    %c0_i32_1 = arith.constant 0 : i32
    return %c0_i32, %c0_i32_0 : i32, i32
  }
  func.func @transform_4(%arg0: i32) -> (i32, i32) {
    %c0_i32 = arith.constant 0 : i32
    %c0_i32_0 = arith.constant 0 : i32
    %c0_i32_1 = arith.constant 0 : i32
    return %c0_i32, %c0_i32_0 : i32, i32
  }
  func.func @transform_5(%arg0: i32) -> (i32, i32) {
    %c0_i32 = arith.constant 0 : i32
    %c0_i32_0 = arith.constant 0 : i32
    %c0_i32_1 = arith.constant 0 : i32
    return %c0_i32, %c0_i32_0 : i32, i32
  }
  func.func @transform_6(%arg0: i32) -> (i32, i32) {
    %c0_i32 = arith.constant 0 : i32
    %c0_i32_0 = arith.constant 0 : i32
    return %arg0, %c0_i32 : i32, i32
  }
  func.func @transform_7(%arg0: i32) -> (i32, i32) {
    %c0_i32 = arith.constant 0 : i32
    %c0_i32_0 = arith.constant 0 : i32
    return %arg0, %c0_i32 : i32, i32
  }
}

module attributes {stable_mosaic.version = 14 : i64} {
  func.func @_final_body(%arg0: i32, %arg1: memref<2x2x256x32xf32, #tpu.memory_space<vmem>>, %arg2: memref<256x8xf32, #tpu.memory_space<vmem>>, %arg3: memref<1x64xf32, #tpu.memory_space<vmem>>, %arg4: memref<256x64xf32, #tpu.memory_space<vmem>>) attributes {dimension_semantics = [#tpu.dimension_semantics<arbitrary>], iteration_bounds = array<i64: 40>, scalar_prefetch = 0 : i64, scratch_operands = 0 : i64, tpu.core_type = #tpu.core_type<tc>, window_params = [{transform_indices = @transform_0, window_bounds = array<i64: 2, 2, 256, 32>}, {transform_indices = @transform_1, window_bounds = array<i64: 256, 8>}, {pipeline_mode = #tpu.pipeline_mode<synchronous>, transform_indices = @transform_2, window_bounds = array<i64: 1, 64>}, {transform_indices = @transform_3, window_bounds = array<i64: 256, 64>}]} {
    %get3A = arith.constant 0 : index
    %get3A_0 = arith.constant 0 : index
    %get3A_1 = vector.load %arg2[%get3A, %get3A_0] : memref<256x8xf32, #tpu.memory_space<vmem>>, vector<256x1xf32>
    %get3A_2 = arith.constant 0 : index
    %get3A_3 = arith.constant 0 : index
    %get3A_4 = arith.constant 0 : index
    %get3A_5 = arith.constant 0 : index
    %get3A_6 = vector.load %arg1[%get3A_2, %get3A_3, %get3A_4, %get3A_5] : memref<2x2x256x32xf32, #tpu.memory_space<vmem>>, vector<1x1x256x32xf32>
    %get3A_7 = vector.shape_cast %get3A_6 : vector<1x1x256x32xf32> to vector<256x32xf32>
    %get3A_8 = arith.constant 1 : index
    %get3A_9 = arith.constant 0 : index
    %get3A_10 = arith.constant 0 : index
    %get3A_11 = arith.constant 0 : index
    %get3A_12 = vector.load %arg1[%get3A_8, %get3A_9, %get3A_10, %get3A_11] : memref<2x2x256x32xf32, #tpu.memory_space<vmem>>, vector<1x1x256x32xf32>
    %get3A_13 = vector.shape_cast %get3A_12 : vector<1x1x256x32xf32> to vector<256x32xf32>
    %add3A = arith.addf %get3A_7, %get3A_13 : vector<256x32xf32>
    %mul3A = vector.broadcast %get3A_1 : vector<256x1xf32> to vector<256x32xf32>
    %mul3A_14 = arith.mulf %add3A, %mul3A : vector<256x32xf32>
    %get3A_15 = arith.constant 0 : index
    %get3A_16 = arith.constant 1 : index
    %get3A_17 = arith.constant 0 : index
    %get3A_18 = arith.constant 0 : index
    %get3A_19 = vector.load %arg1[%get3A_15, %get3A_16, %get3A_17, %get3A_18] : memref<2x2x256x32xf32, #tpu.memory_space<vmem>>, vector<1x1x256x32xf32>
    %get3A_20 = vector.shape_cast %get3A_19 : vector<1x1x256x32xf32> to vector<256x32xf32>
    %get3A_21 = arith.constant 1 : index
    %get3A_22 = arith.constant 1 : index
    %get3A_23 = arith.constant 0 : index
    %get3A_24 = arith.constant 0 : index
    %get3A_25 = vector.load %arg1[%get3A_21, %get3A_22, %get3A_23, %get3A_24] : memref<2x2x256x32xf32, #tpu.memory_space<vmem>>, vector<1x1x256x32xf32>
    %get3A_26 = vector.shape_cast %get3A_25 : vector<1x1x256x32xf32> to vector<256x32xf32>
    %add3A_27 = arith.addf %get3A_20, %get3A_26 : vector<256x32xf32>
    %mul3A_28 = vector.broadcast %get3A_1 : vector<256x1xf32> to vector<256x32xf32>
    %mul3A_29 = arith.mulf %add3A_27, %mul3A_28 : vector<256x32xf32>
    %concatenate3A = tpu.concatenate %mul3A_14, %mul3A_29 in 1 : vector<256x32xf32>, vector<256x32xf32> -> vector<256x64xf32>
    %get3A_30 = arith.constant 0 : index
    %get3A_31 = arith.constant 0 : index
    %get3A_32 = vector.load %arg3[%get3A_30, %get3A_31] : memref<1x64xf32, #tpu.memory_space<vmem>>, vector<1x64xf32>
    %add3A_33 = vector.broadcast %get3A_32 : vector<1x64xf32> to vector<256x64xf32>
    %add3A_34 = arith.addf %concatenate3A, %add3A_33 : vector<256x64xf32>
    %swap3A = arith.constant 0 : index
    %swap3A_35 = arith.constant 0 : index
    %swap3A_36 = vector.load %arg4[%swap3A, %swap3A_35] : memref<256x64xf32, #tpu.memory_space<vmem>>, vector<256x64xf32>
    tpu.vector_store %arg4[%swap3A, %swap3A_35], %add3A_34 {strides = array<i32>} : memref<256x64xf32, #tpu.memory_space<vmem>>, vector<256x64xf32>,
    return
  }
  func.func @transform_0(%arg0: i32) -> (i32, i32, i32, i32) {
    %c0_i32 = arith.constant 0 : i32
    %c0_i32_0 = arith.constant 0 : i32
    %c0_i32_1 = arith.constant 0 : i32
    %c0_i32_2 = arith.constant 0 : i32
    return %c0_i32, %c0_i32_0, %arg0, %c0_i32_1 : i32, i32, i32, i32
  }
  func.func @transform_1(%arg0: i32) -> (i32, i32) {
    %c0_i32 = arith.constant 0 : i32
    %c0_i32_0 = arith.constant 0 : i32
    return %arg0, %c0_i32 : i32, i32
  }
  func.func @transform_2(%arg0: i32) -> (i32, i32) {
    %c0_i32 = arith.constant 0 : i32
    %c0_i32_0 = arith.constant 0 : i32
    %c0_i32_1 = arith.constant 0 : i32
    return %c0_i32, %c0_i32_0 : i32, i32
  }
  func.func @transform_3(%arg0: i32) -> (i32, i32) {
    %c0_i32 = arith.constant 0 : i32
    %c0_i32_0 = arith.constant 0 : i32
    return %arg0, %c0_i32 : i32, i32
  }
}

</mosaic_0001>

<sc_bundles>
// kernel: kernel.10.cloned.1.call-start
scs
__scs_entry_jumppad:
0x0: {  	(pc) =	sbr.rel $0x88, $3  }
0x1: {  	(tag) =	ssettag $0x0;
	lr =	simm.s32 $0x1  }
0x2: {  	[smem:$0x3F99] =	sst lr;
	_ =	strace $0xD0000000  }
0x3: {  	_ = 	snop  }
0x4: {  	_ = 	snop  }
0x5: {  	_ = 	snop  }
0x6: {  	_ = 	snop  }
0x7: {  	_ = 	snop  }
__scs_overlays_trampoline_lowered:
0x8: {  	[smem:$0x3FA8] =	sst s0  }
0x9: {  	[smem:$0x3FA9] =	sst s1  }
0xa: {  	[smem:$0x3FAA] =	sst s2  }
0xb: {  	[smem:$0x3FAB] =	sst s3  }
0xc: {  	[smem:$0x3FAC] =	sst s4  }
0xd: {  	[smem:$0x3FAD] =	sst s5  }
0xe: {  	[smem:$0x3FAE] =	sst s6  }
0xf: {  	[smem:$0x3FAF] =	sst s7  }
0x10: {  	[smem:$0x3FB0] =	sst s8  }
0x11: {  	[smem:$0x3FB1] =	sst s9;
	s0 =	simm.s32 @!p0 $0x0  }
0x12: {  	s1 =	sld [smem:$0x3F97];
	s0 =	simm.s32 @p0 $0x1  }
0x13: {  	[smem:$0x3FB2] =	sst s0;
	s0 =	simm.s32 @!p1 $0x0  }
0x14: {  	s2 =	sld [smem:$0x3F96];
	s0 =	simm.s32 @p1 $0x1  }
0x15: {  	[smem:$0x3FB3] =	sst s0;
	s0 =	simm.s32 @!p2 $0x0  }
0x16: {  	s3 =	sld [smem:$0x3FDB];
	s0 =	simm.s32 @p2 $0x1  }
0x17: {  	s4 =	simm.s32 $0x1BF5;
	[smem:$0x3FB5] =	sst s0  }
0x18: {  	s0 =	sld [smem:$0x3F98];
	_ =	swait.ge [sflag:s4], $0x0  }
0x19: {  	s7 =	sld [smem:$0x3F99]  }
0x1a: {  	s8 =	sadd.s32 $0xFFFFE003, lr  }
0x1b: {  	s9 =	sadd.s32 $0xFFFFFEF7, lr;
	s5 =	simm.s32 $0xFFFFFFFF;
	p2 =	slt.u32 s8, $0xFFFFF086  }
0x1c: {  	p1 =	slt.u32 s9, $0xF7A;
	s5 =	simm.s32 @!p2 $0x0  }
0x1d: {  	s5 =	simm.s32 @p1 $0x1;
	p0 =	seq.s32 s7, s2  }
0x1e: {  	s7 =	smul.u32 @!p0 $0xF7A, s2;
	p2 =	seq.s32 @!p0 s5, $0x0  }
0x1f: {  	s9 =	smul.u32 $0xF7A, s1;
	s8 =	simm.s32 @!p0 $0x1BF5;
	p2 =	por !p2, p0  }
0x20: {  	[sflag:s8] =	ssyncset.s32 @!p0 $0xFFFFF086;
	s6 =	sadd.s32 @!p0 s3, s7;
	s7 =	simm.s32 @!p0 $0x108  }
0x21: {  	s3 =	sadd.s32 s3, s9;
	s6 =	sadd.s32 @!p0 $0x88, s6;
	s7 =	simm.s32 @p2 $0x1082  }
0x22: {  	[simem:s7], [sflag:s8] =	dma.local @!p0 [hbm:s6], $0xF7A  }
0x23: {  	s9 =	sor.u32 $0xD0000000, s2;
	s6 =	simm.s32 $0x108;
	_ =	swait.ge @!p0 [sflag:s8], $0x0  }
0x24: {  	s3 =	sadd.s32 $0x88, s3;
	s6 =	simm.s32 @!p1 $0x1082;
	[sflag:s4] =	ssyncset.s32 $0xFFFFF086  }
0x25: {  	[simem:s6], [sflag:s4] =	dma.local [hbm:s3], $0xF7A  }
0x26: {  	[smem:$0x3F99] =	sst s1;
	(tag) =	ssettag s2;
	_ =	strace s9  }
0x27: {  	s1 =	sld [smem:$0x3FA9]  }
0x28: {  	s2 =	sld [smem:$0x3FAA]  }
0x29: {  	s4 =	sld [smem:$0x3FAC]  }
0x2a: {  	p0 =	seq.s32 s5, $0x0;
	s5 =	sld [smem:$0x3FAD]  }
0x2b: {  	s6 =	sld [smem:$0x3FAE]  }
0x2c: {  	s7 =	sld [smem:$0x3FAF]  }
0x2d: {  	s3 =	simm.s32 $0x108;
	s8 =	sld [smem:$0x3FB0]  }
0x2e: {  	s3 =	simm.s32 @!p0 $0x1082;
	s9 =	sld [smem:$0x3FB1]  }
0x2f: {  	lr =	sadd.s32 s0, s3;
	s0 =	sld [smem:$0x3FA8]  }
0x30: {  	s3 =	sld [smem:$0x3FAB]  }
0x31: {  	[smem:$0x3FB4] =	sst s10  }
0x32: {  	s10 =	sld [smem:$0x3FB2];
	_ =	sdelay $0x3  }
0x33: {  	p0 =	seq.s32 s10, $0x1;
	s10 =	sld [smem:$0x3FB4];
	_ =	sdelay $0x3  }
0x34: {  	[smem:$0x3FB4] =	sst s10  }
0x35: {  	s10 =	sld [smem:$0x3FB3];
	_ =	sdelay $0x3  }
0x36: {  	p1 =	seq.s32 s10, $0x1;
	s10 =	sld [smem:$0x3FB4];
	_ =	sdelay $0x3  }
0x37: {  	[smem:$0x3FB4] =	sst s10  }
0x38: {  	s10 =	sld [smem:$0x3FB5]  }
0x39: {  	_ = 	snop;
	(pc) =	sbr.ind lr, $3  }
0x3a: {  	_ = 	snop  }
0x3b: {  	_ = 	snop  }
0x3c: {  	p2 =	seq.s32 s10, $0x1;
	s10 =	sld [smem:$0x3FB4]  }
0x3d: {  	_ =	shalt  }
0x3e: {  	_ =	shalt  }
0x3f: {  	_ =	shalt  }
0x40: {  	_ =	shalt  }
0x41: {  	_ =	shalt  }
0x42: {  	_ =	shalt  }
0x43: {  	_ =	shalt  }
0x44: {  	_ =	shalt  }
0x45: {  	_ =	shalt  }
0x46: {  	_ =	shalt  }
0x47: {  	_ =	shalt  }
0x48: {  	_ =	shalt  }
0x49: {  	_ =	shalt  }
0x4a: {  	_ =	shalt  }
0x4b: {  	_ =	shalt  }
0x4c: {  	_ =	shalt  }
0x4d: {  	_ =	shalt  }
0x4e: {  	_ =	shalt  }
0x4f: {  	_ =	shalt  }
0x50: {  	_ =	shalt  }
0x51: {  	_ =	shalt  }
0x52: {  	_ =	shalt  }
0x53: {  	_ =	shalt  }
0x54: {  	_ =	shalt  }
0x55: {  	_ =	shalt  }
0x56: {  	_ =	shalt  }
0x57: {  	_ =	shalt  }
0x58: {  	_ =	shalt  }
0x59: {  	_ =	shalt  }
0x5a: {  	_ =	shalt  }
0x5b: {  	_ =	shalt  }
0x5c: {  	_ =	shalt  }
0x5d: {  	_ =	shalt  }
0x5e: {  	_ =	shalt  }
0x5f: {  	_ =	shalt  }
0x60: {  	_ =	shalt  }
0x61: {  	_ =	shalt  }
0x62: {  	_ =	shalt  }
0x63: {  	_ =	shalt  }
0x64: {  	_ =	shalt  }
0x65: {  	_ =	shalt  }
0x66: {  	_ =	shalt  }
0x67: {  	_ =	shalt  }
0x68: {  	_ =	shalt  }
0x69: {  	_ =	shalt  }
0x6a: {  	_ =	shalt  }
0x6b: {  	_ =	shalt  }
0x6c: {  	_ =	shalt  }
0x6d: {  	_ =	shalt  }
0x6e: {  	_ =	shalt  }
0x6f: {  	_ =	shalt  }
0x70: {  	_ =	shalt  }
0x71: {  	_ =	shalt  }
0x72: {  	_ =	shalt  }
0x73: {  	_ =	shalt  }
0x74: {  	_ =	shalt  }
0x75: {  	_ =	shalt  }
0x76: {  	_ =	shalt  }
0x77: {  	_ =	shalt  }
0x78: {  	_ =	shalt  }
0x79: {  	_ =	shalt  }
0x7a: {  	_ =	shalt  }
0x7b: {  	_ =	shalt  }
0x7c: {  	_ =	shalt  }
0x7d: {  	_ =	shalt  }
0x7e: {  	_ =	shalt  }
0x7f: {  	_ =	shalt  }
0x80: {  	_ =	shalt  }
0x81: {  	_ =	shalt  }
0x82: {  	_ =	shalt  }
0x83: {  	_ =	shalt  }
0x84: {  	_ =	shalt  }
0x85: {  	_ =	shalt  }
0x86: {  	_ =	shalt  }
0x87: {  	_ =	shalt  }
.Lfunc_end0:
.L_simem_size_0:
called_computation_lowered:
.L_overlay_start_0:
0x88: {  	s2 =	sld [smem:$0x3FD9]  }
0x89: {  	s3 =	sld [smem:$0x3FFE];
	_ =	sdelay $0x1  }
0x8a: {  	s1 =	srdreg.scid  }
0x8b: {  	s0 =	sand.u32 $0x1, s1  }
0x8c: {  	s17 =	sshll.u32 s0, $0xA;
	s2 =	sadd.s32 s3, s2  }
0x8d: {  	s2 =	sadd.s32 s2, s17  }
0x8e: {  	[smem:$0x3FC0] =	sst s2  }
0x8f: {  	_ = 	snop  }
0x90: {  	s2 =	sld [smem:$0x3FD0];
	(tm) =	ssettm $0x1  }
0x91: {  	s18 =	sld [smem:$0x3FFB];
	_ =	sdelay $0x3  }
0x92: {  	_ =	strace s18  }
0x93: {  	s3 =	sld [smem:$0x3FFC];
	_ =	sdelay $0x3  }
0x94: {  	_ =	strace s3  }
0x95: {  	s3 =	sld [smem:$0x3FFD];
	_ =	sdelay $0x3  }
0x96: {  	_ =	strace s3  }
0x97: {  	_ =	strace $0x8FFFFFFF  }
0x98: {  	s19 =	sld [smem:$0x3FDB];
	_ =	sdelay $0x1  }
0x99: {  	s4 =	simm.s32 $_scs_section_size  }
0x9a: {  	s5 =	simm.s32 $_size__tile_overlayer_lowered;
	s6 =	simm.s32 $_tile_overlayer_lowered  }
0x9b: {  	s22 =	simm.s32 $0x1BFF;
	s21 =	sshll.u32 s6, $0x1;
	s3 =	sadd.s32 s4, s19  }
0x9c: {  	s7 =	simm.s32 $0x0;
	s20 =	sshll.u32 s5, $0x1;
	s5 =	sadd.s32 s21, s3  }
0x9d: {  	[timem:s7], [sflag:s22] =	dma.local [hbm:s5], s20  }
0x9e: {  	_ =	swait.ge [sflag:s22], s20  }
0x9f: {  	s4 =	ssub.s32 $0x0, s20;
	[sflag:s22] =	ssyncset.done $0x0  }
0xa0: {  	[sflag:s22] =	ssyncadd.s32 s4;
	_ =	sdelay $0x1  }
0xa1: {  	s23 =	simm.s32 $0x1B8B  }
0xa2: {  	_ =	swait.ge [sflag:s23], $0x1  }
0xa3: {  	[sflag:s23] =	ssyncset.done $0x0  }
0xa4: {  	s25 =	simm.s32 $0x1B8E;
	s24 =	sld [smem:$0x3FFE];
	[sflag:s23] =	ssyncadd.s32 $0xFFFFFFFF  }
0xa5: {  	s26 =	simm.s32 $execute0_lowered;
	[smem:$0x3FD2] =	sst s25  }
0xa6: {  	s5 =	sshll.u32 s26, $0x1;
	_ =	strace $0x80000046;
	[dreg:$0x1] =	wrdreg $0xFFFFFFFF  }
0xa7: {  	s28 =	simm.s32 $_size_execute0_lowered;
	s3 =	sadd.s32 s3, s5;
	[dreg:$0x0] =	wrdreg $0x0  }
0xa8: {  	s5 =	sshll.u32 s28, $0x1;
	[dreg:$0x2] =	wrdreg s3  }
0xa9: {  	[dreg:$0x3] =	wrdreg s5  }
0xaa: {  	[dreg:$0x4] =	wrdreg $0xC0  }
0xab: {  	_ =	task [dreg:s7], $0x5FFFF  }
0xac: {  	[dreg:$0x1] =	wrdreg $0xFFFFFFFF  }
0xad: {  	[dreg:$0x0] =	wrdreg $0x60  }
0xae: {  	[dreg:$0x2] =	wrdreg s2  }
0xaf: {  	[dreg:$0x3] =	wrdreg s24  }
0xb0: {  	[dreg:$0x4] =	wrdreg $0x62000  }
0xb1: {  	[dreg:$0x5] =	wrdreg $0x8A000  }
0xb2: {  	[dreg:$0x6] =	wrdreg $0x9  }
0xb3: {  	_ =	task.clear_ibuf [dreg:s7], $0x7FFFF;
	_ =	strace $0x90000046  }
0xb4: {  	s29 =	simm.s32 $0x9;
	_ =	strace $0x80000048  }
0xb5: {  	_ =	swait.ge [sflag:s29], $0x1  }
0xb6: {  	[sflag:s29] =	ssyncadd.s32 $0xFFFFFFFF  }
0xb7: {  	_ =	strace $0x90000048  }
0xb8: {  	_ =	sfence  }
0xb9: {  	s30 =	sld [smem:$0x0];
	_ =	sdelay $0x2  }
0xba: {  	s31 =	sshll.u32 s1, $0xD;
	s1 =	sshrl.u32 s1, $0x2  }
0xbb: {  	s3 =	sand.u32 $0x4000, s31;
	s1 =	sadd.s32 s1, s30  }
0xbc: {  	s0 =	sor.u32 s3, s0;
	s1 =	sshll.u32 s1, $0x11  }
0xbd: {  	s0 =	sor.u32 s1, s0  }
0xbe: {  	s0 =	sadd.s32 $0x8F2B, s0  }
0xbf: {  	[sflag:s0] =	ssyncadd.remote.s32 $0x1  }
0xc0: {  	_ =	sfence.sel $0xFFFF  }
0xc1: {  	[dreg:$0x0] =	wrdreg $0xFFFFFFFF;
	(pc) =	sbr.abs _section_cstart, $3  }
0xc2: {  	[dreg:$0x1] =	wrdreg $0xFFFFFFFF  }
0xc3: {  	_ =	task.clear_ibuf [dreg:s7], $0x2FFFF;
	_ =	strace $0x9FFFFFFF  }
0xc4: {  	(tm) =	ssettm $0x7FFFFFFF  }
0xc5: {  	_ =	shalt  }
tec
execute0_lowered:
.L_overlay_start_1:
0x0: {  	(tag) =	ssettag $0x1  }
0x1: {  	s0 =	rddreg [dreg:$0x0]  }
0x2: {  	s1 =	srdreg.scid;
	s7 =	rddreg [dreg:$0x1]  }
0x3: {  	s3 =	stileid.u32;
	s2 =	rddreg [dreg:$0x2]  }
0x4: {  	s4 =	simm.s32 $0x0;
	s29 =	simm.s32 $0x5000;
	s30 =	simm.s32 $0x5800  }
0x5: {  	s31 =	simm.s32 $0x80;
	s14 =	smul.u32 $0x2800, s3;
	s3 =	rddreg [dreg:$0x3]  }
0x6: {  	s1 =	sand.u32 $0x1, s1;
	[smem:$0x7FF] =	sst s4;
	s24 =	sadd.s32 $0xD400, s7  }
0x7: {  	s25 =	sadd.s32 $0xD200, s7;
	s22 =	sadd.s32 $0xD600, s7;
	s5 =	smul.u32 $0x28000, s1  }
0x8: {  	_ =	strace $0x80000047;
	s10 =	ssub.s32 $0x2, s1;
	[dreg:$0x5] =	wrdreg s24  }
0x9: {  	[dreg:$0x6] =	wrdreg s25;
	s1 =	smul.u32 $0x50000, s1;
	s11 =	sshrl.u32 s10, $0x1  }
0xa: {  	s26 =	sadd.s32 $0xA00, s14;
	s19 =	sadd.s32 $0x1400, s14;
	s20 =	sadd.s32 $0x1E00, s14  }
0xb: {  	s5 =	sadd.s32 s14, s5;
	s25 =	ssub.s32 s10, s11;
	s10 =	sadd.s32 s14, s3  }
0xc: {  	s11 =	sadd.s32 s26, s2;
	s12 =	sadd.s32 s26, s3;
	s15 =	sadd.s32 s14, s1  }
0xd: {  	s13 =	sadd.s32 s19, s2;
	s17 =	sadd.s32 s20, s3;
	s21 =	sadd.s32 s1, s19  }
0xe: {  	s8 =	sshrl.u32 s5, $0x3;
	s16 =	sshrl.u32 s15, $0x3;
	s15 =	sadd.s32 s20, s2  }
0xf: {  	s28 =	sshrl.u32 s21, $0x3;
	s25 =	smax.u32 s25, $0x1;
	s9 =	sadd.s32 s8, s7  }
0x10: {  	s7 =	sadd.s32 s0, s8;
	s16 =	sadd.s32 s22, s16;
	s0 =	sadd.s32 s1, s26  }
0x11: {  	s1 =	sadd.s32 s1, s20;
	s21 =	sadd.s32 s22, s28;
	s26 =	simm.s32 $0x1  }
0x12: {  	s8 =	sadd.s32 $0x3200, s9;
	s9 =	sadd.s32 s14, s2;
	s14 =	sadd.s32 s19, s3  }
0x13: {  	s18 =	sadd.s32 $0x5000, s16;
	s0 =	sshrl.u32 s0, $0x3;
	s1 =	sshrl.u32 s1, $0x3  }
0x14: {  	s23 =	sadd.s32 $0x5000, s21;
	s19 =	sadd.s32 s22, s0;
	s22 =	sadd.s32 s22, s1  }
0x15: {  	s1 =	simm.s32 $0x0;
	s20 =	sadd.s32 $0x5000, s19;
	s24 =	sadd.s32 $0x5000, s22  }
.LBB2_1:
0x16: {  	[tilespmem:s4], [sflag:$0x1] =	stream.linear.gather [hbm4b:s7+s4], $0x2800, $0x38;
	[tilespmem:$0xB200] =	vst v63  }
0x17: {  	_ =	swait.ge [sflag:s26], $0x2800  }
0x18: {  	[sflag:s26] =	ssyncset.done $0x0  }
0x19: {  	s0 =	simm.s32 $0x2800;
	[sflag:s26] =	ssyncadd.s32 $0xFFFFD800  }
0x1a: {  	[tilespmem:s0], [sflag:$0x1] =	stream.linear.gather [hbm4b:s8+s4], $0x2800, $0x38;
	[tilespmem:$0xB200] =	vst v63  }
0x1b: {  	_ =	swait.ge [sflag:s26], $0x2800  }
0x1c: {  	[sflag:s26] =	ssyncset.done $0x0  }
0x1d: {  	s5 =	rddreg [dreg:$0x5];
	[sflag:s26] =	ssyncadd.s32 $0xFFFFD800  }
0x1e: {  	[tilespmem:s29], [sflag:$0x1] =	stream.linear.gather [hbm4b:s5+s4], $0x800, $0x38;
	[tilespmem:$0xB200] =	vst v63  }
0x1f: {  	_ =	swait.ge [sflag:s26], $0x800  }
0x20: {  	[sflag:s26] =	ssyncset.done $0x0  }
0x21: {  	s6 =	rddreg [dreg:$0x6];
	[sflag:s26] =	ssyncadd.s32 $0xFFFFF800  }
0x22: {  	[tilespmem:s30], [sflag:$0x1] =	stream.linear.gather [hbm4b:s6+s4], $0xA00, $0x38;
	[tilespmem:$0xB200] =	vst v63  }
0x23: {  	_ =	swait.ge [sflag:s26], $0xA00  }
0x24: {  	[sflag:s26] =	ssyncset.done $0x0  }
0x25: {  	[sflag:s26] =	ssyncadd.s32 $0xFFFFF600  }
0x26: {  	[spmem:s9] =	stream.linear.scatter [tilespmem:s30], [sflag:$0x1], $0xA00, $0x38;
	[tilespmem:$0xB200] =	vst v63  }
0x27: {  	_ =	swait.ge [sflag:s26], $0xA00  }
0x28: {  	[sflag:s26] =	ssyncset.done $0x0  }
0x29: {  	[sflag:s26] =	ssyncadd.s32 $0xFFFFF600  }
0x2a: {  	[spmem:s10] =	stream.linear.scatter [tilespmem:s30], [sflag:$0x1], $0xA00, $0x38;
	[tilespmem:$0xB200] =	vst v63  }
0x2b: {  	_ =	swait.ge [sflag:s26], $0xA00  }
0x2c: {  	[sflag:s26] =	ssyncset.done $0x0  }
0x2d: {  	[sflag:s26] =	ssyncadd.s32 $0xFFFFF600  }
0x2e: {  	[spmem:s11] =	stream.linear.scatter [tilespmem:s30], [sflag:$0x1], $0xA00, $0x38;
	[tilespmem:$0xB200] =	vst v63  }
0x2f: {  	_ =	swait.ge [sflag:s26], $0xA00  }
0x30: {  	[sflag:s26] =	ssyncset.done $0x0  }
0x31: {  	[sflag:s26] =	ssyncadd.s32 $0xFFFFF600  }
0x32: {  	[spmem:s12] =	stream.linear.scatter [tilespmem:s30], [sflag:$0x1], $0xA00, $0x38;
	[tilespmem:$0xB200] =	vst v63  }
0x33: {  	_ =	swait.ge [sflag:s26], $0xA00  }
0x34: {  	[sflag:s26] =	ssyncset.done $0x0  }
0x35: {  	[sflag:s26] =	ssyncadd.s32 $0xFFFFF600  }
0x36: {  	[spmem:s13] =	stream.linear.scatter [tilespmem:s30], [sflag:$0x1], $0xA00, $0x38;
	[tilespmem:$0xB200] =	vst v63  }
0x37: {  	_ =	swait.ge [sflag:s26], $0xA00  }
0x38: {  	[sflag:s26] =	ssyncset.done $0x0  }
0x39: {  	[sflag:s26] =	ssyncadd.s32 $0xFFFFF600  }
0x3a: {  	[spmem:s14] =	stream.linear.scatter [tilespmem:s30], [sflag:$0x1], $0xA00, $0x38;
	[tilespmem:$0xB200] =	vst v63  }
0x3b: {  	_ =	swait.ge [sflag:s26], $0xA00  }
0x3c: {  	[sflag:s26] =	ssyncset.done $0x0  }
0x3d: {  	[sflag:s26] =	ssyncadd.s32 $0xFFFFF600  }
0x3e: {  	[spmem:s15] =	stream.linear.scatter [tilespmem:s30], [sflag:$0x1], $0xA00, $0x38;
	[tilespmem:$0xB200] =	vst v63  }
0x3f: {  	_ =	swait.ge [sflag:s26], $0xA00  }
0x40: {  	[sflag:s26] =	ssyncset.done $0x0  }
0x41: {  	[sflag:s26] =	ssyncadd.s32 $0xFFFFF600  }
0x42: {  	[spmem:s17] =	stream.linear.scatter [tilespmem:s30], [sflag:$0x1], $0xA00, $0x38;
	[tilespmem:$0xB200] =	vst v63  }
0x43: {  	_ =	swait.ge [sflag:s26], $0xA00  }
0x44: {  	[sflag:s26] =	ssyncset.done $0x0  }
0x45: {  	[sflag:s26] =	ssyncadd.s32 $0xFFFFF600  }
0x46: {  	s5 =	simm.s32 $0x0;
	[bflag:$0x0] =	sbarrier.arrive $0xFFFF  }
0x47: {  	[spmem:s2] =	stream.indirect.scatter.add.f32 [tilespmem:s29], [sflag:$0x1], $0x10, s5, s31, $0xb8;
	[tilespmem:$0xB200] =	vst v63  }
0x48: {  	_ =	swait.ge [sflag:s26], $0x800  }
0x49: {  	[sflag:s26] =	ssyncset.done $0x0  }
0x4a: {  	s6 =	simm.s32 $0x2800;
	[sflag:s26] =	ssyncadd.s32 $0xFFFFF800  }
0x4b: {  	[spmem:s3] =	stream.indirect.scatter.add.f32 [tilespmem:s29], [sflag:$0x1], $0x10, s6, s31, $0xb8;
	[tilespmem:$0xB200] =	vst v63  }
0x4c: {  	_ =	swait.ge [sflag:s26], $0x800  }
0x4d: {  	s28 =	simm.s32 $0x400;
	s0 =	simm.s32 $0x200;
	[sflag:s26] =	ssyncset.done $0x0  }
.LBB2_2:
0x4e: {  	s5 =	sshra.s32 s0, $0x2  }
0x4f: {  	[sflag:s26] =	ssyncadd.s32 $0xFFFFF800;
	s0 =	smov.u32 s28;
	s6 =	sadd.s32 $0x200, s28  }
0x50: {  	[spmem:s2] =	stream.indirect.scatter.add.f32 [tilespmem:s29], [sflag:$0x1], $0x10, s5, s31, $0xb8;
	[tilespmem:$0xB200] =	vst v63  }
0x51: {  	p0 =	sne.s32 s28, $0x9E00;
	_ =	swait.ge [sflag:s26], $0x800  }
.Ltmp0:
0x52: {  	[sflag:s26] =	ssyncset.done $0x0;
	(pc) =	sbr.rel @p0 .LBB2_2-.Ltmp0, $4  }
0x53: {  	s5 =	sadd.s32 $0x2800, s5;
	[sflag:s26] =	ssyncadd.s32 $0xFFFFF800  }
0x54: {  	[spmem:s3] =	stream.indirect.scatter.add.f32 [tilespmem:s29], [sflag:$0x1], $0x10, s5, s31, $0xb8;
	[tilespmem:$0xB200] =	vst v63  }
0x55: {  	_ =	swait.ge [sflag:s26], $0x800  }
0x56: {  	s28 =	smov.u32 s6;
	[sflag:s26] =	ssyncset.done $0x0  }
0x57: {  	s0 =	sshra.s32 s0, $0x2;
	[sflag:s26] =	ssyncadd.s32 $0xFFFFF800  }
0x58: {  	[spmem:s2] =	stream.indirect.scatter.add.f32 [tilespmem:s29], [sflag:$0x1], $0x10, s0, s31, $0xb8;
	[tilespmem:$0xB200] =	vst v63  }
0x59: {  	_ =	swait.ge [sflag:s26], $0x800  }
0x5a: {  	[sflag:s26] =	ssyncset.done $0x0  }
0x5b: {  	s0 =	sadd.s32 $0x2800, s0;
	[sflag:s26] =	ssyncadd.s32 $0xFFFFF800  }
0x5c: {  	[spmem:s3] =	stream.indirect.scatter.add.f32 [tilespmem:s29], [sflag:$0x1], $0x10, s0, s31, $0xb8;
	[tilespmem:$0xB200] =	vst v63  }
0x5d: {  	_ =	swait.ge [sflag:s26], $0x800  }
0x5e: {  	[sflag:s26] =	ssyncset.done $0x0  }
0x5f: {  	[sflag:s26] =	ssyncadd.s32 $0xFFFFF800  }
0x60: {  	[bflag:$0x0] =	sbarrier.arrive $0xFFFF  }
0x61: {  	[tilespmem:s30], [sflag:$0x1] =	stream.linear.gather [spmem:s9], $0xA00, $0x38;
	[tilespmem:$0xB200] =	vst v63  }
0x62: {  	_ =	swait.ge [sflag:s26], $0xA00  }
0x63: {  	[sflag:s26] =	ssyncset.done $0x0  }
0x64: {  	[sflag:s26] =	ssyncadd.s32 $0xFFFFF600  }
0x65: {  	[hbm4b:s16+s4] =	stream.linear.scatter [tilespmem:s30], [sflag:$0x1], $0xA00, $0x38;
	[tilespmem:$0xB200] =	vst v63  }
0x66: {  	_ =	swait.ge [sflag:s26], $0xA00  }
0x67: {  	[sflag:s26] =	ssyncset.done $0x0  }
0x68: {  	[sflag:s26] =	ssyncadd.s32 $0xFFFFF600  }
0x69: {  	[tilespmem:s30], [sflag:$0x1] =	stream.linear.gather [spmem:s10], $0xA00, $0x38;
	[tilespmem:$0xB200] =	vst v63  }
0x6a: {  	_ =	swait.ge [sflag:s26], $0xA00  }
0x6b: {  	[sflag:s26] =	ssyncset.done $0x0  }
0x6c: {  	[sflag:s26] =	ssyncadd.s32 $0xFFFFF600  }
0x6d: {  	[hbm4b:s18+s4] =	stream.linear.scatter [tilespmem:s30], [sflag:$0x1], $0xA00, $0x38;
	[tilespmem:$0xB200] =	vst v63  }
0x6e: {  	_ =	swait.ge [sflag:s26], $0xA00  }
0x6f: {  	[sflag:s26] =	ssyncset.done $0x0  }
0x70: {  	[sflag:s26] =	ssyncadd.s32 $0xFFFFF600  }
0x71: {  	[tilespmem:s30], [sflag:$0x1] =	stream.linear.gather [spmem:s11], $0xA00, $0x38;
	[tilespmem:$0xB200] =	vst v63  }
0x72: {  	_ =	swait.ge [sflag:s26], $0xA00  }
0x73: {  	[sflag:s26] =	ssyncset.done $0x0  }
0x74: {  	[sflag:s26] =	ssyncadd.s32 $0xFFFFF600  }
0x75: {  	[hbm4b:s19+s4] =	stream.linear.scatter [tilespmem:s30], [sflag:$0x1], $0xA00, $0x38;
	[tilespmem:$0xB200] =	vst v63  }
0x76: {  	_ =	swait.ge [sflag:s26], $0xA00  }
0x77: {  	[sflag:s26] =	ssyncset.done $0x0  }
0x78: {  	[sflag:s26] =	ssyncadd.s32 $0xFFFFF600  }
0x79: {  	[tilespmem:s30], [sflag:$0x1] =	stream.linear.gather [spmem:s12], $0xA00, $0x38;
	[tilespmem:$0xB200] =	vst v63  }
0x7a: {  	_ =	swait.ge [sflag:s26], $0xA00  }
0x7b: {  	[sflag:s26] =	ssyncset.done $0x0  }
0x7c: {  	[sflag:s26] =	ssyncadd.s32 $0xFFFFF600  }
0x7d: {  	[hbm4b:s20+s4] =	stream.linear.scatter [tilespmem:s30], [sflag:$0x1], $0xA00, $0x38;
	[tilespmem:$0xB200] =	vst v63  }
0x7e: {  	_ =	swait.ge [sflag:s26], $0xA00  }
0x7f: {  	[sflag:s26] =	ssyncset.done $0x0  }
0x80: {  	[sflag:s26] =	ssyncadd.s32 $0xFFFFF600  }
0x81: {  	[tilespmem:s30], [sflag:$0x1] =	stream.linear.gather [spmem:s13], $0xA00, $0x38;
	[tilespmem:$0xB200] =	vst v63  }
0x82: {  	_ =	swait.ge [sflag:s26], $0xA00  }
0x83: {  	[sflag:s26] =	ssyncset.done $0x0  }
0x84: {  	[sflag:s26] =	ssyncadd.s32 $0xFFFFF600  }
0x85: {  	[hbm4b:s21+s4] =	stream.linear.scatter [tilespmem:s30], [sflag:$0x1], $0xA00, $0x38;
	[tilespmem:$0xB200] =	vst v63  }
0x86: {  	_ =	swait.ge [sflag:s26], $0xA00  }
0x87: {  	[sflag:s26] =	ssyncset.done $0x0  }
0x88: {  	[sflag:s26] =	ssyncadd.s32 $0xFFFFF600  }
0x89: {  	[tilespmem:s30], [sflag:$0x1] =	stream.linear.gather [spmem:s14], $0xA00, $0x38;
	[tilespmem:$0xB200] =	vst v63  }
0x8a: {  	_ =	swait.ge [sflag:s26], $0xA00  }
0x8b: {  	[sflag:s26] =	ssyncset.done $0x0  }
0x8c: {  	[sflag:s26] =	ssyncadd.s32 $0xFFFFF600  }
0x8d: {  	[hbm4b:s23+s4] =	stream.linear.scatter [tilespmem:s30], [sflag:$0x1], $0xA00, $0x38;
	[tilespmem:$0xB200] =	vst v63  }
0x8e: {  	_ =	swait.ge [sflag:s26], $0xA00  }
0x8f: {  	[sflag:s26] =	ssyncset.done $0x0  }
0x90: {  	[sflag:s26] =	ssyncadd.s32 $0xFFFFF600  }
0x91: {  	[tilespmem:s30], [sflag:$0x1] =	stream.linear.gather [spmem:s15], $0xA00, $0x38;
	[tilespmem:$0xB200] =	vst v63  }
0x92: {  	_ =	swait.ge [sflag:s26], $0xA00  }
0x93: {  	[sflag:s26] =	ssyncset.done $0x0  }
0x94: {  	[sflag:s26] =	ssyncadd.s32 $0xFFFFF600  }
0x95: {  	[hbm4b:s22+s4] =	stream.linear.scatter [tilespmem:s30], [sflag:$0x1], $0xA00, $0x38;
	[tilespmem:$0xB200] =	vst v63  }
0x96: {  	_ =	swait.ge [sflag:s26], $0xA00  }
0x97: {  	[sflag:s26] =	ssyncset.done $0x0  }
0x98: {  	[sflag:s26] =	ssyncadd.s32 $0xFFFFF600  }
0x99: {  	[tilespmem:s30], [sflag:$0x1] =	stream.linear.gather [spmem:s17], $0xA00, $0x38;
	[tilespmem:$0xB200] =	vst v63  }
0x9a: {  	s1 =	sadd.s32 $0x1, s1;
	_ =	swait.ge [sflag:s26], $0xA00  }
0x9b: {  	p0 =	sne.s32 s1, s25;
	[sflag:s26] =	ssyncset.done $0x0  }
.Ltmp1:
0x9c: {  	[sflag:s26] =	ssyncadd.s32 $0xFFFFF600;
	(pc) =	sbr.rel @p0 .LBB2_1-.Ltmp1, $4  }
0x9d: {  	[hbm4b:s24+s4] =	stream.linear.scatter [tilespmem:s30], [sflag:$0x1], $0xA00, $0x38;
	[tilespmem:$0xB200] =	vst v63  }
0x9e: {  	_ =	swait.ge [sflag:s26], $0xA00  }
0x9f: {  	[sflag:s26] =	ssyncset.done $0x0  }
0xa0: {  	[sflag:s26] =	ssyncadd.s32 $0xFFFFF600  }
0xa1: {  	_ =	sfence.sel $0x180000  }
0xa2: {  	[bflag:$0x0] =	sbarrier.arrive $0xFFFF  }
0xa3: {  	_ =	strace $0x90000047  }
0xa4: {  	s0 =	stileid.u32;
	[bflag:$0x2] =	sbarrier.arrive $0xFFFF  }
0xa5: {  	p0 =	sne.s32 s0, $0x0;
	s0 =	rddreg [dreg:$0x4]  }
0xa6: {  	s0 =	sadd.s32 @!p0 $0x100000, s0  }
0xa7: {  	[sflag:s0] =	ssyncadd.tile.s32 @!p0 $0x1;
	_ =	shalt  }
.Lfunc_end2:
_tile_overlayer_lowered:
.L_overlay_start_2:
0xa8: {  	(tag) =	ssettag $0x2  }
0xa9: {  	s0 =	rddreg [dreg:$0x0];
	s2 =	stileid.u32  }
0xaa: {  	s1 =	rddreg [dreg:$0x1];
	p0 =	sne.s32 s2, $0x0  }
0xab: {  	s3 =	rddreg [dreg:$0x2];
	[bflag:$0x3] =	sbarrier.arrive $0xFFFF;
	s2 =	simm.s32 @!p0 $0x1C01  }
0xac: {  	[timem:s3], [sflag:s2] =	dma.local @!p0 [hbm:s0], s1  }
0xad: {  	s0 =	simm.s32 @!p0 $0x1  }
0xae: {  	_ =	swait.ge @!p0 [sflag:s0], s1  }
0xaf: {  	s1 =	ssub.s32 @!p0 $0x0, s1;
	[sflag:s0] =	ssyncset.done @!p0 $0x0  }
0xb0: {  	[sflag:s0] =	ssyncadd.s32 @!p0 s1  }
0xb1: {  	[bflag:$0x3] =	sbarrier.arrive $0xFFFF  }
0xb2: {  	_ =	shalt  }

// kernel: kernel.13.cloned.1.call-start
scs
__scs_entry_jumppad:
0x0: {  	(pc) =	sbr.rel $0x88, $3  }
0x1: {  	(tag) =	ssettag $0x0;
	lr =	simm.s32 $0x1  }
0x2: {  	[smem:$0x3F99] =	sst lr;
	_ =	strace $0xD0000000  }
0x3: {  	_ = 	snop  }
0x4: {  	_ = 	snop  }
0x5: {  	_ = 	snop  }
0x6: {  	_ = 	snop  }
0x7: {  	_ = 	snop  }
__scs_overlays_trampoline_lowered:
0x8: {  	[smem:$0x3FA8] =	sst s0  }
0x9: {  	[smem:$0x3FA9] =	sst s1  }
0xa: {  	[smem:$0x3FAA] =	sst s2  }
0xb: {  	[smem:$0x3FAB] =	sst s3  }
0xc: {  	[smem:$0x3FAC] =	sst s4  }
0xd: {  	[smem:$0x3FAD] =	sst s5  }
0xe: {  	[smem:$0x3FAE] =	sst s6  }
0xf: {  	[smem:$0x3FAF] =	sst s7  }
0x10: {  	[smem:$0x3FB0] =	sst s8  }
0x11: {  	[smem:$0x3FB1] =	sst s9;
	s0 =	simm.s32 @!p0 $0x0  }
0x12: {  	s1 =	sld [smem:$0x3F97];
	s0 =	simm.s32 @p0 $0x1  }
0x13: {  	[smem:$0x3FB2] =	sst s0;
	s0 =	simm.s32 @!p1 $0x0  }
0x14: {  	s2 =	sld [smem:$0x3F96];
	s0 =	simm.s32 @p1 $0x1  }
0x15: {  	[smem:$0x3FB3] =	sst s0;
	s0 =	simm.s32 @!p2 $0x0  }
0x16: {  	s3 =	sld [smem:$0x3FDB];
	s0 =	simm.s32 @p2 $0x1  }
0x17: {  	s4 =	simm.s32 $0x1BF5;
	[smem:$0x3FB5] =	sst s0  }
0x18: {  	s0 =	sld [smem:$0x3F98];
	_ =	swait.ge [sflag:s4], $0x0  }
0x19: {  	s7 =	sld [smem:$0x3F99]  }
0x1a: {  	s8 =	sadd.s32 $0xFFFFE003, lr  }
0x1b: {  	s9 =	sadd.s32 $0xFFFFFEF7, lr;
	s5 =	simm.s32 $0xFFFFFFFF;
	p2 =	slt.u32 s8, $0xFFFFF086  }
0x1c: {  	p1 =	slt.u32 s9, $0xF7A;
	s5 =	simm.s32 @!p2 $0x0  }
0x1d: {  	s5 =	simm.s32 @p1 $0x1;
	p0 =	seq.s32 s7, s2  }
0x1e: {  	s7 =	smul.u32 @!p0 $0xF7A, s2;
	p2 =	seq.s32 @!p0 s5, $0x0  }
0x1f: {  	s9 =	smul.u32 $0xF7A, s1;
	s8 =	simm.s32 @!p0 $0x1BF5;
	p2 =	por !p2, p0  }
0x20: {  	[sflag:s8] =	ssyncset.s32 @!p0 $0xFFFFF086;
	s6 =	sadd.s32 @!p0 s3, s7;
	s7 =	simm.s32 @!p0 $0x108  }
0x21: {  	s3 =	sadd.s32 s3, s9;
	s6 =	sadd.s32 @!p0 $0x88, s6;
	s7 =	simm.s32 @p2 $0x1082  }
0x22: {  	[simem:s7], [sflag:s8] =	dma.local @!p0 [hbm:s6], $0xF7A  }
0x23: {  	s9 =	sor.u32 $0xD0000000, s2;
	s6 =	simm.s32 $0x108;
	_ =	swait.ge @!p0 [sflag:s8], $0x0  }
0x24: {  	s3 =	sadd.s32 $0x88, s3;
	s6 =	simm.s32 @!p1 $0x1082;
	[sflag:s4] =	ssyncset.s32 $0xFFFFF086  }
0x25: {  	[simem:s6], [sflag:s4] =	dma.local [hbm:s3], $0xF7A  }
0x26: {  	[smem:$0x3F99] =	sst s1;
	(tag) =	ssettag s2;
	_ =	strace s9  }
0x27: {  	s1 =	sld [smem:$0x3FA9]  }
0x28: {  	s2 =	sld [smem:$0x3FAA]  }
0x29: {  	s4 =	sld [smem:$0x3FAC]  }
0x2a: {  	p0 =	seq.s32 s5, $0x0;
	s5 =	sld [smem:$0x3FAD]  }
0x2b: {  	s6 =	sld [smem:$0x3FAE]  }
0x2c: {  	s7 =	sld [smem:$0x3FAF]  }
0x2d: {  	s3 =	simm.s32 $0x108;
	s8 =	sld [smem:$0x3FB0]  }
0x2e: {  	s3 =	simm.s32 @!p0 $0x1082;
	s9 =	sld [smem:$0x3FB1]  }
0x2f: {  	lr =	sadd.s32 s0, s3;
	s0 =	sld [smem:$0x3FA8]  }
0x30: {  	s3 =	sld [smem:$0x3FAB]  }
0x31: {  	[smem:$0x3FB4] =	sst s10  }
0x32: {  	s10 =	sld [smem:$0x3FB2];
	_ =	sdelay $0x3  }
0x33: {  	p0 =	seq.s32 s10, $0x1;
	s10 =	sld [smem:$0x3FB4];
	_ =	sdelay $0x3  }
0x34: {  	[smem:$0x3FB4] =	sst s10  }
0x35: {  	s10 =	sld [smem:$0x3FB3];
	_ =	sdelay $0x3  }
0x36: {  	p1 =	seq.s32 s10, $0x1;
	s10 =	sld [smem:$0x3FB4];
	_ =	sdelay $0x3  }
0x37: {  	[smem:$0x3FB4] =	sst s10  }
0x38: {  	s10 =	sld [smem:$0x3FB5]  }
0x39: {  	_ = 	snop;
	(pc) =	sbr.ind lr, $3  }
0x3a: {  	_ = 	snop  }
0x3b: {  	_ = 	snop  }
0x3c: {  	p2 =	seq.s32 s10, $0x1;
	s10 =	sld [smem:$0x3FB4]  }
0x3d: {  	_ =	shalt  }
0x3e: {  	_ =	shalt  }
0x3f: {  	_ =	shalt  }
0x40: {  	_ =	shalt  }
0x41: {  	_ =	shalt  }
0x42: {  	_ =	shalt  }
0x43: {  	_ =	shalt  }
0x44: {  	_ =	shalt  }
0x45: {  	_ =	shalt  }
0x46: {  	_ =	shalt  }
0x47: {  	_ =	shalt  }
0x48: {  	_ =	shalt  }
0x49: {  	_ =	shalt  }
0x4a: {  	_ =	shalt  }
0x4b: {  	_ =	shalt  }
0x4c: {  	_ =	shalt  }
0x4d: {  	_ =	shalt  }
0x4e: {  	_ =	shalt  }
0x4f: {  	_ =	shalt  }
0x50: {  	_ =	shalt  }
0x51: {  	_ =	shalt  }
0x52: {  	_ =	shalt  }
0x53: {  	_ =	shalt  }
0x54: {  	_ =	shalt  }
0x55: {  	_ =	shalt  }
0x56: {  	_ =	shalt  }
0x57: {  	_ =	shalt  }
0x58: {  	_ =	shalt  }
0x59: {  	_ =	shalt  }
0x5a: {  	_ =	shalt  }
0x5b: {  	_ =	shalt  }
0x5c: {  	_ =	shalt  }
0x5d: {  	_ =	shalt  }
0x5e: {  	_ =	shalt  }
0x5f: {  	_ =	shalt  }
0x60: {  	_ =	shalt  }
0x61: {  	_ =	shalt  }
0x62: {  	_ =	shalt  }
0x63: {  	_ =	shalt  }
0x64: {  	_ =	shalt  }
0x65: {  	_ =	shalt  }
0x66: {  	_ =	shalt  }
0x67: {  	_ =	shalt  }
0x68: {  	_ =	shalt  }
0x69: {  	_ =	shalt  }
0x6a: {  	_ =	shalt  }
0x6b: {  	_ =	shalt  }
0x6c: {  	_ =	shalt  }
0x6d: {  	_ =	shalt  }
0x6e: {  	_ =	shalt  }
0x6f: {  	_ =	shalt  }
0x70: {  	_ =	shalt  }
0x71: {  	_ =	shalt  }
0x72: {  	_ =	shalt  }
0x73: {  	_ =	shalt  }
0x74: {  	_ =	shalt  }
0x75: {  	_ =	shalt  }
0x76: {  	_ =	shalt  }
0x77: {  	_ =	shalt  }
0x78: {  	_ =	shalt  }
0x79: {  	_ =	shalt  }
0x7a: {  	_ =	shalt  }
0x7b: {  	_ =	shalt  }
0x7c: {  	_ =	shalt  }
0x7d: {  	_ =	shalt  }
0x7e: {  	_ =	shalt  }
0x7f: {  	_ =	shalt  }
0x80: {  	_ =	shalt  }
0x81: {  	_ =	shalt  }
0x82: {  	_ =	shalt  }
0x83: {  	_ =	shalt  }
0x84: {  	_ =	shalt  }
0x85: {  	_ =	shalt  }
0x86: {  	_ =	shalt  }
0x87: {  	_ =	shalt  }
.Lfunc_end0:
.L_simem_size_0:
called_computation.1_lowered:
.L_overlay_start_0:
0x88: {  	s2 =	sld [smem:$0x3FD9]  }
0x89: {  	s3 =	sld [smem:$0x3FFE];
	_ =	sdelay $0x1  }
0x8a: {  	s1 =	srdreg.scid  }
0x8b: {  	s0 =	sand.u32 $0x1, s1  }
0x8c: {  	s17 =	sshll.u32 s0, $0xA;
	s2 =	sadd.s32 s3, s2  }
0x8d: {  	s2 =	sadd.s32 s2, s17  }
0x8e: {  	[smem:$0x3FC0] =	sst s2  }
0x8f: {  	_ = 	snop  }
0x90: {  	s2 =	sld [smem:$0x3FD0];
	(tm) =	ssettm $0x1  }
0x91: {  	s18 =	sld [smem:$0x3FFB];
	_ =	sdelay $0x3  }
0x92: {  	_ =	strace s18  }
0x93: {  	s3 =	sld [smem:$0x3FFC];
	_ =	sdelay $0x3  }
0x94: {  	_ =	strace s3  }
0x95: {  	s3 =	sld [smem:$0x3FFD];
	_ =	sdelay $0x3  }
0x96: {  	_ =	strace s3  }
0x97: {  	_ =	strace $0x8FFFFFFF  }
0x98: {  	s19 =	sld [smem:$0x3FDB];
	_ =	sdelay $0x1  }
0x99: {  	s4 =	simm.s32 $_scs_section_size  }
0x9a: {  	s5 =	simm.s32 $_size__tile_overlayer_lowered;
	s6 =	simm.s32 $_tile_overlayer_lowered  }
0x9b: {  	s22 =	simm.s32 $0x1BFF;
	s21 =	sshll.u32 s6, $0x1;
	s3 =	sadd.s32 s4, s19  }
0x9c: {  	s7 =	simm.s32 $0x0;
	s20 =	sshll.u32 s5, $0x1;
	s5 =	sadd.s32 s21, s3  }
0x9d: {  	[timem:s7], [sflag:s22] =	dma.local [hbm:s5], s20  }
0x9e: {  	_ =	swait.ge [sflag:s22], s20  }
0x9f: {  	s4 =	ssub.s32 $0x0, s20;
	[sflag:s22] =	ssyncset.done $0x0  }
0xa0: {  	[sflag:s22] =	ssyncadd.s32 s4;
	_ =	sdelay $0x1  }
0xa1: {  	s23 =	simm.s32 $0x1B8B  }
0xa2: {  	_ =	swait.ge [sflag:s23], $0x1  }
0xa3: {  	[sflag:s23] =	ssyncset.done $0x0  }
0xa4: {  	s25 =	simm.s32 $0x1B8E;
	s24 =	sld [smem:$0x3FFE];
	[sflag:s23] =	ssyncadd.s32 $0xFFFFFFFF  }
0xa5: {  	s26 =	simm.s32 $execute0_lowered;
	[smem:$0x3FD2] =	sst s25  }
0xa6: {  	s5 =	sshll.u32 s26, $0x1;
	_ =	strace $0x80000049;
	[dreg:$0x1] =	wrdreg $0xFFFFFFFF  }
0xa7: {  	s28 =	simm.s32 $_size_execute0_lowered;
	s3 =	sadd.s32 s3, s5;
	[dreg:$0x0] =	wrdreg $0x0  }
0xa8: {  	s5 =	sshll.u32 s28, $0x1;
	[dreg:$0x2] =	wrdreg s3  }
0xa9: {  	[dreg:$0x3] =	wrdreg s5  }
0xaa: {  	[dreg:$0x4] =	wrdreg $0xC0  }
0xab: {  	_ =	task [dreg:s7], $0x5FFFF  }
0xac: {  	[dreg:$0x1] =	wrdreg $0xFFFFFFFF  }
0xad: {  	[dreg:$0x0] =	wrdreg $0x60  }
0xae: {  	[dreg:$0x2] =	wrdreg s24  }
0xaf: {  	[dreg:$0x3] =	wrdreg s2  }
0xb0: {  	[dreg:$0x4] =	wrdreg $0xE0000  }
0xb1: {  	[dreg:$0x5] =	wrdreg $0x9  }
0xb2: {  	_ =	task.clear_ibuf [dreg:s7], $0x6FFFF;
	_ =	strace $0x90000049  }
0xb3: {  	s29 =	simm.s32 $0x9;
	_ =	strace $0x8000004B  }
0xb4: {  	_ =	swait.ge [sflag:s29], $0x1  }
0xb5: {  	[sflag:s29] =	ssyncadd.s32 $0xFFFFFFFF  }
0xb6: {  	_ =	strace $0x9000004B  }
0xb7: {  	_ =	sfence  }
0xb8: {  	s30 =	sld [smem:$0x0];
	_ =	sdelay $0x2  }
0xb9: {  	s31 =	sshll.u32 s1, $0xD;
	s1 =	sshrl.u32 s1, $0x2  }
0xba: {  	s3 =	sand.u32 $0x4000, s31;
	s1 =	sadd.s32 s1, s30  }
0xbb: {  	s0 =	sor.u32 s3, s0;
	s1 =	sshll.u32 s1, $0x11  }
0xbc: {  	s0 =	sor.u32 s1, s0  }
0xbd: {  	s0 =	sadd.s32 $0x8F2B, s0  }
0xbe: {  	[sflag:s0] =	ssyncadd.remote.s32 $0x1  }
0xbf: {  	_ =	sfence.sel $0xFFFF  }
0xc0: {  	[dreg:$0x0] =	wrdreg $0xFFFFFFFF;
	(pc) =	sbr.abs _section_cstart, $3  }
0xc1: {  	[dreg:$0x1] =	wrdreg $0xFFFFFFFF  }
0xc2: {  	_ =	task.clear_ibuf [dreg:s7], $0x2FFFF;
	_ =	strace $0x9FFFFFFF  }
0xc3: {  	(tm) =	ssettm $0x7FFFFFFF  }
tec
execute0_lowered:
.L_overlay_start_1:
0x0: {  	(tag) =	ssettag $0x1  }
0x1: {  	s0 =	rddreg [dreg:$0x0]  }
0x2: {  	s1 =	rddreg [dreg:$0x1];
	s3 =	srdreg.scid  }
0x3: {  	s2 =	rddreg [dreg:$0x2];
	s4 =	stileid.u32  }
0x4: {  	s17 =	simm.s32 $0x2;
	s18 =	simm.s32 $0x9000;
	s19 =	simm.s32 $0x80  }
0x5: {  	s20 =	simm.s32 $0x5000;
	s21 =	simm.s32 $0x6000;
	s22 =	simm.s32 $0x100  }
0x6: {  	s23 =	simm.s32 $0x7000;
	s24 =	simm.s32 $0x1;
	s25 =	simm.s32 $0x0  }
0x7: {  	s8 =	sand.u32 $0x1, s3;
	s3 =	simm.s32 $0x0;
	s9 =	smul.u32 $0x2800, s4  }
0x8: {  	s11 =	smul.u32 $0x5000, s4;
	s4 =	sadd.s32 $0x2B200, s0;
	s5 =	sadd.s32 $0x21200, s0  }
0x9: {  	s6 =	sadd.s32 $0x17200, s0;
	s13 =	sadd.s32 $0x35200, s0;
	s7 =	smul.u32 $0x28000, s8  }
0xa: {  	[smem:$0x7FF] =	sst s3;
	s10 =	smul.u32 $0x140000, s8;
	s8 =	ssub.s32 $0x2, s8  }
0xb: {  	_ =	strace $0x8000004A;
	[dreg:$0x4] =	wrdreg s13;
	s30 =	sshrl.u32 s8, $0x1  }
0xc: {  	s9 =	sadd.s32 s9, s7;
	s7 =	sadd.s32 $0xD200, s0;
	s10 =	sadd.s32 s11, s10  }
0xd: {  	s8 =	ssub.s32 s8, s30;
	s11 =	sadd.s32 s11, s2;
	s9 =	sshrl.u32 s9, $0x3  }
0xe: {  	s10 =	sshrl.u32 s10, $0x3;
	s16 =	smax.u32 s8, $0x1;
	s1 =	sadd.s32 s1, s9  }
0xf: {  	s12 =	sadd.s32 s9, s0;
	s0 =	sadd.s32 s10, s0;
	[dreg:$0x5] =	wrdreg s1  }
0x10: {  	s31 =	sadd.s32 $0x3200, s12;
	s12 =	sadd.s32 $0x35C00, s0;
	s13 =	sadd.s32 $0x3FC00, s0  }
0x11: {  	s14 =	sadd.s32 $0x49C00, s0;
	s15 =	sadd.s32 $0x53C00, s0;
	[dreg:$0x6] =	wrdreg s31  }
.LBB2_1:
0x12: {  	s0 =	rddreg [dreg:$0x5]  }
0x13: {  	[tilespmem:s3], [sflag:$0x2] =	stream.linear.gather [hbm4b:s0+s3], $0x2800, $0x38;
	[tilespmem:$0x13000] =	vst v63  }
0x14: {  	_ =	swait.ge [sflag:s17], $0x2800  }
0x15: {  	[sflag:s17] =	ssyncset.done $0x0  }
0x16: {  	s10 =	simm.s32 $0x2800;
	s1 =	rddreg [dreg:$0x6];
	[sflag:s17] =	ssyncadd.s32 $0xFFFFD800  }
0x17: {  	[tilespmem:s10], [sflag:$0x2] =	stream.linear.gather [hbm4b:s1+s3], $0x2800, $0x38;
	[tilespmem:$0x13000] =	vst v63  }
0x18: {  	_ =	swait.ge [sflag:s17], $0x2800  }
0x19: {  	[sflag:s17] =	ssyncset.done $0x0  }
0x1a: {  	s26 =	rddreg [dreg:$0x4];
	[sflag:s17] =	ssyncadd.s32 $0xFFFFD800  }
0x1b: {  	[tilespmem:s18], [sflag:$0x2] =	stream.linear.gather [hbm4b:s26+s3], $0x5000, $0x38;
	[tilespmem:$0x13000] =	vst v63  }
0x1c: {  	_ =	swait.ge [sflag:s17], $0x5000  }
0x1d: {  	[sflag:s17] =	ssyncset.done $0x0  }
0x1e: {  	[sflag:s17] =	ssyncadd.s32 $0xFFFFB000  }
0x1f: {  	[spmem:s11] =	stream.linear.scatter [tilespmem:s18], [sflag:$0x2], $0x5000, $0x38;
	[tilespmem:$0x13000] =	vst v63  }
0x20: {  	_ =	swait.ge [sflag:s17], $0x5000  }
0x21: {  	[sflag:s17] =	ssyncset.done $0x0  }
0x22: {  	p0 =	por $0x0, $0x0;
	s1 =	simm.s32 $0xC000;
	[sflag:s17] =	ssyncadd.s32 $0xFFFFB000  }
0x23: {  	[tilespmem:s20], [sflag:$0x1] =	stream.indirect.gather [hbm4b:s4+s19], $0x20, s3, s19, $0xb8;
	[tilespmem:$0x13000] =	vst v63  }
0x24: {  	s1 =	sand.u32 @!p0 $0xC000, s1  }
0x25: {  	[tilespmem:s21], [sflag:$0x1] =	stream.indirect.gather [hbm4b:s4+s19], $0x20, s19, s19, $0xb8;
	[tilespmem:$0x13000] =	vst v63  }
0x26: {  	s8 =	simm.s32 $0x180;
	s28 =	simm.s32 $0x0;
	s1 =	sshrl.u32 @!p0 s1, $0x2  }
0x27: {  	[tilespmem:s23], [sflag:$0x1] =	stream.indirect.gather [hbm4b:s4+s19], $0x20, s22, s19, $0xb8;
	[tilespmem:$0x13000] =	vst v63  }
0x28: {  	s1 =	sadd.s32 @!p0 $0x5000, s1;
	s26 =	simm.s32 @!p0 $0x80;
	[bflag:$0x0] =	sbarrier.arrive $0xFFFF  }
0x29: {  	[tilespmem:s1], [sflag:$0x1] =	stream.indirect.gather @!p0 [hbm4b:s4+s26], $0x20, s8, s26, $0xb8;
	[tilespmem:$0x13000] =	vst v63  }
0x2a: {  	s29 =	simm.s32 $0x14000;
	s31 =	sand.u32 $0xC000, s28;
	_ =	swait.ge [sflag:s24], $0x1000  }
0x2b: {  	s30 =	simm.s32 $0x1;
	s1 =	sshrl.u32 s31, $0x2;
	[sflag:s24] =	ssyncset.done $0x0  }
0x2c: {  	s28 =	simm.s32 $0x2880;
	s1 =	sadd.s32 $0x5000, s1;
	[sflag:s24] =	ssyncadd.s32 $0xFFFFF000  }
0x2d: {  	[spmem:s2] =	stream.indirect.scatter.add.f32 [tilespmem:s1], [sflag:$0x2], $0x20, s10, s19, $0xb8;
	[tilespmem:$0x13000] =	vst v63  }
0x2e: {  	s26 =	simm.s32 $0x10000;
	p0 =	por $0x0, $0x0;
	_ =	swait.ge [sflag:s17], $0x1000  }
0x2f: {  	s0 =	simm.s32 $0x200;
	s1 =	sand.u32 @!p0 $0xC000, s26;
	[sflag:s17] =	ssyncset.done $0x0  }
.LBB2_2:
0x30: {  	s1 =	sshrl.u32 @!p0 s1, $0x2;
	[sflag:s17] =	ssyncadd.s32 $0xFFFFF000  }
0x31: {  	s8 =	smov.u32 s26;
	s26 =	smov.u32 s29;
	s29 =	sadd.s32 $0x4000, s29  }
0x32: {  	s31 =	simm.s32 @!p0 $0x80;
	s1 =	sadd.s32 @!p0 $0x5000, s1;
	s8 =	sadd.s32 $0xFFFF4000, s8  }
0x33: {  	[tilespmem:s1], [sflag:$0x1] =	stream.indirect.gather @!p0 [hbm4b:s4+s31], $0x20, s0, s31, $0xb8;
	[tilespmem:$0x13000] =	vst v63  }
0x34: {  	p1 =	sne.s32 s29, $0x14C000;
	s1 =	sand.u32 $0xC000, s8;
	_ =	swait.ge [sflag:s24], $0x1000  }
.Ltmp0:
0x35: {  	s1 =	sshrl.u32 s1, $0x2;
	[sflag:s24] =	ssyncset.done $0x0;
	(pc) =	sbr.rel @p1 .LBB2_2-.Ltmp0, $4  }
0x36: {  	s30 =	sadd.s32 $0x1, s30;
	s1 =	sadd.s32 $0x5000, s1;
	[sflag:s24] =	ssyncadd.s32 $0xFFFFF000  }
0x37: {  	[spmem:s2] =	stream.indirect.scatter.add.f32 [tilespmem:s1], [sflag:$0x2], $0x20, s28, s19, $0xb8;
	[tilespmem:$0x13000] =	vst v63  }
0x38: {  	p0 =	sgt.u32 s30, $0x4C;
	s28 =	sadd.s32 $0x80, s28;
	_ =	swait.ge [sflag:s17], $0x1000  }
0x39: {  	s0 =	sadd.s32 $0x80, s0;
	s1 =	sand.u32 @!p0 $0xC000, s26;
	[sflag:s17] =	ssyncset.done $0x0  }
0x3a: {  	s1 =	sshrl.u32 @!p0 s1, $0x2;
	[sflag:s17] =	ssyncadd.s32 $0xFFFFF000  }
0x3b: {  	s8 =	simm.s32 @!p0 $0x80;
	s26 =	sadd.s32 $0xFFFF4000, s26;
	s1 =	sadd.s32 @!p0 $0x5000, s1  }
0x3c: {  	[tilespmem:s1], [sflag:$0x1] =	stream.indirect.gather @!p0 [hbm4b:s4+s8], $0x20, s0, s8, $0xb8;
	[tilespmem:$0x13000] =	vst v63  }
0x3d: {  	s26 =	sand.u32 $0xC000, s26;
	_ =	swait.ge [sflag:s24], $0x1000  }
0x3e: {  	s0 =	sshrl.u32 s26, $0x2;
	[sflag:s24] =	ssyncset.done $0x0  }
0x3f: {  	s0 =	sadd.s32 $0x5000, s0;
	[sflag:s24] =	ssyncadd.s32 $0xFFFFF000  }
0x40: {  	[spmem:s2] =	stream.indirect.scatter.add.f32 [tilespmem:s0], [sflag:$0x2], $0x20, s28, s19, $0xb8;
	[tilespmem:$0x13000] =	vst v63  }
0x41: {  	_ =	swait.ge [sflag:s17], $0x1000  }
0x42: {  	[sflag:s17] =	ssyncset.done $0x0  }
0x43: {  	s1 =	simm.s32 $0x0;
	[sflag:s17] =	ssyncadd.s32 $0xFFFFF000  }
0x44: {  	[tilespmem:s20], [sflag:$0x1] =	stream.indirect.gather [hbm4b:s5+s19], $0x20, s1, s19, $0xb8;
	[tilespmem:$0x13000] =	vst v63  }
0x45: {  	s8 =	stileid.u32  }
0x46: {  	[tilespmem:s21], [sflag:$0x1] =	stream.indirect.gather [hbm4b:s5+s19], $0x20, s19, s19, $0xb8;
	[tilespmem:$0x13000] =	vst v63  }
0x47: {  	s0 =	sshll.u32 s8, $0x6  }
0x48: {  	[tilespmem:s23], [sflag:$0x1] =	stream.indirect.gather [hbm4b:s5+s19], $0x20, s22, s19, $0xb8;
	[tilespmem:$0x13000] =	vst v63  }
0x49: {  	s28 =	sshrl.u32 s11, $0x3;
	s26 =	sor.u32 $0x1C02, s0;
	[bflag:$0x0] =	sbarrier.arrive $0xFFFF  }
0x4a: {  	[hbm:s12], [sflag:s26] =	dma.local [spmem:s28], $0xA00  }
0x4b: {  	_ =	swait.ge [sflag:s17], $0xA00  }
0x4c: {  	[sflag:s17] =	ssyncset.done $0x0  }
0x4d: {  	s30 =	simm.s32 $0x0;
	[sflag:s17] =	ssyncadd.s32 $0xFFFFF600  }
0x4e: {  	[spmem:s11] =	stream.linear.scatter [tilespmem:s18], [sflag:$0x2], $0x5000, $0x38;
	[tilespmem:$0x13000] =	vst v63  }
0x4f: {  	p0 =	por $0x0, $0x0;
	s0 =	simm.s32 $0xC000;
	_ =	swait.ge [sflag:s17], $0x5000  }
0x50: {  	s31 =	simm.s32 $0x14000;
	s0 =	sand.u32 @!p0 $0xC000, s0;
	[sflag:s17] =	ssyncset.done $0x0  }
0x51: {  	s29 =	simm.s32 @!p0 $0x80;
	s0 =	sshrl.u32 @!p0 s0, $0x2;
	[sflag:s17] =	ssyncadd.s32 $0xFFFFB000  }
0x52: {  	s1 =	simm.s32 $0x180;
	s0 =	sadd.s32 @!p0 $0x5000, s0;
	[bflag:$0x0] =	sbarrier.arrive $0xFFFF  }
0x53: {  	[tilespmem:s0], [sflag:$0x1] =	stream.indirect.gather @!p0 [hbm4b:s5+s29], $0x20, s1, s29, $0xb8;
	[tilespmem:$0x13000] =	vst v63  }
0x54: {  	s9 =	sand.u32 $0xC000, s30;
	s30 =	simm.s32 $0x2880;
	_ =	swait.ge [sflag:s24], $0x1000  }
0x55: {  	s8 =	simm.s32 $0x2800;
	s0 =	sshrl.u32 s9, $0x2;
	[sflag:s24] =	ssyncset.done $0x0  }
0x56: {  	s29 =	simm.s32 $0x10000;
	s10 =	sadd.s32 $0x5000, s0;
	[sflag:s24] =	ssyncadd.s32 $0xFFFFF000  }
0x57: {  	[spmem:s2] =	stream.indirect.scatter.add.f32 [tilespmem:s10], [sflag:$0x2], $0x20, s8, s19, $0xb8;
	[tilespmem:$0x13000] =	vst v63  }
0x58: {  	p0 =	por $0x0, $0x0;
	s1 =	simm.s32 $0x200;
	_ =	swait.ge [sflag:s17], $0x1000  }
0x59: {  	s0 =	simm.s32 $0x1;
	s8 =	sand.u32 @!p0 $0xC000, s29;
	[sflag:s17] =	ssyncset.done $0x0  }
.LBB2_4:
0x5a: {  	s8 =	sshrl.u32 @!p0 s8, $0x2;
	[sflag:s17] =	ssyncadd.s32 $0xFFFFF000  }
0x5b: {  	s9 =	smov.u32 s29;
	s29 =	smov.u32 s31;
	s31 =	sadd.s32 $0x4000, s31  }
0x5c: {  	s10 =	simm.s32 @!p0 $0x80;
	s8 =	sadd.s32 @!p0 $0x5000, s8;
	s9 =	sadd.s32 $0xFFFF4000, s9  }
0x5d: {  	[tilespmem:s8], [sflag:$0x1] =	stream.indirect.gather @!p0 [hbm4b:s5+s10], $0x20, s1, s10, $0xb8;
	[tilespmem:$0x13000] =	vst v63  }
0x5e: {  	p1 =	sne.s32 s31, $0x14C000;
	s8 =	sand.u32 $0xC000, s9;
	_ =	swait.ge [sflag:s24], $0x1000  }
.Ltmp1:
0x5f: {  	s8 =	sshrl.u32 s8, $0x2;
	[sflag:s24] =	ssyncset.done $0x0;
	(pc) =	sbr.rel @p1 .LBB2_4-.Ltmp1, $4  }
0x60: {  	s0 =	sadd.s32 $0x1, s0;
	s8 =	sadd.s32 $0x5000, s8;
	[sflag:s24] =	ssyncadd.s32 $0xFFFFF000  }
0x61: {  	[spmem:s2] =	stream.indirect.scatter.add.f32 [tilespmem:s8], [sflag:$0x2], $0x20, s30, s19, $0xb8;
	[tilespmem:$0x13000] =	vst v63  }
0x62: {  	p0 =	sgt.u32 s0, $0x4C;
	s30 =	sadd.s32 $0x80, s30;
	_ =	swait.ge [sflag:s17], $0x1000  }
0x63: {  	s1 =	sadd.s32 $0x80, s1;
	s8 =	sand.u32 @!p0 $0xC000, s29;
	[sflag:s17] =	ssyncset.done $0x0  }
0x64: {  	s0 =	sshrl.u32 @!p0 s8, $0x2;
	[sflag:s17] =	ssyncadd.s32 $0xFFFFF000  }
0x65: {  	s8 =	simm.s32 @!p0 $0x80;
	s9 =	sadd.s32 $0xFFFF4000, s29;
	s0 =	sadd.s32 @!p0 $0x5000, s0  }
0x66: {  	[tilespmem:s0], [sflag:$0x1] =	stream.indirect.gather @!p0 [hbm4b:s5+s8], $0x20, s1, s8, $0xb8;
	[tilespmem:$0x13000] =	vst v63  }
0x67: {  	s1 =	sand.u32 $0xC000, s9;
	_ =	swait.ge [sflag:s24], $0x1000  }
0x68: {  	s0 =	sshrl.u32 s1, $0x2;
	[sflag:s24] =	ssyncset.done $0x0  }
0x69: {  	s0 =	sadd.s32 $0x5000, s0;
	[sflag:s24] =	ssyncadd.s32 $0xFFFFF000  }
0x6a: {  	[spmem:s2] =	stream.indirect.scatter.add.f32 [tilespmem:s0], [sflag:$0x2], $0x20, s30, s19, $0xb8;
	[tilespmem:$0x13000] =	vst v63  }
0x6b: {  	_ =	swait.ge [sflag:s17], $0x1000  }
0x6c: {  	[sflag:s17] =	ssyncset.done $0x0  }
0x6d: {  	s8 =	simm.s32 $0x0;
	[sflag:s17] =	ssyncadd.s32 $0xFFFFF000  }
0x6e: {  	[tilespmem:s20], [sflag:$0x1] =	stream.indirect.gather [hbm4b:s6+s19], $0x20, s8, s19, $0xb8;
	[tilespmem:$0x13000] =	vst v63  }
0x6f: {  	_ = 	snop  }
0x70: {  	[tilespmem:s21], [sflag:$0x1] =	stream.indirect.gather [hbm4b:s6+s19], $0x20, s19, s19, $0xb8;
	[tilespmem:$0x13000] =	vst v63  }
0x71: {  	_ = 	snop  }
0x72: {  	[tilespmem:s23], [sflag:$0x1] =	stream.indirect.gather [hbm4b:s6+s19], $0x20, s22, s19, $0xb8;
	[tilespmem:$0x13000] =	vst v63  }
0x73: {  	[bflag:$0x0] =	sbarrier.arrive $0xFFFF  }
0x74: {  	[hbm:s13], [sflag:s26] =	dma.local [spmem:s28], $0xA00  }
0x75: {  	_ =	swait.ge [sflag:s17], $0xA00  }
0x76: {  	[sflag:s17] =	ssyncset.done $0x0  }
0x77: {  	s10 =	simm.s32 $0x0;
	[sflag:s17] =	ssyncadd.s32 $0xFFFFF600  }
0x78: {  	[spmem:s11] =	stream.linear.scatter [tilespmem:s18], [sflag:$0x2], $0x5000, $0x38;
	[tilespmem:$0x13000] =	vst v63  }
0x79: {  	p0 =	por $0x0, $0x0;
	s0 =	simm.s32 $0xC000;
	_ =	swait.ge [sflag:s17], $0x5000  }
0x7a: {  	s29 =	simm.s32 $0x10000;
	s0 =	sand.u32 @!p0 $0xC000, s0;
	[sflag:s17] =	ssyncset.done $0x0  }
0x7b: {  	s1 =	simm.s32 $0x180;
	s0 =	sshrl.u32 @!p0 s0, $0x2;
	[sflag:s17] =	ssyncadd.s32 $0xFFFFB000  }
0x7c: {  	s9 =	simm.s32 @!p0 $0x80;
	s0 =	sadd.s32 @!p0 $0x5000, s0;
	[bflag:$0x0] =	sbarrier.arrive $0xFFFF  }
0x7d: {  	[tilespmem:s0], [sflag:$0x1] =	stream.indirect.gather @!p0 [hbm4b:s6+s9], $0x20, s1, s9, $0xb8;
	[tilespmem:$0x13000] =	vst v63  }
0x7e: {  	s31 =	simm.s32 $0x14000;
	s9 =	sand.u32 $0xC000, s10;
	_ =	swait.ge [sflag:s24], $0x1000  }
0x7f: {  	s30 =	simm.s32 $0x2880;
	s0 =	sshrl.u32 s9, $0x2;
	[sflag:s24] =	ssyncset.done $0x0  }
0x80: {  	s8 =	simm.s32 $0x2800;
	s10 =	sadd.s32 $0x5000, s0;
	[sflag:s24] =	ssyncadd.s32 $0xFFFFF000  }
0x81: {  	[spmem:s2] =	stream.indirect.scatter.add.f32 [tilespmem:s10], [sflag:$0x2], $0x20, s8, s19, $0xb8;
	[tilespmem:$0x13000] =	vst v63  }
0x82: {  	p0 =	por $0x0, $0x0;
	s1 =	simm.s32 $0x200;
	_ =	swait.ge [sflag:s17], $0x1000  }
0x83: {  	s0 =	simm.s32 $0x1;
	s8 =	sand.u32 @!p0 $0xC000, s29;
	[sflag:s17] =	ssyncset.done $0x0  }
.LBB2_6:
0x84: {  	s8 =	sshrl.u32 @!p0 s8, $0x2;
	[sflag:s17] =	ssyncadd.s32 $0xFFFFF000  }
0x85: {  	s9 =	smov.u32 s29;
	s29 =	smov.u32 s31;
	s31 =	sadd.s32 $0x4000, s31  }
0x86: {  	s10 =	simm.s32 @!p0 $0x80;
	s8 =	sadd.s32 @!p0 $0x5000, s8;
	s9 =	sadd.s32 $0xFFFF4000, s9  }
0x87: {  	[tilespmem:s8], [sflag:$0x1] =	stream.indirect.gather @!p0 [hbm4b:s6+s10], $0x20, s1, s10, $0xb8;
	[tilespmem:$0x13000] =	vst v63  }
0x88: {  	p1 =	sne.s32 s31, $0x14C000;
	s8 =	sand.u32 $0xC000, s9;
	_ =	swait.ge [sflag:s24], $0x1000  }
.Ltmp2:
0x89: {  	s8 =	sshrl.u32 s8, $0x2;
	[sflag:s24] =	ssyncset.done $0x0;
	(pc) =	sbr.rel @p1 .LBB2_6-.Ltmp2, $4  }
0x8a: {  	s0 =	sadd.s32 $0x1, s0;
	s8 =	sadd.s32 $0x5000, s8;
	[sflag:s24] =	ssyncadd.s32 $0xFFFFF000  }
0x8b: {  	[spmem:s2] =	stream.indirect.scatter.add.f32 [tilespmem:s8], [sflag:$0x2], $0x20, s30, s19, $0xb8;
	[tilespmem:$0x13000] =	vst v63  }
0x8c: {  	p0 =	sgt.u32 s0, $0x4C;
	s30 =	sadd.s32 $0x80, s30;
	_ =	swait.ge [sflag:s17], $0x1000  }
0x8d: {  	s1 =	sadd.s32 $0x80, s1;
	s8 =	sand.u32 @!p0 $0xC000, s29;
	[sflag:s17] =	ssyncset.done $0x0  }
0x8e: {  	s0 =	sshrl.u32 @!p0 s8, $0x2;
	[sflag:s17] =	ssyncadd.s32 $0xFFFFF000  }
0x8f: {  	s8 =	simm.s32 @!p0 $0x80;
	s9 =	sadd.s32 $0xFFFF4000, s29;
	s0 =	sadd.s32 @!p0 $0x5000, s0  }
0x90: {  	[tilespmem:s0], [sflag:$0x1] =	stream.indirect.gather @!p0 [hbm4b:s6+s8], $0x20, s1, s8, $0xb8;
	[tilespmem:$0x13000] =	vst v63  }
0x91: {  	s1 =	sand.u32 $0xC000, s9;
	_ =	swait.ge [sflag:s24], $0x1000  }
0x92: {  	s0 =	sshrl.u32 s1, $0x2;
	[sflag:s24] =	ssyncset.done $0x0  }
0x93: {  	s0 =	sadd.s32 $0x5000, s0;
	[sflag:s24] =	ssyncadd.s32 $0xFFFFF000  }
0x94: {  	[spmem:s2] =	stream.indirect.scatter.add.f32 [tilespmem:s0], [sflag:$0x2], $0x20, s30, s19, $0xb8;
	[tilespmem:$0x13000] =	vst v63  }
0x95: {  	_ =	swait.ge [sflag:s17], $0x1000  }
0x96: {  	[sflag:s17] =	ssyncset.done $0x0  }
0x97: {  	s8 =	simm.s32 $0x0;
	[sflag:s17] =	ssyncadd.s32 $0xFFFFF000  }
0x98: {  	[tilespmem:s20], [sflag:$0x1] =	stream.indirect.gather [hbm4b:s7+s19], $0x20, s8, s19, $0xb8;
	[tilespmem:$0x13000] =	vst v63  }
0x99: {  	_ = 	snop  }
0x9a: {  	[tilespmem:s21], [sflag:$0x1] =	stream.indirect.gather [hbm4b:s7+s19], $0x20, s19, s19, $0xb8;
	[tilespmem:$0x13000] =	vst v63  }
0x9b: {  	_ = 	snop  }
0x9c: {  	[tilespmem:s23], [sflag:$0x1] =	stream.indirect.gather [hbm4b:s7+s19], $0x20, s22, s19, $0xb8;
	[tilespmem:$0x13000] =	vst v63  }
0x9d: {  	[bflag:$0x0] =	sbarrier.arrive $0xFFFF  }
0x9e: {  	[hbm:s14], [sflag:s26] =	dma.local [spmem:s28], $0xA00  }
0x9f: {  	_ =	swait.ge [sflag:s17], $0xA00  }
0xa0: {  	[sflag:s17] =	ssyncset.done $0x0  }
0xa1: {  	s10 =	simm.s32 $0x0;
	[sflag:s17] =	ssyncadd.s32 $0xFFFFF600  }
0xa2: {  	[spmem:s11] =	stream.linear.scatter [tilespmem:s18], [sflag:$0x2], $0x5000, $0x38;
	[tilespmem:$0x13000] =	vst v63  }
0xa3: {  	p0 =	por $0x0, $0x0;
	s0 =	simm.s32 $0xC000;
	_ =	swait.ge [sflag:s17], $0x5000  }
0xa4: {  	s29 =	simm.s32 $0x10000;
	s0 =	sand.u32 @!p0 $0xC000, s0;
	[sflag:s17] =	ssyncset.done $0x0  }
0xa5: {  	s1 =	simm.s32 $0x180;
	s0 =	sshrl.u32 @!p0 s0, $0x2;
	[sflag:s17] =	ssyncadd.s32 $0xFFFFB000  }
0xa6: {  	s9 =	simm.s32 @!p0 $0x80;
	s0 =	sadd.s32 @!p0 $0x5000, s0;
	[bflag:$0x0] =	sbarrier.arrive $0xFFFF  }
0xa7: {  	[tilespmem:s0], [sflag:$0x1] =	stream.indirect.gather @!p0 [hbm4b:s7+s9], $0x20, s1, s9, $0xb8;
	[tilespmem:$0x13000] =	vst v63  }
0xa8: {  	s31 =	simm.s32 $0x14000;
	s9 =	sand.u32 $0xC000, s10;
	_ =	swait.ge [sflag:s24], $0x1000  }
0xa9: {  	s30 =	simm.s32 $0x2880;
	s0 =	sshrl.u32 s9, $0x2;
	[sflag:s24] =	ssyncset.done $0x0  }
0xaa: {  	s8 =	simm.s32 $0x2800;
	s10 =	sadd.s32 $0x5000, s0;
	[sflag:s24] =	ssyncadd.s32 $0xFFFFF000  }
0xab: {  	[spmem:s2] =	stream.indirect.scatter.add.f32 [tilespmem:s10], [sflag:$0x2], $0x20, s8, s19, $0xb8;
	[tilespmem:$0x13000] =	vst v63  }
0xac: {  	p0 =	por $0x0, $0x0;
	s1 =	simm.s32 $0x200;
	_ =	swait.ge [sflag:s17], $0x1000  }
0xad: {  	s0 =	simm.s32 $0x1;
	s8 =	sand.u32 @!p0 $0xC000, s29;
	[sflag:s17] =	ssyncset.done $0x0  }
.LBB2_8:
0xae: {  	s8 =	sshrl.u32 @!p0 s8, $0x2;
	[sflag:s17] =	ssyncadd.s32 $0xFFFFF000  }
0xaf: {  	s9 =	smov.u32 s29;
	s29 =	smov.u32 s31;
	s31 =	sadd.s32 $0x4000, s31  }
0xb0: {  	s10 =	simm.s32 @!p0 $0x80;
	s8 =	sadd.s32 @!p0 $0x5000, s8;
	s9 =	sadd.s32 $0xFFFF4000, s9  }
0xb1: {  	[tilespmem:s8], [sflag:$0x1] =	stream.indirect.gather @!p0 [hbm4b:s7+s10], $0x20, s1, s10, $0xb8;
	[tilespmem:$0x13000] =	vst v63  }
0xb2: {  	p1 =	sne.s32 s31, $0x14C000;
	s8 =	sand.u32 $0xC000, s9;
	_ =	swait.ge [sflag:s24], $0x1000  }
.Ltmp3:
0xb3: {  	s8 =	sshrl.u32 s8, $0x2;
	[sflag:s24] =	ssyncset.done $0x0;
	(pc) =	sbr.rel @p1 .LBB2_8-.Ltmp3, $4  }
0xb4: {  	s0 =	sadd.s32 $0x1, s0;
	s8 =	sadd.s32 $0x5000, s8;
	[sflag:s24] =	ssyncadd.s32 $0xFFFFF000  }
0xb5: {  	[spmem:s2] =	stream.indirect.scatter.add.f32 [tilespmem:s8], [sflag:$0x2], $0x20, s30, s19, $0xb8;
	[tilespmem:$0x13000] =	vst v63  }
0xb6: {  	p0 =	sgt.u32 s0, $0x4C;
	s30 =	sadd.s32 $0x80, s30;
	_ =	swait.ge [sflag:s17], $0x1000  }
0xb7: {  	s1 =	sadd.s32 $0x80, s1;
	s8 =	sand.u32 @!p0 $0xC000, s29;
	[sflag:s17] =	ssyncset.done $0x0  }
0xb8: {  	s0 =	sshrl.u32 @!p0 s8, $0x2;
	[sflag:s17] =	ssyncadd.s32 $0xFFFFF000  }
0xb9: {  	s8 =	simm.s32 @!p0 $0x80;
	s9 =	sadd.s32 $0xFFFF4000, s29;
	s0 =	sadd.s32 @!p0 $0x5000, s0  }
0xba: {  	[tilespmem:s0], [sflag:$0x1] =	stream.indirect.gather @!p0 [hbm4b:s7+s8], $0x20, s1, s8, $0xb8;
	[tilespmem:$0x13000] =	vst v63  }
0xbb: {  	s31 =	sand.u32 $0xC000, s9;
	_ =	swait.ge [sflag:s24], $0x1000  }
0xbc: {  	s0 =	sshrl.u32 s31, $0x2;
	[sflag:s24] =	ssyncset.done $0x0  }
0xbd: {  	s0 =	sadd.s32 $0x5000, s0;
	[sflag:s24] =	ssyncadd.s32 $0xFFFFF000  }
0xbe: {  	[spmem:s2] =	stream.indirect.scatter.add.f32 [tilespmem:s0], [sflag:$0x2], $0x20, s30, s19, $0xb8;
	[tilespmem:$0x13000] =	vst v63  }
0xbf: {  	_ =	swait.ge [sflag:s17], $0x1000  }
0xc0: {  	s25 =	sadd.s32 $0x1, s25;
	[sflag:s17] =	ssyncset.done $0x0  }
0xc1: {  	p0 =	sne.s32 s25, s16;
	[sflag:s17] =	ssyncadd.s32 $0xFFFFF000  }
.Ltmp4:
0xc2: {  	[bflag:$0x0] =	sbarrier.arrive $0xFFFF;
	(pc) =	sbr.rel @p0 .LBB2_1-.Ltmp4, $4  }
0xc3: {  	[hbm:s15], [sflag:s26] =	dma.local [spmem:s28], $0xA00  }
0xc4: {  	_ =	swait.ge [sflag:s17], $0xA00  }
0xc5: {  	[sflag:s17] =	ssyncset.done $0x0  }
0xc6: {  	[sflag:s17] =	ssyncadd.s32 $0xFFFFF600  }
0xc7: {  	_ =	sfence.sel $0x180000  }
0xc8: {  	[bflag:$0x0] =	sbarrier.arrive $0xFFFF  }
0xc9: {  	_ =	strace $0x9000004A  }
0xca: {  	s0 =	stileid.u32;
	[bflag:$0x2] =	sbarrier.arrive $0xFFFF  }
0xcb: {  	p0 =	sne.s32 s0, $0x0;
	s0 =	rddreg [dreg:$0x3]  }
0xcc: {  	s0 =	sadd.s32 @!p0 $0x100000, s0  }
0xcd: {  	[sflag:s0] =	ssyncadd.tile.s32 @!p0 $0x1;
	_ =	shalt  }
.Lfunc_end2:
_tile_overlayer_lowered:
.L_overlay_start_2:
0xce: {  	(tag) =	ssettag $0x2  }
0xcf: {  	s0 =	rddreg [dreg:$0x0];
	s2 =	stileid.u32  }
0xd0: {  	s1 =	rddreg [dreg:$0x1];
	p0 =	sne.s32 s2, $0x0  }
0xd1: {  	s3 =	rddreg [dreg:$0x2];
	[bflag:$0x3] =	sbarrier.arrive $0xFFFF;
	s2 =	simm.s32 @!p0 $0x1C02  }
0xd2: {  	[timem:s3], [sflag:s2] =	dma.local @!p0 [hbm:s0], s1  }
0xd3: {  	s0 =	simm.s32 @!p0 $0x2  }
0xd4: {  	_ =	swait.ge @!p0 [sflag:s0], s1  }
0xd5: {  	s1 =	ssub.s32 @!p0 $0x0, s1;
	[sflag:s0] =	ssyncset.done @!p0 $0x0  }
0xd6: {  	[sflag:s0] =	ssyncadd.s32 @!p0 s1  }
0xd7: {  	[bflag:$0x3] =	sbarrier.arrive $0xFFFF  }
0xd8: {  	_ =	shalt  }

// kernel: kernel.16.cloned.1.call-start
scs
__scs_entry_jumppad:
0x0: {  	(pc) =	sbr.rel $0x88, $3  }
0x1: {  	(tag) =	ssettag $0x0;
	lr =	simm.s32 $0x1  }
0x2: {  	[smem:$0x3F99] =	sst lr;
	_ =	strace $0xD0000000  }
0x3: {  	_ = 	snop  }
0x4: {  	_ = 	snop  }
0x5: {  	_ = 	snop  }
0x6: {  	_ = 	snop  }
0x7: {  	_ = 	snop  }
__scs_overlays_trampoline_lowered:
0x8: {  	[smem:$0x3FA8] =	sst s0  }
0x9: {  	[smem:$0x3FA9] =	sst s1  }
0xa: {  	[smem:$0x3FAA] =	sst s2  }
0xb: {  	[smem:$0x3FAB] =	sst s3  }
0xc: {  	[smem:$0x3FAC] =	sst s4  }
0xd: {  	[smem:$0x3FAD] =	sst s5  }
0xe: {  	[smem:$0x3FAE] =	sst s6  }
0xf: {  	[smem:$0x3FAF] =	sst s7  }
0x10: {  	[smem:$0x3FB0] =	sst s8  }
0x11: {  	[smem:$0x3FB1] =	sst s9;
	s0 =	simm.s32 @!p0 $0x0  }
0x12: {  	s1 =	sld [smem:$0x3F97];
	s0 =	simm.s32 @p0 $0x1  }
0x13: {  	[smem:$0x3FB2] =	sst s0;
	s0 =	simm.s32 @!p1 $0x0  }
0x14: {  	s2 =	sld [smem:$0x3F96];
	s0 =	simm.s32 @p1 $0x1  }
0x15: {  	[smem:$0x3FB3] =	sst s0;
	s0 =	simm.s32 @!p2 $0x0  }
0x16: {  	s3 =	sld [smem:$0x3FDB];
	s0 =	simm.s32 @p2 $0x1  }
0x17: {  	s4 =	simm.s32 $0x1BF5;
	[smem:$0x3FB5] =	sst s0  }
0x18: {  	s0 =	sld [smem:$0x3F98];
	_ =	swait.ge [sflag:s4], $0x0  }
0x19: {  	s7 =	sld [smem:$0x3F99]  }
0x1a: {  	s8 =	sadd.s32 $0xFFFFE003, lr  }
0x1b: {  	s9 =	sadd.s32 $0xFFFFFEF7, lr;
	s5 =	simm.s32 $0xFFFFFFFF;
	p2 =	slt.u32 s8, $0xFFFFF086  }
0x1c: {  	p1 =	slt.u32 s9, $0xF7A;
	s5 =	simm.s32 @!p2 $0x0  }
0x1d: {  	s5 =	simm.s32 @p1 $0x1;
	p0 =	seq.s32 s7, s2  }
0x1e: {  	s7 =	smul.u32 @!p0 $0xF7A, s2;
	p2 =	seq.s32 @!p0 s5, $0x0  }
0x1f: {  	s9 =	smul.u32 $0xF7A, s1;
	s8 =	simm.s32 @!p0 $0x1BF5;
	p2 =	por !p2, p0  }
0x20: {  	[sflag:s8] =	ssyncset.s32 @!p0 $0xFFFFF086;
	s6 =	sadd.s32 @!p0 s3, s7;
	s7 =	simm.s32 @!p0 $0x108  }
0x21: {  	s3 =	sadd.s32 s3, s9;
	s6 =	sadd.s32 @!p0 $0x88, s6;
	s7 =	simm.s32 @p2 $0x1082  }
0x22: {  	[simem:s7], [sflag:s8] =	dma.local @!p0 [hbm:s6], $0xF7A  }
0x23: {  	s9 =	sor.u32 $0xD0000000, s2;
	s6 =	simm.s32 $0x108;
	_ =	swait.ge @!p0 [sflag:s8], $0x0  }
0x24: {  	s3 =	sadd.s32 $0x88, s3;
	s6 =	simm.s32 @!p1 $0x1082;
	[sflag:s4] =	ssyncset.s32 $0xFFFFF086  }
0x25: {  	[simem:s6], [sflag:s4] =	dma.local [hbm:s3], $0xF7A  }
0x26: {  	[smem:$0x3F99] =	sst s1;
	(tag) =	ssettag s2;
	_ =	strace s9  }
0x27: {  	s1 =	sld [smem:$0x3FA9]  }
0x28: {  	s2 =	sld [smem:$0x3FAA]  }
0x29: {  	s4 =	sld [smem:$0x3FAC]  }
0x2a: {  	p0 =	seq.s32 s5, $0x0;
	s5 =	sld [smem:$0x3FAD]  }
0x2b: {  	s6 =	sld [smem:$0x3FAE]  }
0x2c: {  	s7 =	sld [smem:$0x3FAF]  }
0x2d: {  	s3 =	simm.s32 $0x108;
	s8 =	sld [smem:$0x3FB0]  }
0x2e: {  	s3 =	simm.s32 @!p0 $0x1082;
	s9 =	sld [smem:$0x3FB1]  }
0x2f: {  	lr =	sadd.s32 s0, s3;
	s0 =	sld [smem:$0x3FA8]  }
0x30: {  	s3 =	sld [smem:$0x3FAB]  }
0x31: {  	[smem:$0x3FB4] =	sst s10  }
0x32: {  	s10 =	sld [smem:$0x3FB2];
	_ =	sdelay $0x3  }
0x33: {  	p0 =	seq.s32 s10, $0x1;
	s10 =	sld [smem:$0x3FB4];
	_ =	sdelay $0x3  }
0x34: {  	[smem:$0x3FB4] =	sst s10  }
0x35: {  	s10 =	sld [smem:$0x3FB3];
	_ =	sdelay $0x3  }
0x36: {  	p1 =	seq.s32 s10, $0x1;
	s10 =	sld [smem:$0x3FB4];
	_ =	sdelay $0x3  }
0x37: {  	[smem:$0x3FB4] =	sst s10  }
0x38: {  	s10 =	sld [smem:$0x3FB5]  }
0x39: {  	_ = 	snop;
	(pc) =	sbr.ind lr, $3  }
0x3a: {  	_ = 	snop  }
0x3b: {  	_ = 	snop  }
0x3c: {  	p2 =	seq.s32 s10, $0x1;
	s10 =	sld [smem:$0x3FB4]  }
0x3d: {  	_ =	shalt  }
0x3e: {  	_ =	shalt  }
0x3f: {  	_ =	shalt  }
0x40: {  	_ =	shalt  }
0x41: {  	_ =	shalt  }
0x42: {  	_ =	shalt  }
0x43: {  	_ =	shalt  }
0x44: {  	_ =	shalt  }
0x45: {  	_ =	shalt  }
0x46: {  	_ =	shalt  }
0x47: {  	_ =	shalt  }
0x48: {  	_ =	shalt  }
0x49: {  	_ =	shalt  }
0x4a: {  	_ =	shalt  }
0x4b: {  	_ =	shalt  }
0x4c: {  	_ =	shalt  }
0x4d: {  	_ =	shalt  }
0x4e: {  	_ =	shalt  }
0x4f: {  	_ =	shalt  }
0x50: {  	_ =	shalt  }
0x51: {  	_ =	shalt  }
0x52: {  	_ =	shalt  }
0x53: {  	_ =	shalt  }
0x54: {  	_ =	shalt  }
0x55: {  	_ =	shalt  }
0x56: {  	_ =	shalt  }
0x57: {  	_ =	shalt  }
0x58: {  	_ =	shalt  }
0x59: {  	_ =	shalt  }
0x5a: {  	_ =	shalt  }
0x5b: {  	_ =	shalt  }
0x5c: {  	_ =	shalt  }
0x5d: {  	_ =	shalt  }
0x5e: {  	_ =	shalt  }
0x5f: {  	_ =	shalt  }
0x60: {  	_ =	shalt  }
0x61: {  	_ =	shalt  }
0x62: {  	_ =	shalt  }
0x63: {  	_ =	shalt  }
0x64: {  	_ =	shalt  }
0x65: {  	_ =	shalt  }
0x66: {  	_ =	shalt  }
0x67: {  	_ =	shalt  }
0x68: {  	_ =	shalt  }
0x69: {  	_ =	shalt  }
0x6a: {  	_ =	shalt  }
0x6b: {  	_ =	shalt  }
0x6c: {  	_ =	shalt  }
0x6d: {  	_ =	shalt  }
0x6e: {  	_ =	shalt  }
0x6f: {  	_ =	shalt  }
0x70: {  	_ =	shalt  }
0x71: {  	_ =	shalt  }
0x72: {  	_ =	shalt  }
0x73: {  	_ =	shalt  }
0x74: {  	_ =	shalt  }
0x75: {  	_ =	shalt  }
0x76: {  	_ =	shalt  }
0x77: {  	_ =	shalt  }
0x78: {  	_ =	shalt  }
0x79: {  	_ =	shalt  }
0x7a: {  	_ =	shalt  }
0x7b: {  	_ =	shalt  }
0x7c: {  	_ =	shalt  }
0x7d: {  	_ =	shalt  }
0x7e: {  	_ =	shalt  }
0x7f: {  	_ =	shalt  }
0x80: {  	_ =	shalt  }
0x81: {  	_ =	shalt  }
0x82: {  	_ =	shalt  }
0x83: {  	_ =	shalt  }
0x84: {  	_ =	shalt  }
0x85: {  	_ =	shalt  }
0x86: {  	_ =	shalt  }
0x87: {  	_ =	shalt  }
.Lfunc_end0:
.L_simem_size_0:
called_computation.2_lowered:
.L_overlay_start_0:
0x88: {  	s2 =	sld [smem:$0x3FD9]  }
0x89: {  	s3 =	sld [smem:$0x3FFE];
	_ =	sdelay $0x1  }
0x8a: {  	s1 =	srdreg.scid  }
0x8b: {  	s0 =	sand.u32 $0x1, s1  }
0x8c: {  	s17 =	sshll.u32 s0, $0xA;
	s2 =	sadd.s32 s3, s2  }
0x8d: {  	s2 =	sadd.s32 s2, s17  }
0x8e: {  	[smem:$0x3FC0] =	sst s2  }
0x8f: {  	_ = 	snop  }
0x90: {  	s2 =	sld [smem:$0x3FD0];
	(tm) =	ssettm $0x1  }
0x91: {  	s18 =	sld [smem:$0x3FFB];
	_ =	sdelay $0x3  }
0x92: {  	_ =	strace s18  }
0x93: {  	s3 =	sld [smem:$0x3FFC];
	_ =	sdelay $0x3  }
0x94: {  	_ =	strace s3  }
0x95: {  	s3 =	sld [smem:$0x3FFD];
	_ =	sdelay $0x3  }
0x96: {  	_ =	strace s3  }
0x97: {  	_ =	strace $0x8FFFFFFF  }
0x98: {  	s19 =	sld [smem:$0x3FDB];
	_ =	sdelay $0x1  }
0x99: {  	s4 =	simm.s32 $_scs_section_size  }
0x9a: {  	s5 =	simm.s32 $_size__tile_overlayer_lowered;
	s6 =	simm.s32 $_tile_overlayer_lowered  }
0x9b: {  	s22 =	simm.s32 $0x1BFF;
	s21 =	sshll.u32 s6, $0x1;
	s3 =	sadd.s32 s4, s19  }
0x9c: {  	s7 =	simm.s32 $0x0;
	s20 =	sshll.u32 s5, $0x1;
	s5 =	sadd.s32 s21, s3  }
0x9d: {  	[timem:s7], [sflag:s22] =	dma.local [hbm:s5], s20  }
0x9e: {  	_ =	swait.ge [sflag:s22], s20  }
0x9f: {  	s4 =	ssub.s32 $0x0, s20;
	[sflag:s22] =	ssyncset.done $0x0  }
0xa0: {  	[sflag:s22] =	ssyncadd.s32 s4;
	_ =	sdelay $0x1  }
0xa1: {  	s23 =	simm.s32 $0x1B8B  }
0xa2: {  	_ =	swait.ge [sflag:s23], $0x1  }
0xa3: {  	[sflag:s23] =	ssyncset.done $0x0  }
0xa4: {  	s25 =	simm.s32 $0x1B8E;
	s24 =	sld [smem:$0x3FFE];
	[sflag:s23] =	ssyncadd.s32 $0xFFFFFFFF  }
0xa5: {  	s26 =	simm.s32 $execute0_lowered;
	[smem:$0x3FD2] =	sst s25  }
0xa6: {  	s5 =	sshll.u32 s26, $0x1;
	_ =	strace $0x8000004C;
	[dreg:$0x1] =	wrdreg $0xFFFFFFFF  }
0xa7: {  	s28 =	simm.s32 $_size_execute0_lowered;
	s3 =	sadd.s32 s3, s5;
	[dreg:$0x0] =	wrdreg $0x0  }
0xa8: {  	s5 =	sshll.u32 s28, $0x1;
	[dreg:$0x2] =	wrdreg s3  }
0xa9: {  	[dreg:$0x3] =	wrdreg s5  }
0xaa: {  	[dreg:$0x4] =	wrdreg $0xC0  }
0xab: {  	_ =	task [dreg:s7], $0x5FFFF  }
0xac: {  	[dreg:$0x1] =	wrdreg $0xFFFFFFFF  }
0xad: {  	[dreg:$0x0] =	wrdreg $0x60  }
0xae: {  	[dreg:$0x2] =	wrdreg s24  }
0xaf: {  	[dreg:$0x3] =	wrdreg s2  }
0xb0: {  	[dreg:$0x4] =	wrdreg $0xE0000  }
0xb1: {  	[dreg:$0x5] =	wrdreg $0x9  }
0xb2: {  	_ =	task.clear_ibuf [dreg:s7], $0x6FFFF;
	_ =	strace $0x9000004C  }
0xb3: {  	s29 =	simm.s32 $0x9;
	_ =	strace $0x8000004E  }
0xb4: {  	_ =	swait.ge [sflag:s29], $0x1  }
0xb5: {  	[sflag:s29] =	ssyncadd.s32 $0xFFFFFFFF  }
0xb6: {  	_ =	strace $0x9000004E  }
0xb7: {  	_ =	sfence  }
0xb8: {  	s30 =	sld [smem:$0x0];
	_ =	sdelay $0x2  }
0xb9: {  	s31 =	sshll.u32 s1, $0xD;
	s1 =	sshrl.u32 s1, $0x2  }
0xba: {  	s3 =	sand.u32 $0x4000, s31;
	s1 =	sadd.s32 s1, s30  }
0xbb: {  	s0 =	sor.u32 s3, s0;
	s1 =	sshll.u32 s1, $0x11  }
0xbc: {  	s0 =	sor.u32 s1, s0  }
0xbd: {  	s0 =	sadd.s32 $0x8F2B, s0  }
0xbe: {  	[sflag:s0] =	ssyncadd.remote.s32 $0x1  }
0xbf: {  	_ =	sfence.sel $0xFFFF  }
0xc0: {  	[dreg:$0x0] =	wrdreg $0xFFFFFFFF;
	(pc) =	sbr.abs _section_cstart, $3  }
0xc1: {  	[dreg:$0x1] =	wrdreg $0xFFFFFFFF  }
0xc2: {  	_ =	task.clear_ibuf [dreg:s7], $0x2FFFF;
	_ =	strace $0x9FFFFFFF  }
0xc3: {  	(tm) =	ssettm $0x7FFFFFFF  }
tec
execute0_lowered:
.L_overlay_start_1:
0x0: {  	(tag) =	ssettag $0x1  }
0x1: {  	s0 =	rddreg [dreg:$0x0]  }
0x2: {  	s1 =	rddreg [dreg:$0x1];
	s3 =	srdreg.scid  }
0x3: {  	s2 =	rddreg [dreg:$0x2];
	s4 =	stileid.u32  }
0x4: {  	s17 =	simm.s32 $0x2;
	s18 =	simm.s32 $0x9000;
	s19 =	simm.s32 $0x80  }
0x5: {  	s20 =	simm.s32 $0x5000;
	s21 =	simm.s32 $0x6000;
	s22 =	simm.s32 $0x100  }
0x6: {  	s23 =	simm.s32 $0x7000;
	s24 =	simm.s32 $0x1;
	s25 =	simm.s32 $0x0  }
0x7: {  	s8 =	sand.u32 $0x1, s3;
	s3 =	simm.s32 $0x0;
	s9 =	smul.u32 $0x2800, s4  }
0x8: {  	s11 =	smul.u32 $0x5000, s4;
	s4 =	sadd.s32 $0x2B200, s0;
	s5 =	sadd.s32 $0x21200, s0  }
0x9: {  	s6 =	sadd.s32 $0x17200, s0;
	s13 =	sadd.s32 $0x35200, s0;
	s7 =	smul.u32 $0x28000, s8  }
0xa: {  	[smem:$0x7FF] =	sst s3;
	s10 =	smul.u32 $0x140000, s8;
	s8 =	ssub.s32 $0x2, s8  }
0xb: {  	_ =	strace $0x8000004D;
	[dreg:$0x4] =	wrdreg s13;
	s30 =	sshrl.u32 s8, $0x1  }
0xc: {  	s9 =	sadd.s32 s9, s7;
	s7 =	sadd.s32 $0xD200, s0;
	s10 =	sadd.s32 s11, s10  }
0xd: {  	s8 =	ssub.s32 s8, s30;
	s11 =	sadd.s32 s11, s2;
	s9 =	sshrl.u32 s9, $0x3  }
0xe: {  	s10 =	sshrl.u32 s10, $0x3;
	s16 =	smax.u32 s8, $0x1;
	s1 =	sadd.s32 s1, s9  }
0xf: {  	s12 =	sadd.s32 s9, s0;
	s0 =	sadd.s32 s10, s0;
	[dreg:$0x5] =	wrdreg s1  }
0x10: {  	s31 =	sadd.s32 $0x3200, s12;
	s12 =	sadd.s32 $0x35C00, s0;
	s13 =	sadd.s32 $0x3FC00, s0  }
0x11: {  	s14 =	sadd.s32 $0x49C00, s0;
	s15 =	sadd.s32 $0x53C00, s0;
	[dreg:$0x6] =	wrdreg s31  }
.LBB2_1:
0x12: {  	s0 =	rddreg [dreg:$0x5]  }
0x13: {  	[tilespmem:s3], [sflag:$0x2] =	stream.linear.gather [hbm4b:s0+s3], $0x2800, $0x38;
	[tilespmem:$0x13000] =	vst v63  }
0x14: {  	_ =	swait.ge [sflag:s17], $0x2800  }
0x15: {  	[sflag:s17] =	ssyncset.done $0x0  }
0x16: {  	s10 =	simm.s32 $0x2800;
	s1 =	rddreg [dreg:$0x6];
	[sflag:s17] =	ssyncadd.s32 $0xFFFFD800  }
0x17: {  	[tilespmem:s10], [sflag:$0x2] =	stream.linear.gather [hbm4b:s1+s3], $0x2800, $0x38;
	[tilespmem:$0x13000] =	vst v63  }
0x18: {  	_ =	swait.ge [sflag:s17], $0x2800  }
0x19: {  	[sflag:s17] =	ssyncset.done $0x0  }
0x1a: {  	s26 =	rddreg [dreg:$0x4];
	[sflag:s17] =	ssyncadd.s32 $0xFFFFD800  }
0x1b: {  	[tilespmem:s18], [sflag:$0x2] =	stream.linear.gather [hbm4b:s26+s3], $0x5000, $0x38;
	[tilespmem:$0x13000] =	vst v63  }
0x1c: {  	_ =	swait.ge [sflag:s17], $0x5000  }
0x1d: {  	[sflag:s17] =	ssyncset.done $0x0  }
0x1e: {  	[sflag:s17] =	ssyncadd.s32 $0xFFFFB000  }
0x1f: {  	[spmem:s11] =	stream.linear.scatter [tilespmem:s18], [sflag:$0x2], $0x5000, $0x38;
	[tilespmem:$0x13000] =	vst v63  }
0x20: {  	_ =	swait.ge [sflag:s17], $0x5000  }
0x21: {  	[sflag:s17] =	ssyncset.done $0x0  }
0x22: {  	p0 =	por $0x0, $0x0;
	s1 =	simm.s32 $0xC000;
	[sflag:s17] =	ssyncadd.s32 $0xFFFFB000  }
0x23: {  	[tilespmem:s20], [sflag:$0x1] =	stream.indirect.gather [hbm4b:s4+s19], $0x20, s3, s19, $0xb8;
	[tilespmem:$0x13000] =	vst v63  }
0x24: {  	s1 =	sand.u32 @!p0 $0xC000, s1  }
0x25: {  	[tilespmem:s21], [sflag:$0x1] =	stream.indirect.gather [hbm4b:s4+s19], $0x20, s19, s19, $0xb8;
	[tilespmem:$0x13000] =	vst v63  }
0x26: {  	s8 =	simm.s32 $0x180;
	s28 =	simm.s32 $0x0;
	s1 =	sshrl.u32 @!p0 s1, $0x2  }
0x27: {  	[tilespmem:s23], [sflag:$0x1] =	stream.indirect.gather [hbm4b:s4+s19], $0x20, s22, s19, $0xb8;
	[tilespmem:$0x13000] =	vst v63  }
0x28: {  	s1 =	sadd.s32 @!p0 $0x5000, s1;
	s26 =	simm.s32 @!p0 $0x80;
	[bflag:$0x0] =	sbarrier.arrive $0xFFFF  }
0x29: {  	[tilespmem:s1], [sflag:$0x1] =	stream.indirect.gather @!p0 [hbm4b:s4+s26], $0x20, s8, s26, $0xb8;
	[tilespmem:$0x13000] =	vst v63  }
0x2a: {  	s29 =	simm.s32 $0x14000;
	s31 =	sand.u32 $0xC000, s28;
	_ =	swait.ge [sflag:s24], $0x1000  }
0x2b: {  	s30 =	simm.s32 $0x1;
	s1 =	sshrl.u32 s31, $0x2;
	[sflag:s24] =	ssyncset.done $0x0  }
0x2c: {  	s28 =	simm.s32 $0x2880;
	s1 =	sadd.s32 $0x5000, s1;
	[sflag:s24] =	ssyncadd.s32 $0xFFFFF000  }
0x2d: {  	[spmem:s2] =	stream.indirect.scatter.add.f32 [tilespmem:s1], [sflag:$0x2], $0x20, s10, s19, $0xb8;
	[tilespmem:$0x13000] =	vst v63  }
0x2e: {  	s26 =	simm.s32 $0x10000;
	p0 =	por $0x0, $0x0;
	_ =	swait.ge [sflag:s17], $0x1000  }
0x2f: {  	s0 =	simm.s32 $0x200;
	s1 =	sand.u32 @!p0 $0xC000, s26;
	[sflag:s17] =	ssyncset.done $0x0  }
.LBB2_2:
0x30: {  	s1 =	sshrl.u32 @!p0 s1, $0x2;
	[sflag:s17] =	ssyncadd.s32 $0xFFFFF000  }
0x31: {  	s8 =	smov.u32 s26;
	s26 =	smov.u32 s29;
	s29 =	sadd.s32 $0x4000, s29  }
0x32: {  	s31 =	simm.s32 @!p0 $0x80;
	s1 =	sadd.s32 @!p0 $0x5000, s1;
	s8 =	sadd.s32 $0xFFFF4000, s8  }
0x33: {  	[tilespmem:s1], [sflag:$0x1] =	stream.indirect.gather @!p0 [hbm4b:s4+s31], $0x20, s0, s31, $0xb8;
	[tilespmem:$0x13000] =	vst v63  }
0x34: {  	p1 =	sne.s32 s29, $0x14C000;
	s1 =	sand.u32 $0xC000, s8;
	_ =	swait.ge [sflag:s24], $0x1000  }
.Ltmp0:
0x35: {  	s1 =	sshrl.u32 s1, $0x2;
	[sflag:s24] =	ssyncset.done $0x0;
	(pc) =	sbr.rel @p1 .LBB2_2-.Ltmp0, $4  }
0x36: {  	s30 =	sadd.s32 $0x1, s30;
	s1 =	sadd.s32 $0x5000, s1;
	[sflag:s24] =	ssyncadd.s32 $0xFFFFF000  }
0x37: {  	[spmem:s2] =	stream.indirect.scatter.add.f32 [tilespmem:s1], [sflag:$0x2], $0x20, s28, s19, $0xb8;
	[tilespmem:$0x13000] =	vst v63  }
0x38: {  	p0 =	sgt.u32 s30, $0x4C;
	s28 =	sadd.s32 $0x80, s28;
	_ =	swait.ge [sflag:s17], $0x1000  }
0x39: {  	s0 =	sadd.s32 $0x80, s0;
	s1 =	sand.u32 @!p0 $0xC000, s26;
	[sflag:s17] =	ssyncset.done $0x0  }
0x3a: {  	s1 =	sshrl.u32 @!p0 s1, $0x2;
	[sflag:s17] =	ssyncadd.s32 $0xFFFFF000  }
0x3b: {  	s8 =	simm.s32 @!p0 $0x80;
	s26 =	sadd.s32 $0xFFFF4000, s26;
	s1 =	sadd.s32 @!p0 $0x5000, s1  }
0x3c: {  	[tilespmem:s1], [sflag:$0x1] =	stream.indirect.gather @!p0 [hbm4b:s4+s8], $0x20, s0, s8, $0xb8;
	[tilespmem:$0x13000] =	vst v63  }
0x3d: {  	s26 =	sand.u32 $0xC000, s26;
	_ =	swait.ge [sflag:s24], $0x1000  }
0x3e: {  	s0 =	sshrl.u32 s26, $0x2;
	[sflag:s24] =	ssyncset.done $0x0  }
0x3f: {  	s0 =	sadd.s32 $0x5000, s0;
	[sflag:s24] =	ssyncadd.s32 $0xFFFFF000  }
0x40: {  	[spmem:s2] =	stream.indirect.scatter.add.f32 [tilespmem:s0], [sflag:$0x2], $0x20, s28, s19, $0xb8;
	[tilespmem:$0x13000] =	vst v63  }
0x41: {  	_ =	swait.ge [sflag:s17], $0x1000  }
0x42: {  	[sflag:s17] =	ssyncset.done $0x0  }
0x43: {  	s1 =	simm.s32 $0x0;
	[sflag:s17] =	ssyncadd.s32 $0xFFFFF000  }
0x44: {  	[tilespmem:s20], [sflag:$0x1] =	stream.indirect.gather [hbm4b:s5+s19], $0x20, s1, s19, $0xb8;
	[tilespmem:$0x13000] =	vst v63  }
0x45: {  	s8 =	stileid.u32  }
0x46: {  	[tilespmem:s21], [sflag:$0x1] =	stream.indirect.gather [hbm4b:s5+s19], $0x20, s19, s19, $0xb8;
	[tilespmem:$0x13000] =	vst v63  }
0x47: {  	s0 =	sshll.u32 s8, $0x6  }
0x48: {  	[tilespmem:s23], [sflag:$0x1] =	stream.indirect.gather [hbm4b:s5+s19], $0x20, s22, s19, $0xb8;
	[tilespmem:$0x13000] =	vst v63  }
0x49: {  	s28 =	sshrl.u32 s11, $0x3;
	s26 =	sor.u32 $0x1C02, s0;
	[bflag:$0x0] =	sbarrier.arrive $0xFFFF  }
0x4a: {  	[hbm:s12], [sflag:s26] =	dma.local [spmem:s28], $0xA00  }
0x4b: {  	_ =	swait.ge [sflag:s17], $0xA00  }
0x4c: {  	[sflag:s17] =	ssyncset.done $0x0  }
0x4d: {  	s30 =	simm.s32 $0x0;
	[sflag:s17] =	ssyncadd.s32 $0xFFFFF600  }
0x4e: {  	[spmem:s11] =	stream.linear.scatter [tilespmem:s18], [sflag:$0x2], $0x5000, $0x38;
	[tilespmem:$0x13000] =	vst v63  }
0x4f: {  	p0 =	por $0x0, $0x0;
	s0 =	simm.s32 $0xC000;
	_ =	swait.ge [sflag:s17], $0x5000  }
0x50: {  	s31 =	simm.s32 $0x14000;
	s0 =	sand.u32 @!p0 $0xC000, s0;
	[sflag:s17] =	ssyncset.done $0x0  }
0x51: {  	s29 =	simm.s32 @!p0 $0x80;
	s0 =	sshrl.u32 @!p0 s0, $0x2;
	[sflag:s17] =	ssyncadd.s32 $0xFFFFB000  }
0x52: {  	s1 =	simm.s32 $0x180;
	s0 =	sadd.s32 @!p0 $0x5000, s0;
	[bflag:$0x0] =	sbarrier.arrive $0xFFFF  }
0x53: {  	[tilespmem:s0], [sflag:$0x1] =	stream.indirect.gather @!p0 [hbm4b:s5+s29], $0x20, s1, s29, $0xb8;
	[tilespmem:$0x13000] =	vst v63  }
0x54: {  	s9 =	sand.u32 $0xC000, s30;
	s30 =	simm.s32 $0x2880;
	_ =	swait.ge [sflag:s24], $0x1000  }
0x55: {  	s8 =	simm.s32 $0x2800;
	s0 =	sshrl.u32 s9, $0x2;
	[sflag:s24] =	ssyncset.done $0x0  }
0x56: {  	s29 =	simm.s32 $0x10000;
	s10 =	sadd.s32 $0x5000, s0;
	[sflag:s24] =	ssyncadd.s32 $0xFFFFF000  }
0x57: {  	[spmem:s2] =	stream.indirect.scatter.add.f32 [tilespmem:s10], [sflag:$0x2], $0x20, s8, s19, $0xb8;
	[tilespmem:$0x13000] =	vst v63  }
0x58: {  	p0 =	por $0x0, $0x0;
	s1 =	simm.s32 $0x200;
	_ =	swait.ge [sflag:s17], $0x1000  }
0x59: {  	s0 =	simm.s32 $0x1;
	s8 =	sand.u32 @!p0 $0xC000, s29;
	[sflag:s17] =	ssyncset.done $0x0  }
.LBB2_4:
0x5a: {  	s8 =	sshrl.u32 @!p0 s8, $0x2;
	[sflag:s17] =	ssyncadd.s32 $0xFFFFF000  }
0x5b: {  	s9 =	smov.u32 s29;
	s29 =	smov.u32 s31;
	s31 =	sadd.s32 $0x4000, s31  }
0x5c: {  	s10 =	simm.s32 @!p0 $0x80;
	s8 =	sadd.s32 @!p0 $0x5000, s8;
	s9 =	sadd.s32 $0xFFFF4000, s9  }
0x5d: {  	[tilespmem:s8], [sflag:$0x1] =	stream.indirect.gather @!p0 [hbm4b:s5+s10], $0x20, s1, s10, $0xb8;
	[tilespmem:$0x13000] =	vst v63  }
0x5e: {  	p1 =	sne.s32 s31, $0x14C000;
	s8 =	sand.u32 $0xC000, s9;
	_ =	swait.ge [sflag:s24], $0x1000  }
.Ltmp1:
0x5f: {  	s8 =	sshrl.u32 s8, $0x2;
	[sflag:s24] =	ssyncset.done $0x0;
	(pc) =	sbr.rel @p1 .LBB2_4-.Ltmp1, $4  }
0x60: {  	s0 =	sadd.s32 $0x1, s0;
	s8 =	sadd.s32 $0x5000, s8;
	[sflag:s24] =	ssyncadd.s32 $0xFFFFF000  }
0x61: {  	[spmem:s2] =	stream.indirect.scatter.add.f32 [tilespmem:s8], [sflag:$0x2], $0x20, s30, s19, $0xb8;
	[tilespmem:$0x13000] =	vst v63  }
0x62: {  	p0 =	sgt.u32 s0, $0x4C;
	s30 =	sadd.s32 $0x80, s30;
	_ =	swait.ge [sflag:s17], $0x1000  }
0x63: {  	s1 =	sadd.s32 $0x80, s1;
	s8 =	sand.u32 @!p0 $0xC000, s29;
	[sflag:s17] =	ssyncset.done $0x0  }
0x64: {  	s0 =	sshrl.u32 @!p0 s8, $0x2;
	[sflag:s17] =	ssyncadd.s32 $0xFFFFF000  }
0x65: {  	s8 =	simm.s32 @!p0 $0x80;
	s9 =	sadd.s32 $0xFFFF4000, s29;
	s0 =	sadd.s32 @!p0 $0x5000, s0  }
0x66: {  	[tilespmem:s0], [sflag:$0x1] =	stream.indirect.gather @!p0 [hbm4b:s5+s8], $0x20, s1, s8, $0xb8;
	[tilespmem:$0x13000] =	vst v63  }
0x67: {  	s1 =	sand.u32 $0xC000, s9;
	_ =	swait.ge [sflag:s24], $0x1000  }
0x68: {  	s0 =	sshrl.u32 s1, $0x2;
	[sflag:s24] =	ssyncset.done $0x0  }
0x69: {  	s0 =	sadd.s32 $0x5000, s0;
	[sflag:s24] =	ssyncadd.s32 $0xFFFFF000  }
0x6a: {  	[spmem:s2] =	stream.indirect.scatter.add.f32 [tilespmem:s0], [sflag:$0x2], $0x20, s30, s19, $0xb8;
	[tilespmem:$0x13000] =	vst v63  }
0x6b: {  	_ =	swait.ge [sflag:s17], $0x1000  }
0x6c: {  	[sflag:s17] =	ssyncset.done $0x0  }
0x6d: {  	s8 =	simm.s32 $0x0;
	[sflag:s17] =	ssyncadd.s32 $0xFFFFF000  }
0x6e: {  	[tilespmem:s20], [sflag:$0x1] =	stream.indirect.gather [hbm4b:s6+s19], $0x20, s8, s19, $0xb8;
	[tilespmem:$0x13000] =	vst v63  }
0x6f: {  	_ = 	snop  }
0x70: {  	[tilespmem:s21], [sflag:$0x1] =	stream.indirect.gather [hbm4b:s6+s19], $0x20, s19, s19, $0xb8;
	[tilespmem:$0x13000] =	vst v63  }
0x71: {  	_ = 	snop  }
0x72: {  	[tilespmem:s23], [sflag:$0x1] =	stream.indirect.gather [hbm4b:s6+s19], $0x20, s22, s19, $0xb8;
	[tilespmem:$0x13000] =	vst v63  }
0x73: {  	[bflag:$0x0] =	sbarrier.arrive $0xFFFF  }
0x74: {  	[hbm:s13], [sflag:s26] =	dma.local [spmem:s28], $0xA00  }
0x75: {  	_ =	swait.ge [sflag:s17], $0xA00  }
0x76: {  	[sflag:s17] =	ssyncset.done $0x0  }
0x77: {  	s10 =	simm.s32 $0x0;
	[sflag:s17] =	ssyncadd.s32 $0xFFFFF600  }
0x78: {  	[spmem:s11] =	stream.linear.scatter [tilespmem:s18], [sflag:$0x2], $0x5000, $0x38;
	[tilespmem:$0x13000] =	vst v63  }
0x79: {  	p0 =	por $0x0, $0x0;
	s0 =	simm.s32 $0xC000;
	_ =	swait.ge [sflag:s17], $0x5000  }
0x7a: {  	s29 =	simm.s32 $0x10000;
	s0 =	sand.u32 @!p0 $0xC000, s0;
	[sflag:s17] =	ssyncset.done $0x0  }
0x7b: {  	s1 =	simm.s32 $0x180;
	s0 =	sshrl.u32 @!p0 s0, $0x2;
	[sflag:s17] =	ssyncadd.s32 $0xFFFFB000  }
0x7c: {  	s9 =	simm.s32 @!p0 $0x80;
	s0 =	sadd.s32 @!p0 $0x5000, s0;
	[bflag:$0x0] =	sbarrier.arrive $0xFFFF  }
0x7d: {  	[tilespmem:s0], [sflag:$0x1] =	stream.indirect.gather @!p0 [hbm4b:s6+s9], $0x20, s1, s9, $0xb8;
	[tilespmem:$0x13000] =	vst v63  }
0x7e: {  	s31 =	simm.s32 $0x14000;
	s9 =	sand.u32 $0xC000, s10;
	_ =	swait.ge [sflag:s24], $0x1000  }
0x7f: {  	s30 =	simm.s32 $0x2880;
	s0 =	sshrl.u32 s9, $0x2;
	[sflag:s24] =	ssyncset.done $0x0  }
0x80: {  	s8 =	simm.s32 $0x2800;
	s10 =	sadd.s32 $0x5000, s0;
	[sflag:s24] =	ssyncadd.s32 $0xFFFFF000  }
0x81: {  	[spmem:s2] =	stream.indirect.scatter.add.f32 [tilespmem:s10], [sflag:$0x2], $0x20, s8, s19, $0xb8;
	[tilespmem:$0x13000] =	vst v63  }
0x82: {  	p0 =	por $0x0, $0x0;
	s1 =	simm.s32 $0x200;
	_ =	swait.ge [sflag:s17], $0x1000  }
0x83: {  	s0 =	simm.s32 $0x1;
	s8 =	sand.u32 @!p0 $0xC000, s29;
	[sflag:s17] =	ssyncset.done $0x0  }
.LBB2_6:
0x84: {  	s8 =	sshrl.u32 @!p0 s8, $0x2;
	[sflag:s17] =	ssyncadd.s32 $0xFFFFF000  }
0x85: {  	s9 =	smov.u32 s29;
	s29 =	smov.u32 s31;
	s31 =	sadd.s32 $0x4000, s31  }
0x86: {  	s10 =	simm.s32 @!p0 $0x80;
	s8 =	sadd.s32 @!p0 $0x5000, s8;
	s9 =	sadd.s32 $0xFFFF4000, s9  }
0x87: {  	[tilespmem:s8], [sflag:$0x1] =	stream.indirect.gather @!p0 [hbm4b:s6+s10], $0x20, s1, s10, $0xb8;
	[tilespmem:$0x13000] =	vst v63  }
0x88: {  	p1 =	sne.s32 s31, $0x14C000;
	s8 =	sand.u32 $0xC000, s9;
	_ =	swait.ge [sflag:s24], $0x1000  }
.Ltmp2:
0x89: {  	s8 =	sshrl.u32 s8, $0x2;
	[sflag:s24] =	ssyncset.done $0x0;
	(pc) =	sbr.rel @p1 .LBB2_6-.Ltmp2, $4  }
0x8a: {  	s0 =	sadd.s32 $0x1, s0;
	s8 =	sadd.s32 $0x5000, s8;
	[sflag:s24] =	ssyncadd.s32 $0xFFFFF000  }
0x8b: {  	[spmem:s2] =	stream.indirect.scatter.add.f32 [tilespmem:s8], [sflag:$0x2], $0x20, s30, s19, $0xb8;
	[tilespmem:$0x13000] =	vst v63  }
0x8c: {  	p0 =	sgt.u32 s0, $0x4C;
	s30 =	sadd.s32 $0x80, s30;
	_ =	swait.ge [sflag:s17], $0x1000  }
0x8d: {  	s1 =	sadd.s32 $0x80, s1;
	s8 =	sand.u32 @!p0 $0xC000, s29;
	[sflag:s17] =	ssyncset.done $0x0  }
0x8e: {  	s0 =	sshrl.u32 @!p0 s8, $0x2;
	[sflag:s17] =	ssyncadd.s32 $0xFFFFF000  }
0x8f: {  	s8 =	simm.s32 @!p0 $0x80;
	s9 =	sadd.s32 $0xFFFF4000, s29;
	s0 =	sadd.s32 @!p0 $0x5000, s0  }
0x90: {  	[tilespmem:s0], [sflag:$0x1] =	stream.indirect.gather @!p0 [hbm4b:s6+s8], $0x20, s1, s8, $0xb8;
	[tilespmem:$0x13000] =	vst v63  }
0x91: {  	s1 =	sand.u32 $0xC000, s9;
	_ =	swait.ge [sflag:s24], $0x1000  }
0x92: {  	s0 =	sshrl.u32 s1, $0x2;
	[sflag:s24] =	ssyncset.done $0x0  }
0x93: {  	s0 =	sadd.s32 $0x5000, s0;
	[sflag:s24] =	ssyncadd.s32 $0xFFFFF000  }
0x94: {  	[spmem:s2] =	stream.indirect.scatter.add.f32 [tilespmem:s0], [sflag:$0x2], $0x20, s30, s19, $0xb8;
	[tilespmem:$0x13000] =	vst v63  }
0x95: {  	_ =	swait.ge [sflag:s17], $0x1000  }
0x96: {  	[sflag:s17] =	ssyncset.done $0x0  }
0x97: {  	s8 =	simm.s32 $0x0;
	[sflag:s17] =	ssyncadd.s32 $0xFFFFF000  }
0x98: {  	[tilespmem:s20], [sflag:$0x1] =	stream.indirect.gather [hbm4b:s7+s19], $0x20, s8, s19, $0xb8;
	[tilespmem:$0x13000] =	vst v63  }
0x99: {  	_ = 	snop  }
0x9a: {  	[tilespmem:s21], [sflag:$0x1] =	stream.indirect.gather [hbm4b:s7+s19], $0x20, s19, s19, $0xb8;
	[tilespmem:$0x13000] =	vst v63  }
0x9b: {  	_ = 	snop  }
0x9c: {  	[tilespmem:s23], [sflag:$0x1] =	stream.indirect.gather [hbm4b:s7+s19], $0x20, s22, s19, $0xb8;
	[tilespmem:$0x13000] =	vst v63  }
0x9d: {  	[bflag:$0x0] =	sbarrier.arrive $0xFFFF  }
0x9e: {  	[hbm:s14], [sflag:s26] =	dma.local [spmem:s28], $0xA00  }
0x9f: {  	_ =	swait.ge [sflag:s17], $0xA00  }
0xa0: {  	[sflag:s17] =	ssyncset.done $0x0  }
0xa1: {  	s10 =	simm.s32 $0x0;
	[sflag:s17] =	ssyncadd.s32 $0xFFFFF600  }
0xa2: {  	[spmem:s11] =	stream.linear.scatter [tilespmem:s18], [sflag:$0x2], $0x5000, $0x38;
	[tilespmem:$0x13000] =	vst v63  }
0xa3: {  	p0 =	por $0x0, $0x0;
	s0 =	simm.s32 $0xC000;
	_ =	swait.ge [sflag:s17], $0x5000  }
0xa4: {  	s29 =	simm.s32 $0x10000;
	s0 =	sand.u32 @!p0 $0xC000, s0;
	[sflag:s17] =	ssyncset.done $0x0  }
0xa5: {  	s1 =	simm.s32 $0x180;
	s0 =	sshrl.u32 @!p0 s0, $0x2;
	[sflag:s17] =	ssyncadd.s32 $0xFFFFB000  }
0xa6: {  	s9 =	simm.s32 @!p0 $0x80;
	s0 =	sadd.s32 @!p0 $0x5000, s0;
	[bflag:$0x0] =	sbarrier.arrive $0xFFFF  }
0xa7: {  	[tilespmem:s0], [sflag:$0x1] =	stream.indirect.gather @!p0 [hbm4b:s7+s9], $0x20, s1, s9, $0xb8;
	[tilespmem:$0x13000] =	vst v63  }
0xa8: {  	s31 =	simm.s32 $0x14000;
	s9 =	sand.u32 $0xC000, s10;
	_ =	swait.ge [sflag:s24], $0x1000  }
0xa9: {  	s30 =	simm.s32 $0x2880;
	s0 =	sshrl.u32 s9, $0x2;
	[sflag:s24] =	ssyncset.done $0x0  }
0xaa: {  	s8 =	simm.s32 $0x2800;
	s10 =	sadd.s32 $0x5000, s0;
	[sflag:s24] =	ssyncadd.s32 $0xFFFFF000  }
0xab: {  	[spmem:s2] =	stream.indirect.scatter.add.f32 [tilespmem:s10], [sflag:$0x2], $0x20, s8, s19, $0xb8;
	[tilespmem:$0x13000] =	vst v63  }
0xac: {  	p0 =	por $0x0, $0x0;
	s1 =	simm.s32 $0x200;
	_ =	swait.ge [sflag:s17], $0x1000  }
0xad: {  	s0 =	simm.s32 $0x1;
	s8 =	sand.u32 @!p0 $0xC000, s29;
	[sflag:s17] =	ssyncset.done $0x0  }
.LBB2_8:
0xae: {  	s8 =	sshrl.u32 @!p0 s8, $0x2;
	[sflag:s17] =	ssyncadd.s32 $0xFFFFF000  }
0xaf: {  	s9 =	smov.u32 s29;
	s29 =	smov.u32 s31;
	s31 =	sadd.s32 $0x4000, s31  }
0xb0: {  	s10 =	simm.s32 @!p0 $0x80;
	s8 =	sadd.s32 @!p0 $0x5000, s8;
	s9 =	sadd.s32 $0xFFFF4000, s9  }
0xb1: {  	[tilespmem:s8], [sflag:$0x1] =	stream.indirect.gather @!p0 [hbm4b:s7+s10], $0x20, s1, s10, $0xb8;
	[tilespmem:$0x13000] =	vst v63  }
0xb2: {  	p1 =	sne.s32 s31, $0x14C000;
	s8 =	sand.u32 $0xC000, s9;
	_ =	swait.ge [sflag:s24], $0x1000  }
.Ltmp3:
0xb3: {  	s8 =	sshrl.u32 s8, $0x2;
	[sflag:s24] =	ssyncset.done $0x0;
	(pc) =	sbr.rel @p1 .LBB2_8-.Ltmp3, $4  }
0xb4: {  	s0 =	sadd.s32 $0x1, s0;
	s8 =	sadd.s32 $0x5000, s8;
	[sflag:s24] =	ssyncadd.s32 $0xFFFFF000  }
0xb5: {  	[spmem:s2] =	stream.indirect.scatter.add.f32 [tilespmem:s8], [sflag:$0x2], $0x20, s30, s19, $0xb8;
	[tilespmem:$0x13000] =	vst v63  }
0xb6: {  	p0 =	sgt.u32 s0, $0x4C;
	s30 =	sadd.s32 $0x80, s30;
	_ =	swait.ge [sflag:s17], $0x1000  }
0xb7: {  	s1 =	sadd.s32 $0x80, s1;
	s8 =	sand.u32 @!p0 $0xC000, s29;
	[sflag:s17] =	ssyncset.done $0x0  }
0xb8: {  	s0 =	sshrl.u32 @!p0 s8, $0x2;
	[sflag:s17] =	ssyncadd.s32 $0xFFFFF000  }
0xb9: {  	s8 =	simm.s32 @!p0 $0x80;
	s9 =	sadd.s32 $0xFFFF4000, s29;
	s0 =	sadd.s32 @!p0 $0x5000, s0  }
0xba: {  	[tilespmem:s0], [sflag:$0x1] =	stream.indirect.gather @!p0 [hbm4b:s7+s8], $0x20, s1, s8, $0xb8;
	[tilespmem:$0x13000] =	vst v63  }
0xbb: {  	s31 =	sand.u32 $0xC000, s9;
	_ =	swait.ge [sflag:s24], $0x1000  }
0xbc: {  	s0 =	sshrl.u32 s31, $0x2;
	[sflag:s24] =	ssyncset.done $0x0  }
0xbd: {  	s0 =	sadd.s32 $0x5000, s0;
	[sflag:s24] =	ssyncadd.s32 $0xFFFFF000  }
0xbe: {  	[spmem:s2] =	stream.indirect.scatter.add.f32 [tilespmem:s0], [sflag:$0x2], $0x20, s30, s19, $0xb8;
	[tilespmem:$0x13000] =	vst v63  }
0xbf: {  	_ =	swait.ge [sflag:s17], $0x1000  }
0xc0: {  	s25 =	sadd.s32 $0x1, s25;
	[sflag:s17] =	ssyncset.done $0x0  }
0xc1: {  	p0 =	sne.s32 s25, s16;
	[sflag:s17] =	ssyncadd.s32 $0xFFFFF000  }
.Ltmp4:
0xc2: {  	[bflag:$0x0] =	sbarrier.arrive $0xFFFF;
	(pc) =	sbr.rel @p0 .LBB2_1-.Ltmp4, $4  }
0xc3: {  	[hbm:s15], [sflag:s26] =	dma.local [spmem:s28], $0xA00  }
0xc4: {  	_ =	swait.ge [sflag:s17], $0xA00  }
0xc5: {  	[sflag:s17] =	ssyncset.done $0x0  }
0xc6: {  	[sflag:s17] =	ssyncadd.s32 $0xFFFFF600  }
0xc7: {  	_ =	sfence.sel $0x180000  }
0xc8: {  	[bflag:$0x0] =	sbarrier.arrive $0xFFFF  }
0xc9: {  	_ =	strace $0x9000004D  }
0xca: {  	s0 =	stileid.u32;
	[bflag:$0x2] =	sbarrier.arrive $0xFFFF  }
0xcb: {  	p0 =	sne.s32 s0, $0x0;
	s0 =	rddreg [dreg:$0x3]  }
0xcc: {  	s0 =	sadd.s32 @!p0 $0x100000, s0  }
0xcd: {  	[sflag:s0] =	ssyncadd.tile.s32 @!p0 $0x1;
	_ =	shalt  }
.Lfunc_end2:
_tile_overlayer_lowered:
.L_overlay_start_2:
0xce: {  	(tag) =	ssettag $0x2  }
0xcf: {  	s0 =	rddreg [dreg:$0x0];
	s2 =	stileid.u32  }
0xd0: {  	s1 =	rddreg [dreg:$0x1];
	p0 =	sne.s32 s2, $0x0  }
0xd1: {  	s3 =	rddreg [dreg:$0x2];
	[bflag:$0x3] =	sbarrier.arrive $0xFFFF;
	s2 =	simm.s32 @!p0 $0x1C02  }
0xd2: {  	[timem:s3], [sflag:s2] =	dma.local @!p0 [hbm:s0], s1  }
0xd3: {  	s0 =	simm.s32 @!p0 $0x2  }
0xd4: {  	_ =	swait.ge @!p0 [sflag:s0], s1  }
0xd5: {  	s1 =	ssub.s32 @!p0 $0x0, s1;
	[sflag:s0] =	ssyncset.done @!p0 $0x0  }
0xd6: {  	[sflag:s0] =	ssyncadd.s32 @!p0 s1  }
0xd7: {  	[bflag:$0x3] =	sbarrier.arrive $0xFFFF  }
0xd8: {  	_ =	shalt  }

// kernel: kernel.19.cloned.1.call-start
scs
__scs_entry_jumppad:
0x0: {  	(pc) =	sbr.rel $0x88, $3  }
0x1: {  	(tag) =	ssettag $0x0;
	lr =	simm.s32 $0x1  }
0x2: {  	[smem:$0x3F99] =	sst lr;
	_ =	strace $0xD0000000  }
0x3: {  	_ = 	snop  }
0x4: {  	_ = 	snop  }
0x5: {  	_ = 	snop  }
0x6: {  	_ = 	snop  }
0x7: {  	_ = 	snop  }
__scs_overlays_trampoline_lowered:
0x8: {  	[smem:$0x3FA8] =	sst s0  }
0x9: {  	[smem:$0x3FA9] =	sst s1  }
0xa: {  	[smem:$0x3FAA] =	sst s2  }
0xb: {  	[smem:$0x3FAB] =	sst s3  }
0xc: {  	[smem:$0x3FAC] =	sst s4  }
0xd: {  	[smem:$0x3FAD] =	sst s5  }
0xe: {  	[smem:$0x3FAE] =	sst s6  }
0xf: {  	[smem:$0x3FAF] =	sst s7  }
0x10: {  	[smem:$0x3FB0] =	sst s8  }
0x11: {  	[smem:$0x3FB1] =	sst s9;
	s0 =	simm.s32 @!p0 $0x0  }
0x12: {  	s1 =	sld [smem:$0x3F97];
	s0 =	simm.s32 @p0 $0x1  }
0x13: {  	[smem:$0x3FB2] =	sst s0;
	s0 =	simm.s32 @!p1 $0x0  }
0x14: {  	s2 =	sld [smem:$0x3F96];
	s0 =	simm.s32 @p1 $0x1  }
0x15: {  	[smem:$0x3FB3] =	sst s0;
	s0 =	simm.s32 @!p2 $0x0  }
0x16: {  	s3 =	sld [smem:$0x3FDB];
	s0 =	simm.s32 @p2 $0x1  }
0x17: {  	s4 =	simm.s32 $0x1BF5;
	[smem:$0x3FB5] =	sst s0  }
0x18: {  	s0 =	sld [smem:$0x3F98];
	_ =	swait.ge [sflag:s4], $0x0  }
0x19: {  	s7 =	sld [smem:$0x3F99]  }
0x1a: {  	s8 =	sadd.s32 $0xFFFFE003, lr  }
0x1b: {  	s9 =	sadd.s32 $0xFFFFFEF7, lr;
	s5 =	simm.s32 $0xFFFFFFFF;
	p2 =	slt.u32 s8, $0xFFFFF086  }
0x1c: {  	p1 =	slt.u32 s9, $0xF7A;
	s5 =	simm.s32 @!p2 $0x0  }
0x1d: {  	s5 =	simm.s32 @p1 $0x1;
	p0 =	seq.s32 s7, s2  }
0x1e: {  	s7 =	smul.u32 @!p0 $0xF7A, s2;
	p2 =	seq.s32 @!p0 s5, $0x0  }
0x1f: {  	s9 =	smul.u32 $0xF7A, s1;
	s8 =	simm.s32 @!p0 $0x1BF5;
	p2 =	por !p2, p0  }
0x20: {  	[sflag:s8] =	ssyncset.s32 @!p0 $0xFFFFF086;
	s6 =	sadd.s32 @!p0 s3, s7;
	s7 =	simm.s32 @!p0 $0x108  }
0x21: {  	s3 =	sadd.s32 s3, s9;
	s6 =	sadd.s32 @!p0 $0x88, s6;
	s7 =	simm.s32 @p2 $0x1082  }
0x22: {  	[simem:s7], [sflag:s8] =	dma.local @!p0 [hbm:s6], $0xF7A  }
0x23: {  	s9 =	sor.u32 $0xD0000000, s2;
	s6 =	simm.s32 $0x108;
	_ =	swait.ge @!p0 [sflag:s8], $0x0  }
0x24: {  	s3 =	sadd.s32 $0x88, s3;
	s6 =	simm.s32 @!p1 $0x1082;
	[sflag:s4] =	ssyncset.s32 $0xFFFFF086  }
0x25: {  	[simem:s6], [sflag:s4] =	dma.local [hbm:s3], $0xF7A  }
0x26: {  	[smem:$0x3F99] =	sst s1;
	(tag) =	ssettag s2;
	_ =	strace s9  }
0x27: {  	s1 =	sld [smem:$0x3FA9]  }
0x28: {  	s2 =	sld [smem:$0x3FAA]  }
0x29: {  	s4 =	sld [smem:$0x3FAC]  }
0x2a: {  	p0 =	seq.s32 s5, $0x0;
	s5 =	sld [smem:$0x3FAD]  }
0x2b: {  	s6 =	sld [smem:$0x3FAE]  }
0x2c: {  	s7 =	sld [smem:$0x3FAF]  }
0x2d: {  	s3 =	simm.s32 $0x108;
	s8 =	sld [smem:$0x3FB0]  }
0x2e: {  	s3 =	simm.s32 @!p0 $0x1082;
	s9 =	sld [smem:$0x3FB1]  }
0x2f: {  	lr =	sadd.s32 s0, s3;
	s0 =	sld [smem:$0x3FA8]  }
0x30: {  	s3 =	sld [smem:$0x3FAB]  }
0x31: {  	[smem:$0x3FB4] =	sst s10  }
0x32: {  	s10 =	sld [smem:$0x3FB2];
	_ =	sdelay $0x3  }
0x33: {  	p0 =	seq.s32 s10, $0x1;
	s10 =	sld [smem:$0x3FB4];
	_ =	sdelay $0x3  }
0x34: {  	[smem:$0x3FB4] =	sst s10  }
0x35: {  	s10 =	sld [smem:$0x3FB3];
	_ =	sdelay $0x3  }
0x36: {  	p1 =	seq.s32 s10, $0x1;
	s10 =	sld [smem:$0x3FB4];
	_ =	sdelay $0x3  }
0x37: {  	[smem:$0x3FB4] =	sst s10  }
0x38: {  	s10 =	sld [smem:$0x3FB5]  }
0x39: {  	_ = 	snop;
	(pc) =	sbr.ind lr, $3  }
0x3a: {  	_ = 	snop  }
0x3b: {  	_ = 	snop  }
0x3c: {  	p2 =	seq.s32 s10, $0x1;
	s10 =	sld [smem:$0x3FB4]  }
0x3d: {  	_ =	shalt  }
0x3e: {  	_ =	shalt  }
0x3f: {  	_ =	shalt  }
0x40: {  	_ =	shalt  }
0x41: {  	_ =	shalt  }
0x42: {  	_ =	shalt  }
0x43: {  	_ =	shalt  }
0x44: {  	_ =	shalt  }
0x45: {  	_ =	shalt  }
0x46: {  	_ =	shalt  }
0x47: {  	_ =	shalt  }
0x48: {  	_ =	shalt  }
0x49: {  	_ =	shalt  }
0x4a: {  	_ =	shalt  }
0x4b: {  	_ =	shalt  }
0x4c: {  	_ =	shalt  }
0x4d: {  	_ =	shalt  }
0x4e: {  	_ =	shalt  }
0x4f: {  	_ =	shalt  }
0x50: {  	_ =	shalt  }
0x51: {  	_ =	shalt  }
0x52: {  	_ =	shalt  }
0x53: {  	_ =	shalt  }
0x54: {  	_ =	shalt  }
0x55: {  	_ =	shalt  }
0x56: {  	_ =	shalt  }
0x57: {  	_ =	shalt  }
0x58: {  	_ =	shalt  }
0x59: {  	_ =	shalt  }
0x5a: {  	_ =	shalt  }
0x5b: {  	_ =	shalt  }
0x5c: {  	_ =	shalt  }
0x5d: {  	_ =	shalt  }
0x5e: {  	_ =	shalt  }
0x5f: {  	_ =	shalt  }
0x60: {  	_ =	shalt  }
0x61: {  	_ =	shalt  }
0x62: {  	_ =	shalt  }
0x63: {  	_ =	shalt  }
0x64: {  	_ =	shalt  }
0x65: {  	_ =	shalt  }
0x66: {  	_ =	shalt  }
0x67: {  	_ =	shalt  }
0x68: {  	_ =	shalt  }
0x69: {  	_ =	shalt  }
0x6a: {  	_ =	shalt  }
0x6b: {  	_ =	shalt  }
0x6c: {  	_ =	shalt  }
0x6d: {  	_ =	shalt  }
0x6e: {  	_ =	shalt  }
0x6f: {  	_ =	shalt  }
0x70: {  	_ =	shalt  }
0x71: {  	_ =	shalt  }
0x72: {  	_ =	shalt  }
0x73: {  	_ =	shalt  }
0x74: {  	_ =	shalt  }
0x75: {  	_ =	shalt  }
0x76: {  	_ =	shalt  }
0x77: {  	_ =	shalt  }
0x78: {  	_ =	shalt  }
0x79: {  	_ =	shalt  }
0x7a: {  	_ =	shalt  }
0x7b: {  	_ =	shalt  }
0x7c: {  	_ =	shalt  }
0x7d: {  	_ =	shalt  }
0x7e: {  	_ =	shalt  }
0x7f: {  	_ =	shalt  }
0x80: {  	_ =	shalt  }
0x81: {  	_ =	shalt  }
0x82: {  	_ =	shalt  }
0x83: {  	_ =	shalt  }
0x84: {  	_ =	shalt  }
0x85: {  	_ =	shalt  }
0x86: {  	_ =	shalt  }
0x87: {  	_ =	shalt  }
.Lfunc_end0:
.L_simem_size_0:
called_computation.3_lowered:
.L_overlay_start_0:
0x88: {  	s2 =	sld [smem:$0x3FD9]  }
0x89: {  	s3 =	sld [smem:$0x3FFE];
	_ =	sdelay $0x1  }
0x8a: {  	s1 =	srdreg.scid  }
0x8b: {  	s0 =	sand.u32 $0x1, s1  }
0x8c: {  	s17 =	sshll.u32 s0, $0xA;
	s2 =	sadd.s32 s3, s2  }
0x8d: {  	s2 =	sadd.s32 s2, s17  }
0x8e: {  	[smem:$0x3FC0] =	sst s2  }
0x8f: {  	_ = 	snop  }
0x90: {  	s2 =	sld [smem:$0x3FD0];
	(tm) =	ssettm $0x1  }
0x91: {  	s18 =	sld [smem:$0x3FFB];
	_ =	sdelay $0x3  }
0x92: {  	_ =	strace s18  }
0x93: {  	s3 =	sld [smem:$0x3FFC];
	_ =	sdelay $0x3  }
0x94: {  	_ =	strace s3  }
0x95: {  	s3 =	sld [smem:$0x3FFD];
	_ =	sdelay $0x3  }
0x96: {  	_ =	strace s3  }
0x97: {  	_ =	strace $0x8FFFFFFF  }
0x98: {  	s19 =	sld [smem:$0x3FDB];
	_ =	sdelay $0x1  }
0x99: {  	s4 =	simm.s32 $_scs_section_size  }
0x9a: {  	s5 =	simm.s32 $_size__tile_overlayer_lowered;
	s6 =	simm.s32 $_tile_overlayer_lowered  }
0x9b: {  	s22 =	simm.s32 $0x1BFF;
	s21 =	sshll.u32 s6, $0x1;
	s3 =	sadd.s32 s4, s19  }
0x9c: {  	s7 =	simm.s32 $0x0;
	s20 =	sshll.u32 s5, $0x1;
	s5 =	sadd.s32 s21, s3  }
0x9d: {  	[timem:s7], [sflag:s22] =	dma.local [hbm:s5], s20  }
0x9e: {  	_ =	swait.ge [sflag:s22], s20  }
0x9f: {  	s4 =	ssub.s32 $0x0, s20;
	[sflag:s22] =	ssyncset.done $0x0  }
0xa0: {  	[sflag:s22] =	ssyncadd.s32 s4;
	_ =	sdelay $0x1  }
0xa1: {  	s23 =	simm.s32 $0x1B8B  }
0xa2: {  	_ =	swait.ge [sflag:s23], $0x1  }
0xa3: {  	[sflag:s23] =	ssyncset.done $0x0  }
0xa4: {  	s25 =	simm.s32 $0x1B8E;
	s24 =	sld [smem:$0x3FFE];
	[sflag:s23] =	ssyncadd.s32 $0xFFFFFFFF  }
0xa5: {  	s26 =	simm.s32 $execute0_lowered;
	[smem:$0x3FD2] =	sst s25  }
0xa6: {  	s5 =	sshll.u32 s26, $0x1;
	_ =	strace $0x8000004F;
	[dreg:$0x1] =	wrdreg $0xFFFFFFFF  }
0xa7: {  	s28 =	simm.s32 $_size_execute0_lowered;
	s3 =	sadd.s32 s3, s5;
	[dreg:$0x0] =	wrdreg $0x0  }
0xa8: {  	s5 =	sshll.u32 s28, $0x1;
	[dreg:$0x2] =	wrdreg s3  }
0xa9: {  	[dreg:$0x3] =	wrdreg s5  }
0xaa: {  	[dreg:$0x4] =	wrdreg $0xC0  }
0xab: {  	_ =	task [dreg:s7], $0x5FFFF  }
0xac: {  	[dreg:$0x1] =	wrdreg $0xFFFFFFFF  }
0xad: {  	[dreg:$0x0] =	wrdreg $0x60  }
0xae: {  	[dreg:$0x2] =	wrdreg s24  }
0xaf: {  	[dreg:$0x3] =	wrdreg s2  }
0xb0: {  	[dreg:$0x4] =	wrdreg $0xE0000  }
0xb1: {  	[dreg:$0x5] =	wrdreg $0x9  }
0xb2: {  	_ =	task.clear_ibuf [dreg:s7], $0x6FFFF;
	_ =	strace $0x9000004F  }
0xb3: {  	s29 =	simm.s32 $0x9;
	_ =	strace $0x80000051  }
0xb4: {  	_ =	swait.ge [sflag:s29], $0x1  }
0xb5: {  	[sflag:s29] =	ssyncadd.s32 $0xFFFFFFFF  }
0xb6: {  	_ =	strace $0x90000051  }
0xb7: {  	_ =	sfence  }
0xb8: {  	s30 =	sld [smem:$0x0];
	_ =	sdelay $0x2  }
0xb9: {  	s31 =	sshll.u32 s1, $0xD;
	s1 =	sshrl.u32 s1, $0x2  }
0xba: {  	s3 =	sand.u32 $0x4000, s31;
	s1 =	sadd.s32 s1, s30  }
0xbb: {  	s0 =	sor.u32 s3, s0;
	s1 =	sshll.u32 s1, $0x11  }
0xbc: {  	s0 =	sor.u32 s1, s0  }
0xbd: {  	s0 =	sadd.s32 $0x8F2B, s0  }
0xbe: {  	[sflag:s0] =	ssyncadd.remote.s32 $0x1  }
0xbf: {  	_ =	sfence.sel $0xFFFF  }
0xc0: {  	[dreg:$0x0] =	wrdreg $0xFFFFFFFF;
	(pc) =	sbr.abs _section_cstart, $3  }
0xc1: {  	[dreg:$0x1] =	wrdreg $0xFFFFFFFF  }
0xc2: {  	_ =	task.clear_ibuf [dreg:s7], $0x2FFFF;
	_ =	strace $0x9FFFFFFF  }
0xc3: {  	(tm) =	ssettm $0x7FFFFFFF  }
tec
execute0_lowered:
.L_overlay_start_1:
0x0: {  	(tag) =	ssettag $0x1  }
0x1: {  	s7 =	rddreg [dreg:$0x0]  }
0x2: {  	s8 =	rddreg [dreg:$0x1]  }
0x3: {  	s0 =	srdreg.scid;
	s2 =	rddreg [dreg:$0x2]  }
0x4: {  	s1 =	stileid.u32;
	s3 =	simm.s32 $0x0;
	s16 =	simm.s32 $0x5000  }
0x5: {  	s17 =	simm.s32 $0x6000;
	s18 =	simm.s32 $0x100;
	s19 =	simm.s32 $0x7000  }
0x6: {  	s20 =	simm.s32 $0x1;
	s21 =	simm.s32 $0x0;
	s10 =	smul.u32 $0x2800, s1  }
0x7: {  	s6 =	sand.u32 $0x1, s0;
	[smem:$0x7FF] =	sst s3;
	s11 =	smul.u32 $0x5000, s1  }
0x8: {  	s4 =	sadd.s32 $0x17200, s7;
	s5 =	sadd.s32 $0xD200, s7;
	s9 =	smul.u32 $0x28000, s6  }
0x9: {  	_ =	strace $0x80000050;
	s12 =	smul.u32 $0xA0000, s6;
	s31 =	ssub.s32 $0x2, s6  }
0xa: {  	s6 =	sadd.s32 $0x35200, s7;
	s14 =	sshrl.u32 s31, $0x1;
	s9 =	sadd.s32 s10, s9  }
0xb: {  	s30 =	sadd.s32 s11, s12;
	s12 =	ssub.s32 s31, s14;
	s14 =	simm.s32 $0x9000  }
0xc: {  	s9 =	sshrl.u32 s9, $0x3;
	s10 =	sshrl.u32 s30, $0x3;
	s12 =	smax.u32 s12, $0x1  }
0xd: {  	s13 =	sadd.s32 s9, s7;
	s15 =	sadd.s32 s10, s7;
	s7 =	sadd.s32 s8, s9  }
0xe: {  	s9 =	sadd.s32 s11, s2;
	s8 =	sadd.s32 $0x3200, s13;
	s10 =	sadd.s32 $0x35C00, s15  }
0xf: {  	s11 =	sadd.s32 $0x3FC00, s15;
	s13 =	simm.s32 $0x2;
	s15 =	simm.s32 $0x80  }
.LBB2_1:
0x10: {  	[tilespmem:s3], [sflag:$0x2] =	stream.linear.gather [hbm4b:s7+s3], $0x2800, $0x38;
	[tilespmem:$0x13000] =	vst v63  }
0x11: {  	_ =	swait.ge [sflag:s13], $0x2800  }
0x12: {  	[sflag:s13] =	ssyncset.done $0x0  }
0x13: {  	s23 =	simm.s32 $0x2800;
	[sflag:s13] =	ssyncadd.s32 $0xFFFFD800  }
0x14: {  	[tilespmem:s23], [sflag:$0x2] =	stream.linear.gather [hbm4b:s8+s3], $0x2800, $0x38;
	[tilespmem:$0x13000] =	vst v63  }
0x15: {  	_ =	swait.ge [sflag:s13], $0x2800  }
0x16: {  	[sflag:s13] =	ssyncset.done $0x0  }
0x17: {  	[sflag:s13] =	ssyncadd.s32 $0xFFFFD800  }
0x18: {  	[tilespmem:s14], [sflag:$0x2] =	stream.linear.gather [hbm4b:s6+s3], $0x5000, $0x38;
	[tilespmem:$0x13000] =	vst v63  }
0x19: {  	_ =	swait.ge [sflag:s13], $0x5000  }
0x1a: {  	[sflag:s13] =	ssyncset.done $0x0  }
0x1b: {  	[sflag:s13] =	ssyncadd.s32 $0xFFFFB000  }
0x1c: {  	[spmem:s9] =	stream.linear.scatter [tilespmem:s14], [sflag:$0x2], $0x5000, $0x38;
	[tilespmem:$0x13000] =	vst v63  }
0x1d: {  	_ =	swait.ge [sflag:s13], $0x5000  }
0x1e: {  	[sflag:s13] =	ssyncset.done $0x0  }
0x1f: {  	s22 =	simm.s32 $0xC000;
	p0 =	por $0x0, $0x0;
	[sflag:s13] =	ssyncadd.s32 $0xFFFFB000  }
0x20: {  	[tilespmem:s16], [sflag:$0x1] =	stream.indirect.gather [hbm4b:s4+s15], $0x20, s3, s15, $0xb8;
	[tilespmem:$0x13000] =	vst v63  }
0x21: {  	s22 =	sand.u32 @!p0 $0xC000, s22  }
0x22: {  	[tilespmem:s17], [sflag:$0x1] =	stream.indirect.gather [hbm4b:s4+s15], $0x20, s15, s15, $0xb8;
	[tilespmem:$0x13000] =	vst v63  }
0x23: {  	s24 =	simm.s32 $0x180;
	s26 =	simm.s32 $0x0;
	s22 =	sshrl.u32 @!p0 s22, $0x2  }
0x24: {  	[tilespmem:s19], [sflag:$0x1] =	stream.indirect.gather [hbm4b:s4+s15], $0x20, s18, s15, $0xb8;
	[tilespmem:$0x13000] =	vst v63  }
0x25: {  	s25 =	simm.s32 @!p0 $0x80;
	s22 =	sadd.s32 @!p0 $0x5000, s22;
	[bflag:$0x0] =	sbarrier.arrive $0xFFFF  }
0x26: {  	[tilespmem:s22], [sflag:$0x1] =	stream.indirect.gather @!p0 [hbm4b:s4+s25], $0x20, s24, s25, $0xb8;
	[tilespmem:$0x13000] =	vst v63  }
0x27: {  	s30 =	sand.u32 $0xC000, s26;
	s26 =	simm.s32 $0x200;
	_ =	swait.ge [sflag:s20], $0x1000  }
0x28: {  	s22 =	simm.s32 $0x10000;
	s25 =	sshrl.u32 s30, $0x2;
	[sflag:s20] =	ssyncset.done $0x0  }
0x29: {  	s24 =	simm.s32 $0x14000;
	s31 =	sadd.s32 $0x5000, s25;
	[sflag:s20] =	ssyncadd.s32 $0xFFFFF000  }
0x2a: {  	[spmem:s2] =	stream.indirect.scatter.add.f32 [tilespmem:s31], [sflag:$0x2], $0x20, s23, s15, $0xb8;
	[tilespmem:$0x13000] =	vst v63  }
0x2b: {  	p0 =	por $0x0, $0x0;
	s25 =	simm.s32 $0x1;
	_ =	swait.ge [sflag:s13], $0x1000  }
0x2c: {  	s28 =	sand.u32 @!p0 $0xC000, s22;
	s23 =	simm.s32 $0x2880;
	[sflag:s13] =	ssyncset.done $0x0  }
.LBB2_2:
0x2d: {  	s28 =	sshrl.u32 @!p0 s28, $0x2;
	[sflag:s13] =	ssyncadd.s32 $0xFFFFF000  }
0x2e: {  	s29 =	smov.u32 s22;
	s22 =	smov.u32 s24;
	s24 =	sadd.s32 $0x4000, s24  }
0x2f: {  	s30 =	simm.s32 @!p0 $0x80;
	s28 =	sadd.s32 @!p0 $0x5000, s28;
	s29 =	sadd.s32 $0xFFFF4000, s29  }
0x30: {  	[tilespmem:s28], [sflag:$0x1] =	stream.indirect.gather @!p0 [hbm4b:s4+s30], $0x20, s26, s30, $0xb8;
	[tilespmem:$0x13000] =	vst v63  }
0x31: {  	p1 =	sne.s32 s24, $0x14C000;
	s28 =	sand.u32 $0xC000, s29;
	_ =	swait.ge [sflag:s20], $0x1000  }
.Ltmp0:
0x32: {  	s28 =	sshrl.u32 s28, $0x2;
	[sflag:s20] =	ssyncset.done $0x0;
	(pc) =	sbr.rel @p1 .LBB2_2-.Ltmp0, $4  }
0x33: {  	s25 =	sadd.s32 $0x1, s25;
	s28 =	sadd.s32 $0x5000, s28;
	[sflag:s20] =	ssyncadd.s32 $0xFFFFF000  }
0x34: {  	[spmem:s2] =	stream.indirect.scatter.add.f32 [tilespmem:s28], [sflag:$0x2], $0x20, s23, s15, $0xb8;
	[tilespmem:$0x13000] =	vst v63  }
0x35: {  	p0 =	sgt.u32 s25, $0x4C;
	s23 =	sadd.s32 $0x80, s23;
	_ =	swait.ge [sflag:s13], $0x1000  }
0x36: {  	s26 =	sadd.s32 $0x80, s26;
	s28 =	sand.u32 @!p0 $0xC000, s22;
	[sflag:s13] =	ssyncset.done $0x0  }
0x37: {  	s24 =	sshrl.u32 @!p0 s28, $0x2;
	[sflag:s13] =	ssyncadd.s32 $0xFFFFF000  }
0x38: {  	s25 =	simm.s32 @!p0 $0x80;
	s22 =	sadd.s32 $0xFFFF4000, s22;
	s24 =	sadd.s32 @!p0 $0x5000, s24  }
0x39: {  	[tilespmem:s24], [sflag:$0x1] =	stream.indirect.gather @!p0 [hbm4b:s4+s25], $0x20, s26, s25, $0xb8;
	[tilespmem:$0x13000] =	vst v63  }
0x3a: {  	s22 =	sand.u32 $0xC000, s22;
	_ =	swait.ge [sflag:s20], $0x1000  }
0x3b: {  	s22 =	sshrl.u32 s22, $0x2;
	[sflag:s20] =	ssyncset.done $0x0  }
0x3c: {  	s22 =	sadd.s32 $0x5000, s22;
	[sflag:s20] =	ssyncadd.s32 $0xFFFFF000  }
0x3d: {  	[spmem:s2] =	stream.indirect.scatter.add.f32 [tilespmem:s22], [sflag:$0x2], $0x20, s23, s15, $0xb8;
	[tilespmem:$0x13000] =	vst v63  }
0x3e: {  	_ =	swait.ge [sflag:s13], $0x1000  }
0x3f: {  	[sflag:s13] =	ssyncset.done $0x0  }
0x40: {  	s25 =	simm.s32 $0x0;
	[sflag:s13] =	ssyncadd.s32 $0xFFFFF000  }
0x41: {  	[tilespmem:s16], [sflag:$0x1] =	stream.indirect.gather [hbm4b:s5+s15], $0x20, s25, s15, $0xb8;
	[tilespmem:$0x13000] =	vst v63  }
0x42: {  	_ = 	snop  }
0x43: {  	[tilespmem:s17], [sflag:$0x1] =	stream.indirect.gather [hbm4b:s5+s15], $0x20, s15, s15, $0xb8;
	[tilespmem:$0x13000] =	vst v63  }
0x44: {  	s26 =	sshll.u32 s1, $0x6  }
0x45: {  	[tilespmem:s19], [sflag:$0x1] =	stream.indirect.gather [hbm4b:s5+s15], $0x20, s18, s15, $0xb8;
	[tilespmem:$0x13000] =	vst v63  }
0x46: {  	s22 =	sor.u32 $0x1C02, s26;
	s23 =	sshrl.u32 s9, $0x3;
	[bflag:$0x0] =	sbarrier.arrive $0xFFFF  }
0x47: {  	[hbm:s10], [sflag:s22] =	dma.local [spmem:s23], $0xA00  }
0x48: {  	_ =	swait.ge [sflag:s13], $0xA00  }
0x49: {  	[sflag:s13] =	ssyncset.done $0x0  }
0x4a: {  	s24 =	simm.s32 $0xC000;
	p0 =	por $0x0, $0x0;
	[sflag:s13] =	ssyncadd.s32 $0xFFFFF600  }
0x4b: {  	[spmem:s9] =	stream.linear.scatter [tilespmem:s14], [sflag:$0x2], $0x5000, $0x38;
	[tilespmem:$0x13000] =	vst v63  }
0x4c: {  	s24 =	sand.u32 @!p0 $0xC000, s24;
	_ =	swait.ge [sflag:s13], $0x5000  }
0x4d: {  	s29 =	simm.s32 $0x2800;
	s24 =	sshrl.u32 @!p0 s24, $0x2;
	[sflag:s13] =	ssyncset.done $0x0  }
0x4e: {  	s28 =	simm.s32 $0x0;
	s24 =	sadd.s32 @!p0 $0x5000, s24;
	[sflag:s13] =	ssyncadd.s32 $0xFFFFB000  }
0x4f: {  	s26 =	simm.s32 @!p0 $0x80;
	s25 =	simm.s32 $0x180;
	[bflag:$0x0] =	sbarrier.arrive $0xFFFF  }
0x50: {  	[tilespmem:s24], [sflag:$0x1] =	stream.indirect.gather @!p0 [hbm4b:s5+s26], $0x20, s25, s26, $0xb8;
	[tilespmem:$0x13000] =	vst v63  }
0x51: {  	s31 =	sand.u32 $0xC000, s28;
	s28 =	simm.s32 $0x1;
	_ =	swait.ge [sflag:s20], $0x1000  }
0x52: {  	s24 =	simm.s32 $0x10000;
	s25 =	sshrl.u32 s31, $0x2;
	[sflag:s20] =	ssyncset.done $0x0  }
0x53: {  	p0 =	por $0x0, $0x0;
	s25 =	sadd.s32 $0x5000, s25;
	[sflag:s20] =	ssyncadd.s32 $0xFFFFF000  }
0x54: {  	[spmem:s2] =	stream.indirect.scatter.add.f32 [tilespmem:s25], [sflag:$0x2], $0x20, s29, s15, $0xb8;
	[tilespmem:$0x13000] =	vst v63  }
0x55: {  	s26 =	simm.s32 $0x14000;
	s30 =	sand.u32 @!p0 $0xC000, s24;
	_ =	swait.ge [sflag:s13], $0x1000  }
0x56: {  	s25 =	simm.s32 $0x2880;
	s29 =	simm.s32 $0x200;
	[sflag:s13] =	ssyncset.done $0x0  }
.LBB2_4:
0x57: {  	s30 =	sshrl.u32 @!p0 s30, $0x2;
	[sflag:s13] =	ssyncadd.s32 $0xFFFFF000  }
0x58: {  	s31 =	smov.u32 s24;
	s24 =	smov.u32 s26;
	s26 =	sadd.s32 $0x4000, s26  }
0x59: {  	s0 =	simm.s32 @!p0 $0x80;
	s30 =	sadd.s32 @!p0 $0x5000, s30;
	s31 =	sadd.s32 $0xFFFF4000, s31  }
0x5a: {  	[tilespmem:s30], [sflag:$0x1] =	stream.indirect.gather @!p0 [hbm4b:s5+s0], $0x20, s29, s0, $0xb8;
	[tilespmem:$0x13000] =	vst v63  }
0x5b: {  	p1 =	sne.s32 s26, $0x14C000;
	s0 =	sand.u32 $0xC000, s31;
	_ =	swait.ge [sflag:s20], $0x1000  }
.Ltmp1:
0x5c: {  	s0 =	sshrl.u32 s0, $0x2;
	[sflag:s20] =	ssyncset.done $0x0;
	(pc) =	sbr.rel @p1 .LBB2_4-.Ltmp1, $4  }
0x5d: {  	s28 =	sadd.s32 $0x1, s28;
	s0 =	sadd.s32 $0x5000, s0;
	[sflag:s20] =	ssyncadd.s32 $0xFFFFF000  }
0x5e: {  	[spmem:s2] =	stream.indirect.scatter.add.f32 [tilespmem:s0], [sflag:$0x2], $0x20, s25, s15, $0xb8;
	[tilespmem:$0x13000] =	vst v63  }
0x5f: {  	p0 =	sgt.u32 s28, $0x4C;
	s25 =	sadd.s32 $0x80, s25;
	_ =	swait.ge [sflag:s13], $0x1000  }
0x60: {  	s29 =	sadd.s32 $0x80, s29;
	s30 =	sand.u32 @!p0 $0xC000, s24;
	[sflag:s13] =	ssyncset.done $0x0  }
0x61: {  	s0 =	sshrl.u32 @!p0 s30, $0x2;
	[sflag:s13] =	ssyncadd.s32 $0xFFFFF000  }
0x62: {  	s26 =	simm.s32 @!p0 $0x80;
	s24 =	sadd.s32 $0xFFFF4000, s24;
	s0 =	sadd.s32 @!p0 $0x5000, s0  }
0x63: {  	[tilespmem:s0], [sflag:$0x1] =	stream.indirect.gather @!p0 [hbm4b:s5+s26], $0x20, s29, s26, $0xb8;
	[tilespmem:$0x13000] =	vst v63  }
0x64: {  	s31 =	sand.u32 $0xC000, s24;
	_ =	swait.ge [sflag:s20], $0x1000  }
0x65: {  	s0 =	sshrl.u32 s31, $0x2;
	[sflag:s20] =	ssyncset.done $0x0  }
0x66: {  	s0 =	sadd.s32 $0x5000, s0;
	[sflag:s20] =	ssyncadd.s32 $0xFFFFF000  }
0x67: {  	[spmem:s2] =	stream.indirect.scatter.add.f32 [tilespmem:s0], [sflag:$0x2], $0x20, s25, s15, $0xb8;
	[tilespmem:$0x13000] =	vst v63  }
0x68: {  	_ =	swait.ge [sflag:s13], $0x1000  }
0x69: {  	s21 =	sadd.s32 $0x1, s21;
	[sflag:s13] =	ssyncset.done $0x0  }
0x6a: {  	p0 =	sne.s32 s21, s12;
	[sflag:s13] =	ssyncadd.s32 $0xFFFFF000  }
.Ltmp2:
0x6b: {  	[bflag:$0x0] =	sbarrier.arrive $0xFFFF;
	(pc) =	sbr.rel @p0 .LBB2_1-.Ltmp2, $4  }
0x6c: {  	[hbm:s11], [sflag:s22] =	dma.local [spmem:s23], $0xA00  }
0x6d: {  	_ =	swait.ge [sflag:s13], $0xA00  }
0x6e: {  	[sflag:s13] =	ssyncset.done $0x0  }
0x6f: {  	[sflag:s13] =	ssyncadd.s32 $0xFFFFF600  }
0x70: {  	_ =	sfence.sel $0x180000  }
0x71: {  	[bflag:$0x0] =	sbarrier.arrive $0xFFFF  }
0x72: {  	_ =	strace $0x90000050  }
0x73: {  	[bflag:$0x2] =	sbarrier.arrive $0xFFFF  }
0x74: {  	p0 =	sne.s32 s1, $0x0;
	s0 =	rddreg [dreg:$0x3]  }
0x75: {  	s0 =	sadd.s32 @!p0 $0x100000, s0  }
0x76: {  	[sflag:s0] =	ssyncadd.tile.s32 @!p0 $0x1;
	_ =	shalt  }
.Lfunc_end2:
_tile_overlayer_lowered:
.L_overlay_start_2:
0x77: {  	(tag) =	ssettag $0x2  }
0x78: {  	s0 =	rddreg [dreg:$0x0];
	s2 =	stileid.u32  }
0x79: {  	s1 =	rddreg [dreg:$0x1];
	p0 =	sne.s32 s2, $0x0  }
0x7a: {  	s3 =	rddreg [dreg:$0x2];
	[bflag:$0x3] =	sbarrier.arrive $0xFFFF;
	s2 =	simm.s32 @!p0 $0x1C02  }
0x7b: {  	[timem:s3], [sflag:s2] =	dma.local @!p0 [hbm:s0], s1  }
0x7c: {  	s0 =	simm.s32 @!p0 $0x2  }
0x7d: {  	_ =	swait.ge @!p0 [sflag:s0], s1  }
0x7e: {  	s1 =	ssub.s32 @!p0 $0x0, s1;
	[sflag:s0] =	ssyncset.done @!p0 $0x0  }
0x7f: {  	[sflag:s0] =	ssyncadd.s32 @!p0 s1  }
0x80: {  	[bflag:$0x3] =	sbarrier.arrive $0xFFFF  }
0x81: {  	_ =	shalt  }

</sc_bundles>
